<compile_context>
chip_gen: v7x
topology: tpu7x:2x2x1
jax: 0.10.2.dev20260603
libtpu: 0.0.44.dev20260713+nightly
codegen_flags: <defaults>
</compile_context>

<pallas_src>
import functools

import jax
import jax.numpy as jnp
from jax import lax
from jax.experimental import pallas as pl
from jax.experimental.pallas import tpu as pltpu
from jax.experimental.pallas import tpu_sc as plsc

B, P, N, C_IN, UNITS = 4, 12000, 32, 9, 64
H, Wc = 496, 432
HW = H * Wc
EPS = 1e-3
TOT = P * N

PB = 240
NB = P // PB

NW = 32
ROWS = 16
NCELLS = ROWS * Wc
QCAP = 7168
CHUNK = 512
NVPC = CHUNK // 16
TW = 128


def _k1_body(f_ref, w2_ref, m_ref, stats_ref, acc_ref):
    j = pl.program_id(1)
    x = jnp.dot(f_ref[0], w2_ref[...], preferred_element_type=jnp.float32)
    s1 = jnp.sum(x, axis=0, keepdims=True)
    s2 = jnp.sum(x * x, axis=0, keepdims=True)

    @pl.when(j == 0)
    def _():
        acc_ref[...] = jnp.zeros_like(acc_ref)

    acc_ref[...] += jnp.concatenate([s1, s2], axis=0)
    mm = x[:, 0:UNITS]
    for n in range(1, N):
        mm = jnp.maximum(mm, x[:, n * UNITS:(n + 1) * UNITS])
    m_ref[0] = mm
    stats_ref[0] = acc_ref[...]


def _k2_body(m_ref, stats_ref, g_ref, bt_ref, out_ref):
    stw = stats_ref[0]
    st = stw[:, 0:UNITS]
    for n in range(1, N):
        st = st + stw[:, n * UNITS:(n + 1) * UNITS]
    mean = st[0:1, :] / TOT
    ex2 = st[1:2, :] / TOT
    var = ex2 - mean * mean
    scale = g_ref[...] * lax.rsqrt(var + EPS)
    bias = bt_ref[...] - mean * scale
    y = jnp.maximum(m_ref[0] * scale + bias, 0.0)
    out_ref[0] = jnp.concatenate([y, jnp.zeros_like(y)], axis=-1)


def _k3_body(tbl_hbm, coords_hbm, out_hbm,
             idmap, qlf, qp, blk, obuf0, obuf1,
             sem_in, sem_o0, sem_o1):
    cbuf = qp
    sid = lax.axis_index("s")
    cid = lax.axis_index("c")
    w = sid * 2 + cid
    r0 = jnp.minimum(16 * w, H - ROWS)
    iota = lax.iota(jnp.int32, 16)
    zero16f = jnp.zeros((16,), jnp.float32)
    sent16 = jnp.full((16,), jnp.int32(1 << 30), jnp.int32)

    def _zq(i, _):
        qp[pl.ds(i * 16, 16)] = jnp.zeros((16,), jnp.int32)
        return 0
    lax.fori_loop(0, QCAP // 16, _zq, 0)
    for ob in (obuf0, obuf1):
        def _zo(r, _, ob=ob):
            def _zc(c, _2):
                ob[r, pl.ds(c * 16, 16)] = zero16f
                return 0
            lax.fori_loop(0, Wc // 16, _zc, 0)
            return 0
        lax.fori_loop(0, ROWS + 1, _zo, 0)

    PP = QCAP // 2
    NPC = (P + PP - 1) // PP

    def batch_body(b, _):
        def _zi(i, _):
            idmap[pl.ds(i * 16, 16)] = sent16
            return 0
        lax.fori_loop(0, NCELLS // 16, _zi, 0)

        def scan_piece(h, _):
            pltpu.async_copy(coords_hbm.at[b, h], cbuf, sem_in).wait()
            nvh = jnp.where(h < NPC - 1, PP // 16,
                            (P - (NPC - 1) * PP) // 16)

            def scan_one(iv):
                idxr = iv * 32 + 2 * iota
                rv = plsc.load_gather(cbuf, [idxr])
                cv = plsc.load_gather(cbuf, [idxr + 1])
                pv = h * PP + iv * 16 + iota
                m = (rv >= r0) & (rv < r0 + ROWS) & (pv < P)
                lfs = jnp.where(m, (rv - r0) * Wc + cv, 0)
                plsc.store_scatter(idmap, [lfs], pv, mask=m)
                cur = plsc.load_gather(idmap, [lfs], mask=m)
                return (m & (cur < pv)).astype(jnp.int32)

            def scan(i, pacc):
                pacc = pacc | scan_one(2 * i)
                return pacc | scan_one(2 * i + 1)

            pacc = lax.fori_loop(0, nvh // 2, scan,
                                 jnp.zeros((16,), jnp.int32))

            @pl.when(jnp.sum(pacc) > 0)
            def _():
                def fix(i, _):
                    idxr = i * 32 + 2 * iota
                    rv = plsc.load_gather(cbuf, [idxr])
                    cv = plsc.load_gather(cbuf, [idxr + 1])
                    pv = h * PP + i * 16 + iota
                    m = (rv >= r0) & (rv < r0 + ROWS) & (pv < P)
                    lfs = jnp.where(m, (rv - r0) * Wc + cv, 0)
                    cur = plsc.load_gather(idmap, [lfs], mask=m)
                    pend = m & (cur < pv)

                    def fcond(pd):
                        return jnp.sum(pd.astype(jnp.int32)) > 0

                    def fbody(pd, lfs=lfs, pv=pv, m=m):
                        plsc.store_scatter(idmap, [lfs], pv, mask=pd)
                        c2 = plsc.load_gather(idmap, [lfs], mask=m)
                        return m & (c2 < pv)

                    lax.while_loop(fcond, fbody, pend)
                    return 0

                lax.fori_loop(0, nvh, fix, 0)
            return 0

        with jax.named_scope("k3_scan"):
            lax.fori_loop(0, NPC, scan_piece, 0)

        def qbuild(r, qn2):
            for cvb in range(Wc // 16):
                v = idmap[pl.ds(r * Wc + cvb * 16, 16)]
                keep = v < jnp.int32(1 << 30)
                packed = (r << 16) | (cvb * 16 + iota)
                plsc.store_compressed(qlf.at[pl.ds(qn2, 16)], packed,
                                      mask=keep)
                plsc.store_compressed(qp.at[pl.ds(qn2, 16)],
                                      v + b * P, mask=keep)
                qn2 = qn2 + jnp.sum(keep.astype(jnp.int32))
            return qn2

        with jax.named_scope("k3_qbuild"):
            qn2 = lax.fori_loop(0, ROWS, qbuild, 0)

        qlf[pl.ds(qn2, 16)] = jnp.full((16,), ROWS << 16, jnp.int32)
        qp[pl.ds(qn2, 16)] = jnp.zeros((16,), jnp.int32)

        nvq = (qn2 + 15) // 16
        nch = (qn2 + CHUNK - 1) // CHUNK
        refresh = nch > 1

        def emit_u(u, obuf_k, sem_k, force_load):
            def chunk_body(c, _):
                @pl.when(force_load | refresh)
                def _():
                    pltpu.async_copy(
                        tbl_hbm.at[qp.at[pl.ds(c * CHUNK, CHUNK)]],
                        blk, sem_in).wait()

                jmax = jnp.minimum(NVPC, nvq - c * NVPC)
                ufull = jnp.full((16,), 0, jnp.int32) + u

                def jone(j):
                    rows = j * 16 + iota
                    cells = qlf[pl.ds(c * CHUNK + j * 16, 16)]
                    vals = plsc.load_gather(blk, [rows, ufull])
                    plsc.store_scatter(obuf_k, [cells >> 16, cells & 0xFFFF],
                                       vals)

                def jgroup(g, _):
                    for k in range(4):
                        jone(g * 4 + k)
                    return 0

                def jbody(j, _):
                    jone(j)
                    return 0

                lax.fori_loop(0, jmax // 4, jgroup, 0)
                lax.fori_loop((jmax // 4) * 4, jmax, jbody, 0)
                return 0

            lax.fori_loop(0, nch, chunk_body, 0)
            pltpu.async_copy(obuf_k.at[pl.ds(0, ROWS)],
                             out_hbm.at[b, u, pl.ds(r0, ROWS)],
                             sem_k)

        def drain(sem_k, u):
            pltpu.make_async_copy(
                obuf0.at[pl.ds(0, ROWS)],
                out_hbm.at[b, u, pl.ds(r0, ROWS)], sem_k).wait()

        def pair_body(t, _):
            for k, (ob, sk) in enumerate(((obuf0, sem_o0), (obuf1, sem_o1))):
                u = 2 * t + k

                @pl.when(t >= 1)
                def _(sk=sk, u=u):
                    drain(sk, u)
                emit_u(u, ob, sk, (t == 0) & (k == 0))
            return 0

        with jax.named_scope("k3_emit"):
            lax.fori_loop(0, UNITS // 2, pair_body, 0)
            for sk in (sem_o0, sem_o1):
                drain(sk, 0)

        for ob in (obuf0, obuf1):
            def rz(j, _, ob=ob):
                cells = qlf[pl.ds(j * 16, 16)]
                plsc.store_scatter(ob, [cells >> 16, cells & 0xFFFF],
                                   zero16f)
                return 0
            lax.fori_loop(0, nvq, rz, 0)
        return 0

    lax.fori_loop(0, B, batch_body, 0)


@jax.jit
def kernel(feats, coords, W, gamma, beta):
    fv = feats.reshape(B, P, N * C_IN)
    W2 = jnp.einsum('ij,cu->icju', jnp.eye(N, dtype=W.dtype),
                    W).reshape(N * C_IN, N * UNITS)
    m, stats = pl.pallas_call(
        _k1_body,
        grid=(B, NB),
        in_specs=[
            pl.BlockSpec((1, PB, N * C_IN), lambda b, j: (b, j, 0)),
            pl.BlockSpec((N * C_IN, N * UNITS), lambda b, j: (0, 0)),
        ],
        out_specs=[
            pl.BlockSpec((1, PB, UNITS), lambda b, j: (b, j, 0)),
            pl.BlockSpec((1, 2, N * UNITS), lambda b, j: (b, 0, 0)),
        ],
        out_shape=[
            jax.ShapeDtypeStruct((B, P, UNITS), jnp.float32),
            jax.ShapeDtypeStruct((B, 2, N * UNITS), jnp.float32),
        ],
        scratch_shapes=[pltpu.VMEM((2, N * UNITS), jnp.float32)],
    )(fv, W2)

    tbl = pl.pallas_call(
        _k2_body,
        grid=(B,),
        in_specs=[
            pl.BlockSpec((1, P, UNITS), lambda b: (b, 0, 0)),
            pl.BlockSpec((1, 2, N * UNITS), lambda b: (b, 0, 0)),
            pl.BlockSpec((1, UNITS), lambda b: (0, 0)),
            pl.BlockSpec((1, UNITS), lambda b: (0, 0)),
        ],
        out_specs=pl.BlockSpec((1, P, TW), lambda b: (b, 0, 0)),
        out_shape=jax.ShapeDtypeStruct((B, P, TW), jnp.float32),
    )(m, stats, gamma.reshape(1, UNITS), beta.reshape(1, UNITS))

    mesh = plsc.VectorSubcoreMesh(core_axis_name="c", subcore_axis_name="s")
    k3 = functools.partial(
        pl.kernel,
        out_type=jax.ShapeDtypeStruct((B, UNITS, H, Wc), jnp.float32),
        mesh=mesh,
        scratch_types=[
            pltpu.VMEM((NCELLS,), jnp.int32),
            pltpu.VMEM((QCAP,), jnp.int32),
            pltpu.VMEM((QCAP,), jnp.int32),
            pltpu.VMEM((CHUNK, TW), jnp.float32),
            pltpu.VMEM((ROWS + 1, Wc), jnp.float32),
            pltpu.VMEM((ROWS + 1, Wc), jnp.float32),
            pltpu.SemaphoreType.DMA,
            pltpu.SemaphoreType.DMA,
            pltpu.SemaphoreType.DMA,
        ],
        compiler_params=pltpu.CompilerParams(needs_layout_passes=False,
                                             use_tc_tiling_on_sc=True),
    )(_k3_body)
    cpad = jnp.pad(coords.reshape(B, 2 * P), ((0, 0), (0, 4 * QCAP - 2 * P)))
    return k3(tbl.reshape(B * P, TW), cpad.reshape(B, 4, QCAP))

# --- scband reference (transcript-rebuilt; emitter-appended) ---
"""Pipeline reference for scband-rpndet-52398601011658 (READ-ONLY COPY).

The authoritative reference and input builder live on the scoring server;
editing this copy changes nothing except your own understanding.
"""

import jax, jax.numpy as jnp
import numpy as np

B, P, N, C_IN, UNITS = 4, 12000, 32, 9, 64
OUT_SHAPE = (64, 496, 432)
EPS = 1e-3


def setup_inputs(seed: int = 0) -> dict:
    key = jax.random.key(seed)
    k1, k2, k3, k4 = jax.random.split(key, 4)
    feats = jax.random.normal(k1, (B, P, N, C_IN), dtype=jnp.float32)
    rows = jax.random.randint(k2, (B, P, 1), 0, 432)
    cols = jax.random.randint(k3, (B, P, 1), 0, 432)
    coords = jnp.concatenate([rows, cols], axis=-1).astype(jnp.int32)
    W = jax.random.normal(k4, (C_IN, UNITS), dtype=jnp.float32) * 0.01
    gamma = jnp.ones((UNITS,), dtype=jnp.float32)
    beta = jnp.zeros((UNITS,), dtype=jnp.float32)
    return {"feats": feats, "coords": coords, "W": W, "gamma": gamma, "beta": beta}


def reference(feats, coords, W, gamma, beta):
    # PFNLayer: Linear (no bias) -> BatchNorm1d (training-mode batch stats, per list element) -> ReLU -> max over points
    x = jnp.einsum('bpnc,cu->bpnu', feats, W)  # [B, P, N, UNITS]
    # torch BN1d on [P, UNITS, N]: per-channel stats over (P, N), computed separately for each batch element
    mean = jnp.mean(x, axis=(1, 2), keepdims=True)
    var = jnp.var(x, axis=(1, 2), keepdims=True)
    x = (x - mean) / jnp.sqrt(var + EPS) * gamma + beta
    x = jax.nn.relu(x)
    x_max = jnp.max(x, axis=2)  # [B, P, UNITS]  (last_vfe -> x_max, squeezed by reshape(-1, units))
    # scatter pillar features into dense canvas: convas[:, coord[0], coord[1]] = feat.T
    canvases = []
    for b in range(B):
        canvas = jnp.zeros(OUT_SHAPE, dtype=x_max.dtype)
        canvas = canvas.at[:, coords[b, :, 0], coords[b, :, 1]].set(x_max[b].T)
        canvases.append(canvas)
    return jnp.stack(canvases, 0)  # [B, 64, 496, 432]

if __name__ == "__main__":
    import jax
    _d = setup_inputs()
    print(jax.jit(kernel)(*tuple(_d.values())))

</pallas_src>

<mosaic_0001>
#map = affine_map<(d0, d1) -> (0, 0)>
#map1 = affine_map<(d0, d1) -> (0, 0, 0)>
#map2 = affine_map<(d0, d1) -> (0, 0, 0, 0)>
module attributes {stable_mosaic.version = 14 : i64} {
  func.func @_k3_body(%arg0: i32, %arg1: i32, %arg2: memref<48000x128xf32, #tpu.memory_space<hbm>>, %arg3: memref<4x4x7168xi32, #tpu.memory_space<hbm>>, %arg4: memref<4x64x496x432xf32, #tpu.memory_space<hbm>>, %arg5: memref<6912xi32, #tpu.memory_space<vmem>>, %arg6: memref<7168xi32, #tpu.memory_space<vmem>>, %arg7: memref<7168xi32, #tpu.memory_space<vmem>>, %arg8: memref<512x128xf32, #tpu.memory_space<vmem>>, %arg9: memref<17x432xf32, #tpu.memory_space<vmem>>, %arg10: memref<17x432xf32, #tpu.memory_space<vmem>>, %arg11: memref<!tpu.dma_semaphore, #tpu.memory_space<semaphore_mem>>, %arg12: memref<!tpu.dma_semaphore, #tpu.memory_space<semaphore_mem>>, %arg13: memref<!tpu.dma_semaphore, #tpu.memory_space<semaphore_mem>>) attributes {dimension_semantics = [#tpu.dimension_semantics<core_parallel>, #tpu.dimension_semantics<subcore_parallel>], iteration_bounds = array<i64: 2, 16>, scalar_prefetch = 0 : i64, scratch_operands = 9 : i64, tpu.core_type = #tpu.core_type<sc_vector_subcore>, window_params = [{transform_indices = #map}, {transform_indices = #map1}, {transform_indices = #map2}]} {
    %mul3A = arith.constant 2 : i32
    %mul3A_0 = arith.muli %arg1, %mul3A : i32
    %add3A = arith.addi %mul3A_0, %arg0 : i32
    %mul3A_1 = arith.constant 16 : i32
    %mul3A_2 = arith.muli %mul3A_1, %add3A : i32
    %min3A = arith.constant 480 : i32
    %min3A_3 = arith.minsi %mul3A_2, %min3A : i32
    %iota3A = tpu.iota {dimensions = array<i32: 0>} : vector<16xi32>
    %broadcast_in_dim3A = arith.constant 0.000000e+00 : f32
    %broadcast_in_dim3A_4 = vector.broadcast %broadcast_in_dim3A : f32 to vector<16xf32>
    %broadcast_in_dim3A_5 = arith.constant 1073741824 : i32
    %broadcast_in_dim3A_6 = vector.broadcast %broadcast_in_dim3A_5 : i32 to vector<16xi32>
    %scan3A = arith.constant 0 : i32
    %scan3A_7 = arith.constant 0 : i32
    %scan3A_8 = arith.constant 448 : i32
    %scan3A_9 = arith.addi %scan3A_7, %scan3A_8 : i32
    %scan3A_10 = arith.constant 1 : i32
    %scan3A_11 = scf.for %scan3A_34 = %scan3A_7 to %scan3A_9 step %scan3A_10 iter_args(%scan3A_35 = %scan3A) -> (i32)  : i32 {
      %broadcast_in_dim3A_36 = arith.constant 0 : i32
      %broadcast_in_dim3A_37 = vector.broadcast %broadcast_in_dim3A_36 : i32 to vector<16xi32>
      %mul3A_38 = arith.constant 16 : i32
      %mul3A_39 = arith.muli %scan3A_34, %mul3A_38 : i32
      %swap3A = arith.index_cast %mul3A_39 : i32 to index
      %swap3A_40 = tpu.vector_load %arg7[%swap3A] {strides = array<i32>} : memref<7168xi32, #tpu.memory_space<vmem>>, vector<16xi32>,
      tpu.vector_store %arg7[%swap3A], %broadcast_in_dim3A_37 {strides = array<i32>} : memref<7168xi32, #tpu.memory_space<vmem>>, vector<16xi32>,
      %scan3A_41 = arith.constant 0 : i32
      scf.yield %scan3A_41 : i32
    }
    %scan3A_12 = arith.constant 448 : i32
    %scan3A_13 = arith.constant 0 : i32
    %scan3A_14 = arith.constant 0 : i32
    %scan3A_15 = arith.constant 17 : i32
    %scan3A_16 = arith.addi %scan3A_14, %scan3A_15 : i32
    %scan3A_17 = arith.constant 1 : i32
    %scan3A_18 = scf.for %scan3A_34 = %scan3A_14 to %scan3A_16 step %scan3A_17 iter_args(%scan3A_35 = %scan3A_13) -> (i32)  : i32 {
      %scan3A_36 = arith.constant 0 : i32
      %scan3A_37 = arith.constant 0 : i32
      %scan3A_38 = arith.constant 27 : i32
      %scan3A_39 = arith.addi %scan3A_37, %scan3A_38 : i32
      %scan3A_40 = arith.constant 1 : i32
      %scan3A_41 = scf.for %scan3A_44 = %scan3A_37 to %scan3A_39 step %scan3A_40 iter_args(%scan3A_45 = %scan3A_36) -> (i32)  : i32 {
        %mul3A_46 = arith.constant 16 : i32
        %mul3A_47 = arith.muli %scan3A_44, %mul3A_46 : i32
        %swap3A = arith.index_cast %scan3A_34 : i32 to index
        %swap3A_48 = arith.index_cast %mul3A_47 : i32 to index
        %swap3A_49 = tpu.vector_load %arg9[%swap3A, %swap3A_48] {strides = array<i32>} : memref<17x432xf32, #tpu.memory_space<vmem>>, vector<16xf32>,
        tpu.vector_store %arg9[%swap3A, %swap3A_48], %broadcast_in_dim3A_4 {strides = array<i32>} : memref<17x432xf32, #tpu.memory_space<vmem>>, vector<16xf32>,
        %scan3A_50 = arith.constant 0 : i32
        scf.yield %scan3A_50 : i32
      }
      %scan3A_42 = arith.constant 27 : i32
      %scan3A_43 = arith.constant 0 : i32
      scf.yield %scan3A_43 : i32
    }
    %scan3A_19 = arith.constant 17 : i32
    %scan3A_20 = arith.constant 0 : i32
    %scan3A_21 = arith.constant 0 : i32
    %scan3A_22 = arith.constant 17 : i32
    %scan3A_23 = arith.addi %scan3A_21, %scan3A_22 : i32
    %scan3A_24 = arith.constant 1 : i32
    %scan3A_25 = scf.for %scan3A_34 = %scan3A_21 to %scan3A_23 step %scan3A_24 iter_args(%scan3A_35 = %scan3A_20) -> (i32)  : i32 {
      %scan3A_36 = arith.constant 0 : i32
      %scan3A_37 = arith.constant 0 : i32
      %scan3A_38 = arith.constant 27 : i32
      %scan3A_39 = arith.addi %scan3A_37, %scan3A_38 : i32
      %scan3A_40 = arith.constant 1 : i32
      %scan3A_41 = scf.for %scan3A_44 = %scan3A_37 to %scan3A_39 step %scan3A_40 iter_args(%scan3A_45 = %scan3A_36) -> (i32)  : i32 {
        %mul3A_46 = arith.constant 16 : i32
        %mul3A_47 = arith.muli %scan3A_44, %mul3A_46 : i32
        %swap3A = arith.index_cast %scan3A_34 : i32 to index
        %swap3A_48 = arith.index_cast %mul3A_47 : i32 to index
        %swap3A_49 = tpu.vector_load %arg10[%swap3A, %swap3A_48] {strides = array<i32>} : memref<17x432xf32, #tpu.memory_space<vmem>>, vector<16xf32>,
        tpu.vector_store %arg10[%swap3A, %swap3A_48], %broadcast_in_dim3A_4 {strides = array<i32>} : memref<17x432xf32, #tpu.memory_space<vmem>>, vector<16xf32>,
        %scan3A_50 = arith.constant 0 : i32
        scf.yield %scan3A_50 : i32
      }
      %scan3A_42 = arith.constant 27 : i32
      %scan3A_43 = arith.constant 0 : i32
      scf.yield %scan3A_43 : i32
    }
    %scan3A_26 = arith.constant 17 : i32
    %scan3A_27 = arith.constant 0 : i32
    %scan3A_28 = arith.constant 0 : i32
    %scan3A_29 = arith.constant 4 : i32
    %scan3A_30 = arith.addi %scan3A_28, %scan3A_29 : i32
    %scan3A_31 = arith.constant 1 : i32
    %scan3A_32 = scf.for %scan3A_34 = %scan3A_28 to %scan3A_30 step %scan3A_31 iter_args(%scan3A_35 = %scan3A_27) -> (i32)  : i32 {
      %scan3A_36 = arith.constant 0 : i32
      %scan3A_37 = arith.constant 0 : i32
      %scan3A_38 = arith.constant 432 : i32
      %scan3A_39 = arith.addi %scan3A_37, %scan3A_38 : i32
      %scan3A_40 = arith.constant 1 : i32
      %scan3A_41 = scf.for %scan3A_167 = %scan3A_37 to %scan3A_39 step %scan3A_40 iter_args(%scan3A_168 = %scan3A_36) -> (i32)  : i32 {
        %mul3A_169 = arith.constant 16 : i32
        %mul3A_170 = arith.muli %scan3A_167, %mul3A_169 : i32
        %swap3A_171 = arith.index_cast %mul3A_170 : i32 to index
        %swap3A_172 = tpu.vector_load %arg5[%swap3A_171] {strides = array<i32>} : memref<6912xi32, #tpu.memory_space<vmem>>, vector<16xi32>,
        tpu.vector_store %arg5[%swap3A_171], %broadcast_in_dim3A_6 {strides = array<i32>} : memref<6912xi32, #tpu.memory_space<vmem>>, vector<16xi32>,
        %scan3A_173 = arith.constant 0 : i32
        scf.yield %scan3A_173 : i32
      }
      %scan3A_42 = arith.constant 432 : i32
      "tpu.trace_start"() <{level = 10 : i32, message = "k3_scan"}> : () -> ()
      %scan3A_43 = arith.constant 0 : i32
      %scan3A_44 = arith.constant 0 : i32
      %scan3A_45 = arith.constant 4 : i32
      %scan3A_46 = arith.addi %scan3A_44, %scan3A_45 : i32
      %scan3A_47 = arith.constant 1 : i32
      %scan3A_48 = scf.for %scan3A_167 = %scan3A_44 to %scan3A_46 step %scan3A_47 iter_args(%scan3A_168 = %scan3A_43) -> (i32)  : i32 {
        %dma_start3A = arith.constant 0 : i32
        %dma_start3A_169 = tpu.memref_slice %arg3[%scan3A_34, %scan3A_167, %dma_start3A] : memref<4x4x7168xi32, #tpu.memory_space<hbm>> -> memref<1x1x7168xi32, #tpu.memory_space<hbm>>
        %dma_start3A_170 = tpu.memref_squeeze %dma_start3A_169 : memref<1x1x7168xi32, #tpu.memory_space<hbm>> -> memref<7168xi32, #tpu.memory_space<hbm>>
        %dma_start3A_171 = arith.constant 0 : i32
        %dma_start3A_172 = tpu.memref_slice %arg3[%scan3A_34, %scan3A_167, %dma_start3A_171] : memref<4x4x7168xi32, #tpu.memory_space<hbm>> -> memref<1x1x7168xi32, #tpu.memory_space<hbm>>
        %dma_start3A_173 = tpu.memref_squeeze %dma_start3A_172 : memref<1x1x7168xi32, #tpu.memory_space<hbm>> -> memref<7168xi32, #tpu.memory_space<hbm>>
        tpu.enqueue_dma source(%dma_start3A_173 : memref<7168xi32, #tpu.memory_space<hbm>>) target(%arg7 : memref<7168xi32, #tpu.memory_space<vmem>>) target_semaphore(%arg11 : memref<!tpu.dma_semaphore, #tpu.memory_space<semaphore_mem>>)
        %dma_wait3A_174 = arith.constant 0 : i32
        %dma_wait3A_175 = tpu.memref_slice %arg3[%scan3A_34, %scan3A_167, %dma_wait3A_174] : memref<4x4x7168xi32, #tpu.memory_space<hbm>> -> memref<1x1x7168xi32, #tpu.memory_space<hbm>>
        %dma_wait3A_176 = tpu.memref_squeeze %dma_wait3A_175 : memref<1x1x7168xi32, #tpu.memory_space<hbm>> -> memref<7168xi32, #tpu.memory_space<hbm>>
        %dma_wait3A_177 = arith.constant 0 : i32
        %dma_wait3A_178 = tpu.memref_slice %arg3[%scan3A_34, %scan3A_167, %dma_wait3A_177] : memref<4x4x7168xi32, #tpu.memory_space<hbm>> -> memref<1x1x7168xi32, #tpu.memory_space<hbm>>
        %dma_wait3A_179 = tpu.memref_squeeze %dma_wait3A_178 : memref<1x1x7168xi32, #tpu.memory_space<hbm>> -> memref<7168xi32, #tpu.memory_space<hbm>>
        tpu.wait_dma2 semaphore(%arg11 : memref<!tpu.dma_semaphore, #tpu.memory_space<semaphore_mem>>) src(%dma_wait3A_179 : memref<7168xi32, #tpu.memory_space<hbm>>) dst(%arg7 : memref<7168xi32, #tpu.memory_space<vmem>>)
        %lt3A = arith.constant 3 : i32
        %lt3A_180 = arith.cmpi slt, %scan3A_167, %lt3A : i32
        %jit3A_181 = arith.constant 224 : i32
        %jit3A_182 = arith.constant 78 : i32
        %select_n3A_183 = arith.select %lt3A_180, %jit3A_181, %jit3A_182 : i32
        %jit3A_184 = arith.constant 2 : i32
        %div3A_185 = arith.divsi %select_n3A_183, %jit3A_184 : i32
        %sign3A_186 = arith.constant 0 : i32
        %sign3A_187 = arith.cmpi sgt, %select_n3A_183, %sign3A_186 : i32
        %sign3A_188 = arith.extui %sign3A_187 : i1 to i32
        %sign3A_189 = arith.constant 0 : i32
        %sign3A_190 = arith.cmpi slt, %select_n3A_183, %sign3A_189 : i32
        %sign3A_191 = arith.extui %sign3A_190 : i1 to i32
        %sign3A_192 = arith.subi %sign3A_188, %sign3A_191 : i32
        %sign3A_193 = arith.constant 0 : i32
        %sign3A_194 = arith.cmpi sgt, %jit3A_184, %sign3A_193 : i32
        %sign3A_195 = arith.extui %sign3A_194 : i1 to i32
        %sign3A_196 = arith.constant 0 : i32
        %sign3A_197 = arith.cmpi slt, %jit3A_184, %sign3A_196 : i32
        %sign3A_198 = arith.extui %sign3A_197 : i1 to i32
        %sign3A_199 = arith.subi %sign3A_195, %sign3A_198 : i32
        %ne3A_200 = arith.cmpi ne, %sign3A_192, %sign3A_199 : i32
        %rem3A_201 = arith.remsi %select_n3A_183, %jit3A_184 : i32
        %ne3A_202 = arith.constant 0 : i32
        %ne3A_203 = arith.cmpi ne, %rem3A_201, %ne3A_202 : i32
        %and3A_204 = arith.andi %ne3A_200, %ne3A_203 : i1
        %sub3A_205 = arith.constant 1 : i32
        %sub3A_206 = arith.subi %div3A_185, %sub3A_205 : i32
        %select_n3A_207 = arith.select %and3A_204, %sub3A_206, %div3A_185 : i32
        %broadcast_in_dim3A_208 = arith.constant 0 : i32
        %broadcast_in_dim3A_209 = vector.broadcast %broadcast_in_dim3A_208 : i32 to vector<16xi32>
        %while3A_210 = arith.constant 0 : i32
        %while3A_211 = arith.subi %select_n3A_207, %while3A_210 : i32
        %while3A_212 = arith.addi %while3A_210, %while3A_211 : i32
        %while3A_213 = arith.constant 1 : i32
        %while3A_214 = arith.divsi %while3A_211, %while3A_213 : i32
        %while3A_215 = arith.muli %while3A_214, %while3A_213 : i32
        %while3A_216 = arith.addi %while3A_210, %while3A_215 : i32
        %while3A_217 = arith.constant 1 : i32
        %while3A_218 = scf.for %while3A_228 = %while3A_210 to %while3A_216 step %while3A_217 iter_args(%while3A_229 = %broadcast_in_dim3A_209) -> (vector<16xi32>)  : i32 {
          %mul3A_230 = arith.constant 2 : i32
          %mul3A_231 = arith.muli %mul3A_230, %while3A_228 : i32
          %mul3A_232 = arith.constant 32 : i32
          %mul3A_233 = arith.muli %mul3A_231, %mul3A_232 : i32
          %mul3A_234 = arith.constant 2 : i32
          %mul3A_235 = vector.broadcast %mul3A_234 : i32 to vector<16xi32>
          %mul3A_236 = arith.muli %mul3A_235, %iota3A : vector<16xi32>
          %add3A_237 = vector.broadcast %mul3A_233 : i32 to vector<16xi32>
          %add3A_238 = arith.addi %add3A_237, %mul3A_236 : vector<16xi32>
          %gather3A = tpu.vector_load_idx %arg7[%add3A_238] : memref<7168xi32, #tpu.memory_space<vmem>>[vector<16xi32>], vector<16xi32>,
          %add3A_239 = arith.constant 1 : i32
          %add3A_240 = vector.broadcast %add3A_239 : i32 to vector<16xi32>
          %add3A_241 = arith.addi %add3A_238, %add3A_240 : vector<16xi32>
          %gather3A_242 = tpu.vector_load_idx %arg7[%add3A_241] : memref<7168xi32, #tpu.memory_space<vmem>>[vector<16xi32>], vector<16xi32>,
          %mul3A_243 = arith.constant 3584 : i32
          %mul3A_244 = arith.muli %scan3A_167, %mul3A_243 : i32
          %mul3A_245 = arith.constant 16 : i32
          %mul3A_246 = arith.muli %mul3A_231, %mul3A_245 : i32
          %add3A_247 = arith.addi %mul3A_244, %mul3A_246 : i32
          %add3A_248 = vector.broadcast %add3A_247 : i32 to vector<16xi32>
          %add3A_249 = arith.addi %add3A_248, %iota3A : vector<16xi32>
          %ge3A = vector.broadcast %min3A_3 : i32 to vector<16xi32>
          %ge3A_250 = arith.cmpi sge, %gather3A, %ge3A : vector<16xi32>
          %add3A_251 = arith.constant 16 : i32
          %add3A_252 = arith.addi %min3A_3, %add3A_251 : i32
          %lt3A_253 = vector.broadcast %add3A_252 : i32 to vector<16xi32>
          %lt3A_254 = arith.cmpi slt, %gather3A, %lt3A_253 : vector<16xi32>
          %and3A_255 = arith.andi %ge3A_250, %lt3A_254 : vector<16xi1>
          %lt3A_256 = arith.constant 12000 : i32
          %lt3A_257 = vector.broadcast %lt3A_256 : i32 to vector<16xi32>
          %lt3A_258 = arith.cmpi slt, %add3A_249, %lt3A_257 : vector<16xi32>
          %and3A_259 = arith.andi %and3A_255, %lt3A_258 : vector<16xi1>
          %sub3A_260 = vector.broadcast %min3A_3 : i32 to vector<16xi32>
          %sub3A_261 = arith.subi %gather3A, %sub3A_260 : vector<16xi32>
          %mul3A_262 = arith.constant 432 : i32
          %mul3A_263 = vector.broadcast %mul3A_262 : i32 to vector<16xi32>
          %mul3A_264 = arith.muli %sub3A_261, %mul3A_263 : vector<16xi32>
          %add3A_265 = arith.addi %mul3A_264, %gather3A_242 : vector<16xi32>
          %jit3A_266 = arith.constant 0 : i32
          %broadcast_in_dim3A_267 = vector.broadcast %jit3A_266 : i32 to vector<16xi32>
          %select_n3A_268 = arith.select %and3A_259, %add3A_265, %broadcast_in_dim3A_267 : vector<16xi1>, vector<16xi32>
          tpu.vector_store_idx %arg5[%select_n3A_268], %add3A_249 masked %and3A_259 : memref<6912xi32, #tpu.memory_space<vmem>>[vector<16xi32>], vector<16xi32>, vector<16xi1>
          %gather3A_269 = tpu.vector_load_idx %arg5[%select_n3A_268] masked %and3A_259 : memref<6912xi32, #tpu.memory_space<vmem>>[vector<16xi32>], vector<16xi32>, vector<16xi1>
          %lt3A_270 = arith.cmpi slt, %gather3A_269, %add3A_249 : vector<16xi32>
          %and3A_271 = arith.andi %and3A_259, %lt3A_270 : vector<16xi1>
          %convert_element_type3A_272 = arith.extui %and3A_271 : vector<16xi1> to vector<16xi32>
          %or3A = arith.ori %while3A_229, %convert_element_type3A_272 : vector<16xi32>
          %mul3A_273 = arith.constant 2 : i32
          %mul3A_274 = arith.muli %mul3A_273, %while3A_228 : i32
          %add3A_275 = arith.constant 1 : i32
          %add3A_276 = arith.addi %mul3A_274, %add3A_275 : i32
          %mul3A_277 = arith.constant 32 : i32
          %mul3A_278 = arith.muli %add3A_276, %mul3A_277 : i32
          %mul3A_279 = arith.constant 2 : i32
          %mul3A_280 = vector.broadcast %mul3A_279 : i32 to vector<16xi32>
          %mul3A_281 = arith.muli %mul3A_280, %iota3A : vector<16xi32>
          %add3A_282 = vector.broadcast %mul3A_278 : i32 to vector<16xi32>
          %add3A_283 = arith.addi %add3A_282, %mul3A_281 : vector<16xi32>
          %gather3A_284 = tpu.vector_load_idx %arg7[%add3A_283] : memref<7168xi32, #tpu.memory_space<vmem>>[vector<16xi32>], vector<16xi32>,
          %add3A_285 = arith.constant 1 : i32
          %add3A_286 = vector.broadcast %add3A_285 : i32 to vector<16xi32>
          %add3A_287 = arith.addi %add3A_283, %add3A_286 : vector<16xi32>
          %gather3A_288 = tpu.vector_load_idx %arg7[%add3A_287] : memref<7168xi32, #tpu.memory_space<vmem>>[vector<16xi32>], vector<16xi32>,
          %mul3A_289 = arith.constant 3584 : i32
          %mul3A_290 = arith.muli %scan3A_167, %mul3A_289 : i32
          %mul3A_291 = arith.constant 16 : i32
          %mul3A_292 = arith.muli %add3A_276, %mul3A_291 : i32
          %add3A_293 = arith.addi %mul3A_290, %mul3A_292 : i32
          %add3A_294 = vector.broadcast %add3A_293 : i32 to vector<16xi32>
          %add3A_295 = arith.addi %add3A_294, %iota3A : vector<16xi32>
          %ge3A_296 = vector.broadcast %min3A_3 : i32 to vector<16xi32>
          %ge3A_297 = arith.cmpi sge, %gather3A_284, %ge3A_296 : vector<16xi32>
          %add3A_298 = arith.constant 16 : i32
          %add3A_299 = arith.addi %min3A_3, %add3A_298 : i32
          %lt3A_300 = vector.broadcast %add3A_299 : i32 to vector<16xi32>
          %lt3A_301 = arith.cmpi slt, %gather3A_284, %lt3A_300 : vector<16xi32>
          %and3A_302 = arith.andi %ge3A_297, %lt3A_301 : vector<16xi1>
          %lt3A_303 = arith.constant 12000 : i32
          %lt3A_304 = vector.broadcast %lt3A_303 : i32 to vector<16xi32>
          %lt3A_305 = arith.cmpi slt, %add3A_295, %lt3A_304 : vector<16xi32>
          %and3A_306 = arith.andi %and3A_302, %lt3A_305 : vector<16xi1>
          %sub3A_307 = vector.broadcast %min3A_3 : i32 to vector<16xi32>
          %sub3A_308 = arith.subi %gather3A_284, %sub3A_307 : vector<16xi32>
          %mul3A_309 = arith.constant 432 : i32
          %mul3A_310 = vector.broadcast %mul3A_309 : i32 to vector<16xi32>
          %mul3A_311 = arith.muli %sub3A_308, %mul3A_310 : vector<16xi32>
          %add3A_312 = arith.addi %mul3A_311, %gather3A_288 : vector<16xi32>
          %jit3A_313 = arith.constant 0 : i32
          %broadcast_in_dim3A_314 = vector.broadcast %jit3A_313 : i32 to vector<16xi32>
          %select_n3A_315 = arith.select %and3A_306, %add3A_312, %broadcast_in_dim3A_314 : vector<16xi1>, vector<16xi32>
          tpu.vector_store_idx %arg5[%select_n3A_315], %add3A_295 masked %and3A_306 : memref<6912xi32, #tpu.memory_space<vmem>>[vector<16xi32>], vector<16xi32>, vector<16xi1>
          %gather3A_316 = tpu.vector_load_idx %arg5[%select_n3A_315] masked %and3A_306 : memref<6912xi32, #tpu.memory_space<vmem>>[vector<16xi32>], vector<16xi32>, vector<16xi1>
          %lt3A_317 = arith.cmpi slt, %gather3A_316, %add3A_295 : vector<16xi32>
          %and3A_318 = arith.andi %and3A_306, %lt3A_317 : vector<16xi1>
          %convert_element_type3A_319 = arith.extui %and3A_318 : vector<16xi1> to vector<16xi32>
          %or3A_320 = arith.ori %or3A, %convert_element_type3A_319 : vector<16xi32>
          scf.yield %or3A_320 : vector<16xi32>
        }
        %while3A_219 = arith.constant 1 : i32
        %while3A_220 = scf.for %while3A_228 = %while3A_216 to %while3A_212 step %while3A_219 iter_args(%while3A_229 = %while3A_218) -> (vector<16xi32>)  : i32 {
          %mul3A_230 = arith.constant 2 : i32
          %mul3A_231 = arith.muli %mul3A_230, %while3A_228 : i32
          %mul3A_232 = arith.constant 32 : i32
          %mul3A_233 = arith.muli %mul3A_231, %mul3A_232 : i32
          %mul3A_234 = arith.constant 2 : i32
          %mul3A_235 = vector.broadcast %mul3A_234 : i32 to vector<16xi32>
          %mul3A_236 = arith.muli %mul3A_235, %iota3A : vector<16xi32>
          %add3A_237 = vector.broadcast %mul3A_233 : i32 to vector<16xi32>
          %add3A_238 = arith.addi %add3A_237, %mul3A_236 : vector<16xi32>
          %gather3A = tpu.vector_load_idx %arg7[%add3A_238] : memref<7168xi32, #tpu.memory_space<vmem>>[vector<16xi32>], vector<16xi32>,
          %add3A_239 = arith.constant 1 : i32
          %add3A_240 = vector.broadcast %add3A_239 : i32 to vector<16xi32>
          %add3A_241 = arith.addi %add3A_238, %add3A_240 : vector<16xi32>
          %gather3A_242 = tpu.vector_load_idx %arg7[%add3A_241] : memref<7168xi32, #tpu.memory_space<vmem>>[vector<16xi32>], vector<16xi32>,
          %mul3A_243 = arith.constant 3584 : i32
          %mul3A_244 = arith.muli %scan3A_167, %mul3A_243 : i32
          %mul3A_245 = arith.constant 16 : i32
          %mul3A_246 = arith.muli %mul3A_231, %mul3A_245 : i32
          %add3A_247 = arith.addi %mul3A_244, %mul3A_246 : i32
          %add3A_248 = vector.broadcast %add3A_247 : i32 to vector<16xi32>
          %add3A_249 = arith.addi %add3A_248, %iota3A : vector<16xi32>
          %ge3A = vector.broadcast %min3A_3 : i32 to vector<16xi32>
          %ge3A_250 = arith.cmpi sge, %gather3A, %ge3A : vector<16xi32>
          %add3A_251 = arith.constant 16 : i32
          %add3A_252 = arith.addi %min3A_3, %add3A_251 : i32
          %lt3A_253 = vector.broadcast %add3A_252 : i32 to vector<16xi32>
          %lt3A_254 = arith.cmpi slt, %gather3A, %lt3A_253 : vector<16xi32>
          %and3A_255 = arith.andi %ge3A_250, %lt3A_254 : vector<16xi1>
          %lt3A_256 = arith.constant 12000 : i32
          %lt3A_257 = vector.broadcast %lt3A_256 : i32 to vector<16xi32>
          %lt3A_258 = arith.cmpi slt, %add3A_249, %lt3A_257 : vector<16xi32>
          %and3A_259 = arith.andi %and3A_255, %lt3A_258 : vector<16xi1>
          %sub3A_260 = vector.broadcast %min3A_3 : i32 to vector<16xi32>
          %sub3A_261 = arith.subi %gather3A, %sub3A_260 : vector<16xi32>
          %mul3A_262 = arith.constant 432 : i32
          %mul3A_263 = vector.broadcast %mul3A_262 : i32 to vector<16xi32>
          %mul3A_264 = arith.muli %sub3A_261, %mul3A_263 : vector<16xi32>
          %add3A_265 = arith.addi %mul3A_264, %gather3A_242 : vector<16xi32>
          %jit3A_266 = arith.constant 0 : i32
          %broadcast_in_dim3A_267 = vector.broadcast %jit3A_266 : i32 to vector<16xi32>
          %select_n3A_268 = arith.select %and3A_259, %add3A_265, %broadcast_in_dim3A_267 : vector<16xi1>, vector<16xi32>
          tpu.vector_store_idx %arg5[%select_n3A_268], %add3A_249 masked %and3A_259 : memref<6912xi32, #tpu.memory_space<vmem>>[vector<16xi32>], vector<16xi32>, vector<16xi1>
          %gather3A_269 = tpu.vector_load_idx %arg5[%select_n3A_268] masked %and3A_259 : memref<6912xi32, #tpu.memory_space<vmem>>[vector<16xi32>], vector<16xi32>, vector<16xi1>
          %lt3A_270 = arith.cmpi slt, %gather3A_269, %add3A_249 : vector<16xi32>
          %and3A_271 = arith.andi %and3A_259, %lt3A_270 : vector<16xi1>
          %convert_element_type3A_272 = arith.extui %and3A_271 : vector<16xi1> to vector<16xi32>
          %or3A = arith.ori %while3A_229, %convert_element_type3A_272 : vector<16xi32>
          %mul3A_273 = arith.constant 2 : i32
          %mul3A_274 = arith.muli %mul3A_273, %while3A_228 : i32
          %add3A_275 = arith.constant 1 : i32
          %add3A_276 = arith.addi %mul3A_274, %add3A_275 : i32
          %mul3A_277 = arith.constant 32 : i32
          %mul3A_278 = arith.muli %add3A_276, %mul3A_277 : i32
          %mul3A_279 = arith.constant 2 : i32
          %mul3A_280 = vector.broadcast %mul3A_279 : i32 to vector<16xi32>
          %mul3A_281 = arith.muli %mul3A_280, %iota3A : vector<16xi32>
          %add3A_282 = vector.broadcast %mul3A_278 : i32 to vector<16xi32>
          %add3A_283 = arith.addi %add3A_282, %mul3A_281 : vector<16xi32>
          %gather3A_284 = tpu.vector_load_idx %arg7[%add3A_283] : memref<7168xi32, #tpu.memory_space<vmem>>[vector<16xi32>], vector<16xi32>,
          %add3A_285 = arith.constant 1 : i32
          %add3A_286 = vector.broadcast %add3A_285 : i32 to vector<16xi32>
          %add3A_287 = arith.addi %add3A_283, %add3A_286 : vector<16xi32>
          %gather3A_288 = tpu.vector_load_idx %arg7[%add3A_287] : memref<7168xi32, #tpu.memory_space<vmem>>[vector<16xi32>], vector<16xi32>,
          %mul3A_289 = arith.constant 3584 : i32
          %mul3A_290 = arith.muli %scan3A_167, %mul3A_289 : i32
          %mul3A_291 = arith.constant 16 : i32
          %mul3A_292 = arith.muli %add3A_276, %mul3A_291 : i32
          %add3A_293 = arith.addi %mul3A_290, %mul3A_292 : i32
          %add3A_294 = vector.broadcast %add3A_293 : i32 to vector<16xi32>
          %add3A_295 = arith.addi %add3A_294, %iota3A : vector<16xi32>
          %ge3A_296 = vector.broadcast %min3A_3 : i32 to vector<16xi32>
          %ge3A_297 = arith.cmpi sge, %gather3A_284, %ge3A_296 : vector<16xi32>
          %add3A_298 = arith.constant 16 : i32
          %add3A_299 = arith.addi %min3A_3, %add3A_298 : i32
          %lt3A_300 = vector.broadcast %add3A_299 : i32 to vector<16xi32>
          %lt3A_301 = arith.cmpi slt, %gather3A_284, %lt3A_300 : vector<16xi32>
          %and3A_302 = arith.andi %ge3A_297, %lt3A_301 : vector<16xi1>
          %lt3A_303 = arith.constant 12000 : i32
          %lt3A_304 = vector.broadcast %lt3A_303 : i32 to vector<16xi32>
          %lt3A_305 = arith.cmpi slt, %add3A_295, %lt3A_304 : vector<16xi32>
          %and3A_306 = arith.andi %and3A_302, %lt3A_305 : vector<16xi1>
          %sub3A_307 = vector.broadcast %min3A_3 : i32 to vector<16xi32>
          %sub3A_308 = arith.subi %gather3A_284, %sub3A_307 : vector<16xi32>
          %mul3A_309 = arith.constant 432 : i32
          %mul3A_310 = vector.broadcast %mul3A_309 : i32 to vector<16xi32>
          %mul3A_311 = arith.muli %sub3A_308, %mul3A_310 : vector<16xi32>
          %add3A_312 = arith.addi %mul3A_311, %gather3A_288 : vector<16xi32>
          %jit3A_313 = arith.constant 0 : i32
          %broadcast_in_dim3A_314 = vector.broadcast %jit3A_313 : i32 to vector<16xi32>
          %select_n3A_315 = arith.select %and3A_306, %add3A_312, %broadcast_in_dim3A_314 : vector<16xi1>, vector<16xi32>
          tpu.vector_store_idx %arg5[%select_n3A_315], %add3A_295 masked %and3A_306 : memref<6912xi32, #tpu.memory_space<vmem>>[vector<16xi32>], vector<16xi32>, vector<16xi1>
          %gather3A_316 = tpu.vector_load_idx %arg5[%select_n3A_315] masked %and3A_306 : memref<6912xi32, #tpu.memory_space<vmem>>[vector<16xi32>], vector<16xi32>, vector<16xi1>
          %lt3A_317 = arith.cmpi slt, %gather3A_316, %add3A_295 : vector<16xi32>
          %and3A_318 = arith.andi %and3A_306, %lt3A_317 : vector<16xi1>
          %convert_element_type3A_319 = arith.extui %and3A_318 : vector<16xi1> to vector<16xi32>
          %or3A_320 = arith.ori %or3A, %convert_element_type3A_319 : vector<16xi32>
          scf.yield %or3A_320 : vector<16xi32>
        }
        %reduce_sum3A = arith.constant true
        %reduce_sum3A_221 = vector.broadcast %reduce_sum3A : i1 to vector<16xi1>
        %reduce_sum3A_222 = tpu.scan <sum>, %while3A_220 masked %reduce_sum3A_221 : vector<16xi32>, vector<16xi1> -> vector<16xi32>
        %reduce_sum3A_223 = vector.extract %reduce_sum3A_222[15] : i32 from vector<16xi32>
        %gt3A_224 = arith.constant 0 : i32
        %gt3A_225 = arith.cmpi sgt, %reduce_sum3A_223, %gt3A_224 : i32
        %convert_element_type3A = arith.extui %gt3A_225 : i1 to i32
        %cond3A = arith.constant 0 : i32
        %cond3A_226 = arith.cmpi ne, %convert_element_type3A, %cond3A : i32
        scf.if %cond3A_226 {
          %while3A_228 = arith.constant 0 : i32
          %while3A_229 = arith.constant 0 : i32
          %while3A_230 = arith.subi %select_n3A_183, %while3A_228 : i32
          %while3A_231 = arith.addi %while3A_228, %while3A_230 : i32
          %while3A_232 = arith.constant 1 : i32
          %while3A_233 = arith.divsi %while3A_230, %while3A_232 : i32
          %while3A_234 = arith.muli %while3A_233, %while3A_232 : i32
          %while3A_235 = arith.addi %while3A_228, %while3A_234 : i32
          %while3A_236 = arith.constant 1 : i32
          %while3A_237 = scf.for %while3A_240 = %while3A_228 to %while3A_235 step %while3A_236 iter_args(%while3A_241 = %while3A_229) -> (i32)  : i32 {
            %mul3A_242 = arith.constant 32 : i32
            %mul3A_243 = arith.muli %while3A_240, %mul3A_242 : i32
            %mul3A_244 = arith.constant 2 : i32
            %mul3A_245 = vector.broadcast %mul3A_244 : i32 to vector<16xi32>
            %mul3A_246 = arith.muli %mul3A_245, %iota3A : vector<16xi32>
            %add3A_247 = vector.broadcast %mul3A_243 : i32 to vector<16xi32>
            %add3A_248 = arith.addi %add3A_247, %mul3A_246 : vector<16xi32>
            %gather3A = tpu.vector_load_idx %arg7[%add3A_248] : memref<7168xi32, #tpu.memory_space<vmem>>[vector<16xi32>], vector<16xi32>,
            %add3A_249 = arith.constant 1 : i32
            %add3A_250 = vector.broadcast %add3A_249 : i32 to vector<16xi32>
            %add3A_251 = arith.addi %add3A_248, %add3A_250 : vector<16xi32>
            %gather3A_252 = tpu.vector_load_idx %arg7[%add3A_251] : memref<7168xi32, #tpu.memory_space<vmem>>[vector<16xi32>], vector<16xi32>,
            %mul3A_253 = arith.constant 3584 : i32
            %mul3A_254 = arith.muli %scan3A_167, %mul3A_253 : i32
            %mul3A_255 = arith.constant 16 : i32
            %mul3A_256 = arith.muli %while3A_240, %mul3A_255 : i32
            %add3A_257 = arith.addi %mul3A_254, %mul3A_256 : i32
            %add3A_258 = vector.broadcast %add3A_257 : i32 to vector<16xi32>
            %add3A_259 = arith.addi %add3A_258, %iota3A : vector<16xi32>
            %ge3A = vector.broadcast %min3A_3 : i32 to vector<16xi32>
            %ge3A_260 = arith.cmpi sge, %gather3A, %ge3A : vector<16xi32>
            %add3A_261 = arith.constant 16 : i32
            %add3A_262 = arith.addi %min3A_3, %add3A_261 : i32
            %lt3A_263 = vector.broadcast %add3A_262 : i32 to vector<16xi32>
            %lt3A_264 = arith.cmpi slt, %gather3A, %lt3A_263 : vector<16xi32>
            %and3A_265 = arith.andi %ge3A_260, %lt3A_264 : vector<16xi1>
            %lt3A_266 = arith.constant 12000 : i32
            %lt3A_267 = vector.broadcast %lt3A_266 : i32 to vector<16xi32>
            %lt3A_268 = arith.cmpi slt, %add3A_259, %lt3A_267 : vector<16xi32>
            %and3A_269 = arith.andi %and3A_265, %lt3A_268 : vector<16xi1>
            %sub3A_270 = vector.broadcast %min3A_3 : i32 to vector<16xi32>
            %sub3A_271 = arith.subi %gather3A, %sub3A_270 : vector<16xi32>
            %mul3A_272 = arith.constant 432 : i32
            %mul3A_273 = vector.broadcast %mul3A_272 : i32 to vector<16xi32>
            %mul3A_274 = arith.muli %sub3A_271, %mul3A_273 : vector<16xi32>
            %add3A_275 = arith.addi %mul3A_274, %gather3A_252 : vector<16xi32>
            %jit3A_276 = arith.constant 0 : i32
            %broadcast_in_dim3A_277 = vector.broadcast %jit3A_276 : i32 to vector<16xi32>
            %select_n3A_278 = arith.select %and3A_269, %add3A_275, %broadcast_in_dim3A_277 : vector<16xi1>, vector<16xi32>
            %gather3A_279 = tpu.vector_load_idx %arg5[%select_n3A_278] masked %and3A_269 : memref<6912xi32, #tpu.memory_space<vmem>>[vector<16xi32>], vector<16xi32>, vector<16xi1>
            %lt3A_280 = arith.cmpi slt, %gather3A_279, %add3A_259 : vector<16xi32>
            %and3A_281 = arith.andi %and3A_269, %lt3A_280 : vector<16xi1>
            %while3A_282 = scf.while (%while3A_284 = %and3A_281) : (vector<16xi1>) -> vector<16xi1> {
              %convert_element_type3A_285 = arith.extui %while3A_284 : vector<16xi1> to vector<16xi32>
              %reduce_sum3A_286 = arith.constant true
              %reduce_sum3A_287 = vector.broadcast %reduce_sum3A_286 : i1 to vector<16xi1>
              %reduce_sum3A_288 = tpu.scan <sum>, %convert_element_type3A_285 masked %reduce_sum3A_287 : vector<16xi32>, vector<16xi1> -> vector<16xi32>
              %reduce_sum3A_289 = vector.extract %reduce_sum3A_288[15] : i32 from vector<16xi32>
              %gt3A_290 = arith.constant 0 : i32
              %gt3A_291 = arith.cmpi sgt, %reduce_sum3A_289, %gt3A_290 : i32
              scf.condition(%gt3A_291) %while3A_284 : vector<16xi1>
            } do {
            ^bb0(%while3A_284: vector<16xi1>):
              tpu.vector_store_idx %arg5[%select_n3A_278], %add3A_259 masked %while3A_284 : memref<6912xi32, #tpu.memory_space<vmem>>[vector<16xi32>], vector<16xi32>, vector<16xi1>
              %gather3A_285 = tpu.vector_load_idx %arg5[%select_n3A_278] masked %and3A_269 : memref<6912xi32, #tpu.memory_space<vmem>>[vector<16xi32>], vector<16xi32>, vector<16xi1>
              %lt3A_286 = arith.cmpi slt, %gather3A_285, %add3A_259 : vector<16xi32>
              %and3A_287 = arith.andi %and3A_269, %lt3A_286 : vector<16xi1>
              scf.yield %and3A_287 : vector<16xi1>
            }
            %while3A_283 = arith.constant 0 : i32
            scf.yield %while3A_283 : i32
          }
          %while3A_238 = arith.constant 1 : i32
          %while3A_239 = scf.for %while3A_240 = %while3A_235 to %while3A_231 step %while3A_238 iter_args(%while3A_241 = %while3A_237) -> (i32)  : i32 {
            %mul3A_242 = arith.constant 32 : i32
            %mul3A_243 = arith.muli %while3A_240, %mul3A_242 : i32
            %mul3A_244 = arith.constant 2 : i32
            %mul3A_245 = vector.broadcast %mul3A_244 : i32 to vector<16xi32>
            %mul3A_246 = arith.muli %mul3A_245, %iota3A : vector<16xi32>
            %add3A_247 = vector.broadcast %mul3A_243 : i32 to vector<16xi32>
            %add3A_248 = arith.addi %add3A_247, %mul3A_246 : vector<16xi32>
            %gather3A = tpu.vector_load_idx %arg7[%add3A_248] : memref<7168xi32, #tpu.memory_space<vmem>>[vector<16xi32>], vector<16xi32>,
            %add3A_249 = arith.constant 1 : i32
            %add3A_250 = vector.broadcast %add3A_249 : i32 to vector<16xi32>
            %add3A_251 = arith.addi %add3A_248, %add3A_250 : vector<16xi32>
            %gather3A_252 = tpu.vector_load_idx %arg7[%add3A_251] : memref<7168xi32, #tpu.memory_space<vmem>>[vector<16xi32>], vector<16xi32>,
            %mul3A_253 = arith.constant 3584 : i32
            %mul3A_254 = arith.muli %scan3A_167, %mul3A_253 : i32
            %mul3A_255 = arith.constant 16 : i32
            %mul3A_256 = arith.muli %while3A_240, %mul3A_255 : i32
            %add3A_257 = arith.addi %mul3A_254, %mul3A_256 : i32
            %add3A_258 = vector.broadcast %add3A_257 : i32 to vector<16xi32>
            %add3A_259 = arith.addi %add3A_258, %iota3A : vector<16xi32>
            %ge3A = vector.broadcast %min3A_3 : i32 to vector<16xi32>
            %ge3A_260 = arith.cmpi sge, %gather3A, %ge3A : vector<16xi32>
            %add3A_261 = arith.constant 16 : i32
            %add3A_262 = arith.addi %min3A_3, %add3A_261 : i32
            %lt3A_263 = vector.broadcast %add3A_262 : i32 to vector<16xi32>
            %lt3A_264 = arith.cmpi slt, %gather3A, %lt3A_263 : vector<16xi32>
            %and3A_265 = arith.andi %ge3A_260, %lt3A_264 : vector<16xi1>
            %lt3A_266 = arith.constant 12000 : i32
            %lt3A_267 = vector.broadcast %lt3A_266 : i32 to vector<16xi32>
            %lt3A_268 = arith.cmpi slt, %add3A_259, %lt3A_267 : vector<16xi32>
            %and3A_269 = arith.andi %and3A_265, %lt3A_268 : vector<16xi1>
            %sub3A_270 = vector.broadcast %min3A_3 : i32 to vector<16xi32>
            %sub3A_271 = arith.subi %gather3A, %sub3A_270 : vector<16xi32>
            %mul3A_272 = arith.constant 432 : i32
            %mul3A_273 = vector.broadcast %mul3A_272 : i32 to vector<16xi32>
            %mul3A_274 = arith.muli %sub3A_271, %mul3A_273 : vector<16xi32>
            %add3A_275 = arith.addi %mul3A_274, %gather3A_252 : vector<16xi32>
            %jit3A_276 = arith.constant 0 : i32
            %broadcast_in_dim3A_277 = vector.broadcast %jit3A_276 : i32 to vector<16xi32>
            %select_n3A_278 = arith.select %and3A_269, %add3A_275, %broadcast_in_dim3A_277 : vector<16xi1>, vector<16xi32>
            %gather3A_279 = tpu.vector_load_idx %arg5[%select_n3A_278] masked %and3A_269 : memref<6912xi32, #tpu.memory_space<vmem>>[vector<16xi32>], vector<16xi32>, vector<16xi1>
            %lt3A_280 = arith.cmpi slt, %gather3A_279, %add3A_259 : vector<16xi32>
            %and3A_281 = arith.andi %and3A_269, %lt3A_280 : vector<16xi1>
            %while3A_282 = scf.while (%while3A_284 = %and3A_281) : (vector<16xi1>) -> vector<16xi1> {
              %convert_element_type3A_285 = arith.extui %while3A_284 : vector<16xi1> to vector<16xi32>
              %reduce_sum3A_286 = arith.constant true
              %reduce_sum3A_287 = vector.broadcast %reduce_sum3A_286 : i1 to vector<16xi1>
              %reduce_sum3A_288 = tpu.scan <sum>, %convert_element_type3A_285 masked %reduce_sum3A_287 : vector<16xi32>, vector<16xi1> -> vector<16xi32>
              %reduce_sum3A_289 = vector.extract %reduce_sum3A_288[15] : i32 from vector<16xi32>
              %gt3A_290 = arith.constant 0 : i32
              %gt3A_291 = arith.cmpi sgt, %reduce_sum3A_289, %gt3A_290 : i32
              scf.condition(%gt3A_291) %while3A_284 : vector<16xi1>
            } do {
            ^bb0(%while3A_284: vector<16xi1>):
              tpu.vector_store_idx %arg5[%select_n3A_278], %add3A_259 masked %while3A_284 : memref<6912xi32, #tpu.memory_space<vmem>>[vector<16xi32>], vector<16xi32>, vector<16xi1>
              %gather3A_285 = tpu.vector_load_idx %arg5[%select_n3A_278] masked %and3A_269 : memref<6912xi32, #tpu.memory_space<vmem>>[vector<16xi32>], vector<16xi32>, vector<16xi1>
              %lt3A_286 = arith.cmpi slt, %gather3A_285, %add3A_259 : vector<16xi32>
              %and3A_287 = arith.andi %and3A_269, %lt3A_286 : vector<16xi1>
              scf.yield %and3A_287 : vector<16xi1>
            }
            %while3A_283 = arith.constant 0 : i32
            scf.yield %while3A_283 : i32
          }
        } else {
        }
        %scan3A_227 = arith.constant 0 : i32
        scf.yield %scan3A_227 : i32
      }
      %scan3A_49 = arith.constant 4 : i32
      "tpu.trace_stop"() : () -> ()
      "tpu.trace_start"() <{level = 10 : i32, message = "k3_qbuild"}> : () -> ()
      %scan3A_50 = arith.constant 0 : i32
      %scan3A_51 = arith.constant 0 : i32
      %scan3A_52 = arith.constant 16 : i32
      %scan3A_53 = arith.addi %scan3A_51, %scan3A_52 : i32
      %scan3A_54 = arith.constant 1 : i32
      %scan3A_55 = scf.for %scan3A_167 = %scan3A_51 to %scan3A_53 step %scan3A_54 iter_args(%scan3A_168 = %scan3A_50) -> (i32)  : i32 {
        %mul3A_169 = arith.constant 432 : i32
        %mul3A_170 = arith.muli %scan3A_167, %mul3A_169 : i32
        %add3A_171 = arith.constant 0 : i32
        %add3A_172 = arith.addi %mul3A_170, %add3A_171 : i32
        %get3A = arith.index_cast %add3A_172 : i32 to index
        %get3A_173 = tpu.vector_load %arg5[%get3A] {strides = array<i32>} : memref<6912xi32, #tpu.memory_space<vmem>>, vector<16xi32>,
        %lt3A = arith.constant 1073741824 : i32
        %lt3A_174 = vector.broadcast %lt3A : i32 to vector<16xi32>
        %lt3A_175 = arith.cmpi slt, %get3A_173, %lt3A_174 : vector<16xi32>
        %shift_left3A = arith.constant 16 : i32
        %shift_left3A_176 = arith.shli %scan3A_167, %shift_left3A : i32
        %add3A_177 = arith.constant 0 : i32
        %add3A_178 = vector.broadcast %add3A_177 : i32 to vector<16xi32>
        %add3A_179 = arith.addi %add3A_178, %iota3A : vector<16xi32>
        %or3A = vector.broadcast %shift_left3A_176 : i32 to vector<16xi32>
        %or3A_180 = arith.ori %or3A, %add3A_179 : vector<16xi32>
        %swap3A_181 = arith.index_cast %scan3A_168 : i32 to index
        %swap3A_182 = tpu.vector_load %arg6[%swap3A_181] masked %lt3A_175 {strides = array<i32>} : memref<7168xi32, #tpu.memory_space<vmem>>, vector<16xi32>, vector<16xi1>
        tpu.vector_store %arg6[%swap3A_181], %or3A_180 masked %lt3A_175 {strides = array<i32>} : memref<7168xi32, #tpu.memory_space<vmem>>, vector<16xi32>, vector<16xi1>
        %mul3A_183 = arith.constant 12000 : i32
        %mul3A_184 = arith.muli %scan3A_34, %mul3A_183 : i32
        %add3A_185 = vector.broadcast %mul3A_184 : i32 to vector<16xi32>
        %add3A_186 = arith.addi %get3A_173, %add3A_185 : vector<16xi32>
        %swap3A_187 = arith.index_cast %scan3A_168 : i32 to index
        %swap3A_188 = tpu.vector_load %arg7[%swap3A_187] masked %lt3A_175 {strides = array<i32>} : memref<7168xi32, #tpu.memory_space<vmem>>, vector<16xi32>, vector<16xi1>
        tpu.vector_store %arg7[%swap3A_187], %add3A_186 masked %lt3A_175 {strides = array<i32>} : memref<7168xi32, #tpu.memory_space<vmem>>, vector<16xi32>, vector<16xi1>
        %convert_element_type3A = arith.extui %lt3A_175 : vector<16xi1> to vector<16xi32>
        %reduce_sum3A = arith.constant true
        %reduce_sum3A_189 = vector.broadcast %reduce_sum3A : i1 to vector<16xi1>
        %reduce_sum3A_190 = tpu.scan <sum>, %convert_element_type3A masked %reduce_sum3A_189 : vector<16xi32>, vector<16xi1> -> vector<16xi32>
        %reduce_sum3A_191 = vector.extract %reduce_sum3A_190[15] : i32 from vector<16xi32>
        %add3A_192 = arith.addi %scan3A_168, %reduce_sum3A_191 : i32
        %mul3A_193 = arith.constant 432 : i32
        %mul3A_194 = arith.muli %scan3A_167, %mul3A_193 : i32
        %add3A_195 = arith.constant 16 : i32
        %add3A_196 = arith.addi %mul3A_194, %add3A_195 : i32
        %get3A_197 = arith.index_cast %add3A_196 : i32 to index
        %get3A_198 = tpu.vector_load %arg5[%get3A_197] {strides = array<i32>} : memref<6912xi32, #tpu.memory_space<vmem>>, vector<16xi32>,
        %lt3A_199 = arith.constant 1073741824 : i32
        %lt3A_200 = vector.broadcast %lt3A_199 : i32 to vector<16xi32>
        %lt3A_201 = arith.cmpi slt, %get3A_198, %lt3A_200 : vector<16xi32>
        %shift_left3A_202 = arith.constant 16 : i32
        %shift_left3A_203 = arith.shli %scan3A_167, %shift_left3A_202 : i32
        %add3A_204 = arith.constant 16 : i32
        %add3A_205 = vector.broadcast %add3A_204 : i32 to vector<16xi32>
        %add3A_206 = arith.addi %add3A_205, %iota3A : vector<16xi32>
        %or3A_207 = vector.broadcast %shift_left3A_203 : i32 to vector<16xi32>
        %or3A_208 = arith.ori %or3A_207, %add3A_206 : vector<16xi32>
        %swap3A_209 = arith.index_cast %add3A_192 : i32 to index
        %swap3A_210 = tpu.vector_load %arg6[%swap3A_209] masked %lt3A_201 {strides = array<i32>} : memref<7168xi32, #tpu.memory_space<vmem>>, vector<16xi32>, vector<16xi1>
        tpu.vector_store %arg6[%swap3A_209], %or3A_208 masked %lt3A_201 {strides = array<i32>} : memref<7168xi32, #tpu.memory_space<vmem>>, vector<16xi32>, vector<16xi1>
        %mul3A_211 = arith.constant 12000 : i32
        %mul3A_212 = arith.muli %scan3A_34, %mul3A_211 : i32
        %add3A_213 = vector.broadcast %mul3A_212 : i32 to vector<16xi32>
        %add3A_214 = arith.addi %get3A_198, %add3A_213 : vector<16xi32>
        %swap3A_215 = arith.index_cast %add3A_192 : i32 to index
        %swap3A_216 = tpu.vector_load %arg7[%swap3A_215] masked %lt3A_201 {strides = array<i32>} : memref<7168xi32, #tpu.memory_space<vmem>>, vector<16xi32>, vector<16xi1>
        tpu.vector_store %arg7[%swap3A_215], %add3A_214 masked %lt3A_201 {strides = array<i32>} : memref<7168xi32, #tpu.memory_space<vmem>>, vector<16xi32>, vector<16xi1>
        %convert_element_type3A_217 = arith.extui %lt3A_201 : vector<16xi1> to vector<16xi32>
        %reduce_sum3A_218 = arith.constant true
        %reduce_sum3A_219 = vector.broadcast %reduce_sum3A_218 : i1 to vector<16xi1>
        %reduce_sum3A_220 = tpu.scan <sum>, %convert_element_type3A_217 masked %reduce_sum3A_219 : vector<16xi32>, vector<16xi1> -> vector<16xi32>
        %reduce_sum3A_221 = vector.extract %reduce_sum3A_220[15] : i32 from vector<16xi32>
        %add3A_222 = arith.addi %add3A_192, %reduce_sum3A_221 : i32
        %mul3A_223 = arith.constant 432 : i32
        %mul3A_224 = arith.muli %scan3A_167, %mul3A_223 : i32
        %add3A_225 = arith.constant 32 : i32
        %add3A_226 = arith.addi %mul3A_224, %add3A_225 : i32
        %get3A_227 = arith.index_cast %add3A_226 : i32 to index
        %get3A_228 = tpu.vector_load %arg5[%get3A_227] {strides = array<i32>} : memref<6912xi32, #tpu.memory_space<vmem>>, vector<16xi32>,
        %lt3A_229 = arith.constant 1073741824 : i32
        %lt3A_230 = vector.broadcast %lt3A_229 : i32 to vector<16xi32>
        %lt3A_231 = arith.cmpi slt, %get3A_228, %lt3A_230 : vector<16xi32>
        %shift_left3A_232 = arith.constant 16 : i32
        %shift_left3A_233 = arith.shli %scan3A_167, %shift_left3A_232 : i32
        %add3A_234 = arith.constant 32 : i32
        %add3A_235 = vector.broadcast %add3A_234 : i32 to vector<16xi32>
        %add3A_236 = arith.addi %add3A_235, %iota3A : vector<16xi32>
        %or3A_237 = vector.broadcast %shift_left3A_233 : i32 to vector<16xi32>
        %or3A_238 = arith.ori %or3A_237, %add3A_236 : vector<16xi32>
        %swap3A_239 = arith.index_cast %add3A_222 : i32 to index
        %swap3A_240 = tpu.vector_load %arg6[%swap3A_239] masked %lt3A_231 {strides = array<i32>} : memref<7168xi32, #tpu.memory_space<vmem>>, vector<16xi32>, vector<16xi1>
        tpu.vector_store %arg6[%swap3A_239], %or3A_238 masked %lt3A_231 {strides = array<i32>} : memref<7168xi32, #tpu.memory_space<vmem>>, vector<16xi32>, vector<16xi1>
        %mul3A_241 = arith.constant 12000 : i32
        %mul3A_242 = arith.muli %scan3A_34, %mul3A_241 : i32
        %add3A_243 = vector.broadcast %mul3A_242 : i32 to vector<16xi32>
        %add3A_244 = arith.addi %get3A_228, %add3A_243 : vector<16xi32>
        %swap3A_245 = arith.index_cast %add3A_222 : i32 to index
        %swap3A_246 = tpu.vector_load %arg7[%swap3A_245] masked %lt3A_231 {strides = array<i32>} : memref<7168xi32, #tpu.memory_space<vmem>>, vector<16xi32>, vector<16xi1>
        tpu.vector_store %arg7[%swap3A_245], %add3A_244 masked %lt3A_231 {strides = array<i32>} : memref<7168xi32, #tpu.memory_space<vmem>>, vector<16xi32>, vector<16xi1>
        %convert_element_type3A_247 = arith.extui %lt3A_231 : vector<16xi1> to vector<16xi32>
        %reduce_sum3A_248 = arith.constant true
        %reduce_sum3A_249 = vector.broadcast %reduce_sum3A_248 : i1 to vector<16xi1>
        %reduce_sum3A_250 = tpu.scan <sum>, %convert_element_type3A_247 masked %reduce_sum3A_249 : vector<16xi32>, vector<16xi1> -> vector<16xi32>
        %reduce_sum3A_251 = vector.extract %reduce_sum3A_250[15] : i32 from vector<16xi32>
        %add3A_252 = arith.addi %add3A_222, %reduce_sum3A_251 : i32
        %mul3A_253 = arith.constant 432 : i32
        %mul3A_254 = arith.muli %scan3A_167, %mul3A_253 : i32
        %add3A_255 = arith.constant 48 : i32
        %add3A_256 = arith.addi %mul3A_254, %add3A_255 : i32
        %get3A_257 = arith.index_cast %add3A_256 : i32 to index
        %get3A_258 = tpu.vector_load %arg5[%get3A_257] {strides = array<i32>} : memref<6912xi32, #tpu.memory_space<vmem>>, vector<16xi32>,
        %lt3A_259 = arith.constant 1073741824 : i32
        %lt3A_260 = vector.broadcast %lt3A_259 : i32 to vector<16xi32>
        %lt3A_261 = arith.cmpi slt, %get3A_258, %lt3A_260 : vector<16xi32>
        %shift_left3A_262 = arith.constant 16 : i32
        %shift_left3A_263 = arith.shli %scan3A_167, %shift_left3A_262 : i32
        %add3A_264 = arith.constant 48 : i32
        %add3A_265 = vector.broadcast %add3A_264 : i32 to vector<16xi32>
        %add3A_266 = arith.addi %add3A_265, %iota3A : vector<16xi32>
        %or3A_267 = vector.broadcast %shift_left3A_263 : i32 to vector<16xi32>
        %or3A_268 = arith.ori %or3A_267, %add3A_266 : vector<16xi32>
        %swap3A_269 = arith.index_cast %add3A_252 : i32 to index
        %swap3A_270 = tpu.vector_load %arg6[%swap3A_269] masked %lt3A_261 {strides = array<i32>} : memref<7168xi32, #tpu.memory_space<vmem>>, vector<16xi32>, vector<16xi1>
        tpu.vector_store %arg6[%swap3A_269], %or3A_268 masked %lt3A_261 {strides = array<i32>} : memref<7168xi32, #tpu.memory_space<vmem>>, vector<16xi32>, vector<16xi1>
        %mul3A_271 = arith.constant 12000 : i32
        %mul3A_272 = arith.muli %scan3A_34, %mul3A_271 : i32
        %add3A_273 = vector.broadcast %mul3A_272 : i32 to vector<16xi32>
        %add3A_274 = arith.addi %get3A_258, %add3A_273 : vector<16xi32>
        %swap3A_275 = arith.index_cast %add3A_252 : i32 to index
        %swap3A_276 = tpu.vector_load %arg7[%swap3A_275] masked %lt3A_261 {strides = array<i32>} : memref<7168xi32, #tpu.memory_space<vmem>>, vector<16xi32>, vector<16xi1>
        tpu.vector_store %arg7[%swap3A_275], %add3A_274 masked %lt3A_261 {strides = array<i32>} : memref<7168xi32, #tpu.memory_space<vmem>>, vector<16xi32>, vector<16xi1>
        %convert_element_type3A_277 = arith.extui %lt3A_261 : vector<16xi1> to vector<16xi32>
        %reduce_sum3A_278 = arith.constant true
        %reduce_sum3A_279 = vector.broadcast %reduce_sum3A_278 : i1 to vector<16xi1>
        %reduce_sum3A_280 = tpu.scan <sum>, %convert_element_type3A_277 masked %reduce_sum3A_279 : vector<16xi32>, vector<16xi1> -> vector<16xi32>
        %reduce_sum3A_281 = vector.extract %reduce_sum3A_280[15] : i32 from vector<16xi32>
        %add3A_282 = arith.addi %add3A_252, %reduce_sum3A_281 : i32
        %mul3A_283 = arith.constant 432 : i32
        %mul3A_284 = arith.muli %scan3A_167, %mul3A_283 : i32
        %add3A_285 = arith.constant 64 : i32
        %add3A_286 = arith.addi %mul3A_284, %add3A_285 : i32
        %get3A_287 = arith.index_cast %add3A_286 : i32 to index
        %get3A_288 = tpu.vector_load %arg5[%get3A_287] {strides = array<i32>} : memref<6912xi32, #tpu.memory_space<vmem>>, vector<16xi32>,
        %lt3A_289 = arith.constant 1073741824 : i32
        %lt3A_290 = vector.broadcast %lt3A_289 : i32 to vector<16xi32>
        %lt3A_291 = arith.cmpi slt, %get3A_288, %lt3A_290 : vector<16xi32>
        %shift_left3A_292 = arith.constant 16 : i32
        %shift_left3A_293 = arith.shli %scan3A_167, %shift_left3A_292 : i32
        %add3A_294 = arith.constant 64 : i32
        %add3A_295 = vector.broadcast %add3A_294 : i32 to vector<16xi32>
        %add3A_296 = arith.addi %add3A_295, %iota3A : vector<16xi32>
        %or3A_297 = vector.broadcast %shift_left3A_293 : i32 to vector<16xi32>
        %or3A_298 = arith.ori %or3A_297, %add3A_296 : vector<16xi32>
        %swap3A_299 = arith.index_cast %add3A_282 : i32 to index
        %swap3A_300 = tpu.vector_load %arg6[%swap3A_299] masked %lt3A_291 {strides = array<i32>} : memref<7168xi32, #tpu.memory_space<vmem>>, vector<16xi32>, vector<16xi1>
        tpu.vector_store %arg6[%swap3A_299], %or3A_298 masked %lt3A_291 {strides = array<i32>} : memref<7168xi32, #tpu.memory_space<vmem>>, vector<16xi32>, vector<16xi1>
        %mul3A_301 = arith.constant 12000 : i32
        %mul3A_302 = arith.muli %scan3A_34, %mul3A_301 : i32
        %add3A_303 = vector.broadcast %mul3A_302 : i32 to vector<16xi32>
        %add3A_304 = arith.addi %get3A_288, %add3A_303 : vector<16xi32>
        %swap3A_305 = arith.index_cast %add3A_282 : i32 to index
        %swap3A_306 = tpu.vector_load %arg7[%swap3A_305] masked %lt3A_291 {strides = array<i32>} : memref<7168xi32, #tpu.memory_space<vmem>>, vector<16xi32>, vector<16xi1>
        tpu.vector_store %arg7[%swap3A_305], %add3A_304 masked %lt3A_291 {strides = array<i32>} : memref<7168xi32, #tpu.memory_space<vmem>>, vector<16xi32>, vector<16xi1>
        %convert_element_type3A_307 = arith.extui %lt3A_291 : vector<16xi1> to vector<16xi32>
        %reduce_sum3A_308 = arith.constant true
        %reduce_sum3A_309 = vector.broadcast %reduce_sum3A_308 : i1 to vector<16xi1>
        %reduce_sum3A_310 = tpu.scan <sum>, %convert_element_type3A_307 masked %reduce_sum3A_309 : vector<16xi32>, vector<16xi1> -> vector<16xi32>
        %reduce_sum3A_311 = vector.extract %reduce_sum3A_310[15] : i32 from vector<16xi32>
        %add3A_312 = arith.addi %add3A_282, %reduce_sum3A_311 : i32
        %mul3A_313 = arith.constant 432 : i32
        %mul3A_314 = arith.muli %scan3A_167, %mul3A_313 : i32
        %add3A_315 = arith.constant 80 : i32
        %add3A_316 = arith.addi %mul3A_314, %add3A_315 : i32
        %get3A_317 = arith.index_cast %add3A_316 : i32 to index
        %get3A_318 = tpu.vector_load %arg5[%get3A_317] {strides = array<i32>} : memref<6912xi32, #tpu.memory_space<vmem>>, vector<16xi32>,
        %lt3A_319 = arith.constant 1073741824 : i32
        %lt3A_320 = vector.broadcast %lt3A_319 : i32 to vector<16xi32>
        %lt3A_321 = arith.cmpi slt, %get3A_318, %lt3A_320 : vector<16xi32>
        %shift_left3A_322 = arith.constant 16 : i32
        %shift_left3A_323 = arith.shli %scan3A_167, %shift_left3A_322 : i32
        %add3A_324 = arith.constant 80 : i32
        %add3A_325 = vector.broadcast %add3A_324 : i32 to vector<16xi32>
        %add3A_326 = arith.addi %add3A_325, %iota3A : vector<16xi32>
        %or3A_327 = vector.broadcast %shift_left3A_323 : i32 to vector<16xi32>
        %or3A_328 = arith.ori %or3A_327, %add3A_326 : vector<16xi32>
        %swap3A_329 = arith.index_cast %add3A_312 : i32 to index
        %swap3A_330 = tpu.vector_load %arg6[%swap3A_329] masked %lt3A_321 {strides = array<i32>} : memref<7168xi32, #tpu.memory_space<vmem>>, vector<16xi32>, vector<16xi1>
        tpu.vector_store %arg6[%swap3A_329], %or3A_328 masked %lt3A_321 {strides = array<i32>} : memref<7168xi32, #tpu.memory_space<vmem>>, vector<16xi32>, vector<16xi1>
        %mul3A_331 = arith.constant 12000 : i32
        %mul3A_332 = arith.muli %scan3A_34, %mul3A_331 : i32
        %add3A_333 = vector.broadcast %mul3A_332 : i32 to vector<16xi32>
        %add3A_334 = arith.addi %get3A_318, %add3A_333 : vector<16xi32>
        %swap3A_335 = arith.index_cast %add3A_312 : i32 to index
        %swap3A_336 = tpu.vector_load %arg7[%swap3A_335] masked %lt3A_321 {strides = array<i32>} : memref<7168xi32, #tpu.memory_space<vmem>>, vector<16xi32>, vector<16xi1>
        tpu.vector_store %arg7[%swap3A_335], %add3A_334 masked %lt3A_321 {strides = array<i32>} : memref<7168xi32, #tpu.memory_space<vmem>>, vector<16xi32>, vector<16xi1>
        %convert_element_type3A_337 = arith.extui %lt3A_321 : vector<16xi1> to vector<16xi32>
        %reduce_sum3A_338 = arith.constant true
        %reduce_sum3A_339 = vector.broadcast %reduce_sum3A_338 : i1 to vector<16xi1>
        %reduce_sum3A_340 = tpu.scan <sum>, %convert_element_type3A_337 masked %reduce_sum3A_339 : vector<16xi32>, vector<16xi1> -> vector<16xi32>
        %reduce_sum3A_341 = vector.extract %reduce_sum3A_340[15] : i32 from vector<16xi32>
        %add3A_342 = arith.addi %add3A_312, %reduce_sum3A_341 : i32
        %mul3A_343 = arith.constant 432 : i32
        %mul3A_344 = arith.muli %scan3A_167, %mul3A_343 : i32
        %add3A_345 = arith.constant 96 : i32
        %add3A_346 = arith.addi %mul3A_344, %add3A_345 : i32
        %get3A_347 = arith.index_cast %add3A_346 : i32 to index
        %get3A_348 = tpu.vector_load %arg5[%get3A_347] {strides = array<i32>} : memref<6912xi32, #tpu.memory_space<vmem>>, vector<16xi32>,
        %lt3A_349 = arith.constant 1073741824 : i32
        %lt3A_350 = vector.broadcast %lt3A_349 : i32 to vector<16xi32>
        %lt3A_351 = arith.cmpi slt, %get3A_348, %lt3A_350 : vector<16xi32>
        %shift_left3A_352 = arith.constant 16 : i32
        %shift_left3A_353 = arith.shli %scan3A_167, %shift_left3A_352 : i32
        %add3A_354 = arith.constant 96 : i32
        %add3A_355 = vector.broadcast %add3A_354 : i32 to vector<16xi32>
        %add3A_356 = arith.addi %add3A_355, %iota3A : vector<16xi32>
        %or3A_357 = vector.broadcast %shift_left3A_353 : i32 to vector<16xi32>
        %or3A_358 = arith.ori %or3A_357, %add3A_356 : vector<16xi32>
        %swap3A_359 = arith.index_cast %add3A_342 : i32 to index
        %swap3A_360 = tpu.vector_load %arg6[%swap3A_359] masked %lt3A_351 {strides = array<i32>} : memref<7168xi32, #tpu.memory_space<vmem>>, vector<16xi32>, vector<16xi1>
        tpu.vector_store %arg6[%swap3A_359], %or3A_358 masked %lt3A_351 {strides = array<i32>} : memref<7168xi32, #tpu.memory_space<vmem>>, vector<16xi32>, vector<16xi1>
        %mul3A_361 = arith.constant 12000 : i32
        %mul3A_362 = arith.muli %scan3A_34, %mul3A_361 : i32
        %add3A_363 = vector.broadcast %mul3A_362 : i32 to vector<16xi32>
        %add3A_364 = arith.addi %get3A_348, %add3A_363 : vector<16xi32>
        %swap3A_365 = arith.index_cast %add3A_342 : i32 to index
        %swap3A_366 = tpu.vector_load %arg7[%swap3A_365] masked %lt3A_351 {strides = array<i32>} : memref<7168xi32, #tpu.memory_space<vmem>>, vector<16xi32>, vector<16xi1>
        tpu.vector_store %arg7[%swap3A_365], %add3A_364 masked %lt3A_351 {strides = array<i32>} : memref<7168xi32, #tpu.memory_space<vmem>>, vector<16xi32>, vector<16xi1>
        %convert_element_type3A_367 = arith.extui %lt3A_351 : vector<16xi1> to vector<16xi32>
        %reduce_sum3A_368 = arith.constant true
        %reduce_sum3A_369 = vector.broadcast %reduce_sum3A_368 : i1 to vector<16xi1>
        %reduce_sum3A_370 = tpu.scan <sum>, %convert_element_type3A_367 masked %reduce_sum3A_369 : vector<16xi32>, vector<16xi1> -> vector<16xi32>
        %reduce_sum3A_371 = vector.extract %reduce_sum3A_370[15] : i32 from vector<16xi32>
        %add3A_372 = arith.addi %add3A_342, %reduce_sum3A_371 : i32
        %mul3A_373 = arith.constant 432 : i32
        %mul3A_374 = arith.muli %scan3A_167, %mul3A_373 : i32
        %add3A_375 = arith.constant 112 : i32
        %add3A_376 = arith.addi %mul3A_374, %add3A_375 : i32
        %get3A_377 = arith.index_cast %add3A_376 : i32 to index
        %get3A_378 = tpu.vector_load %arg5[%get3A_377] {strides = array<i32>} : memref<6912xi32, #tpu.memory_space<vmem>>, vector<16xi32>,
        %lt3A_379 = arith.constant 1073741824 : i32
        %lt3A_380 = vector.broadcast %lt3A_379 : i32 to vector<16xi32>
        %lt3A_381 = arith.cmpi slt, %get3A_378, %lt3A_380 : vector<16xi32>
        %shift_left3A_382 = arith.constant 16 : i32
        %shift_left3A_383 = arith.shli %scan3A_167, %shift_left3A_382 : i32
        %add3A_384 = arith.constant 112 : i32
        %add3A_385 = vector.broadcast %add3A_384 : i32 to vector<16xi32>
        %add3A_386 = arith.addi %add3A_385, %iota3A : vector<16xi32>
        %or3A_387 = vector.broadcast %shift_left3A_383 : i32 to vector<16xi32>
        %or3A_388 = arith.ori %or3A_387, %add3A_386 : vector<16xi32>
        %swap3A_389 = arith.index_cast %add3A_372 : i32 to index
        %swap3A_390 = tpu.vector_load %arg6[%swap3A_389] masked %lt3A_381 {strides = array<i32>} : memref<7168xi32, #tpu.memory_space<vmem>>, vector<16xi32>, vector<16xi1>
        tpu.vector_store %arg6[%swap3A_389], %or3A_388 masked %lt3A_381 {strides = array<i32>} : memref<7168xi32, #tpu.memory_space<vmem>>, vector<16xi32>, vector<16xi1>
        %mul3A_391 = arith.constant 12000 : i32
        %mul3A_392 = arith.muli %scan3A_34, %mul3A_391 : i32
        %add3A_393 = vector.broadcast %mul3A_392 : i32 to vector<16xi32>
        %add3A_394 = arith.addi %get3A_378, %add3A_393 : vector<16xi32>
        %swap3A_395 = arith.index_cast %add3A_372 : i32 to index
        %swap3A_396 = tpu.vector_load %arg7[%swap3A_395] masked %lt3A_381 {strides = array<i32>} : memref<7168xi32, #tpu.memory_space<vmem>>, vector<16xi32>, vector<16xi1>
        tpu.vector_store %arg7[%swap3A_395], %add3A_394 masked %lt3A_381 {strides = array<i32>} : memref<7168xi32, #tpu.memory_space<vmem>>, vector<16xi32>, vector<16xi1>
        %convert_element_type3A_397 = arith.extui %lt3A_381 : vector<16xi1> to vector<16xi32>
        %reduce_sum3A_398 = arith.constant true
        %reduce_sum3A_399 = vector.broadcast %reduce_sum3A_398 : i1 to vector<16xi1>
        %reduce_sum3A_400 = tpu.scan <sum>, %convert_element_type3A_397 masked %reduce_sum3A_399 : vector<16xi32>, vector<16xi1> -> vector<16xi32>
        %reduce_sum3A_401 = vector.extract %reduce_sum3A_400[15] : i32 from vector<16xi32>
        %add3A_402 = arith.addi %add3A_372, %reduce_sum3A_401 : i32
        %mul3A_403 = arith.constant 432 : i32
        %mul3A_404 = arith.muli %scan3A_167, %mul3A_403 : i32
        %add3A_405 = arith.constant 128 : i32
        %add3A_406 = arith.addi %mul3A_404, %add3A_405 : i32
        %get3A_407 = arith.index_cast %add3A_406 : i32 to index
        %get3A_408 = tpu.vector_load %arg5[%get3A_407] {strides = array<i32>} : memref<6912xi32, #tpu.memory_space<vmem>>, vector<16xi32>,
        %lt3A_409 = arith.constant 1073741824 : i32
        %lt3A_410 = vector.broadcast %lt3A_409 : i32 to vector<16xi32>
        %lt3A_411 = arith.cmpi slt, %get3A_408, %lt3A_410 : vector<16xi32>
        %shift_left3A_412 = arith.constant 16 : i32
        %shift_left3A_413 = arith.shli %scan3A_167, %shift_left3A_412 : i32
        %add3A_414 = arith.constant 128 : i32
        %add3A_415 = vector.broadcast %add3A_414 : i32 to vector<16xi32>
        %add3A_416 = arith.addi %add3A_415, %iota3A : vector<16xi32>
        %or3A_417 = vector.broadcast %shift_left3A_413 : i32 to vector<16xi32>
        %or3A_418 = arith.ori %or3A_417, %add3A_416 : vector<16xi32>
        %swap3A_419 = arith.index_cast %add3A_402 : i32 to index
        %swap3A_420 = tpu.vector_load %arg6[%swap3A_419] masked %lt3A_411 {strides = array<i32>} : memref<7168xi32, #tpu.memory_space<vmem>>, vector<16xi32>, vector<16xi1>
        tpu.vector_store %arg6[%swap3A_419], %or3A_418 masked %lt3A_411 {strides = array<i32>} : memref<7168xi32, #tpu.memory_space<vmem>>, vector<16xi32>, vector<16xi1>
        %mul3A_421 = arith.constant 12000 : i32
        %mul3A_422 = arith.muli %scan3A_34, %mul3A_421 : i32
        %add3A_423 = vector.broadcast %mul3A_422 : i32 to vector<16xi32>
        %add3A_424 = arith.addi %get3A_408, %add3A_423 : vector<16xi32>
        %swap3A_425 = arith.index_cast %add3A_402 : i32 to index
        %swap3A_426 = tpu.vector_load %arg7[%swap3A_425] masked %lt3A_411 {strides = array<i32>} : memref<7168xi32, #tpu.memory_space<vmem>>, vector<16xi32>, vector<16xi1>
        tpu.vector_store %arg7[%swap3A_425], %add3A_424 masked %lt3A_411 {strides = array<i32>} : memref<7168xi32, #tpu.memory_space<vmem>>, vector<16xi32>, vector<16xi1>
        %convert_element_type3A_427 = arith.extui %lt3A_411 : vector<16xi1> to vector<16xi32>
        %reduce_sum3A_428 = arith.constant true
        %reduce_sum3A_429 = vector.broadcast %reduce_sum3A_428 : i1 to vector<16xi1>
        %reduce_sum3A_430 = tpu.scan <sum>, %convert_element_type3A_427 masked %reduce_sum3A_429 : vector<16xi32>, vector<16xi1> -> vector<16xi32>
        %reduce_sum3A_431 = vector.extract %reduce_sum3A_430[15] : i32 from vector<16xi32>
        %add3A_432 = arith.addi %add3A_402, %reduce_sum3A_431 : i32
        %mul3A_433 = arith.constant 432 : i32
        %mul3A_434 = arith.muli %scan3A_167, %mul3A_433 : i32
        %add3A_435 = arith.constant 144 : i32
        %add3A_436 = arith.addi %mul3A_434, %add3A_435 : i32
        %get3A_437 = arith.index_cast %add3A_436 : i32 to index
        %get3A_438 = tpu.vector_load %arg5[%get3A_437] {strides = array<i32>} : memref<6912xi32, #tpu.memory_space<vmem>>, vector<16xi32>,
        %lt3A_439 = arith.constant 1073741824 : i32
        %lt3A_440 = vector.broadcast %lt3A_439 : i32 to vector<16xi32>
        %lt3A_441 = arith.cmpi slt, %get3A_438, %lt3A_440 : vector<16xi32>
        %shift_left3A_442 = arith.constant 16 : i32
        %shift_left3A_443 = arith.shli %scan3A_167, %shift_left3A_442 : i32
        %add3A_444 = arith.constant 144 : i32
        %add3A_445 = vector.broadcast %add3A_444 : i32 to vector<16xi32>
        %add3A_446 = arith.addi %add3A_445, %iota3A : vector<16xi32>
        %or3A_447 = vector.broadcast %shift_left3A_443 : i32 to vector<16xi32>
        %or3A_448 = arith.ori %or3A_447, %add3A_446 : vector<16xi32>
        %swap3A_449 = arith.index_cast %add3A_432 : i32 to index
        %swap3A_450 = tpu.vector_load %arg6[%swap3A_449] masked %lt3A_441 {strides = array<i32>} : memref<7168xi32, #tpu.memory_space<vmem>>, vector<16xi32>, vector<16xi1>
        tpu.vector_store %arg6[%swap3A_449], %or3A_448 masked %lt3A_441 {strides = array<i32>} : memref<7168xi32, #tpu.memory_space<vmem>>, vector<16xi32>, vector<16xi1>
        %mul3A_451 = arith.constant 12000 : i32
        %mul3A_452 = arith.muli %scan3A_34, %mul3A_451 : i32
        %add3A_453 = vector.broadcast %mul3A_452 : i32 to vector<16xi32>
        %add3A_454 = arith.addi %get3A_438, %add3A_453 : vector<16xi32>
        %swap3A_455 = arith.index_cast %add3A_432 : i32 to index
        %swap3A_456 = tpu.vector_load %arg7[%swap3A_455] masked %lt3A_441 {strides = array<i32>} : memref<7168xi32, #tpu.memory_space<vmem>>, vector<16xi32>, vector<16xi1>
        tpu.vector_store %arg7[%swap3A_455], %add3A_454 masked %lt3A_441 {strides = array<i32>} : memref<7168xi32, #tpu.memory_space<vmem>>, vector<16xi32>, vector<16xi1>
        %convert_element_type3A_457 = arith.extui %lt3A_441 : vector<16xi1> to vector<16xi32>
        %reduce_sum3A_458 = arith.constant true
        %reduce_sum3A_459 = vector.broadcast %reduce_sum3A_458 : i1 to vector<16xi1>
        %reduce_sum3A_460 = tpu.scan <sum>, %convert_element_type3A_457 masked %reduce_sum3A_459 : vector<16xi32>, vector<16xi1> -> vector<16xi32>
        %reduce_sum3A_461 = vector.extract %reduce_sum3A_460[15] : i32 from vector<16xi32>
        %add3A_462 = arith.addi %add3A_432, %reduce_sum3A_461 : i32
        %mul3A_463 = arith.constant 432 : i32
        %mul3A_464 = arith.muli %scan3A_167, %mul3A_463 : i32
        %add3A_465 = arith.constant 160 : i32
        %add3A_466 = arith.addi %mul3A_464, %add3A_465 : i32
        %get3A_467 = arith.index_cast %add3A_466 : i32 to index
        %get3A_468 = tpu.vector_load %arg5[%get3A_467] {strides = array<i32>} : memref<6912xi32, #tpu.memory_space<vmem>>, vector<16xi32>,
        %lt3A_469 = arith.constant 1073741824 : i32
        %lt3A_470 = vector.broadcast %lt3A_469 : i32 to vector<16xi32>
        %lt3A_471 = arith.cmpi slt, %get3A_468, %lt3A_470 : vector<16xi32>
        %shift_left3A_472 = arith.constant 16 : i32
        %shift_left3A_473 = arith.shli %scan3A_167, %shift_left3A_472 : i32
        %add3A_474 = arith.constant 160 : i32
        %add3A_475 = vector.broadcast %add3A_474 : i32 to vector<16xi32>
        %add3A_476 = arith.addi %add3A_475, %iota3A : vector<16xi32>
        %or3A_477 = vector.broadcast %shift_left3A_473 : i32 to vector<16xi32>
        %or3A_478 = arith.ori %or3A_477, %add3A_476 : vector<16xi32>
        %swap3A_479 = arith.index_cast %add3A_462 : i32 to index
        %swap3A_480 = tpu.vector_load %arg6[%swap3A_479] masked %lt3A_471 {strides = array<i32>} : memref<7168xi32, #tpu.memory_space<vmem>>, vector<16xi32>, vector<16xi1>
        tpu.vector_store %arg6[%swap3A_479], %or3A_478 masked %lt3A_471 {strides = array<i32>} : memref<7168xi32, #tpu.memory_space<vmem>>, vector<16xi32>, vector<16xi1>
        %mul3A_481 = arith.constant 12000 : i32
        %mul3A_482 = arith.muli %scan3A_34, %mul3A_481 : i32
        %add3A_483 = vector.broadcast %mul3A_482 : i32 to vector<16xi32>
        %add3A_484 = arith.addi %get3A_468, %add3A_483 : vector<16xi32>
        %swap3A_485 = arith.index_cast %add3A_462 : i32 to index
        %swap3A_486 = tpu.vector_load %arg7[%swap3A_485] masked %lt3A_471 {strides = array<i32>} : memref<7168xi32, #tpu.memory_space<vmem>>, vector<16xi32>, vector<16xi1>
        tpu.vector_store %arg7[%swap3A_485], %add3A_484 masked %lt3A_471 {strides = array<i32>} : memref<7168xi32, #tpu.memory_space<vmem>>, vector<16xi32>, vector<16xi1>
        %convert_element_type3A_487 = arith.extui %lt3A_471 : vector<16xi1> to vector<16xi32>
        %reduce_sum3A_488 = arith.constant true
        %reduce_sum3A_489 = vector.broadcast %reduce_sum3A_488 : i1 to vector<16xi1>
        %reduce_sum3A_490 = tpu.scan <sum>, %convert_element_type3A_487 masked %reduce_sum3A_489 : vector<16xi32>, vector<16xi1> -> vector<16xi32>
        %reduce_sum3A_491 = vector.extract %reduce_sum3A_490[15] : i32 from vector<16xi32>
        %add3A_492 = arith.addi %add3A_462, %reduce_sum3A_491 : i32
        %mul3A_493 = arith.constant 432 : i32
        %mul3A_494 = arith.muli %scan3A_167, %mul3A_493 : i32
        %add3A_495 = arith.constant 176 : i32
        %add3A_496 = arith.addi %mul3A_494, %add3A_495 : i32
        %get3A_497 = arith.index_cast %add3A_496 : i32 to index
        %get3A_498 = tpu.vector_load %arg5[%get3A_497] {strides = array<i32>} : memref<6912xi32, #tpu.memory_space<vmem>>, vector<16xi32>,
        %lt3A_499 = arith.constant 1073741824 : i32
        %lt3A_500 = vector.broadcast %lt3A_499 : i32 to vector<16xi32>
        %lt3A_501 = arith.cmpi slt, %get3A_498, %lt3A_500 : vector<16xi32>
        %shift_left3A_502 = arith.constant 16 : i32
        %shift_left3A_503 = arith.shli %scan3A_167, %shift_left3A_502 : i32
        %add3A_504 = arith.constant 176 : i32
        %add3A_505 = vector.broadcast %add3A_504 : i32 to vector<16xi32>
        %add3A_506 = arith.addi %add3A_505, %iota3A : vector<16xi32>
        %or3A_507 = vector.broadcast %shift_left3A_503 : i32 to vector<16xi32>
        %or3A_508 = arith.ori %or3A_507, %add3A_506 : vector<16xi32>
        %swap3A_509 = arith.index_cast %add3A_492 : i32 to index
        %swap3A_510 = tpu.vector_load %arg6[%swap3A_509] masked %lt3A_501 {strides = array<i32>} : memref<7168xi32, #tpu.memory_space<vmem>>, vector<16xi32>, vector<16xi1>
        tpu.vector_store %arg6[%swap3A_509], %or3A_508 masked %lt3A_501 {strides = array<i32>} : memref<7168xi32, #tpu.memory_space<vmem>>, vector<16xi32>, vector<16xi1>
        %mul3A_511 = arith.constant 12000 : i32
        %mul3A_512 = arith.muli %scan3A_34, %mul3A_511 : i32
        %add3A_513 = vector.broadcast %mul3A_512 : i32 to vector<16xi32>
        %add3A_514 = arith.addi %get3A_498, %add3A_513 : vector<16xi32>
        %swap3A_515 = arith.index_cast %add3A_492 : i32 to index
        %swap3A_516 = tpu.vector_load %arg7[%swap3A_515] masked %lt3A_501 {strides = array<i32>} : memref<7168xi32, #tpu.memory_space<vmem>>, vector<16xi32>, vector<16xi1>
        tpu.vector_store %arg7[%swap3A_515], %add3A_514 masked %lt3A_501 {strides = array<i32>} : memref<7168xi32, #tpu.memory_space<vmem>>, vector<16xi32>, vector<16xi1>
        %convert_element_type3A_517 = arith.extui %lt3A_501 : vector<16xi1> to vector<16xi32>
        %reduce_sum3A_518 = arith.constant true
        %reduce_sum3A_519 = vector.broadcast %reduce_sum3A_518 : i1 to vector<16xi1>
        %reduce_sum3A_520 = tpu.scan <sum>, %convert_element_type3A_517 masked %reduce_sum3A_519 : vector<16xi32>, vector<16xi1> -> vector<16xi32>
        %reduce_sum3A_521 = vector.extract %reduce_sum3A_520[15] : i32 from vector<16xi32>
        %add3A_522 = arith.addi %add3A_492, %reduce_sum3A_521 : i32
        %mul3A_523 = arith.constant 432 : i32
        %mul3A_524 = arith.muli %scan3A_167, %mul3A_523 : i32
        %add3A_525 = arith.constant 192 : i32
        %add3A_526 = arith.addi %mul3A_524, %add3A_525 : i32
        %get3A_527 = arith.index_cast %add3A_526 : i32 to index
        %get3A_528 = tpu.vector_load %arg5[%get3A_527] {strides = array<i32>} : memref<6912xi32, #tpu.memory_space<vmem>>, vector<16xi32>,
        %lt3A_529 = arith.constant 1073741824 : i32
        %lt3A_530 = vector.broadcast %lt3A_529 : i32 to vector<16xi32>
        %lt3A_531 = arith.cmpi slt, %get3A_528, %lt3A_530 : vector<16xi32>
        %shift_left3A_532 = arith.constant 16 : i32
        %shift_left3A_533 = arith.shli %scan3A_167, %shift_left3A_532 : i32
        %add3A_534 = arith.constant 192 : i32
        %add3A_535 = vector.broadcast %add3A_534 : i32 to vector<16xi32>
        %add3A_536 = arith.addi %add3A_535, %iota3A : vector<16xi32>
        %or3A_537 = vector.broadcast %shift_left3A_533 : i32 to vector<16xi32>
        %or3A_538 = arith.ori %or3A_537, %add3A_536 : vector<16xi32>
        %swap3A_539 = arith.index_cast %add3A_522 : i32 to index
        %swap3A_540 = tpu.vector_load %arg6[%swap3A_539] masked %lt3A_531 {strides = array<i32>} : memref<7168xi32, #tpu.memory_space<vmem>>, vector<16xi32>, vector<16xi1>
        tpu.vector_store %arg6[%swap3A_539], %or3A_538 masked %lt3A_531 {strides = array<i32>} : memref<7168xi32, #tpu.memory_space<vmem>>, vector<16xi32>, vector<16xi1>
        %mul3A_541 = arith.constant 12000 : i32
        %mul3A_542 = arith.muli %scan3A_34, %mul3A_541 : i32
        %add3A_543 = vector.broadcast %mul3A_542 : i32 to vector<16xi32>
        %add3A_544 = arith.addi %get3A_528, %add3A_543 : vector<16xi32>
        %swap3A_545 = arith.index_cast %add3A_522 : i32 to index
        %swap3A_546 = tpu.vector_load %arg7[%swap3A_545] masked %lt3A_531 {strides = array<i32>} : memref<7168xi32, #tpu.memory_space<vmem>>, vector<16xi32>, vector<16xi1>
        tpu.vector_store %arg7[%swap3A_545], %add3A_544 masked %lt3A_531 {strides = array<i32>} : memref<7168xi32, #tpu.memory_space<vmem>>, vector<16xi32>, vector<16xi1>
        %convert_element_type3A_547 = arith.extui %lt3A_531 : vector<16xi1> to vector<16xi32>
        %reduce_sum3A_548 = arith.constant true
        %reduce_sum3A_549 = vector.broadcast %reduce_sum3A_548 : i1 to vector<16xi1>
        %reduce_sum3A_550 = tpu.scan <sum>, %convert_element_type3A_547 masked %reduce_sum3A_549 : vector<16xi32>, vector<16xi1> -> vector<16xi32>
        %reduce_sum3A_551 = vector.extract %reduce_sum3A_550[15] : i32 from vector<16xi32>
        %add3A_552 = arith.addi %add3A_522, %reduce_sum3A_551 : i32
        %mul3A_553 = arith.constant 432 : i32
        %mul3A_554 = arith.muli %scan3A_167, %mul3A_553 : i32
        %add3A_555 = arith.constant 208 : i32
        %add3A_556 = arith.addi %mul3A_554, %add3A_555 : i32
        %get3A_557 = arith.index_cast %add3A_556 : i32 to index
        %get3A_558 = tpu.vector_load %arg5[%get3A_557] {strides = array<i32>} : memref<6912xi32, #tpu.memory_space<vmem>>, vector<16xi32>,
        %lt3A_559 = arith.constant 1073741824 : i32
        %lt3A_560 = vector.broadcast %lt3A_559 : i32 to vector<16xi32>
        %lt3A_561 = arith.cmpi slt, %get3A_558, %lt3A_560 : vector<16xi32>
        %shift_left3A_562 = arith.constant 16 : i32
        %shift_left3A_563 = arith.shli %scan3A_167, %shift_left3A_562 : i32
        %add3A_564 = arith.constant 208 : i32
        %add3A_565 = vector.broadcast %add3A_564 : i32 to vector<16xi32>
        %add3A_566 = arith.addi %add3A_565, %iota3A : vector<16xi32>
        %or3A_567 = vector.broadcast %shift_left3A_563 : i32 to vector<16xi32>
        %or3A_568 = arith.ori %or3A_567, %add3A_566 : vector<16xi32>
        %swap3A_569 = arith.index_cast %add3A_552 : i32 to index
        %swap3A_570 = tpu.vector_load %arg6[%swap3A_569] masked %lt3A_561 {strides = array<i32>} : memref<7168xi32, #tpu.memory_space<vmem>>, vector<16xi32>, vector<16xi1>
        tpu.vector_store %arg6[%swap3A_569], %or3A_568 masked %lt3A_561 {strides = array<i32>} : memref<7168xi32, #tpu.memory_space<vmem>>, vector<16xi32>, vector<16xi1>
        %mul3A_571 = arith.constant 12000 : i32
        %mul3A_572 = arith.muli %scan3A_34, %mul3A_571 : i32
        %add3A_573 = vector.broadcast %mul3A_572 : i32 to vector<16xi32>
        %add3A_574 = arith.addi %get3A_558, %add3A_573 : vector<16xi32>
        %swap3A_575 = arith.index_cast %add3A_552 : i32 to index
        %swap3A_576 = tpu.vector_load %arg7[%swap3A_575] masked %lt3A_561 {strides = array<i32>} : memref<7168xi32, #tpu.memory_space<vmem>>, vector<16xi32>, vector<16xi1>
        tpu.vector_store %arg7[%swap3A_575], %add3A_574 masked %lt3A_561 {strides = array<i32>} : memref<7168xi32, #tpu.memory_space<vmem>>, vector<16xi32>, vector<16xi1>
        %convert_element_type3A_577 = arith.extui %lt3A_561 : vector<16xi1> to vector<16xi32>
        %reduce_sum3A_578 = arith.constant true
        %reduce_sum3A_579 = vector.broadcast %reduce_sum3A_578 : i1 to vector<16xi1>
        %reduce_sum3A_580 = tpu.scan <sum>, %convert_element_type3A_577 masked %reduce_sum3A_579 : vector<16xi32>, vector<16xi1> -> vector<16xi32>
        %reduce_sum3A_581 = vector.extract %reduce_sum3A_580[15] : i32 from vector<16xi32>
        %add3A_582 = arith.addi %add3A_552, %reduce_sum3A_581 : i32
        %mul3A_583 = arith.constant 432 : i32
        %mul3A_584 = arith.muli %scan3A_167, %mul3A_583 : i32
        %add3A_585 = arith.constant 224 : i32
        %add3A_586 = arith.addi %mul3A_584, %add3A_585 : i32
        %get3A_587 = arith.index_cast %add3A_586 : i32 to index
        %get3A_588 = tpu.vector_load %arg5[%get3A_587] {strides = array<i32>} : memref<6912xi32, #tpu.memory_space<vmem>>, vector<16xi32>,
        %lt3A_589 = arith.constant 1073741824 : i32
        %lt3A_590 = vector.broadcast %lt3A_589 : i32 to vector<16xi32>
        %lt3A_591 = arith.cmpi slt, %get3A_588, %lt3A_590 : vector<16xi32>
        %shift_left3A_592 = arith.constant 16 : i32
        %shift_left3A_593 = arith.shli %scan3A_167, %shift_left3A_592 : i32
        %add3A_594 = arith.constant 224 : i32
        %add3A_595 = vector.broadcast %add3A_594 : i32 to vector<16xi32>
        %add3A_596 = arith.addi %add3A_595, %iota3A : vector<16xi32>
        %or3A_597 = vector.broadcast %shift_left3A_593 : i32 to vector<16xi32>
        %or3A_598 = arith.ori %or3A_597, %add3A_596 : vector<16xi32>
        %swap3A_599 = arith.index_cast %add3A_582 : i32 to index
        %swap3A_600 = tpu.vector_load %arg6[%swap3A_599] masked %lt3A_591 {strides = array<i32>} : memref<7168xi32, #tpu.memory_space<vmem>>, vector<16xi32>, vector<16xi1>
        tpu.vector_store %arg6[%swap3A_599], %or3A_598 masked %lt3A_591 {strides = array<i32>} : memref<7168xi32, #tpu.memory_space<vmem>>, vector<16xi32>, vector<16xi1>
        %mul3A_601 = arith.constant 12000 : i32
        %mul3A_602 = arith.muli %scan3A_34, %mul3A_601 : i32
        %add3A_603 = vector.broadcast %mul3A_602 : i32 to vector<16xi32>
        %add3A_604 = arith.addi %get3A_588, %add3A_603 : vector<16xi32>
        %swap3A_605 = arith.index_cast %add3A_582 : i32 to index
        %swap3A_606 = tpu.vector_load %arg7[%swap3A_605] masked %lt3A_591 {strides = array<i32>} : memref<7168xi32, #tpu.memory_space<vmem>>, vector<16xi32>, vector<16xi1>
        tpu.vector_store %arg7[%swap3A_605], %add3A_604 masked %lt3A_591 {strides = array<i32>} : memref<7168xi32, #tpu.memory_space<vmem>>, vector<16xi32>, vector<16xi1>
        %convert_element_type3A_607 = arith.extui %lt3A_591 : vector<16xi1> to vector<16xi32>
        %reduce_sum3A_608 = arith.constant true
        %reduce_sum3A_609 = vector.broadcast %reduce_sum3A_608 : i1 to vector<16xi1>
        %reduce_sum3A_610 = tpu.scan <sum>, %convert_element_type3A_607 masked %reduce_sum3A_609 : vector<16xi32>, vector<16xi1> -> vector<16xi32>
        %reduce_sum3A_611 = vector.extract %reduce_sum3A_610[15] : i32 from vector<16xi32>
        %add3A_612 = arith.addi %add3A_582, %reduce_sum3A_611 : i32
        %mul3A_613 = arith.constant 432 : i32
        %mul3A_614 = arith.muli %scan3A_167, %mul3A_613 : i32
        %add3A_615 = arith.constant 240 : i32
        %add3A_616 = arith.addi %mul3A_614, %add3A_615 : i32
        %get3A_617 = arith.index_cast %add3A_616 : i32 to index
        %get3A_618 = tpu.vector_load %arg5[%get3A_617] {strides = array<i32>} : memref<6912xi32, #tpu.memory_space<vmem>>, vector<16xi32>,
        %lt3A_619 = arith.constant 1073741824 : i32
        %lt3A_620 = vector.broadcast %lt3A_619 : i32 to vector<16xi32>
        %lt3A_621 = arith.cmpi slt, %get3A_618, %lt3A_620 : vector<16xi32>
        %shift_left3A_622 = arith.constant 16 : i32
        %shift_left3A_623 = arith.shli %scan3A_167, %shift_left3A_622 : i32
        %add3A_624 = arith.constant 240 : i32
        %add3A_625 = vector.broadcast %add3A_624 : i32 to vector<16xi32>
        %add3A_626 = arith.addi %add3A_625, %iota3A : vector<16xi32>
        %or3A_627 = vector.broadcast %shift_left3A_623 : i32 to vector<16xi32>
        %or3A_628 = arith.ori %or3A_627, %add3A_626 : vector<16xi32>
        %swap3A_629 = arith.index_cast %add3A_612 : i32 to index
        %swap3A_630 = tpu.vector_load %arg6[%swap3A_629] masked %lt3A_621 {strides = array<i32>} : memref<7168xi32, #tpu.memory_space<vmem>>, vector<16xi32>, vector<16xi1>
        tpu.vector_store %arg6[%swap3A_629], %or3A_628 masked %lt3A_621 {strides = array<i32>} : memref<7168xi32, #tpu.memory_space<vmem>>, vector<16xi32>, vector<16xi1>
        %mul3A_631 = arith.constant 12000 : i32
        %mul3A_632 = arith.muli %scan3A_34, %mul3A_631 : i32
        %add3A_633 = vector.broadcast %mul3A_632 : i32 to vector<16xi32>
        %add3A_634 = arith.addi %get3A_618, %add3A_633 : vector<16xi32>
        %swap3A_635 = arith.index_cast %add3A_612 : i32 to index
        %swap3A_636 = tpu.vector_load %arg7[%swap3A_635] masked %lt3A_621 {strides = array<i32>} : memref<7168xi32, #tpu.memory_space<vmem>>, vector<16xi32>, vector<16xi1>
        tpu.vector_store %arg7[%swap3A_635], %add3A_634 masked %lt3A_621 {strides = array<i32>} : memref<7168xi32, #tpu.memory_space<vmem>>, vector<16xi32>, vector<16xi1>
        %convert_element_type3A_637 = arith.extui %lt3A_621 : vector<16xi1> to vector<16xi32>
        %reduce_sum3A_638 = arith.constant true
        %reduce_sum3A_639 = vector.broadcast %reduce_sum3A_638 : i1 to vector<16xi1>
        %reduce_sum3A_640 = tpu.scan <sum>, %convert_element_type3A_637 masked %reduce_sum3A_639 : vector<16xi32>, vector<16xi1> -> vector<16xi32>
        %reduce_sum3A_641 = vector.extract %reduce_sum3A_640[15] : i32 from vector<16xi32>
        %add3A_642 = arith.addi %add3A_612, %reduce_sum3A_641 : i32
        %mul3A_643 = arith.constant 432 : i32
        %mul3A_644 = arith.muli %scan3A_167, %mul3A_643 : i32
        %add3A_645 = arith.constant 256 : i32
        %add3A_646 = arith.addi %mul3A_644, %add3A_645 : i32
        %get3A_647 = arith.index_cast %add3A_646 : i32 to index
        %get3A_648 = tpu.vector_load %arg5[%get3A_647] {strides = array<i32>} : memref<6912xi32, #tpu.memory_space<vmem>>, vector<16xi32>,
        %lt3A_649 = arith.constant 1073741824 : i32
        %lt3A_650 = vector.broadcast %lt3A_649 : i32 to vector<16xi32>
        %lt3A_651 = arith.cmpi slt, %get3A_648, %lt3A_650 : vector<16xi32>
        %shift_left3A_652 = arith.constant 16 : i32
        %shift_left3A_653 = arith.shli %scan3A_167, %shift_left3A_652 : i32
        %add3A_654 = arith.constant 256 : i32
        %add3A_655 = vector.broadcast %add3A_654 : i32 to vector<16xi32>
        %add3A_656 = arith.addi %add3A_655, %iota3A : vector<16xi32>
        %or3A_657 = vector.broadcast %shift_left3A_653 : i32 to vector<16xi32>
        %or3A_658 = arith.ori %or3A_657, %add3A_656 : vector<16xi32>
        %swap3A_659 = arith.index_cast %add3A_642 : i32 to index
        %swap3A_660 = tpu.vector_load %arg6[%swap3A_659] masked %lt3A_651 {strides = array<i32>} : memref<7168xi32, #tpu.memory_space<vmem>>, vector<16xi32>, vector<16xi1>
        tpu.vector_store %arg6[%swap3A_659], %or3A_658 masked %lt3A_651 {strides = array<i32>} : memref<7168xi32, #tpu.memory_space<vmem>>, vector<16xi32>, vector<16xi1>
        %mul3A_661 = arith.constant 12000 : i32
        %mul3A_662 = arith.muli %scan3A_34, %mul3A_661 : i32
        %add3A_663 = vector.broadcast %mul3A_662 : i32 to vector<16xi32>
        %add3A_664 = arith.addi %get3A_648, %add3A_663 : vector<16xi32>
        %swap3A_665 = arith.index_cast %add3A_642 : i32 to index
        %swap3A_666 = tpu.vector_load %arg7[%swap3A_665] masked %lt3A_651 {strides = array<i32>} : memref<7168xi32, #tpu.memory_space<vmem>>, vector<16xi32>, vector<16xi1>
        tpu.vector_store %arg7[%swap3A_665], %add3A_664 masked %lt3A_651 {strides = array<i32>} : memref<7168xi32, #tpu.memory_space<vmem>>, vector<16xi32>, vector<16xi1>
        %convert_element_type3A_667 = arith.extui %lt3A_651 : vector<16xi1> to vector<16xi32>
        %reduce_sum3A_668 = arith.constant true
        %reduce_sum3A_669 = vector.broadcast %reduce_sum3A_668 : i1 to vector<16xi1>
        %reduce_sum3A_670 = tpu.scan <sum>, %convert_element_type3A_667 masked %reduce_sum3A_669 : vector<16xi32>, vector<16xi1> -> vector<16xi32>
        %reduce_sum3A_671 = vector.extract %reduce_sum3A_670[15] : i32 from vector<16xi32>
        %add3A_672 = arith.addi %add3A_642, %reduce_sum3A_671 : i32
        %mul3A_673 = arith.constant 432 : i32
        %mul3A_674 = arith.muli %scan3A_167, %mul3A_673 : i32
        %add3A_675 = arith.constant 272 : i32
        %add3A_676 = arith.addi %mul3A_674, %add3A_675 : i32
        %get3A_677 = arith.index_cast %add3A_676 : i32 to index
        %get3A_678 = tpu.vector_load %arg5[%get3A_677] {strides = array<i32>} : memref<6912xi32, #tpu.memory_space<vmem>>, vector<16xi32>,
        %lt3A_679 = arith.constant 1073741824 : i32
        %lt3A_680 = vector.broadcast %lt3A_679 : i32 to vector<16xi32>
        %lt3A_681 = arith.cmpi slt, %get3A_678, %lt3A_680 : vector<16xi32>
        %shift_left3A_682 = arith.constant 16 : i32
        %shift_left3A_683 = arith.shli %scan3A_167, %shift_left3A_682 : i32
        %add3A_684 = arith.constant 272 : i32
        %add3A_685 = vector.broadcast %add3A_684 : i32 to vector<16xi32>
        %add3A_686 = arith.addi %add3A_685, %iota3A : vector<16xi32>
        %or3A_687 = vector.broadcast %shift_left3A_683 : i32 to vector<16xi32>
        %or3A_688 = arith.ori %or3A_687, %add3A_686 : vector<16xi32>
        %swap3A_689 = arith.index_cast %add3A_672 : i32 to index
        %swap3A_690 = tpu.vector_load %arg6[%swap3A_689] masked %lt3A_681 {strides = array<i32>} : memref<7168xi32, #tpu.memory_space<vmem>>, vector<16xi32>, vector<16xi1>
        tpu.vector_store %arg6[%swap3A_689], %or3A_688 masked %lt3A_681 {strides = array<i32>} : memref<7168xi32, #tpu.memory_space<vmem>>, vector<16xi32>, vector<16xi1>
        %mul3A_691 = arith.constant 12000 : i32
        %mul3A_692 = arith.muli %scan3A_34, %mul3A_691 : i32
        %add3A_693 = vector.broadcast %mul3A_692 : i32 to vector<16xi32>
        %add3A_694 = arith.addi %get3A_678, %add3A_693 : vector<16xi32>
        %swap3A_695 = arith.index_cast %add3A_672 : i32 to index
        %swap3A_696 = tpu.vector_load %arg7[%swap3A_695] masked %lt3A_681 {strides = array<i32>} : memref<7168xi32, #tpu.memory_space<vmem>>, vector<16xi32>, vector<16xi1>
        tpu.vector_store %arg7[%swap3A_695], %add3A_694 masked %lt3A_681 {strides = array<i32>} : memref<7168xi32, #tpu.memory_space<vmem>>, vector<16xi32>, vector<16xi1>
        %convert_element_type3A_697 = arith.extui %lt3A_681 : vector<16xi1> to vector<16xi32>
        %reduce_sum3A_698 = arith.constant true
        %reduce_sum3A_699 = vector.broadcast %reduce_sum3A_698 : i1 to vector<16xi1>
        %reduce_sum3A_700 = tpu.scan <sum>, %convert_element_type3A_697 masked %reduce_sum3A_699 : vector<16xi32>, vector<16xi1> -> vector<16xi32>
        %reduce_sum3A_701 = vector.extract %reduce_sum3A_700[15] : i32 from vector<16xi32>
        %add3A_702 = arith.addi %add3A_672, %reduce_sum3A_701 : i32
        %mul3A_703 = arith.constant 432 : i32
        %mul3A_704 = arith.muli %scan3A_167, %mul3A_703 : i32
        %add3A_705 = arith.constant 288 : i32
        %add3A_706 = arith.addi %mul3A_704, %add3A_705 : i32
        %get3A_707 = arith.index_cast %add3A_706 : i32 to index
        %get3A_708 = tpu.vector_load %arg5[%get3A_707] {strides = array<i32>} : memref<6912xi32, #tpu.memory_space<vmem>>, vector<16xi32>,
        %lt3A_709 = arith.constant 1073741824 : i32
        %lt3A_710 = vector.broadcast %lt3A_709 : i32 to vector<16xi32>
        %lt3A_711 = arith.cmpi slt, %get3A_708, %lt3A_710 : vector<16xi32>
        %shift_left3A_712 = arith.constant 16 : i32
        %shift_left3A_713 = arith.shli %scan3A_167, %shift_left3A_712 : i32
        %add3A_714 = arith.constant 288 : i32
        %add3A_715 = vector.broadcast %add3A_714 : i32 to vector<16xi32>
        %add3A_716 = arith.addi %add3A_715, %iota3A : vector<16xi32>
        %or3A_717 = vector.broadcast %shift_left3A_713 : i32 to vector<16xi32>
        %or3A_718 = arith.ori %or3A_717, %add3A_716 : vector<16xi32>
        %swap3A_719 = arith.index_cast %add3A_702 : i32 to index
        %swap3A_720 = tpu.vector_load %arg6[%swap3A_719] masked %lt3A_711 {strides = array<i32>} : memref<7168xi32, #tpu.memory_space<vmem>>, vector<16xi32>, vector<16xi1>
        tpu.vector_store %arg6[%swap3A_719], %or3A_718 masked %lt3A_711 {strides = array<i32>} : memref<7168xi32, #tpu.memory_space<vmem>>, vector<16xi32>, vector<16xi1>
        %mul3A_721 = arith.constant 12000 : i32
        %mul3A_722 = arith.muli %scan3A_34, %mul3A_721 : i32
        %add3A_723 = vector.broadcast %mul3A_722 : i32 to vector<16xi32>
        %add3A_724 = arith.addi %get3A_708, %add3A_723 : vector<16xi32>
        %swap3A_725 = arith.index_cast %add3A_702 : i32 to index
        %swap3A_726 = tpu.vector_load %arg7[%swap3A_725] masked %lt3A_711 {strides = array<i32>} : memref<7168xi32, #tpu.memory_space<vmem>>, vector<16xi32>, vector<16xi1>
        tpu.vector_store %arg7[%swap3A_725], %add3A_724 masked %lt3A_711 {strides = array<i32>} : memref<7168xi32, #tpu.memory_space<vmem>>, vector<16xi32>, vector<16xi1>
        %convert_element_type3A_727 = arith.extui %lt3A_711 : vector<16xi1> to vector<16xi32>
        %reduce_sum3A_728 = arith.constant true
        %reduce_sum3A_729 = vector.broadcast %reduce_sum3A_728 : i1 to vector<16xi1>
        %reduce_sum3A_730 = tpu.scan <sum>, %convert_element_type3A_727 masked %reduce_sum3A_729 : vector<16xi32>, vector<16xi1> -> vector<16xi32>
        %reduce_sum3A_731 = vector.extract %reduce_sum3A_730[15] : i32 from vector<16xi32>
        %add3A_732 = arith.addi %add3A_702, %reduce_sum3A_731 : i32
        %mul3A_733 = arith.constant 432 : i32
        %mul3A_734 = arith.muli %scan3A_167, %mul3A_733 : i32
        %add3A_735 = arith.constant 304 : i32
        %add3A_736 = arith.addi %mul3A_734, %add3A_735 : i32
        %get3A_737 = arith.index_cast %add3A_736 : i32 to index
        %get3A_738 = tpu.vector_load %arg5[%get3A_737] {strides = array<i32>} : memref<6912xi32, #tpu.memory_space<vmem>>, vector<16xi32>,
        %lt3A_739 = arith.constant 1073741824 : i32
        %lt3A_740 = vector.broadcast %lt3A_739 : i32 to vector<16xi32>
        %lt3A_741 = arith.cmpi slt, %get3A_738, %lt3A_740 : vector<16xi32>
        %shift_left3A_742 = arith.constant 16 : i32
        %shift_left3A_743 = arith.shli %scan3A_167, %shift_left3A_742 : i32
        %add3A_744 = arith.constant 304 : i32
        %add3A_745 = vector.broadcast %add3A_744 : i32 to vector<16xi32>
        %add3A_746 = arith.addi %add3A_745, %iota3A : vector<16xi32>
        %or3A_747 = vector.broadcast %shift_left3A_743 : i32 to vector<16xi32>
        %or3A_748 = arith.ori %or3A_747, %add3A_746 : vector<16xi32>
        %swap3A_749 = arith.index_cast %add3A_732 : i32 to index
        %swap3A_750 = tpu.vector_load %arg6[%swap3A_749] masked %lt3A_741 {strides = array<i32>} : memref<7168xi32, #tpu.memory_space<vmem>>, vector<16xi32>, vector<16xi1>
        tpu.vector_store %arg6[%swap3A_749], %or3A_748 masked %lt3A_741 {strides = array<i32>} : memref<7168xi32, #tpu.memory_space<vmem>>, vector<16xi32>, vector<16xi1>
        %mul3A_751 = arith.constant 12000 : i32
        %mul3A_752 = arith.muli %scan3A_34, %mul3A_751 : i32
        %add3A_753 = vector.broadcast %mul3A_752 : i32 to vector<16xi32>
        %add3A_754 = arith.addi %get3A_738, %add3A_753 : vector<16xi32>
        %swap3A_755 = arith.index_cast %add3A_732 : i32 to index
        %swap3A_756 = tpu.vector_load %arg7[%swap3A_755] masked %lt3A_741 {strides = array<i32>} : memref<7168xi32, #tpu.memory_space<vmem>>, vector<16xi32>, vector<16xi1>
        tpu.vector_store %arg7[%swap3A_755], %add3A_754 masked %lt3A_741 {strides = array<i32>} : memref<7168xi32, #tpu.memory_space<vmem>>, vector<16xi32>, vector<16xi1>
        %convert_element_type3A_757 = arith.extui %lt3A_741 : vector<16xi1> to vector<16xi32>
        %reduce_sum3A_758 = arith.constant true
        %reduce_sum3A_759 = vector.broadcast %reduce_sum3A_758 : i1 to vector<16xi1>
        %reduce_sum3A_760 = tpu.scan <sum>, %convert_element_type3A_757 masked %reduce_sum3A_759 : vector<16xi32>, vector<16xi1> -> vector<16xi32>
        %reduce_sum3A_761 = vector.extract %reduce_sum3A_760[15] : i32 from vector<16xi32>
        %add3A_762 = arith.addi %add3A_732, %reduce_sum3A_761 : i32
        %mul3A_763 = arith.constant 432 : i32
        %mul3A_764 = arith.muli %scan3A_167, %mul3A_763 : i32
        %add3A_765 = arith.constant 320 : i32
        %add3A_766 = arith.addi %mul3A_764, %add3A_765 : i32
        %get3A_767 = arith.index_cast %add3A_766 : i32 to index
        %get3A_768 = tpu.vector_load %arg5[%get3A_767] {strides = array<i32>} : memref<6912xi32, #tpu.memory_space<vmem>>, vector<16xi32>,
        %lt3A_769 = arith.constant 1073741824 : i32
        %lt3A_770 = vector.broadcast %lt3A_769 : i32 to vector<16xi32>
        %lt3A_771 = arith.cmpi slt, %get3A_768, %lt3A_770 : vector<16xi32>
        %shift_left3A_772 = arith.constant 16 : i32
        %shift_left3A_773 = arith.shli %scan3A_167, %shift_left3A_772 : i32
        %add3A_774 = arith.constant 320 : i32
        %add3A_775 = vector.broadcast %add3A_774 : i32 to vector<16xi32>
        %add3A_776 = arith.addi %add3A_775, %iota3A : vector<16xi32>
        %or3A_777 = vector.broadcast %shift_left3A_773 : i32 to vector<16xi32>
        %or3A_778 = arith.ori %or3A_777, %add3A_776 : vector<16xi32>
        %swap3A_779 = arith.index_cast %add3A_762 : i32 to index
        %swap3A_780 = tpu.vector_load %arg6[%swap3A_779] masked %lt3A_771 {strides = array<i32>} : memref<7168xi32, #tpu.memory_space<vmem>>, vector<16xi32>, vector<16xi1>
        tpu.vector_store %arg6[%swap3A_779], %or3A_778 masked %lt3A_771 {strides = array<i32>} : memref<7168xi32, #tpu.memory_space<vmem>>, vector<16xi32>, vector<16xi1>
        %mul3A_781 = arith.constant 12000 : i32
        %mul3A_782 = arith.muli %scan3A_34, %mul3A_781 : i32
        %add3A_783 = vector.broadcast %mul3A_782 : i32 to vector<16xi32>
        %add3A_784 = arith.addi %get3A_768, %add3A_783 : vector<16xi32>
        %swap3A_785 = arith.index_cast %add3A_762 : i32 to index
        %swap3A_786 = tpu.vector_load %arg7[%swap3A_785] masked %lt3A_771 {strides = array<i32>} : memref<7168xi32, #tpu.memory_space<vmem>>, vector<16xi32>, vector<16xi1>
        tpu.vector_store %arg7[%swap3A_785], %add3A_784 masked %lt3A_771 {strides = array<i32>} : memref<7168xi32, #tpu.memory_space<vmem>>, vector<16xi32>, vector<16xi1>
        %convert_element_type3A_787 = arith.extui %lt3A_771 : vector<16xi1> to vector<16xi32>
        %reduce_sum3A_788 = arith.constant true
        %reduce_sum3A_789 = vector.broadcast %reduce_sum3A_788 : i1 to vector<16xi1>
        %reduce_sum3A_790 = tpu.scan <sum>, %convert_element_type3A_787 masked %reduce_sum3A_789 : vector<16xi32>, vector<16xi1> -> vector<16xi32>
        %reduce_sum3A_791 = vector.extract %reduce_sum3A_790[15] : i32 from vector<16xi32>
        %add3A_792 = arith.addi %add3A_762, %reduce_sum3A_791 : i32
        %mul3A_793 = arith.constant 432 : i32
        %mul3A_794 = arith.muli %scan3A_167, %mul3A_793 : i32
        %add3A_795 = arith.constant 336 : i32
        %add3A_796 = arith.addi %mul3A_794, %add3A_795 : i32
        %get3A_797 = arith.index_cast %add3A_796 : i32 to index
        %get3A_798 = tpu.vector_load %arg5[%get3A_797] {strides = array<i32>} : memref<6912xi32, #tpu.memory_space<vmem>>, vector<16xi32>,
        %lt3A_799 = arith.constant 1073741824 : i32
        %lt3A_800 = vector.broadcast %lt3A_799 : i32 to vector<16xi32>
        %lt3A_801 = arith.cmpi slt, %get3A_798, %lt3A_800 : vector<16xi32>
        %shift_left3A_802 = arith.constant 16 : i32
        %shift_left3A_803 = arith.shli %scan3A_167, %shift_left3A_802 : i32
        %add3A_804 = arith.constant 336 : i32
        %add3A_805 = vector.broadcast %add3A_804 : i32 to vector<16xi32>
        %add3A_806 = arith.addi %add3A_805, %iota3A : vector<16xi32>
        %or3A_807 = vector.broadcast %shift_left3A_803 : i32 to vector<16xi32>
        %or3A_808 = arith.ori %or3A_807, %add3A_806 : vector<16xi32>
        %swap3A_809 = arith.index_cast %add3A_792 : i32 to index
        %swap3A_810 = tpu.vector_load %arg6[%swap3A_809] masked %lt3A_801 {strides = array<i32>} : memref<7168xi32, #tpu.memory_space<vmem>>, vector<16xi32>, vector<16xi1>
        tpu.vector_store %arg6[%swap3A_809], %or3A_808 masked %lt3A_801 {strides = array<i32>} : memref<7168xi32, #tpu.memory_space<vmem>>, vector<16xi32>, vector<16xi1>
        %mul3A_811 = arith.constant 12000 : i32
        %mul3A_812 = arith.muli %scan3A_34, %mul3A_811 : i32
        %add3A_813 = vector.broadcast %mul3A_812 : i32 to vector<16xi32>
        %add3A_814 = arith.addi %get3A_798, %add3A_813 : vector<16xi32>
        %swap3A_815 = arith.index_cast %add3A_792 : i32 to index
        %swap3A_816 = tpu.vector_load %arg7[%swap3A_815] masked %lt3A_801 {strides = array<i32>} : memref<7168xi32, #tpu.memory_space<vmem>>, vector<16xi32>, vector<16xi1>
        tpu.vector_store %arg7[%swap3A_815], %add3A_814 masked %lt3A_801 {strides = array<i32>} : memref<7168xi32, #tpu.memory_space<vmem>>, vector<16xi32>, vector<16xi1>
        %convert_element_type3A_817 = arith.extui %lt3A_801 : vector<16xi1> to vector<16xi32>
        %reduce_sum3A_818 = arith.constant true
        %reduce_sum3A_819 = vector.broadcast %reduce_sum3A_818 : i1 to vector<16xi1>
        %reduce_sum3A_820 = tpu.scan <sum>, %convert_element_type3A_817 masked %reduce_sum3A_819 : vector<16xi32>, vector<16xi1> -> vector<16xi32>
        %reduce_sum3A_821 = vector.extract %reduce_sum3A_820[15] : i32 from vector<16xi32>
        %add3A_822 = arith.addi %add3A_792, %reduce_sum3A_821 : i32
        %mul3A_823 = arith.constant 432 : i32
        %mul3A_824 = arith.muli %scan3A_167, %mul3A_823 : i32
        %add3A_825 = arith.constant 352 : i32
        %add3A_826 = arith.addi %mul3A_824, %add3A_825 : i32
        %get3A_827 = arith.index_cast %add3A_826 : i32 to index
        %get3A_828 = tpu.vector_load %arg5[%get3A_827] {strides = array<i32>} : memref<6912xi32, #tpu.memory_space<vmem>>, vector<16xi32>,
        %lt3A_829 = arith.constant 1073741824 : i32
        %lt3A_830 = vector.broadcast %lt3A_829 : i32 to vector<16xi32>
        %lt3A_831 = arith.cmpi slt, %get3A_828, %lt3A_830 : vector<16xi32>
        %shift_left3A_832 = arith.constant 16 : i32
        %shift_left3A_833 = arith.shli %scan3A_167, %shift_left3A_832 : i32
        %add3A_834 = arith.constant 352 : i32
        %add3A_835 = vector.broadcast %add3A_834 : i32 to vector<16xi32>
        %add3A_836 = arith.addi %add3A_835, %iota3A : vector<16xi32>
        %or3A_837 = vector.broadcast %shift_left3A_833 : i32 to vector<16xi32>
        %or3A_838 = arith.ori %or3A_837, %add3A_836 : vector<16xi32>
        %swap3A_839 = arith.index_cast %add3A_822 : i32 to index
        %swap3A_840 = tpu.vector_load %arg6[%swap3A_839] masked %lt3A_831 {strides = array<i32>} : memref<7168xi32, #tpu.memory_space<vmem>>, vector<16xi32>, vector<16xi1>
        tpu.vector_store %arg6[%swap3A_839], %or3A_838 masked %lt3A_831 {strides = array<i32>} : memref<7168xi32, #tpu.memory_space<vmem>>, vector<16xi32>, vector<16xi1>
        %mul3A_841 = arith.constant 12000 : i32
        %mul3A_842 = arith.muli %scan3A_34, %mul3A_841 : i32
        %add3A_843 = vector.broadcast %mul3A_842 : i32 to vector<16xi32>
        %add3A_844 = arith.addi %get3A_828, %add3A_843 : vector<16xi32>
        %swap3A_845 = arith.index_cast %add3A_822 : i32 to index
        %swap3A_846 = tpu.vector_load %arg7[%swap3A_845] masked %lt3A_831 {strides = array<i32>} : memref<7168xi32, #tpu.memory_space<vmem>>, vector<16xi32>, vector<16xi1>
        tpu.vector_store %arg7[%swap3A_845], %add3A_844 masked %lt3A_831 {strides = array<i32>} : memref<7168xi32, #tpu.memory_space<vmem>>, vector<16xi32>, vector<16xi1>
        %convert_element_type3A_847 = arith.extui %lt3A_831 : vector<16xi1> to vector<16xi32>
        %reduce_sum3A_848 = arith.constant true
        %reduce_sum3A_849 = vector.broadcast %reduce_sum3A_848 : i1 to vector<16xi1>
        %reduce_sum3A_850 = tpu.scan <sum>, %convert_element_type3A_847 masked %reduce_sum3A_849 : vector<16xi32>, vector<16xi1> -> vector<16xi32>
        %reduce_sum3A_851 = vector.extract %reduce_sum3A_850[15] : i32 from vector<16xi32>
        %add3A_852 = arith.addi %add3A_822, %reduce_sum3A_851 : i32
        %mul3A_853 = arith.constant 432 : i32
        %mul3A_854 = arith.muli %scan3A_167, %mul3A_853 : i32
        %add3A_855 = arith.constant 368 : i32
        %add3A_856 = arith.addi %mul3A_854, %add3A_855 : i32
        %get3A_857 = arith.index_cast %add3A_856 : i32 to index
        %get3A_858 = tpu.vector_load %arg5[%get3A_857] {strides = array<i32>} : memref<6912xi32, #tpu.memory_space<vmem>>, vector<16xi32>,
        %lt3A_859 = arith.constant 1073741824 : i32
        %lt3A_860 = vector.broadcast %lt3A_859 : i32 to vector<16xi32>
        %lt3A_861 = arith.cmpi slt, %get3A_858, %lt3A_860 : vector<16xi32>
        %shift_left3A_862 = arith.constant 16 : i32
        %shift_left3A_863 = arith.shli %scan3A_167, %shift_left3A_862 : i32
        %add3A_864 = arith.constant 368 : i32
        %add3A_865 = vector.broadcast %add3A_864 : i32 to vector<16xi32>
        %add3A_866 = arith.addi %add3A_865, %iota3A : vector<16xi32>
        %or3A_867 = vector.broadcast %shift_left3A_863 : i32 to vector<16xi32>
        %or3A_868 = arith.ori %or3A_867, %add3A_866 : vector<16xi32>
        %swap3A_869 = arith.index_cast %add3A_852 : i32 to index
        %swap3A_870 = tpu.vector_load %arg6[%swap3A_869] masked %lt3A_861 {strides = array<i32>} : memref<7168xi32, #tpu.memory_space<vmem>>, vector<16xi32>, vector<16xi1>
        tpu.vector_store %arg6[%swap3A_869], %or3A_868 masked %lt3A_861 {strides = array<i32>} : memref<7168xi32, #tpu.memory_space<vmem>>, vector<16xi32>, vector<16xi1>
        %mul3A_871 = arith.constant 12000 : i32
        %mul3A_872 = arith.muli %scan3A_34, %mul3A_871 : i32
        %add3A_873 = vector.broadcast %mul3A_872 : i32 to vector<16xi32>
        %add3A_874 = arith.addi %get3A_858, %add3A_873 : vector<16xi32>
        %swap3A_875 = arith.index_cast %add3A_852 : i32 to index
        %swap3A_876 = tpu.vector_load %arg7[%swap3A_875] masked %lt3A_861 {strides = array<i32>} : memref<7168xi32, #tpu.memory_space<vmem>>, vector<16xi32>, vector<16xi1>
        tpu.vector_store %arg7[%swap3A_875], %add3A_874 masked %lt3A_861 {strides = array<i32>} : memref<7168xi32, #tpu.memory_space<vmem>>, vector<16xi32>, vector<16xi1>
        %convert_element_type3A_877 = arith.extui %lt3A_861 : vector<16xi1> to vector<16xi32>
        %reduce_sum3A_878 = arith.constant true
        %reduce_sum3A_879 = vector.broadcast %reduce_sum3A_878 : i1 to vector<16xi1>
        %reduce_sum3A_880 = tpu.scan <sum>, %convert_element_type3A_877 masked %reduce_sum3A_879 : vector<16xi32>, vector<16xi1> -> vector<16xi32>
        %reduce_sum3A_881 = vector.extract %reduce_sum3A_880[15] : i32 from vector<16xi32>
        %add3A_882 = arith.addi %add3A_852, %reduce_sum3A_881 : i32
        %mul3A_883 = arith.constant 432 : i32
        %mul3A_884 = arith.muli %scan3A_167, %mul3A_883 : i32
        %add3A_885 = arith.constant 384 : i32
        %add3A_886 = arith.addi %mul3A_884, %add3A_885 : i32
        %get3A_887 = arith.index_cast %add3A_886 : i32 to index
        %get3A_888 = tpu.vector_load %arg5[%get3A_887] {strides = array<i32>} : memref<6912xi32, #tpu.memory_space<vmem>>, vector<16xi32>,
        %lt3A_889 = arith.constant 1073741824 : i32
        %lt3A_890 = vector.broadcast %lt3A_889 : i32 to vector<16xi32>
        %lt3A_891 = arith.cmpi slt, %get3A_888, %lt3A_890 : vector<16xi32>
        %shift_left3A_892 = arith.constant 16 : i32
        %shift_left3A_893 = arith.shli %scan3A_167, %shift_left3A_892 : i32
        %add3A_894 = arith.constant 384 : i32
        %add3A_895 = vector.broadcast %add3A_894 : i32 to vector<16xi32>
        %add3A_896 = arith.addi %add3A_895, %iota3A : vector<16xi32>
        %or3A_897 = vector.broadcast %shift_left3A_893 : i32 to vector<16xi32>
        %or3A_898 = arith.ori %or3A_897, %add3A_896 : vector<16xi32>
        %swap3A_899 = arith.index_cast %add3A_882 : i32 to index
        %swap3A_900 = tpu.vector_load %arg6[%swap3A_899] masked %lt3A_891 {strides = array<i32>} : memref<7168xi32, #tpu.memory_space<vmem>>, vector<16xi32>, vector<16xi1>
        tpu.vector_store %arg6[%swap3A_899], %or3A_898 masked %lt3A_891 {strides = array<i32>} : memref<7168xi32, #tpu.memory_space<vmem>>, vector<16xi32>, vector<16xi1>
        %mul3A_901 = arith.constant 12000 : i32
        %mul3A_902 = arith.muli %scan3A_34, %mul3A_901 : i32
        %add3A_903 = vector.broadcast %mul3A_902 : i32 to vector<16xi32>
        %add3A_904 = arith.addi %get3A_888, %add3A_903 : vector<16xi32>
        %swap3A_905 = arith.index_cast %add3A_882 : i32 to index
        %swap3A_906 = tpu.vector_load %arg7[%swap3A_905] masked %lt3A_891 {strides = array<i32>} : memref<7168xi32, #tpu.memory_space<vmem>>, vector<16xi32>, vector<16xi1>
        tpu.vector_store %arg7[%swap3A_905], %add3A_904 masked %lt3A_891 {strides = array<i32>} : memref<7168xi32, #tpu.memory_space<vmem>>, vector<16xi32>, vector<16xi1>
        %convert_element_type3A_907 = arith.extui %lt3A_891 : vector<16xi1> to vector<16xi32>
        %reduce_sum3A_908 = arith.constant true
        %reduce_sum3A_909 = vector.broadcast %reduce_sum3A_908 : i1 to vector<16xi1>
        %reduce_sum3A_910 = tpu.scan <sum>, %convert_element_type3A_907 masked %reduce_sum3A_909 : vector<16xi32>, vector<16xi1> -> vector<16xi32>
        %reduce_sum3A_911 = vector.extract %reduce_sum3A_910[15] : i32 from vector<16xi32>
        %add3A_912 = arith.addi %add3A_882, %reduce_sum3A_911 : i32
        %mul3A_913 = arith.constant 432 : i32
        %mul3A_914 = arith.muli %scan3A_167, %mul3A_913 : i32
        %add3A_915 = arith.constant 400 : i32
        %add3A_916 = arith.addi %mul3A_914, %add3A_915 : i32
        %get3A_917 = arith.index_cast %add3A_916 : i32 to index
        %get3A_918 = tpu.vector_load %arg5[%get3A_917] {strides = array<i32>} : memref<6912xi32, #tpu.memory_space<vmem>>, vector<16xi32>,
        %lt3A_919 = arith.constant 1073741824 : i32
        %lt3A_920 = vector.broadcast %lt3A_919 : i32 to vector<16xi32>
        %lt3A_921 = arith.cmpi slt, %get3A_918, %lt3A_920 : vector<16xi32>
        %shift_left3A_922 = arith.constant 16 : i32
        %shift_left3A_923 = arith.shli %scan3A_167, %shift_left3A_922 : i32
        %add3A_924 = arith.constant 400 : i32
        %add3A_925 = vector.broadcast %add3A_924 : i32 to vector<16xi32>
        %add3A_926 = arith.addi %add3A_925, %iota3A : vector<16xi32>
        %or3A_927 = vector.broadcast %shift_left3A_923 : i32 to vector<16xi32>
        %or3A_928 = arith.ori %or3A_927, %add3A_926 : vector<16xi32>
        %swap3A_929 = arith.index_cast %add3A_912 : i32 to index
        %swap3A_930 = tpu.vector_load %arg6[%swap3A_929] masked %lt3A_921 {strides = array<i32>} : memref<7168xi32, #tpu.memory_space<vmem>>, vector<16xi32>, vector<16xi1>
        tpu.vector_store %arg6[%swap3A_929], %or3A_928 masked %lt3A_921 {strides = array<i32>} : memref<7168xi32, #tpu.memory_space<vmem>>, vector<16xi32>, vector<16xi1>
        %mul3A_931 = arith.constant 12000 : i32
        %mul3A_932 = arith.muli %scan3A_34, %mul3A_931 : i32
        %add3A_933 = vector.broadcast %mul3A_932 : i32 to vector<16xi32>
        %add3A_934 = arith.addi %get3A_918, %add3A_933 : vector<16xi32>
        %swap3A_935 = arith.index_cast %add3A_912 : i32 to index
        %swap3A_936 = tpu.vector_load %arg7[%swap3A_935] masked %lt3A_921 {strides = array<i32>} : memref<7168xi32, #tpu.memory_space<vmem>>, vector<16xi32>, vector<16xi1>
        tpu.vector_store %arg7[%swap3A_935], %add3A_934 masked %lt3A_921 {strides = array<i32>} : memref<7168xi32, #tpu.memory_space<vmem>>, vector<16xi32>, vector<16xi1>
        %convert_element_type3A_937 = arith.extui %lt3A_921 : vector<16xi1> to vector<16xi32>
        %reduce_sum3A_938 = arith.constant true
        %reduce_sum3A_939 = vector.broadcast %reduce_sum3A_938 : i1 to vector<16xi1>
        %reduce_sum3A_940 = tpu.scan <sum>, %convert_element_type3A_937 masked %reduce_sum3A_939 : vector<16xi32>, vector<16xi1> -> vector<16xi32>
        %reduce_sum3A_941 = vector.extract %reduce_sum3A_940[15] : i32 from vector<16xi32>
        %add3A_942 = arith.addi %add3A_912, %reduce_sum3A_941 : i32
        %mul3A_943 = arith.constant 432 : i32
        %mul3A_944 = arith.muli %scan3A_167, %mul3A_943 : i32
        %add3A_945 = arith.constant 416 : i32
        %add3A_946 = arith.addi %mul3A_944, %add3A_945 : i32
        %get3A_947 = arith.index_cast %add3A_946 : i32 to index
        %get3A_948 = tpu.vector_load %arg5[%get3A_947] {strides = array<i32>} : memref<6912xi32, #tpu.memory_space<vmem>>, vector<16xi32>,
        %lt3A_949 = arith.constant 1073741824 : i32
        %lt3A_950 = vector.broadcast %lt3A_949 : i32 to vector<16xi32>
        %lt3A_951 = arith.cmpi slt, %get3A_948, %lt3A_950 : vector<16xi32>
        %shift_left3A_952 = arith.constant 16 : i32
        %shift_left3A_953 = arith.shli %scan3A_167, %shift_left3A_952 : i32
        %add3A_954 = arith.constant 416 : i32
        %add3A_955 = vector.broadcast %add3A_954 : i32 to vector<16xi32>
        %add3A_956 = arith.addi %add3A_955, %iota3A : vector<16xi32>
        %or3A_957 = vector.broadcast %shift_left3A_953 : i32 to vector<16xi32>
        %or3A_958 = arith.ori %or3A_957, %add3A_956 : vector<16xi32>
        %swap3A_959 = arith.index_cast %add3A_942 : i32 to index
        %swap3A_960 = tpu.vector_load %arg6[%swap3A_959] masked %lt3A_951 {strides = array<i32>} : memref<7168xi32, #tpu.memory_space<vmem>>, vector<16xi32>, vector<16xi1>
        tpu.vector_store %arg6[%swap3A_959], %or3A_958 masked %lt3A_951 {strides = array<i32>} : memref<7168xi32, #tpu.memory_space<vmem>>, vector<16xi32>, vector<16xi1>
        %mul3A_961 = arith.constant 12000 : i32
        %mul3A_962 = arith.muli %scan3A_34, %mul3A_961 : i32
        %add3A_963 = vector.broadcast %mul3A_962 : i32 to vector<16xi32>
        %add3A_964 = arith.addi %get3A_948, %add3A_963 : vector<16xi32>
        %swap3A_965 = arith.index_cast %add3A_942 : i32 to index
        %swap3A_966 = tpu.vector_load %arg7[%swap3A_965] masked %lt3A_951 {strides = array<i32>} : memref<7168xi32, #tpu.memory_space<vmem>>, vector<16xi32>, vector<16xi1>
        tpu.vector_store %arg7[%swap3A_965], %add3A_964 masked %lt3A_951 {strides = array<i32>} : memref<7168xi32, #tpu.memory_space<vmem>>, vector<16xi32>, vector<16xi1>
        %convert_element_type3A_967 = arith.extui %lt3A_951 : vector<16xi1> to vector<16xi32>
        %reduce_sum3A_968 = arith.constant true
        %reduce_sum3A_969 = vector.broadcast %reduce_sum3A_968 : i1 to vector<16xi1>
        %reduce_sum3A_970 = tpu.scan <sum>, %convert_element_type3A_967 masked %reduce_sum3A_969 : vector<16xi32>, vector<16xi1> -> vector<16xi32>
        %reduce_sum3A_971 = vector.extract %reduce_sum3A_970[15] : i32 from vector<16xi32>
        %add3A_972 = arith.addi %add3A_942, %reduce_sum3A_971 : i32
        scf.yield %add3A_972 : i32
      }
      %scan3A_56 = arith.constant 16 : i32
      %broadcast_in_dim3A_57 = arith.constant 1048576 : i32
      "tpu.trace_stop"() : () -> ()
      %broadcast_in_dim3A_58 = vector.broadcast %broadcast_in_dim3A_57 : i32 to vector<16xi32>
      %swap3A = arith.index_cast %scan3A_55 : i32 to index
      %swap3A_59 = tpu.vector_load %arg6[%swap3A] {strides = array<i32>} : memref<7168xi32, #tpu.memory_space<vmem>>, vector<16xi32>,
      tpu.vector_store %arg6[%swap3A], %broadcast_in_dim3A_58 {strides = array<i32>} : memref<7168xi32, #tpu.memory_space<vmem>>, vector<16xi32>,
      %broadcast_in_dim3A_60 = arith.constant 0 : i32
      %broadcast_in_dim3A_61 = vector.broadcast %broadcast_in_dim3A_60 : i32 to vector<16xi32>
      %swap3A_62 = arith.index_cast %scan3A_55 : i32 to index
      %swap3A_63 = tpu.vector_load %arg7[%swap3A_62] {strides = array<i32>} : memref<7168xi32, #tpu.memory_space<vmem>>, vector<16xi32>,
      tpu.vector_store %arg7[%swap3A_62], %broadcast_in_dim3A_61 {strides = array<i32>} : memref<7168xi32, #tpu.memory_space<vmem>>, vector<16xi32>,
      %add3A_64 = arith.constant 15 : i32
      %add3A_65 = arith.addi %scan3A_55, %add3A_64 : i32
      %jit3A = arith.constant 16 : i32
      %div3A = arith.divsi %add3A_65, %jit3A : i32
      %sign3A = arith.constant 0 : i32
      %sign3A_66 = arith.cmpi sgt, %add3A_65, %sign3A : i32
      %sign3A_67 = arith.extui %sign3A_66 : i1 to i32
      %sign3A_68 = arith.constant 0 : i32
      %sign3A_69 = arith.cmpi slt, %add3A_65, %sign3A_68 : i32
      %sign3A_70 = arith.extui %sign3A_69 : i1 to i32
      %sign3A_71 = arith.subi %sign3A_67, %sign3A_70 : i32
      %sign3A_72 = arith.constant 0 : i32
      %sign3A_73 = arith.cmpi sgt, %jit3A, %sign3A_72 : i32
      %sign3A_74 = arith.extui %sign3A_73 : i1 to i32
      %sign3A_75 = arith.constant 0 : i32
      %sign3A_76 = arith.cmpi slt, %jit3A, %sign3A_75 : i32
      %sign3A_77 = arith.extui %sign3A_76 : i1 to i32
      %sign3A_78 = arith.subi %sign3A_74, %sign3A_77 : i32
      %ne3A = arith.cmpi ne, %sign3A_71, %sign3A_78 : i32
      %rem3A = arith.remsi %add3A_65, %jit3A : i32
      %ne3A_79 = arith.constant 0 : i32
      %ne3A_80 = arith.cmpi ne, %rem3A, %ne3A_79 : i32
      %and3A = arith.andi %ne3A, %ne3A_80 : i1
      %sub3A = arith.constant 1 : i32
      %sub3A_81 = arith.subi %div3A, %sub3A : i32
      %select_n3A = arith.select %and3A, %sub3A_81, %div3A : i32
      %add3A_82 = arith.constant 512 : i32
      %add3A_83 = arith.addi %scan3A_55, %add3A_82 : i32
      %sub3A_84 = arith.constant 1 : i32
      %sub3A_85 = arith.subi %add3A_83, %sub3A_84 : i32
      %jit3A_86 = arith.constant 512 : i32
      %div3A_87 = arith.divsi %sub3A_85, %jit3A_86 : i32
      %sign3A_88 = arith.constant 0 : i32
      %sign3A_89 = arith.cmpi sgt, %sub3A_85, %sign3A_88 : i32
      %sign3A_90 = arith.extui %sign3A_89 : i1 to i32
      %sign3A_91 = arith.constant 0 : i32
      %sign3A_92 = arith.cmpi slt, %sub3A_85, %sign3A_91 : i32
      %sign3A_93 = arith.extui %sign3A_92 : i1 to i32
      %sign3A_94 = arith.subi %sign3A_90, %sign3A_93 : i32
      %sign3A_95 = arith.constant 0 : i32
      %sign3A_96 = arith.cmpi sgt, %jit3A_86, %sign3A_95 : i32
      %sign3A_97 = arith.extui %sign3A_96 : i1 to i32
      %sign3A_98 = arith.constant 0 : i32
      %sign3A_99 = arith.cmpi slt, %jit3A_86, %sign3A_98 : i32
      %sign3A_100 = arith.extui %sign3A_99 : i1 to i32
      %sign3A_101 = arith.subi %sign3A_97, %sign3A_100 : i32
      %ne3A_102 = arith.cmpi ne, %sign3A_94, %sign3A_101 : i32
      %rem3A_103 = arith.remsi %sub3A_85, %jit3A_86 : i32
      %ne3A_104 = arith.constant 0 : i32
      %ne3A_105 = arith.cmpi ne, %rem3A_103, %ne3A_104 : i32
      %and3A_106 = arith.andi %ne3A_102, %ne3A_105 : i1
      %sub3A_107 = arith.constant 1 : i32
      %sub3A_108 = arith.subi %div3A_87, %sub3A_107 : i32
      %select_n3A_109 = arith.select %and3A_106, %sub3A_108, %div3A_87 : i32
      %gt3A = arith.constant 1 : i32
      %gt3A_110 = arith.cmpi sgt, %select_n3A_109, %gt3A : i32
      "tpu.trace_start"() <{level = 10 : i32, message = "k3_emit"}> : () -> ()
      %scan3A_111 = arith.constant 0 : i32
      %scan3A_112 = arith.constant 0 : i32
      %scan3A_113 = arith.constant 32 : i32
      %scan3A_114 = arith.addi %scan3A_112, %scan3A_113 : i32
      %scan3A_115 = arith.constant 1 : i32
      %scan3A_116 = scf.for %scan3A_167 = %scan3A_112 to %scan3A_114 step %scan3A_115 iter_args(%scan3A_168 = %scan3A_111) -> (i32)  : i32 {
        %mul3A_169 = arith.constant 2 : i32
        %mul3A_170 = arith.muli %mul3A_169, %scan3A_167 : i32
        %add3A_171 = arith.constant 0 : i32
        %add3A_172 = arith.addi %mul3A_170, %add3A_171 : i32
        %ge3A = arith.constant 1 : i32
        %ge3A_173 = arith.cmpi sge, %scan3A_167, %ge3A : i32
        %convert_element_type3A = arith.extui %ge3A_173 : i1 to i32
        %cond3A = arith.constant 0 : i32
        %cond3A_174 = arith.cmpi ne, %convert_element_type3A, %cond3A : i32
        scf.if %cond3A_174 {
          %dma_wait3A_239 = arith.constant 0 : i32
          %dma_wait3A_240 = arith.constant 0 : i32
          %dma_wait3A_241 = tpu.memref_slice %arg9[%dma_wait3A_239, %dma_wait3A_240] : memref<17x432xf32, #tpu.memory_space<vmem>> -> memref<16x432xf32, #tpu.memory_space<vmem>>
          %dma_wait3A_242 = arith.constant 0 : i32
          %dma_wait3A_243 = tpu.memref_slice %arg4[%scan3A_34, %add3A_172, %min3A_3, %dma_wait3A_242] : memref<4x64x496x432xf32, #tpu.memory_space<hbm>> -> memref<1x1x16x432xf32, #tpu.memory_space<hbm>>
          %dma_wait3A_244 = tpu.memref_squeeze %dma_wait3A_243 : memref<1x1x16x432xf32, #tpu.memory_space<hbm>> -> memref<16x432xf32, #tpu.memory_space<hbm>>
          %dma_wait3A_245 = arith.constant 0 : i32
          %dma_wait3A_246 = tpu.memref_slice %arg4[%scan3A_34, %add3A_172, %min3A_3, %dma_wait3A_245] : memref<4x64x496x432xf32, #tpu.memory_space<hbm>> -> memref<1x1x16x432xf32, #tpu.memory_space<hbm>>
          %dma_wait3A_247 = tpu.memref_squeeze %dma_wait3A_246 : memref<1x1x16x432xf32, #tpu.memory_space<hbm>> -> memref<16x432xf32, #tpu.memory_space<hbm>>
          %dma_wait3A_248 = arith.constant 0 : i32
          %dma_wait3A_249 = arith.constant 0 : i32
          %dma_wait3A_250 = tpu.memref_slice %arg9[%dma_wait3A_248, %dma_wait3A_249] : memref<17x432xf32, #tpu.memory_space<vmem>> -> memref<16x432xf32, #tpu.memory_space<vmem>>
          tpu.wait_dma2 semaphore(%arg12 : memref<!tpu.dma_semaphore, #tpu.memory_space<semaphore_mem>>) src(%dma_wait3A_250 : memref<16x432xf32, #tpu.memory_space<vmem>>) dst(%dma_wait3A_247 : memref<16x432xf32, #tpu.memory_space<hbm>>)
        } else {
        }
        %eq3A = arith.constant 0 : i32
        %eq3A_175 = arith.cmpi eq, %scan3A_167, %eq3A : i32
        %and3A_176 = arith.constant true
        %and3A_177 = arith.andi %eq3A_175, %and3A_176 : i1
        %while3A_178 = arith.constant 0 : i32
        %while3A_179 = arith.constant 0 : i32
        %while3A_180 = arith.subi %select_n3A_109, %while3A_178 : i32
        %while3A_181 = arith.addi %while3A_178, %while3A_180 : i32
        %while3A_182 = arith.constant 1 : i32
        %while3A_183 = arith.divsi %while3A_180, %while3A_182 : i32
        %while3A_184 = arith.muli %while3A_183, %while3A_182 : i32
        %while3A_185 = arith.addi %while3A_178, %while3A_184 : i32
        %while3A_186 = arith.constant 1 : i32
        %while3A_187 = scf.for %while3A_239 = %while3A_178 to %while3A_185 step %while3A_186 iter_args(%while3A_240 = %while3A_179) -> (i32)  : i32 {
          %or3A = arith.ori %and3A_177, %gt3A_110 : i1
          %convert_element_type3A_241 = arith.extui %or3A : i1 to i32
          %cond3A_242 = arith.constant 0 : i32
          %cond3A_243 = arith.cmpi ne, %convert_element_type3A_241, %cond3A_242 : i32
          scf.if %cond3A_243 {
            %mul3A_327 = arith.constant 512 : i32
            %mul3A_328 = arith.muli %while3A_239, %mul3A_327 : i32
            %dma_start3A_329 = tpu.memref_slice %arg7[%mul3A_328] : memref<7168xi32, #tpu.memory_space<vmem>> -> memref<512xi32, #tpu.memory_space<vmem>>
            %dma_start3A_330 = arith.constant 0 : i32
            %dma_start3A_331 = arith.constant 0 : i32
            %dma_start3A_332 = tpu.memref_slice %arg2[%dma_start3A_330, %dma_start3A_331] : memref<48000x128xf32, #tpu.memory_space<hbm>> -> memref<48000x128xf32, #tpu.memory_space<hbm>>
            tpu.enqueue_indirect_dma source(%dma_start3A_332 : memref<48000x128xf32, #tpu.memory_space<hbm>>) target(%arg8 : memref<512x128xf32, #tpu.memory_space<vmem>>) offsets(%dma_start3A_329 : memref<512xi32, #tpu.memory_space<vmem>>) semaphore(%arg11 : memref<!tpu.dma_semaphore, #tpu.memory_space<semaphore_mem>>)
            %dma_wait3A_333 = tpu.memref_slice %arg7[%mul3A_328] : memref<7168xi32, #tpu.memory_space<vmem>> -> memref<512xi32, #tpu.memory_space<vmem>>
            %dma_wait3A_334 = arith.constant 0 : i32
            %dma_wait3A_335 = arith.constant 0 : i32
            %dma_wait3A_336 = tpu.memref_slice %arg2[%dma_wait3A_334, %dma_wait3A_335] : memref<48000x128xf32, #tpu.memory_space<hbm>> -> memref<48000x128xf32, #tpu.memory_space<hbm>>
            tpu.wait_indirect_dma semaphore(%arg11 : memref<!tpu.dma_semaphore, #tpu.memory_space<semaphore_mem>>) src(%dma_wait3A_336 : memref<48000x128xf32, #tpu.memory_space<hbm>>) dst(%arg8 : memref<512x128xf32, #tpu.memory_space<vmem>>)
          } else {
          }
          %mul3A_244 = arith.constant 32 : i32
          %mul3A_245 = arith.muli %while3A_239, %mul3A_244 : i32
          %sub3A_246 = arith.subi %select_n3A, %mul3A_245 : i32
          %min3A_247 = arith.constant 32 : i32
          %min3A_248 = arith.minsi %min3A_247, %sub3A_246 : i32
          %broadcast_in_dim3A_249 = arith.constant 0 : i32
          %broadcast_in_dim3A_250 = vector.broadcast %broadcast_in_dim3A_249 : i32 to vector<16xi32>
          %add3A_251 = vector.broadcast %add3A_172 : i32 to vector<16xi32>
          %add3A_252 = arith.addi %broadcast_in_dim3A_250, %add3A_251 : vector<16xi32>
          %jit3A_253 = arith.constant 4 : i32
          %div3A_254 = arith.divsi %min3A_248, %jit3A_253 : i32
          %sign3A_255 = arith.constant 0 : i32
          %sign3A_256 = arith.cmpi sgt, %min3A_248, %sign3A_255 : i32
          %sign3A_257 = arith.extui %sign3A_256 : i1 to i32
          %sign3A_258 = arith.constant 0 : i32
          %sign3A_259 = arith.cmpi slt, %min3A_248, %sign3A_258 : i32
          %sign3A_260 = arith.extui %sign3A_259 : i1 to i32
          %sign3A_261 = arith.subi %sign3A_257, %sign3A_260 : i32
          %sign3A_262 = arith.constant 0 : i32
          %sign3A_263 = arith.cmpi sgt, %jit3A_253, %sign3A_262 : i32
          %sign3A_264 = arith.extui %sign3A_263 : i1 to i32
          %sign3A_265 = arith.constant 0 : i32
          %sign3A_266 = arith.cmpi slt, %jit3A_253, %sign3A_265 : i32
          %sign3A_267 = arith.extui %sign3A_266 : i1 to i32
          %sign3A_268 = arith.subi %sign3A_264, %sign3A_267 : i32
          %ne3A_269 = arith.cmpi ne, %sign3A_261, %sign3A_268 : i32
          %rem3A_270 = arith.remsi %min3A_248, %jit3A_253 : i32
          %ne3A_271 = arith.constant 0 : i32
          %ne3A_272 = arith.cmpi ne, %rem3A_270, %ne3A_271 : i32
          %and3A_273 = arith.andi %ne3A_269, %ne3A_272 : i1
          %sub3A_274 = arith.constant 1 : i32
          %sub3A_275 = arith.subi %div3A_254, %sub3A_274 : i32
          %select_n3A_276 = arith.select %and3A_273, %sub3A_275, %div3A_254 : i32
          %while3A_277 = arith.constant 0 : i32
          %while3A_278 = arith.constant 0 : i32
          %while3A_279 = arith.subi %select_n3A_276, %while3A_277 : i32
          %while3A_280 = arith.addi %while3A_277, %while3A_279 : i32
          %while3A_281 = arith.constant 1 : i32
          %while3A_282 = arith.divsi %while3A_279, %while3A_281 : i32
          %while3A_283 = arith.muli %while3A_282, %while3A_281 : i32
          %while3A_284 = arith.addi %while3A_277, %while3A_283 : i32
          %while3A_285 = arith.constant 1 : i32
          %while3A_286 = scf.for %while3A_327 = %while3A_277 to %while3A_284 step %while3A_285 iter_args(%while3A_328 = %while3A_278) -> (i32)  : i32 {
            %mul3A_329 = arith.constant 4 : i32
            %mul3A_330 = arith.muli %while3A_327, %mul3A_329 : i32
            %add3A_331 = arith.constant 0 : i32
            %add3A_332 = arith.addi %mul3A_330, %add3A_331 : i32
            %mul3A_333 = arith.constant 16 : i32
            %mul3A_334 = arith.muli %add3A_332, %mul3A_333 : i32
            %add3A_335 = vector.broadcast %mul3A_334 : i32 to vector<16xi32>
            %add3A_336 = arith.addi %add3A_335, %iota3A : vector<16xi32>
            %mul3A_337 = arith.constant 512 : i32
            %mul3A_338 = arith.muli %while3A_239, %mul3A_337 : i32
            %mul3A_339 = arith.constant 16 : i32
            %mul3A_340 = arith.muli %add3A_332, %mul3A_339 : i32
            %add3A_341 = arith.addi %mul3A_338, %mul3A_340 : i32
            %get3A = arith.index_cast %add3A_341 : i32 to index
            %get3A_342 = tpu.vector_load %arg6[%get3A] {strides = array<i32>} : memref<7168xi32, #tpu.memory_space<vmem>>, vector<16xi32>,
            %gather3A = tpu.vector_load_idx %arg8[%add3A_336, %add3A_252] : memref<512x128xf32, #tpu.memory_space<vmem>>[vector<16xi32>, vector<16xi32>], vector<16xf32>,
            %shift_right_arithmetic3A = arith.constant 16 : i32
            %shift_right_arithmetic3A_343 = vector.broadcast %shift_right_arithmetic3A : i32 to vector<16xi32>
            %shift_right_arithmetic3A_344 = arith.shrsi %get3A_342, %shift_right_arithmetic3A_343 : vector<16xi32>
            %and3A_345 = arith.constant 65535 : i32
            %and3A_346 = vector.broadcast %and3A_345 : i32 to vector<16xi32>
            %and3A_347 = arith.andi %get3A_342, %and3A_346 : vector<16xi32>
            tpu.vector_store_idx %arg9[%shift_right_arithmetic3A_344, %and3A_347], %gather3A : memref<17x432xf32, #tpu.memory_space<vmem>>[vector<16xi32>, vector<16xi32>], vector<16xf32>,
            %mul3A_348 = arith.constant 4 : i32
            %mul3A_349 = arith.muli %while3A_327, %mul3A_348 : i32
            %add3A_350 = arith.constant 1 : i32
            %add3A_351 = arith.addi %mul3A_349, %add3A_350 : i32
            %mul3A_352 = arith.constant 16 : i32
            %mul3A_353 = arith.muli %add3A_351, %mul3A_352 : i32
            %add3A_354 = vector.broadcast %mul3A_353 : i32 to vector<16xi32>
            %add3A_355 = arith.addi %add3A_354, %iota3A : vector<16xi32>
            %mul3A_356 = arith.constant 512 : i32
            %mul3A_357 = arith.muli %while3A_239, %mul3A_356 : i32
            %mul3A_358 = arith.constant 16 : i32
            %mul3A_359 = arith.muli %add3A_351, %mul3A_358 : i32
            %add3A_360 = arith.addi %mul3A_357, %mul3A_359 : i32
            %get3A_361 = arith.index_cast %add3A_360 : i32 to index
            %get3A_362 = tpu.vector_load %arg6[%get3A_361] {strides = array<i32>} : memref<7168xi32, #tpu.memory_space<vmem>>, vector<16xi32>,
            %gather3A_363 = tpu.vector_load_idx %arg8[%add3A_355, %add3A_252] : memref<512x128xf32, #tpu.memory_space<vmem>>[vector<16xi32>, vector<16xi32>], vector<16xf32>,
            %shift_right_arithmetic3A_364 = arith.constant 16 : i32
            %shift_right_arithmetic3A_365 = vector.broadcast %shift_right_arithmetic3A_364 : i32 to vector<16xi32>
            %shift_right_arithmetic3A_366 = arith.shrsi %get3A_362, %shift_right_arithmetic3A_365 : vector<16xi32>
            %and3A_367 = arith.constant 65535 : i32
            %and3A_368 = vector.broadcast %and3A_367 : i32 to vector<16xi32>
            %and3A_369 = arith.andi %get3A_362, %and3A_368 : vector<16xi32>
            tpu.vector_store_idx %arg9[%shift_right_arithmetic3A_366, %and3A_369], %gather3A_363 : memref<17x432xf32, #tpu.memory_space<vmem>>[vector<16xi32>, vector<16xi32>], vector<16xf32>,
            %mul3A_370 = arith.constant 4 : i32
            %mul3A_371 = arith.muli %while3A_327, %mul3A_370 : i32
            %add3A_372 = arith.constant 2 : i32
            %add3A_373 = arith.addi %mul3A_371, %add3A_372 : i32
            %mul3A_374 = arith.constant 16 : i32
            %mul3A_375 = arith.muli %add3A_373, %mul3A_374 : i32
            %add3A_376 = vector.broadcast %mul3A_375 : i32 to vector<16xi32>
            %add3A_377 = arith.addi %add3A_376, %iota3A : vector<16xi32>
            %mul3A_378 = arith.constant 512 : i32
            %mul3A_379 = arith.muli %while3A_239, %mul3A_378 : i32
            %mul3A_380 = arith.constant 16 : i32
            %mul3A_381 = arith.muli %add3A_373, %mul3A_380 : i32
            %add3A_382 = arith.addi %mul3A_379, %mul3A_381 : i32
            %get3A_383 = arith.index_cast %add3A_382 : i32 to index
            %get3A_384 = tpu.vector_load %arg6[%get3A_383] {strides = array<i32>} : memref<7168xi32, #tpu.memory_space<vmem>>, vector<16xi32>,
            %gather3A_385 = tpu.vector_load_idx %arg8[%add3A_377, %add3A_252] : memref<512x128xf32, #tpu.memory_space<vmem>>[vector<16xi32>, vector<16xi32>], vector<16xf32>,
            %shift_right_arithmetic3A_386 = arith.constant 16 : i32
            %shift_right_arithmetic3A_387 = vector.broadcast %shift_right_arithmetic3A_386 : i32 to vector<16xi32>
            %shift_right_arithmetic3A_388 = arith.shrsi %get3A_384, %shift_right_arithmetic3A_387 : vector<16xi32>
            %and3A_389 = arith.constant 65535 : i32
            %and3A_390 = vector.broadcast %and3A_389 : i32 to vector<16xi32>
            %and3A_391 = arith.andi %get3A_384, %and3A_390 : vector<16xi32>
            tpu.vector_store_idx %arg9[%shift_right_arithmetic3A_388, %and3A_391], %gather3A_385 : memref<17x432xf32, #tpu.memory_space<vmem>>[vector<16xi32>, vector<16xi32>], vector<16xf32>,
            %mul3A_392 = arith.constant 4 : i32
            %mul3A_393 = arith.muli %while3A_327, %mul3A_392 : i32
            %add3A_394 = arith.constant 3 : i32
            %add3A_395 = arith.addi %mul3A_393, %add3A_394 : i32
            %mul3A_396 = arith.constant 16 : i32
            %mul3A_397 = arith.muli %add3A_395, %mul3A_396 : i32
            %add3A_398 = vector.broadcast %mul3A_397 : i32 to vector<16xi32>
            %add3A_399 = arith.addi %add3A_398, %iota3A : vector<16xi32>
            %mul3A_400 = arith.constant 512 : i32
            %mul3A_401 = arith.muli %while3A_239, %mul3A_400 : i32
            %mul3A_402 = arith.constant 16 : i32
            %mul3A_403 = arith.muli %add3A_395, %mul3A_402 : i32
            %add3A_404 = arith.addi %mul3A_401, %mul3A_403 : i32
            %get3A_405 = arith.index_cast %add3A_404 : i32 to index
            %get3A_406 = tpu.vector_load %arg6[%get3A_405] {strides = array<i32>} : memref<7168xi32, #tpu.memory_space<vmem>>, vector<16xi32>,
            %gather3A_407 = tpu.vector_load_idx %arg8[%add3A_399, %add3A_252] : memref<512x128xf32, #tpu.memory_space<vmem>>[vector<16xi32>, vector<16xi32>], vector<16xf32>,
            %shift_right_arithmetic3A_408 = arith.constant 16 : i32
            %shift_right_arithmetic3A_409 = vector.broadcast %shift_right_arithmetic3A_408 : i32 to vector<16xi32>
            %shift_right_arithmetic3A_410 = arith.shrsi %get3A_406, %shift_right_arithmetic3A_409 : vector<16xi32>
            %and3A_411 = arith.constant 65535 : i32
            %and3A_412 = vector.broadcast %and3A_411 : i32 to vector<16xi32>
            %and3A_413 = arith.andi %get3A_406, %and3A_412 : vector<16xi32>
            tpu.vector_store_idx %arg9[%shift_right_arithmetic3A_410, %and3A_413], %gather3A_407 : memref<17x432xf32, #tpu.memory_space<vmem>>[vector<16xi32>, vector<16xi32>], vector<16xf32>,
            %while3A_414 = arith.constant 0 : i32
            scf.yield %while3A_414 : i32
          }
          %while3A_287 = arith.constant 1 : i32
          %while3A_288 = scf.for %while3A_327 = %while3A_284 to %while3A_280 step %while3A_287 iter_args(%while3A_328 = %while3A_286) -> (i32)  : i32 {
            %mul3A_329 = arith.constant 4 : i32
            %mul3A_330 = arith.muli %while3A_327, %mul3A_329 : i32
            %add3A_331 = arith.constant 0 : i32
            %add3A_332 = arith.addi %mul3A_330, %add3A_331 : i32
            %mul3A_333 = arith.constant 16 : i32
            %mul3A_334 = arith.muli %add3A_332, %mul3A_333 : i32
            %add3A_335 = vector.broadcast %mul3A_334 : i32 to vector<16xi32>
            %add3A_336 = arith.addi %add3A_335, %iota3A : vector<16xi32>
            %mul3A_337 = arith.constant 512 : i32
            %mul3A_338 = arith.muli %while3A_239, %mul3A_337 : i32
            %mul3A_339 = arith.constant 16 : i32
            %mul3A_340 = arith.muli %add3A_332, %mul3A_339 : i32
            %add3A_341 = arith.addi %mul3A_338, %mul3A_340 : i32
            %get3A = arith.index_cast %add3A_341 : i32 to index
            %get3A_342 = tpu.vector_load %arg6[%get3A] {strides = array<i32>} : memref<7168xi32, #tpu.memory_space<vmem>>, vector<16xi32>,
            %gather3A = tpu.vector_load_idx %arg8[%add3A_336, %add3A_252] : memref<512x128xf32, #tpu.memory_space<vmem>>[vector<16xi32>, vector<16xi32>], vector<16xf32>,
            %shift_right_arithmetic3A = arith.constant 16 : i32
            %shift_right_arithmetic3A_343 = vector.broadcast %shift_right_arithmetic3A : i32 to vector<16xi32>
            %shift_right_arithmetic3A_344 = arith.shrsi %get3A_342, %shift_right_arithmetic3A_343 : vector<16xi32>
            %and3A_345 = arith.constant 65535 : i32
            %and3A_346 = vector.broadcast %and3A_345 : i32 to vector<16xi32>
            %and3A_347 = arith.andi %get3A_342, %and3A_346 : vector<16xi32>
            tpu.vector_store_idx %arg9[%shift_right_arithmetic3A_344, %and3A_347], %gather3A : memref<17x432xf32, #tpu.memory_space<vmem>>[vector<16xi32>, vector<16xi32>], vector<16xf32>,
            %mul3A_348 = arith.constant 4 : i32
            %mul3A_349 = arith.muli %while3A_327, %mul3A_348 : i32
            %add3A_350 = arith.constant 1 : i32
            %add3A_351 = arith.addi %mul3A_349, %add3A_350 : i32
            %mul3A_352 = arith.constant 16 : i32
            %mul3A_353 = arith.muli %add3A_351, %mul3A_352 : i32
            %add3A_354 = vector.broadcast %mul3A_353 : i32 to vector<16xi32>
            %add3A_355 = arith.addi %add3A_354, %iota3A : vector<16xi32>
            %mul3A_356 = arith.constant 512 : i32
            %mul3A_357 = arith.muli %while3A_239, %mul3A_356 : i32
            %mul3A_358 = arith.constant 16 : i32
            %mul3A_359 = arith.muli %add3A_351, %mul3A_358 : i32
            %add3A_360 = arith.addi %mul3A_357, %mul3A_359 : i32
            %get3A_361 = arith.index_cast %add3A_360 : i32 to index
            %get3A_362 = tpu.vector_load %arg6[%get3A_361] {strides = array<i32>} : memref<7168xi32, #tpu.memory_space<vmem>>, vector<16xi32>,
            %gather3A_363 = tpu.vector_load_idx %arg8[%add3A_355, %add3A_252] : memref<512x128xf32, #tpu.memory_space<vmem>>[vector<16xi32>, vector<16xi32>], vector<16xf32>,
            %shift_right_arithmetic3A_364 = arith.constant 16 : i32
            %shift_right_arithmetic3A_365 = vector.broadcast %shift_right_arithmetic3A_364 : i32 to vector<16xi32>
            %shift_right_arithmetic3A_366 = arith.shrsi %get3A_362, %shift_right_arithmetic3A_365 : vector<16xi32>
            %and3A_367 = arith.constant 65535 : i32
            %and3A_368 = vector.broadcast %and3A_367 : i32 to vector<16xi32>
            %and3A_369 = arith.andi %get3A_362, %and3A_368 : vector<16xi32>
            tpu.vector_store_idx %arg9[%shift_right_arithmetic3A_366, %and3A_369], %gather3A_363 : memref<17x432xf32, #tpu.memory_space<vmem>>[vector<16xi32>, vector<16xi32>], vector<16xf32>,
            %mul3A_370 = arith.constant 4 : i32
            %mul3A_371 = arith.muli %while3A_327, %mul3A_370 : i32
            %add3A_372 = arith.constant 2 : i32
            %add3A_373 = arith.addi %mul3A_371, %add3A_372 : i32
            %mul3A_374 = arith.constant 16 : i32
            %mul3A_375 = arith.muli %add3A_373, %mul3A_374 : i32
            %add3A_376 = vector.broadcast %mul3A_375 : i32 to vector<16xi32>
            %add3A_377 = arith.addi %add3A_376, %iota3A : vector<16xi32>
            %mul3A_378 = arith.constant 512 : i32
            %mul3A_379 = arith.muli %while3A_239, %mul3A_378 : i32
            %mul3A_380 = arith.constant 16 : i32
            %mul3A_381 = arith.muli %add3A_373, %mul3A_380 : i32
            %add3A_382 = arith.addi %mul3A_379, %mul3A_381 : i32
            %get3A_383 = arith.index_cast %add3A_382 : i32 to index
            %get3A_384 = tpu.vector_load %arg6[%get3A_383] {strides = array<i32>} : memref<7168xi32, #tpu.memory_space<vmem>>, vector<16xi32>,
            %gather3A_385 = tpu.vector_load_idx %arg8[%add3A_377, %add3A_252] : memref<512x128xf32, #tpu.memory_space<vmem>>[vector<16xi32>, vector<16xi32>], vector<16xf32>,
            %shift_right_arithmetic3A_386 = arith.constant 16 : i32
            %shift_right_arithmetic3A_387 = vector.broadcast %shift_right_arithmetic3A_386 : i32 to vector<16xi32>
            %shift_right_arithmetic3A_388 = arith.shrsi %get3A_384, %shift_right_arithmetic3A_387 : vector<16xi32>
            %and3A_389 = arith.constant 65535 : i32
            %and3A_390 = vector.broadcast %and3A_389 : i32 to vector<16xi32>
            %and3A_391 = arith.andi %get3A_384, %and3A_390 : vector<16xi32>
            tpu.vector_store_idx %arg9[%shift_right_arithmetic3A_388, %and3A_391], %gather3A_385 : memref<17x432xf32, #tpu.memory_space<vmem>>[vector<16xi32>, vector<16xi32>], vector<16xf32>,
            %mul3A_392 = arith.constant 4 : i32
            %mul3A_393 = arith.muli %while3A_327, %mul3A_392 : i32
            %add3A_394 = arith.constant 3 : i32
            %add3A_395 = arith.addi %mul3A_393, %add3A_394 : i32
            %mul3A_396 = arith.constant 16 : i32
            %mul3A_397 = arith.muli %add3A_395, %mul3A_396 : i32
            %add3A_398 = vector.broadcast %mul3A_397 : i32 to vector<16xi32>
            %add3A_399 = arith.addi %add3A_398, %iota3A : vector<16xi32>
            %mul3A_400 = arith.constant 512 : i32
            %mul3A_401 = arith.muli %while3A_239, %mul3A_400 : i32
            %mul3A_402 = arith.constant 16 : i32
            %mul3A_403 = arith.muli %add3A_395, %mul3A_402 : i32
            %add3A_404 = arith.addi %mul3A_401, %mul3A_403 : i32
            %get3A_405 = arith.index_cast %add3A_404 : i32 to index
            %get3A_406 = tpu.vector_load %arg6[%get3A_405] {strides = array<i32>} : memref<7168xi32, #tpu.memory_space<vmem>>, vector<16xi32>,
            %gather3A_407 = tpu.vector_load_idx %arg8[%add3A_399, %add3A_252] : memref<512x128xf32, #tpu.memory_space<vmem>>[vector<16xi32>, vector<16xi32>], vector<16xf32>,
            %shift_right_arithmetic3A_408 = arith.constant 16 : i32
            %shift_right_arithmetic3A_409 = vector.broadcast %shift_right_arithmetic3A_408 : i32 to vector<16xi32>
            %shift_right_arithmetic3A_410 = arith.shrsi %get3A_406, %shift_right_arithmetic3A_409 : vector<16xi32>
            %and3A_411 = arith.constant 65535 : i32
            %and3A_412 = vector.broadcast %and3A_411 : i32 to vector<16xi32>
            %and3A_413 = arith.andi %get3A_406, %and3A_412 : vector<16xi32>
            tpu.vector_store_idx %arg9[%shift_right_arithmetic3A_410, %and3A_413], %gather3A_407 : memref<17x432xf32, #tpu.memory_space<vmem>>[vector<16xi32>, vector<16xi32>], vector<16xf32>,
            %while3A_414 = arith.constant 0 : i32
            scf.yield %while3A_414 : i32
          }
          %jit3A_289 = arith.constant 4 : i32
          %div3A_290 = arith.divsi %min3A_248, %jit3A_289 : i32
          %sign3A_291 = arith.constant 0 : i32
          %sign3A_292 = arith.cmpi sgt, %min3A_248, %sign3A_291 : i32
          %sign3A_293 = arith.extui %sign3A_292 : i1 to i32
          %sign3A_294 = arith.constant 0 : i32
          %sign3A_295 = arith.cmpi slt, %min3A_248, %sign3A_294 : i32
          %sign3A_296 = arith.extui %sign3A_295 : i1 to i32
          %sign3A_297 = arith.subi %sign3A_293, %sign3A_296 : i32
          %sign3A_298 = arith.constant 0 : i32
          %sign3A_299 = arith.cmpi sgt, %jit3A_289, %sign3A_298 : i32
          %sign3A_300 = arith.extui %sign3A_299 : i1 to i32
          %sign3A_301 = arith.constant 0 : i32
          %sign3A_302 = arith.cmpi slt, %jit3A_289, %sign3A_301 : i32
          %sign3A_303 = arith.extui %sign3A_302 : i1 to i32
          %sign3A_304 = arith.subi %sign3A_300, %sign3A_303 : i32
          %ne3A_305 = arith.cmpi ne, %sign3A_297, %sign3A_304 : i32
          %rem3A_306 = arith.remsi %min3A_248, %jit3A_289 : i32
          %ne3A_307 = arith.constant 0 : i32
          %ne3A_308 = arith.cmpi ne, %rem3A_306, %ne3A_307 : i32
          %and3A_309 = arith.andi %ne3A_305, %ne3A_308 : i1
          %sub3A_310 = arith.constant 1 : i32
          %sub3A_311 = arith.subi %div3A_290, %sub3A_310 : i32
          %select_n3A_312 = arith.select %and3A_309, %sub3A_311, %div3A_290 : i32
          %mul3A_313 = arith.constant 4 : i32
          %mul3A_314 = arith.muli %select_n3A_312, %mul3A_313 : i32
          %while3A_315 = arith.constant 0 : i32
          %while3A_316 = arith.subi %min3A_248, %mul3A_314 : i32
          %while3A_317 = arith.addi %mul3A_314, %while3A_316 : i32
          %while3A_318 = arith.constant 1 : i32
          %while3A_319 = arith.divsi %while3A_316, %while3A_318 : i32
          %while3A_320 = arith.muli %while3A_319, %while3A_318 : i32
          %while3A_321 = arith.addi %mul3A_314, %while3A_320 : i32
          %while3A_322 = arith.constant 1 : i32
          %while3A_323 = scf.for %while3A_327 = %mul3A_314 to %while3A_321 step %while3A_322 iter_args(%while3A_328 = %while3A_315) -> (i32)  : i32 {
            %mul3A_329 = arith.constant 16 : i32
            %mul3A_330 = arith.muli %while3A_327, %mul3A_329 : i32
            %add3A_331 = vector.broadcast %mul3A_330 : i32 to vector<16xi32>
            %add3A_332 = arith.addi %add3A_331, %iota3A : vector<16xi32>
            %mul3A_333 = arith.constant 512 : i32
            %mul3A_334 = arith.muli %while3A_239, %mul3A_333 : i32
            %mul3A_335 = arith.constant 16 : i32
            %mul3A_336 = arith.muli %while3A_327, %mul3A_335 : i32
            %add3A_337 = arith.addi %mul3A_334, %mul3A_336 : i32
            %get3A = arith.index_cast %add3A_337 : i32 to index
            %get3A_338 = tpu.vector_load %arg6[%get3A] {strides = array<i32>} : memref<7168xi32, #tpu.memory_space<vmem>>, vector<16xi32>,
            %gather3A = tpu.vector_load_idx %arg8[%add3A_332, %add3A_252] : memref<512x128xf32, #tpu.memory_space<vmem>>[vector<16xi32>, vector<16xi32>], vector<16xf32>,
            %shift_right_arithmetic3A = arith.constant 16 : i32
            %shift_right_arithmetic3A_339 = vector.broadcast %shift_right_arithmetic3A : i32 to vector<16xi32>
            %shift_right_arithmetic3A_340 = arith.shrsi %get3A_338, %shift_right_arithmetic3A_339 : vector<16xi32>
            %and3A_341 = arith.constant 65535 : i32
            %and3A_342 = vector.broadcast %and3A_341 : i32 to vector<16xi32>
            %and3A_343 = arith.andi %get3A_338, %and3A_342 : vector<16xi32>
            tpu.vector_store_idx %arg9[%shift_right_arithmetic3A_340, %and3A_343], %gather3A : memref<17x432xf32, #tpu.memory_space<vmem>>[vector<16xi32>, vector<16xi32>], vector<16xf32>,
            %while3A_344 = arith.constant 0 : i32
            scf.yield %while3A_344 : i32
          }
          %while3A_324 = arith.constant 1 : i32
          %while3A_325 = scf.for %while3A_327 = %while3A_321 to %while3A_317 step %while3A_324 iter_args(%while3A_328 = %while3A_323) -> (i32)  : i32 {
            %mul3A_329 = arith.constant 16 : i32
            %mul3A_330 = arith.muli %while3A_327, %mul3A_329 : i32
            %add3A_331 = vector.broadcast %mul3A_330 : i32 to vector<16xi32>
            %add3A_332 = arith.addi %add3A_331, %iota3A : vector<16xi32>
            %mul3A_333 = arith.constant 512 : i32
            %mul3A_334 = arith.muli %while3A_239, %mul3A_333 : i32
            %mul3A_335 = arith.constant 16 : i32
            %mul3A_336 = arith.muli %while3A_327, %mul3A_335 : i32
            %add3A_337 = arith.addi %mul3A_334, %mul3A_336 : i32
            %get3A = arith.index_cast %add3A_337 : i32 to index
            %get3A_338 = tpu.vector_load %arg6[%get3A] {strides = array<i32>} : memref<7168xi32, #tpu.memory_space<vmem>>, vector<16xi32>,
            %gather3A = tpu.vector_load_idx %arg8[%add3A_332, %add3A_252] : memref<512x128xf32, #tpu.memory_space<vmem>>[vector<16xi32>, vector<16xi32>], vector<16xf32>,
            %shift_right_arithmetic3A = arith.constant 16 : i32
            %shift_right_arithmetic3A_339 = vector.broadcast %shift_right_arithmetic3A : i32 to vector<16xi32>
            %shift_right_arithmetic3A_340 = arith.shrsi %get3A_338, %shift_right_arithmetic3A_339 : vector<16xi32>
            %and3A_341 = arith.constant 65535 : i32
            %and3A_342 = vector.broadcast %and3A_341 : i32 to vector<16xi32>
            %and3A_343 = arith.andi %get3A_338, %and3A_342 : vector<16xi32>
            tpu.vector_store_idx %arg9[%shift_right_arithmetic3A_340, %and3A_343], %gather3A : memref<17x432xf32, #tpu.memory_space<vmem>>[vector<16xi32>, vector<16xi32>], vector<16xf32>,
            %while3A_344 = arith.constant 0 : i32
            scf.yield %while3A_344 : i32
          }
          %while3A_326 = arith.constant 0 : i32
          scf.yield %while3A_326 : i32
        }
        %while3A_188 = arith.constant 1 : i32
        %while3A_189 = scf.for %while3A_239 = %while3A_185 to %while3A_181 step %while3A_188 iter_args(%while3A_240 = %while3A_187) -> (i32)  : i32 {
          %or3A = arith.ori %and3A_177, %gt3A_110 : i1
          %convert_element_type3A_241 = arith.extui %or3A : i1 to i32
          %cond3A_242 = arith.constant 0 : i32
          %cond3A_243 = arith.cmpi ne, %convert_element_type3A_241, %cond3A_242 : i32
          scf.if %cond3A_243 {
            %mul3A_327 = arith.constant 512 : i32
            %mul3A_328 = arith.muli %while3A_239, %mul3A_327 : i32
            %dma_start3A_329 = tpu.memref_slice %arg7[%mul3A_328] : memref<7168xi32, #tpu.memory_space<vmem>> -> memref<512xi32, #tpu.memory_space<vmem>>
            %dma_start3A_330 = arith.constant 0 : i32
            %dma_start3A_331 = arith.constant 0 : i32
            %dma_start3A_332 = tpu.memref_slice %arg2[%dma_start3A_330, %dma_start3A_331] : memref<48000x128xf32, #tpu.memory_space<hbm>> -> memref<48000x128xf32, #tpu.memory_space<hbm>>
            tpu.enqueue_indirect_dma source(%dma_start3A_332 : memref<48000x128xf32, #tpu.memory_space<hbm>>) target(%arg8 : memref<512x128xf32, #tpu.memory_space<vmem>>) offsets(%dma_start3A_329 : memref<512xi32, #tpu.memory_space<vmem>>) semaphore(%arg11 : memref<!tpu.dma_semaphore, #tpu.memory_space<semaphore_mem>>)
            %dma_wait3A_333 = tpu.memref_slice %arg7[%mul3A_328] : memref<7168xi32, #tpu.memory_space<vmem>> -> memref<512xi32, #tpu.memory_space<vmem>>
            %dma_wait3A_334 = arith.constant 0 : i32
            %dma_wait3A_335 = arith.constant 0 : i32
            %dma_wait3A_336 = tpu.memref_slice %arg2[%dma_wait3A_334, %dma_wait3A_335] : memref<48000x128xf32, #tpu.memory_space<hbm>> -> memref<48000x128xf32, #tpu.memory_space<hbm>>
            tpu.wait_indirect_dma semaphore(%arg11 : memref<!tpu.dma_semaphore, #tpu.memory_space<semaphore_mem>>) src(%dma_wait3A_336 : memref<48000x128xf32, #tpu.memory_space<hbm>>) dst(%arg8 : memref<512x128xf32, #tpu.memory_space<vmem>>)
          } else {
          }
          %mul3A_244 = arith.constant 32 : i32
          %mul3A_245 = arith.muli %while3A_239, %mul3A_244 : i32
          %sub3A_246 = arith.subi %select_n3A, %mul3A_245 : i32
          %min3A_247 = arith.constant 32 : i32
          %min3A_248 = arith.minsi %min3A_247, %sub3A_246 : i32
          %broadcast_in_dim3A_249 = arith.constant 0 : i32
          %broadcast_in_dim3A_250 = vector.broadcast %broadcast_in_dim3A_249 : i32 to vector<16xi32>
          %add3A_251 = vector.broadcast %add3A_172 : i32 to vector<16xi32>
          %add3A_252 = arith.addi %broadcast_in_dim3A_250, %add3A_251 : vector<16xi32>
          %jit3A_253 = arith.constant 4 : i32
          %div3A_254 = arith.divsi %min3A_248, %jit3A_253 : i32
          %sign3A_255 = arith.constant 0 : i32
          %sign3A_256 = arith.cmpi sgt, %min3A_248, %sign3A_255 : i32
          %sign3A_257 = arith.extui %sign3A_256 : i1 to i32
          %sign3A_258 = arith.constant 0 : i32
          %sign3A_259 = arith.cmpi slt, %min3A_248, %sign3A_258 : i32
          %sign3A_260 = arith.extui %sign3A_259 : i1 to i32
          %sign3A_261 = arith.subi %sign3A_257, %sign3A_260 : i32
          %sign3A_262 = arith.constant 0 : i32
          %sign3A_263 = arith.cmpi sgt, %jit3A_253, %sign3A_262 : i32
          %sign3A_264 = arith.extui %sign3A_263 : i1 to i32
          %sign3A_265 = arith.constant 0 : i32
          %sign3A_266 = arith.cmpi slt, %jit3A_253, %sign3A_265 : i32
          %sign3A_267 = arith.extui %sign3A_266 : i1 to i32
          %sign3A_268 = arith.subi %sign3A_264, %sign3A_267 : i32
          %ne3A_269 = arith.cmpi ne, %sign3A_261, %sign3A_268 : i32
          %rem3A_270 = arith.remsi %min3A_248, %jit3A_253 : i32
          %ne3A_271 = arith.constant 0 : i32
          %ne3A_272 = arith.cmpi ne, %rem3A_270, %ne3A_271 : i32
          %and3A_273 = arith.andi %ne3A_269, %ne3A_272 : i1
          %sub3A_274 = arith.constant 1 : i32
          %sub3A_275 = arith.subi %div3A_254, %sub3A_274 : i32
          %select_n3A_276 = arith.select %and3A_273, %sub3A_275, %div3A_254 : i32
          %while3A_277 = arith.constant 0 : i32
          %while3A_278 = arith.constant 0 : i32
          %while3A_279 = arith.subi %select_n3A_276, %while3A_277 : i32
          %while3A_280 = arith.addi %while3A_277, %while3A_279 : i32
          %while3A_281 = arith.constant 1 : i32
          %while3A_282 = arith.divsi %while3A_279, %while3A_281 : i32
          %while3A_283 = arith.muli %while3A_282, %while3A_281 : i32
          %while3A_284 = arith.addi %while3A_277, %while3A_283 : i32
          %while3A_285 = arith.constant 1 : i32
          %while3A_286 = scf.for %while3A_327 = %while3A_277 to %while3A_284 step %while3A_285 iter_args(%while3A_328 = %while3A_278) -> (i32)  : i32 {
            %mul3A_329 = arith.constant 4 : i32
            %mul3A_330 = arith.muli %while3A_327, %mul3A_329 : i32
            %add3A_331 = arith.constant 0 : i32
            %add3A_332 = arith.addi %mul3A_330, %add3A_331 : i32
            %mul3A_333 = arith.constant 16 : i32
            %mul3A_334 = arith.muli %add3A_332, %mul3A_333 : i32
            %add3A_335 = vector.broadcast %mul3A_334 : i32 to vector<16xi32>
            %add3A_336 = arith.addi %add3A_335, %iota3A : vector<16xi32>
            %mul3A_337 = arith.constant 512 : i32
            %mul3A_338 = arith.muli %while3A_239, %mul3A_337 : i32
            %mul3A_339 = arith.constant 16 : i32
            %mul3A_340 = arith.muli %add3A_332, %mul3A_339 : i32
            %add3A_341 = arith.addi %mul3A_338, %mul3A_340 : i32
            %get3A = arith.index_cast %add3A_341 : i32 to index
            %get3A_342 = tpu.vector_load %arg6[%get3A] {strides = array<i32>} : memref<7168xi32, #tpu.memory_space<vmem>>, vector<16xi32>,
            %gather3A = tpu.vector_load_idx %arg8[%add3A_336, %add3A_252] : memref<512x128xf32, #tpu.memory_space<vmem>>[vector<16xi32>, vector<16xi32>], vector<16xf32>,
            %shift_right_arithmetic3A = arith.constant 16 : i32
            %shift_right_arithmetic3A_343 = vector.broadcast %shift_right_arithmetic3A : i32 to vector<16xi32>
            %shift_right_arithmetic3A_344 = arith.shrsi %get3A_342, %shift_right_arithmetic3A_343 : vector<16xi32>
            %and3A_345 = arith.constant 65535 : i32
            %and3A_346 = vector.broadcast %and3A_345 : i32 to vector<16xi32>
            %and3A_347 = arith.andi %get3A_342, %and3A_346 : vector<16xi32>
            tpu.vector_store_idx %arg9[%shift_right_arithmetic3A_344, %and3A_347], %gather3A : memref<17x432xf32, #tpu.memory_space<vmem>>[vector<16xi32>, vector<16xi32>], vector<16xf32>,
            %mul3A_348 = arith.constant 4 : i32
            %mul3A_349 = arith.muli %while3A_327, %mul3A_348 : i32
            %add3A_350 = arith.constant 1 : i32
            %add3A_351 = arith.addi %mul3A_349, %add3A_350 : i32
            %mul3A_352 = arith.constant 16 : i32
            %mul3A_353 = arith.muli %add3A_351, %mul3A_352 : i32
            %add3A_354 = vector.broadcast %mul3A_353 : i32 to vector<16xi32>
            %add3A_355 = arith.addi %add3A_354, %iota3A : vector<16xi32>
            %mul3A_356 = arith.constant 512 : i32
            %mul3A_357 = arith.muli %while3A_239, %mul3A_356 : i32
            %mul3A_358 = arith.constant 16 : i32
            %mul3A_359 = arith.muli %add3A_351, %mul3A_358 : i32
            %add3A_360 = arith.addi %mul3A_357, %mul3A_359 : i32
            %get3A_361 = arith.index_cast %add3A_360 : i32 to index
            %get3A_362 = tpu.vector_load %arg6[%get3A_361] {strides = array<i32>} : memref<7168xi32, #tpu.memory_space<vmem>>, vector<16xi32>,
            %gather3A_363 = tpu.vector_load_idx %arg8[%add3A_355, %add3A_252] : memref<512x128xf32, #tpu.memory_space<vmem>>[vector<16xi32>, vector<16xi32>], vector<16xf32>,
            %shift_right_arithmetic3A_364 = arith.constant 16 : i32
            %shift_right_arithmetic3A_365 = vector.broadcast %shift_right_arithmetic3A_364 : i32 to vector<16xi32>
            %shift_right_arithmetic3A_366 = arith.shrsi %get3A_362, %shift_right_arithmetic3A_365 : vector<16xi32>
            %and3A_367 = arith.constant 65535 : i32
            %and3A_368 = vector.broadcast %and3A_367 : i32 to vector<16xi32>
            %and3A_369 = arith.andi %get3A_362, %and3A_368 : vector<16xi32>
            tpu.vector_store_idx %arg9[%shift_right_arithmetic3A_366, %and3A_369], %gather3A_363 : memref<17x432xf32, #tpu.memory_space<vmem>>[vector<16xi32>, vector<16xi32>], vector<16xf32>,
            %mul3A_370 = arith.constant 4 : i32
            %mul3A_371 = arith.muli %while3A_327, %mul3A_370 : i32
            %add3A_372 = arith.constant 2 : i32
            %add3A_373 = arith.addi %mul3A_371, %add3A_372 : i32
            %mul3A_374 = arith.constant 16 : i32
            %mul3A_375 = arith.muli %add3A_373, %mul3A_374 : i32
            %add3A_376 = vector.broadcast %mul3A_375 : i32 to vector<16xi32>
            %add3A_377 = arith.addi %add3A_376, %iota3A : vector<16xi32>
            %mul3A_378 = arith.constant 512 : i32
            %mul3A_379 = arith.muli %while3A_239, %mul3A_378 : i32
            %mul3A_380 = arith.constant 16 : i32
            %mul3A_381 = arith.muli %add3A_373, %mul3A_380 : i32
            %add3A_382 = arith.addi %mul3A_379, %mul3A_381 : i32
            %get3A_383 = arith.index_cast %add3A_382 : i32 to index
            %get3A_384 = tpu.vector_load %arg6[%get3A_383] {strides = array<i32>} : memref<7168xi32, #tpu.memory_space<vmem>>, vector<16xi32>,
            %gather3A_385 = tpu.vector_load_idx %arg8[%add3A_377, %add3A_252] : memref<512x128xf32, #tpu.memory_space<vmem>>[vector<16xi32>, vector<16xi32>], vector<16xf32>,
            %shift_right_arithmetic3A_386 = arith.constant 16 : i32
            %shift_right_arithmetic3A_387 = vector.broadcast %shift_right_arithmetic3A_386 : i32 to vector<16xi32>
            %shift_right_arithmetic3A_388 = arith.shrsi %get3A_384, %shift_right_arithmetic3A_387 : vector<16xi32>
            %and3A_389 = arith.constant 65535 : i32
            %and3A_390 = vector.broadcast %and3A_389 : i32 to vector<16xi32>
            %and3A_391 = arith.andi %get3A_384, %and3A_390 : vector<16xi32>
            tpu.vector_store_idx %arg9[%shift_right_arithmetic3A_388, %and3A_391], %gather3A_385 : memref<17x432xf32, #tpu.memory_space<vmem>>[vector<16xi32>, vector<16xi32>], vector<16xf32>,
            %mul3A_392 = arith.constant 4 : i32
            %mul3A_393 = arith.muli %while3A_327, %mul3A_392 : i32
            %add3A_394 = arith.constant 3 : i32
            %add3A_395 = arith.addi %mul3A_393, %add3A_394 : i32
            %mul3A_396 = arith.constant 16 : i32
            %mul3A_397 = arith.muli %add3A_395, %mul3A_396 : i32
            %add3A_398 = vector.broadcast %mul3A_397 : i32 to vector<16xi32>
            %add3A_399 = arith.addi %add3A_398, %iota3A : vector<16xi32>
            %mul3A_400 = arith.constant 512 : i32
            %mul3A_401 = arith.muli %while3A_239, %mul3A_400 : i32
            %mul3A_402 = arith.constant 16 : i32
            %mul3A_403 = arith.muli %add3A_395, %mul3A_402 : i32
            %add3A_404 = arith.addi %mul3A_401, %mul3A_403 : i32
            %get3A_405 = arith.index_cast %add3A_404 : i32 to index
            %get3A_406 = tpu.vector_load %arg6[%get3A_405] {strides = array<i32>} : memref<7168xi32, #tpu.memory_space<vmem>>, vector<16xi32>,
            %gather3A_407 = tpu.vector_load_idx %arg8[%add3A_399, %add3A_252] : memref<512x128xf32, #tpu.memory_space<vmem>>[vector<16xi32>, vector<16xi32>], vector<16xf32>,
            %shift_right_arithmetic3A_408 = arith.constant 16 : i32
            %shift_right_arithmetic3A_409 = vector.broadcast %shift_right_arithmetic3A_408 : i32 to vector<16xi32>
            %shift_right_arithmetic3A_410 = arith.shrsi %get3A_406, %shift_right_arithmetic3A_409 : vector<16xi32>
            %and3A_411 = arith.constant 65535 : i32
            %and3A_412 = vector.broadcast %and3A_411 : i32 to vector<16xi32>
            %and3A_413 = arith.andi %get3A_406, %and3A_412 : vector<16xi32>
            tpu.vector_store_idx %arg9[%shift_right_arithmetic3A_410, %and3A_413], %gather3A_407 : memref<17x432xf32, #tpu.memory_space<vmem>>[vector<16xi32>, vector<16xi32>], vector<16xf32>,
            %while3A_414 = arith.constant 0 : i32
            scf.yield %while3A_414 : i32
          }
          %while3A_287 = arith.constant 1 : i32
          %while3A_288 = scf.for %while3A_327 = %while3A_284 to %while3A_280 step %while3A_287 iter_args(%while3A_328 = %while3A_286) -> (i32)  : i32 {
            %mul3A_329 = arith.constant 4 : i32
            %mul3A_330 = arith.muli %while3A_327, %mul3A_329 : i32
            %add3A_331 = arith.constant 0 : i32
            %add3A_332 = arith.addi %mul3A_330, %add3A_331 : i32
            %mul3A_333 = arith.constant 16 : i32
            %mul3A_334 = arith.muli %add3A_332, %mul3A_333 : i32
            %add3A_335 = vector.broadcast %mul3A_334 : i32 to vector<16xi32>
            %add3A_336 = arith.addi %add3A_335, %iota3A : vector<16xi32>
            %mul3A_337 = arith.constant 512 : i32
            %mul3A_338 = arith.muli %while3A_239, %mul3A_337 : i32
            %mul3A_339 = arith.constant 16 : i32
            %mul3A_340 = arith.muli %add3A_332, %mul3A_339 : i32
            %add3A_341 = arith.addi %mul3A_338, %mul3A_340 : i32
            %get3A = arith.index_cast %add3A_341 : i32 to index
            %get3A_342 = tpu.vector_load %arg6[%get3A] {strides = array<i32>} : memref<7168xi32, #tpu.memory_space<vmem>>, vector<16xi32>,
            %gather3A = tpu.vector_load_idx %arg8[%add3A_336, %add3A_252] : memref<512x128xf32, #tpu.memory_space<vmem>>[vector<16xi32>, vector<16xi32>], vector<16xf32>,
            %shift_right_arithmetic3A = arith.constant 16 : i32
            %shift_right_arithmetic3A_343 = vector.broadcast %shift_right_arithmetic3A : i32 to vector<16xi32>
            %shift_right_arithmetic3A_344 = arith.shrsi %get3A_342, %shift_right_arithmetic3A_343 : vector<16xi32>
            %and3A_345 = arith.constant 65535 : i32
            %and3A_346 = vector.broadcast %and3A_345 : i32 to vector<16xi32>
            %and3A_347 = arith.andi %get3A_342, %and3A_346 : vector<16xi32>
            tpu.vector_store_idx %arg9[%shift_right_arithmetic3A_344, %and3A_347], %gather3A : memref<17x432xf32, #tpu.memory_space<vmem>>[vector<16xi32>, vector<16xi32>], vector<16xf32>,
            %mul3A_348 = arith.constant 4 : i32
            %mul3A_349 = arith.muli %while3A_327, %mul3A_348 : i32
            %add3A_350 = arith.constant 1 : i32
            %add3A_351 = arith.addi %mul3A_349, %add3A_350 : i32
            %mul3A_352 = arith.constant 16 : i32
            %mul3A_353 = arith.muli %add3A_351, %mul3A_352 : i32
            %add3A_354 = vector.broadcast %mul3A_353 : i32 to vector<16xi32>
            %add3A_355 = arith.addi %add3A_354, %iota3A : vector<16xi32>
            %mul3A_356 = arith.constant 512 : i32
            %mul3A_357 = arith.muli %while3A_239, %mul3A_356 : i32
            %mul3A_358 = arith.constant 16 : i32
            %mul3A_359 = arith.muli %add3A_351, %mul3A_358 : i32
            %add3A_360 = arith.addi %mul3A_357, %mul3A_359 : i32
            %get3A_361 = arith.index_cast %add3A_360 : i32 to index
            %get3A_362 = tpu.vector_load %arg6[%get3A_361] {strides = array<i32>} : memref<7168xi32, #tpu.memory_space<vmem>>, vector<16xi32>,
            %gather3A_363 = tpu.vector_load_idx %arg8[%add3A_355, %add3A_252] : memref<512x128xf32, #tpu.memory_space<vmem>>[vector<16xi32>, vector<16xi32>], vector<16xf32>,
            %shift_right_arithmetic3A_364 = arith.constant 16 : i32
            %shift_right_arithmetic3A_365 = vector.broadcast %shift_right_arithmetic3A_364 : i32 to vector<16xi32>
            %shift_right_arithmetic3A_366 = arith.shrsi %get3A_362, %shift_right_arithmetic3A_365 : vector<16xi32>
            %and3A_367 = arith.constant 65535 : i32
            %and3A_368 = vector.broadcast %and3A_367 : i32 to vector<16xi32>
            %and3A_369 = arith.andi %get3A_362, %and3A_368 : vector<16xi32>
            tpu.vector_store_idx %arg9[%shift_right_arithmetic3A_366, %and3A_369], %gather3A_363 : memref<17x432xf32, #tpu.memory_space<vmem>>[vector<16xi32>, vector<16xi32>], vector<16xf32>,
            %mul3A_370 = arith.constant 4 : i32
            %mul3A_371 = arith.muli %while3A_327, %mul3A_370 : i32
            %add3A_372 = arith.constant 2 : i32
            %add3A_373 = arith.addi %mul3A_371, %add3A_372 : i32
            %mul3A_374 = arith.constant 16 : i32
            %mul3A_375 = arith.muli %add3A_373, %mul3A_374 : i32
            %add3A_376 = vector.broadcast %mul3A_375 : i32 to vector<16xi32>
            %add3A_377 = arith.addi %add3A_376, %iota3A : vector<16xi32>
            %mul3A_378 = arith.constant 512 : i32
            %mul3A_379 = arith.muli %while3A_239, %mul3A_378 : i32
            %mul3A_380 = arith.constant 16 : i32
            %mul3A_381 = arith.muli %add3A_373, %mul3A_380 : i32
            %add3A_382 = arith.addi %mul3A_379, %mul3A_381 : i32
            %get3A_383 = arith.index_cast %add3A_382 : i32 to index
            %get3A_384 = tpu.vector_load %arg6[%get3A_383] {strides = array<i32>} : memref<7168xi32, #tpu.memory_space<vmem>>, vector<16xi32>,
            %gather3A_385 = tpu.vector_load_idx %arg8[%add3A_377, %add3A_252] : memref<512x128xf32, #tpu.memory_space<vmem>>[vector<16xi32>, vector<16xi32>], vector<16xf32>,
            %shift_right_arithmetic3A_386 = arith.constant 16 : i32
            %shift_right_arithmetic3A_387 = vector.broadcast %shift_right_arithmetic3A_386 : i32 to vector<16xi32>
            %shift_right_arithmetic3A_388 = arith.shrsi %get3A_384, %shift_right_arithmetic3A_387 : vector<16xi32>
            %and3A_389 = arith.constant 65535 : i32
            %and3A_390 = vector.broadcast %and3A_389 : i32 to vector<16xi32>
            %and3A_391 = arith.andi %get3A_384, %and3A_390 : vector<16xi32>
            tpu.vector_store_idx %arg9[%shift_right_arithmetic3A_388, %and3A_391], %gather3A_385 : memref<17x432xf32, #tpu.memory_space<vmem>>[vector<16xi32>, vector<16xi32>], vector<16xf32>,
            %mul3A_392 = arith.constant 4 : i32
            %mul3A_393 = arith.muli %while3A_327, %mul3A_392 : i32
            %add3A_394 = arith.constant 3 : i32
            %add3A_395 = arith.addi %mul3A_393, %add3A_394 : i32
            %mul3A_396 = arith.constant 16 : i32
            %mul3A_397 = arith.muli %add3A_395, %mul3A_396 : i32
            %add3A_398 = vector.broadcast %mul3A_397 : i32 to vector<16xi32>
            %add3A_399 = arith.addi %add3A_398, %iota3A : vector<16xi32>
            %mul3A_400 = arith.constant 512 : i32
            %mul3A_401 = arith.muli %while3A_239, %mul3A_400 : i32
            %mul3A_402 = arith.constant 16 : i32
            %mul3A_403 = arith.muli %add3A_395, %mul3A_402 : i32
            %add3A_404 = arith.addi %mul3A_401, %mul3A_403 : i32
            %get3A_405 = arith.index_cast %add3A_404 : i32 to index
            %get3A_406 = tpu.vector_load %arg6[%get3A_405] {strides = array<i32>} : memref<7168xi32, #tpu.memory_space<vmem>>, vector<16xi32>,
            %gather3A_407 = tpu.vector_load_idx %arg8[%add3A_399, %add3A_252] : memref<512x128xf32, #tpu.memory_space<vmem>>[vector<16xi32>, vector<16xi32>], vector<16xf32>,
            %shift_right_arithmetic3A_408 = arith.constant 16 : i32
            %shift_right_arithmetic3A_409 = vector.broadcast %shift_right_arithmetic3A_408 : i32 to vector<16xi32>
            %shift_right_arithmetic3A_410 = arith.shrsi %get3A_406, %shift_right_arithmetic3A_409 : vector<16xi32>
            %and3A_411 = arith.constant 65535 : i32
            %and3A_412 = vector.broadcast %and3A_411 : i32 to vector<16xi32>
            %and3A_413 = arith.andi %get3A_406, %and3A_412 : vector<16xi32>
            tpu.vector_store_idx %arg9[%shift_right_arithmetic3A_410, %and3A_413], %gather3A_407 : memref<17x432xf32, #tpu.memory_space<vmem>>[vector<16xi32>, vector<16xi32>], vector<16xf32>,
            %while3A_414 = arith.constant 0 : i32
            scf.yield %while3A_414 : i32
          }
          %jit3A_289 = arith.constant 4 : i32
          %div3A_290 = arith.divsi %min3A_248, %jit3A_289 : i32
          %sign3A_291 = arith.constant 0 : i32
          %sign3A_292 = arith.cmpi sgt, %min3A_248, %sign3A_291 : i32
          %sign3A_293 = arith.extui %sign3A_292 : i1 to i32
          %sign3A_294 = arith.constant 0 : i32
          %sign3A_295 = arith.cmpi slt, %min3A_248, %sign3A_294 : i32
          %sign3A_296 = arith.extui %sign3A_295 : i1 to i32
          %sign3A_297 = arith.subi %sign3A_293, %sign3A_296 : i32
          %sign3A_298 = arith.constant 0 : i32
          %sign3A_299 = arith.cmpi sgt, %jit3A_289, %sign3A_298 : i32
          %sign3A_300 = arith.extui %sign3A_299 : i1 to i32
          %sign3A_301 = arith.constant 0 : i32
          %sign3A_302 = arith.cmpi slt, %jit3A_289, %sign3A_301 : i32
          %sign3A_303 = arith.extui %sign3A_302 : i1 to i32
          %sign3A_304 = arith.subi %sign3A_300, %sign3A_303 : i32
          %ne3A_305 = arith.cmpi ne, %sign3A_297, %sign3A_304 : i32
          %rem3A_306 = arith.remsi %min3A_248, %jit3A_289 : i32
          %ne3A_307 = arith.constant 0 : i32
          %ne3A_308 = arith.cmpi ne, %rem3A_306, %ne3A_307 : i32
          %and3A_309 = arith.andi %ne3A_305, %ne3A_308 : i1
          %sub3A_310 = arith.constant 1 : i32
          %sub3A_311 = arith.subi %div3A_290, %sub3A_310 : i32
          %select_n3A_312 = arith.select %and3A_309, %sub3A_311, %div3A_290 : i32
          %mul3A_313 = arith.constant 4 : i32
          %mul3A_314 = arith.muli %select_n3A_312, %mul3A_313 : i32
          %while3A_315 = arith.constant 0 : i32
          %while3A_316 = arith.subi %min3A_248, %mul3A_314 : i32
          %while3A_317 = arith.addi %mul3A_314, %while3A_316 : i32
          %while3A_318 = arith.constant 1 : i32
          %while3A_319 = arith.divsi %while3A_316, %while3A_318 : i32
          %while3A_320 = arith.muli %while3A_319, %while3A_318 : i32
          %while3A_321 = arith.addi %mul3A_314, %while3A_320 : i32
          %while3A_322 = arith.constant 1 : i32
          %while3A_323 = scf.for %while3A_327 = %mul3A_314 to %while3A_321 step %while3A_322 iter_args(%while3A_328 = %while3A_315) -> (i32)  : i32 {
            %mul3A_329 = arith.constant 16 : i32
            %mul3A_330 = arith.muli %while3A_327, %mul3A_329 : i32
            %add3A_331 = vector.broadcast %mul3A_330 : i32 to vector<16xi32>
            %add3A_332 = arith.addi %add3A_331, %iota3A : vector<16xi32>
            %mul3A_333 = arith.constant 512 : i32
            %mul3A_334 = arith.muli %while3A_239, %mul3A_333 : i32
            %mul3A_335 = arith.constant 16 : i32
            %mul3A_336 = arith.muli %while3A_327, %mul3A_335 : i32
            %add3A_337 = arith.addi %mul3A_334, %mul3A_336 : i32
            %get3A = arith.index_cast %add3A_337 : i32 to index
            %get3A_338 = tpu.vector_load %arg6[%get3A] {strides = array<i32>} : memref<7168xi32, #tpu.memory_space<vmem>>, vector<16xi32>,
            %gather3A = tpu.vector_load_idx %arg8[%add3A_332, %add3A_252] : memref<512x128xf32, #tpu.memory_space<vmem>>[vector<16xi32>, vector<16xi32>], vector<16xf32>,
            %shift_right_arithmetic3A = arith.constant 16 : i32
            %shift_right_arithmetic3A_339 = vector.broadcast %shift_right_arithmetic3A : i32 to vector<16xi32>
            %shift_right_arithmetic3A_340 = arith.shrsi %get3A_338, %shift_right_arithmetic3A_339 : vector<16xi32>
            %and3A_341 = arith.constant 65535 : i32
            %and3A_342 = vector.broadcast %and3A_341 : i32 to vector<16xi32>
            %and3A_343 = arith.andi %get3A_338, %and3A_342 : vector<16xi32>
            tpu.vector_store_idx %arg9[%shift_right_arithmetic3A_340, %and3A_343], %gather3A : memref<17x432xf32, #tpu.memory_space<vmem>>[vector<16xi32>, vector<16xi32>], vector<16xf32>,
            %while3A_344 = arith.constant 0 : i32
            scf.yield %while3A_344 : i32
          }
          %while3A_324 = arith.constant 1 : i32
          %while3A_325 = scf.for %while3A_327 = %while3A_321 to %while3A_317 step %while3A_324 iter_args(%while3A_328 = %while3A_323) -> (i32)  : i32 {
            %mul3A_329 = arith.constant 16 : i32
            %mul3A_330 = arith.muli %while3A_327, %mul3A_329 : i32
            %add3A_331 = vector.broadcast %mul3A_330 : i32 to vector<16xi32>
            %add3A_332 = arith.addi %add3A_331, %iota3A : vector<16xi32>
            %mul3A_333 = arith.constant 512 : i32
            %mul3A_334 = arith.muli %while3A_239, %mul3A_333 : i32
            %mul3A_335 = arith.constant 16 : i32
            %mul3A_336 = arith.muli %while3A_327, %mul3A_335 : i32
            %add3A_337 = arith.addi %mul3A_334, %mul3A_336 : i32
            %get3A = arith.index_cast %add3A_337 : i32 to index
            %get3A_338 = tpu.vector_load %arg6[%get3A] {strides = array<i32>} : memref<7168xi32, #tpu.memory_space<vmem>>, vector<16xi32>,
            %gather3A = tpu.vector_load_idx %arg8[%add3A_332, %add3A_252] : memref<512x128xf32, #tpu.memory_space<vmem>>[vector<16xi32>, vector<16xi32>], vector<16xf32>,
            %shift_right_arithmetic3A = arith.constant 16 : i32
            %shift_right_arithmetic3A_339 = vector.broadcast %shift_right_arithmetic3A : i32 to vector<16xi32>
            %shift_right_arithmetic3A_340 = arith.shrsi %get3A_338, %shift_right_arithmetic3A_339 : vector<16xi32>
            %and3A_341 = arith.constant 65535 : i32
            %and3A_342 = vector.broadcast %and3A_341 : i32 to vector<16xi32>
            %and3A_343 = arith.andi %get3A_338, %and3A_342 : vector<16xi32>
            tpu.vector_store_idx %arg9[%shift_right_arithmetic3A_340, %and3A_343], %gather3A : memref<17x432xf32, #tpu.memory_space<vmem>>[vector<16xi32>, vector<16xi32>], vector<16xf32>,
            %while3A_344 = arith.constant 0 : i32
            scf.yield %while3A_344 : i32
          }
          %while3A_326 = arith.constant 0 : i32
          scf.yield %while3A_326 : i32
        }
        %dma_start3A = arith.constant 0 : i32
        %dma_start3A_190 = arith.constant 0 : i32
        %dma_start3A_191 = tpu.memref_slice %arg9[%dma_start3A, %dma_start3A_190] : memref<17x432xf32, #tpu.memory_space<vmem>> -> memref<16x432xf32, #tpu.memory_space<vmem>>
        %dma_start3A_192 = arith.constant 0 : i32
        %dma_start3A_193 = tpu.memref_slice %arg4[%scan3A_34, %add3A_172, %min3A_3, %dma_start3A_192] : memref<4x64x496x432xf32, #tpu.memory_space<hbm>> -> memref<1x1x16x432xf32, #tpu.memory_space<hbm>>
        %dma_start3A_194 = tpu.memref_squeeze %dma_start3A_193 : memref<1x1x16x432xf32, #tpu.memory_space<hbm>> -> memref<16x432xf32, #tpu.memory_space<hbm>>
        %dma_start3A_195 = arith.constant 0 : i32
        %dma_start3A_196 = tpu.memref_slice %arg4[%scan3A_34, %add3A_172, %min3A_3, %dma_start3A_195] : memref<4x64x496x432xf32, #tpu.memory_space<hbm>> -> memref<1x1x16x432xf32, #tpu.memory_space<hbm>>
        %dma_start3A_197 = tpu.memref_squeeze %dma_start3A_196 : memref<1x1x16x432xf32, #tpu.memory_space<hbm>> -> memref<16x432xf32, #tpu.memory_space<hbm>>
        %dma_start3A_198 = arith.constant 0 : i32
        %dma_start3A_199 = arith.constant 0 : i32
        %dma_start3A_200 = tpu.memref_slice %arg9[%dma_start3A_198, %dma_start3A_199] : memref<17x432xf32, #tpu.memory_space<vmem>> -> memref<16x432xf32, #tpu.memory_space<vmem>>
        tpu.enqueue_dma source(%dma_start3A_200 : memref<16x432xf32, #tpu.memory_space<vmem>>) target(%dma_start3A_197 : memref<16x432xf32, #tpu.memory_space<hbm>>) target_semaphore(%arg12 : memref<!tpu.dma_semaphore, #tpu.memory_space<semaphore_mem>>)
        %mul3A_201 = arith.constant 2 : i32
        %mul3A_202 = arith.muli %mul3A_201, %scan3A_167 : i32
        %add3A_203 = arith.constant 1 : i32
        %add3A_204 = arith.addi %mul3A_202, %add3A_203 : i32
        %ge3A_205 = arith.constant 1 : i32
        %ge3A_206 = arith.cmpi sge, %scan3A_167, %ge3A_205 : i32
        %convert_element_type3A_207 = arith.extui %ge3A_206 : i1 to i32
        %cond3A_208 = arith.constant 0 : i32
        %cond3A_209 = arith.cmpi ne, %convert_element_type3A_207, %cond3A_208 : i32
        scf.if %cond3A_209 {
          %dma_wait3A_239 = arith.constant 0 : i32
          %dma_wait3A_240 = arith.constant 0 : i32
          %dma_wait3A_241 = tpu.memref_slice %arg9[%dma_wait3A_239, %dma_wait3A_240] : memref<17x432xf32, #tpu.memory_space<vmem>> -> memref<16x432xf32, #tpu.memory_space<vmem>>
          %dma_wait3A_242 = arith.constant 0 : i32
          %dma_wait3A_243 = tpu.memref_slice %arg4[%scan3A_34, %add3A_204, %min3A_3, %dma_wait3A_242] : memref<4x64x496x432xf32, #tpu.memory_space<hbm>> -> memref<1x1x16x432xf32, #tpu.memory_space<hbm>>
          %dma_wait3A_244 = tpu.memref_squeeze %dma_wait3A_243 : memref<1x1x16x432xf32, #tpu.memory_space<hbm>> -> memref<16x432xf32, #tpu.memory_space<hbm>>
          %dma_wait3A_245 = arith.constant 0 : i32
          %dma_wait3A_246 = tpu.memref_slice %arg4[%scan3A_34, %add3A_204, %min3A_3, %dma_wait3A_245] : memref<4x64x496x432xf32, #tpu.memory_space<hbm>> -> memref<1x1x16x432xf32, #tpu.memory_space<hbm>>
          %dma_wait3A_247 = tpu.memref_squeeze %dma_wait3A_246 : memref<1x1x16x432xf32, #tpu.memory_space<hbm>> -> memref<16x432xf32, #tpu.memory_space<hbm>>
          %dma_wait3A_248 = arith.constant 0 : i32
          %dma_wait3A_249 = arith.constant 0 : i32
          %dma_wait3A_250 = tpu.memref_slice %arg9[%dma_wait3A_248, %dma_wait3A_249] : memref<17x432xf32, #tpu.memory_space<vmem>> -> memref<16x432xf32, #tpu.memory_space<vmem>>
          tpu.wait_dma2 semaphore(%arg13 : memref<!tpu.dma_semaphore, #tpu.memory_space<semaphore_mem>>) src(%dma_wait3A_250 : memref<16x432xf32, #tpu.memory_space<vmem>>) dst(%dma_wait3A_247 : memref<16x432xf32, #tpu.memory_space<hbm>>)
        } else {
        }
        %eq3A_210 = arith.constant 0 : i32
        %eq3A_211 = arith.cmpi eq, %scan3A_167, %eq3A_210 : i32
        %and3A_212 = arith.constant false
        %and3A_213 = arith.andi %eq3A_211, %and3A_212 : i1
        %while3A_214 = arith.constant 0 : i32
        %while3A_215 = arith.constant 0 : i32
        %while3A_216 = arith.subi %select_n3A_109, %while3A_214 : i32
        %while3A_217 = arith.addi %while3A_214, %while3A_216 : i32
        %while3A_218 = arith.constant 1 : i32
        %while3A_219 = arith.divsi %while3A_216, %while3A_218 : i32
        %while3A_220 = arith.muli %while3A_219, %while3A_218 : i32
        %while3A_221 = arith.addi %while3A_214, %while3A_220 : i32
        %while3A_222 = arith.constant 1 : i32
        %while3A_223 = scf.for %while3A_239 = %while3A_214 to %while3A_221 step %while3A_222 iter_args(%while3A_240 = %while3A_215) -> (i32)  : i32 {
          %or3A = arith.ori %and3A_213, %gt3A_110 : i1
          %convert_element_type3A_241 = arith.extui %or3A : i1 to i32
          %cond3A_242 = arith.constant 0 : i32
          %cond3A_243 = arith.cmpi ne, %convert_element_type3A_241, %cond3A_242 : i32
          scf.if %cond3A_243 {
            %mul3A_327 = arith.constant 512 : i32
            %mul3A_328 = arith.muli %while3A_239, %mul3A_327 : i32
            %dma_start3A_329 = tpu.memref_slice %arg7[%mul3A_328] : memref<7168xi32, #tpu.memory_space<vmem>> -> memref<512xi32, #tpu.memory_space<vmem>>
            %dma_start3A_330 = arith.constant 0 : i32
            %dma_start3A_331 = arith.constant 0 : i32
            %dma_start3A_332 = tpu.memref_slice %arg2[%dma_start3A_330, %dma_start3A_331] : memref<48000x128xf32, #tpu.memory_space<hbm>> -> memref<48000x128xf32, #tpu.memory_space<hbm>>
            tpu.enqueue_indirect_dma source(%dma_start3A_332 : memref<48000x128xf32, #tpu.memory_space<hbm>>) target(%arg8 : memref<512x128xf32, #tpu.memory_space<vmem>>) offsets(%dma_start3A_329 : memref<512xi32, #tpu.memory_space<vmem>>) semaphore(%arg11 : memref<!tpu.dma_semaphore, #tpu.memory_space<semaphore_mem>>)
            %dma_wait3A_333 = tpu.memref_slice %arg7[%mul3A_328] : memref<7168xi32, #tpu.memory_space<vmem>> -> memref<512xi32, #tpu.memory_space<vmem>>
            %dma_wait3A_334 = arith.constant 0 : i32
            %dma_wait3A_335 = arith.constant 0 : i32
            %dma_wait3A_336 = tpu.memref_slice %arg2[%dma_wait3A_334, %dma_wait3A_335] : memref<48000x128xf32, #tpu.memory_space<hbm>> -> memref<48000x128xf32, #tpu.memory_space<hbm>>
            tpu.wait_indirect_dma semaphore(%arg11 : memref<!tpu.dma_semaphore, #tpu.memory_space<semaphore_mem>>) src(%dma_wait3A_336 : memref<48000x128xf32, #tpu.memory_space<hbm>>) dst(%arg8 : memref<512x128xf32, #tpu.memory_space<vmem>>)
          } else {
          }
          %mul3A_244 = arith.constant 32 : i32
          %mul3A_245 = arith.muli %while3A_239, %mul3A_244 : i32
          %sub3A_246 = arith.subi %select_n3A, %mul3A_245 : i32
          %min3A_247 = arith.constant 32 : i32
          %min3A_248 = arith.minsi %min3A_247, %sub3A_246 : i32
          %broadcast_in_dim3A_249 = arith.constant 0 : i32
          %broadcast_in_dim3A_250 = vector.broadcast %broadcast_in_dim3A_249 : i32 to vector<16xi32>
          %add3A_251 = vector.broadcast %add3A_204 : i32 to vector<16xi32>
          %add3A_252 = arith.addi %broadcast_in_dim3A_250, %add3A_251 : vector<16xi32>
          %jit3A_253 = arith.constant 4 : i32
          %div3A_254 = arith.divsi %min3A_248, %jit3A_253 : i32
          %sign3A_255 = arith.constant 0 : i32
          %sign3A_256 = arith.cmpi sgt, %min3A_248, %sign3A_255 : i32
          %sign3A_257 = arith.extui %sign3A_256 : i1 to i32
          %sign3A_258 = arith.constant 0 : i32
          %sign3A_259 = arith.cmpi slt, %min3A_248, %sign3A_258 : i32
          %sign3A_260 = arith.extui %sign3A_259 : i1 to i32
          %sign3A_261 = arith.subi %sign3A_257, %sign3A_260 : i32
          %sign3A_262 = arith.constant 0 : i32
          %sign3A_263 = arith.cmpi sgt, %jit3A_253, %sign3A_262 : i32
          %sign3A_264 = arith.extui %sign3A_263 : i1 to i32
          %sign3A_265 = arith.constant 0 : i32
          %sign3A_266 = arith.cmpi slt, %jit3A_253, %sign3A_265 : i32
          %sign3A_267 = arith.extui %sign3A_266 : i1 to i32
          %sign3A_268 = arith.subi %sign3A_264, %sign3A_267 : i32
          %ne3A_269 = arith.cmpi ne, %sign3A_261, %sign3A_268 : i32
          %rem3A_270 = arith.remsi %min3A_248, %jit3A_253 : i32
          %ne3A_271 = arith.constant 0 : i32
          %ne3A_272 = arith.cmpi ne, %rem3A_270, %ne3A_271 : i32
          %and3A_273 = arith.andi %ne3A_269, %ne3A_272 : i1
          %sub3A_274 = arith.constant 1 : i32
          %sub3A_275 = arith.subi %div3A_254, %sub3A_274 : i32
          %select_n3A_276 = arith.select %and3A_273, %sub3A_275, %div3A_254 : i32
          %while3A_277 = arith.constant 0 : i32
          %while3A_278 = arith.constant 0 : i32
          %while3A_279 = arith.subi %select_n3A_276, %while3A_277 : i32
          %while3A_280 = arith.addi %while3A_277, %while3A_279 : i32
          %while3A_281 = arith.constant 1 : i32
          %while3A_282 = arith.divsi %while3A_279, %while3A_281 : i32
          %while3A_283 = arith.muli %while3A_282, %while3A_281 : i32
          %while3A_284 = arith.addi %while3A_277, %while3A_283 : i32
          %while3A_285 = arith.constant 1 : i32
          %while3A_286 = scf.for %while3A_327 = %while3A_277 to %while3A_284 step %while3A_285 iter_args(%while3A_328 = %while3A_278) -> (i32)  : i32 {
            %mul3A_329 = arith.constant 4 : i32
            %mul3A_330 = arith.muli %while3A_327, %mul3A_329 : i32
            %add3A_331 = arith.constant 0 : i32
            %add3A_332 = arith.addi %mul3A_330, %add3A_331 : i32
            %mul3A_333 = arith.constant 16 : i32
            %mul3A_334 = arith.muli %add3A_332, %mul3A_333 : i32
            %add3A_335 = vector.broadcast %mul3A_334 : i32 to vector<16xi32>
            %add3A_336 = arith.addi %add3A_335, %iota3A : vector<16xi32>
            %mul3A_337 = arith.constant 512 : i32
            %mul3A_338 = arith.muli %while3A_239, %mul3A_337 : i32
            %mul3A_339 = arith.constant 16 : i32
            %mul3A_340 = arith.muli %add3A_332, %mul3A_339 : i32
            %add3A_341 = arith.addi %mul3A_338, %mul3A_340 : i32
            %get3A = arith.index_cast %add3A_341 : i32 to index
            %get3A_342 = tpu.vector_load %arg6[%get3A] {strides = array<i32>} : memref<7168xi32, #tpu.memory_space<vmem>>, vector<16xi32>,
            %gather3A = tpu.vector_load_idx %arg8[%add3A_336, %add3A_252] : memref<512x128xf32, #tpu.memory_space<vmem>>[vector<16xi32>, vector<16xi32>], vector<16xf32>,
            %shift_right_arithmetic3A = arith.constant 16 : i32
            %shift_right_arithmetic3A_343 = vector.broadcast %shift_right_arithmetic3A : i32 to vector<16xi32>
            %shift_right_arithmetic3A_344 = arith.shrsi %get3A_342, %shift_right_arithmetic3A_343 : vector<16xi32>
            %and3A_345 = arith.constant 65535 : i32
            %and3A_346 = vector.broadcast %and3A_345 : i32 to vector<16xi32>
            %and3A_347 = arith.andi %get3A_342, %and3A_346 : vector<16xi32>
            tpu.vector_store_idx %arg10[%shift_right_arithmetic3A_344, %and3A_347], %gather3A : memref<17x432xf32, #tpu.memory_space<vmem>>[vector<16xi32>, vector<16xi32>], vector<16xf32>,
            %mul3A_348 = arith.constant 4 : i32
            %mul3A_349 = arith.muli %while3A_327, %mul3A_348 : i32
            %add3A_350 = arith.constant 1 : i32
            %add3A_351 = arith.addi %mul3A_349, %add3A_350 : i32
            %mul3A_352 = arith.constant 16 : i32
            %mul3A_353 = arith.muli %add3A_351, %mul3A_352 : i32
            %add3A_354 = vector.broadcast %mul3A_353 : i32 to vector<16xi32>
            %add3A_355 = arith.addi %add3A_354, %iota3A : vector<16xi32>
            %mul3A_356 = arith.constant 512 : i32
            %mul3A_357 = arith.muli %while3A_239, %mul3A_356 : i32
            %mul3A_358 = arith.constant 16 : i32
            %mul3A_359 = arith.muli %add3A_351, %mul3A_358 : i32
            %add3A_360 = arith.addi %mul3A_357, %mul3A_359 : i32
            %get3A_361 = arith.index_cast %add3A_360 : i32 to index
            %get3A_362 = tpu.vector_load %arg6[%get3A_361] {strides = array<i32>} : memref<7168xi32, #tpu.memory_space<vmem>>, vector<16xi32>,
            %gather3A_363 = tpu.vector_load_idx %arg8[%add3A_355, %add3A_252] : memref<512x128xf32, #tpu.memory_space<vmem>>[vector<16xi32>, vector<16xi32>], vector<16xf32>,
            %shift_right_arithmetic3A_364 = arith.constant 16 : i32
            %shift_right_arithmetic3A_365 = vector.broadcast %shift_right_arithmetic3A_364 : i32 to vector<16xi32>
            %shift_right_arithmetic3A_366 = arith.shrsi %get3A_362, %shift_right_arithmetic3A_365 : vector<16xi32>
            %and3A_367 = arith.constant 65535 : i32
            %and3A_368 = vector.broadcast %and3A_367 : i32 to vector<16xi32>
            %and3A_369 = arith.andi %get3A_362, %and3A_368 : vector<16xi32>
            tpu.vector_store_idx %arg10[%shift_right_arithmetic3A_366, %and3A_369], %gather3A_363 : memref<17x432xf32, #tpu.memory_space<vmem>>[vector<16xi32>, vector<16xi32>], vector<16xf32>,
            %mul3A_370 = arith.constant 4 : i32
            %mul3A_371 = arith.muli %while3A_327, %mul3A_370 : i32
            %add3A_372 = arith.constant 2 : i32
            %add3A_373 = arith.addi %mul3A_371, %add3A_372 : i32
            %mul3A_374 = arith.constant 16 : i32
            %mul3A_375 = arith.muli %add3A_373, %mul3A_374 : i32
            %add3A_376 = vector.broadcast %mul3A_375 : i32 to vector<16xi32>
            %add3A_377 = arith.addi %add3A_376, %iota3A : vector<16xi32>
            %mul3A_378 = arith.constant 512 : i32
            %mul3A_379 = arith.muli %while3A_239, %mul3A_378 : i32
            %mul3A_380 = arith.constant 16 : i32
            %mul3A_381 = arith.muli %add3A_373, %mul3A_380 : i32
            %add3A_382 = arith.addi %mul3A_379, %mul3A_381 : i32
            %get3A_383 = arith.index_cast %add3A_382 : i32 to index
            %get3A_384 = tpu.vector_load %arg6[%get3A_383] {strides = array<i32>} : memref<7168xi32, #tpu.memory_space<vmem>>, vector<16xi32>,
            %gather3A_385 = tpu.vector_load_idx %arg8[%add3A_377, %add3A_252] : memref<512x128xf32, #tpu.memory_space<vmem>>[vector<16xi32>, vector<16xi32>], vector<16xf32>,
            %shift_right_arithmetic3A_386 = arith.constant 16 : i32
            %shift_right_arithmetic3A_387 = vector.broadcast %shift_right_arithmetic3A_386 : i32 to vector<16xi32>
            %shift_right_arithmetic3A_388 = arith.shrsi %get3A_384, %shift_right_arithmetic3A_387 : vector<16xi32>
            %and3A_389 = arith.constant 65535 : i32
            %and3A_390 = vector.broadcast %and3A_389 : i32 to vector<16xi32>
            %and3A_391 = arith.andi %get3A_384, %and3A_390 : vector<16xi32>
            tpu.vector_store_idx %arg10[%shift_right_arithmetic3A_388, %and3A_391], %gather3A_385 : memref<17x432xf32, #tpu.memory_space<vmem>>[vector<16xi32>, vector<16xi32>], vector<16xf32>,
            %mul3A_392 = arith.constant 4 : i32
            %mul3A_393 = arith.muli %while3A_327, %mul3A_392 : i32
            %add3A_394 = arith.constant 3 : i32
            %add3A_395 = arith.addi %mul3A_393, %add3A_394 : i32
            %mul3A_396 = arith.constant 16 : i32
            %mul3A_397 = arith.muli %add3A_395, %mul3A_396 : i32
            %add3A_398 = vector.broadcast %mul3A_397 : i32 to vector<16xi32>
            %add3A_399 = arith.addi %add3A_398, %iota3A : vector<16xi32>
            %mul3A_400 = arith.constant 512 : i32
            %mul3A_401 = arith.muli %while3A_239, %mul3A_400 : i32
            %mul3A_402 = arith.constant 16 : i32
            %mul3A_403 = arith.muli %add3A_395, %mul3A_402 : i32
            %add3A_404 = arith.addi %mul3A_401, %mul3A_403 : i32
            %get3A_405 = arith.index_cast %add3A_404 : i32 to index
            %get3A_406 = tpu.vector_load %arg6[%get3A_405] {strides = array<i32>} : memref<7168xi32, #tpu.memory_space<vmem>>, vector<16xi32>,
            %gather3A_407 = tpu.vector_load_idx %arg8[%add3A_399, %add3A_252] : memref<512x128xf32, #tpu.memory_space<vmem>>[vector<16xi32>, vector<16xi32>], vector<16xf32>,
            %shift_right_arithmetic3A_408 = arith.constant 16 : i32
            %shift_right_arithmetic3A_409 = vector.broadcast %shift_right_arithmetic3A_408 : i32 to vector<16xi32>
            %shift_right_arithmetic3A_410 = arith.shrsi %get3A_406, %shift_right_arithmetic3A_409 : vector<16xi32>
            %and3A_411 = arith.constant 65535 : i32
            %and3A_412 = vector.broadcast %and3A_411 : i32 to vector<16xi32>
            %and3A_413 = arith.andi %get3A_406, %and3A_412 : vector<16xi32>
            tpu.vector_store_idx %arg10[%shift_right_arithmetic3A_410, %and3A_413], %gather3A_407 : memref<17x432xf32, #tpu.memory_space<vmem>>[vector<16xi32>, vector<16xi32>], vector<16xf32>,
            %while3A_414 = arith.constant 0 : i32
            scf.yield %while3A_414 : i32
          }
          %while3A_287 = arith.constant 1 : i32
          %while3A_288 = scf.for %while3A_327 = %while3A_284 to %while3A_280 step %while3A_287 iter_args(%while3A_328 = %while3A_286) -> (i32)  : i32 {
            %mul3A_329 = arith.constant 4 : i32
            %mul3A_330 = arith.muli %while3A_327, %mul3A_329 : i32
            %add3A_331 = arith.constant 0 : i32
            %add3A_332 = arith.addi %mul3A_330, %add3A_331 : i32
            %mul3A_333 = arith.constant 16 : i32
            %mul3A_334 = arith.muli %add3A_332, %mul3A_333 : i32
            %add3A_335 = vector.broadcast %mul3A_334 : i32 to vector<16xi32>
            %add3A_336 = arith.addi %add3A_335, %iota3A : vector<16xi32>
            %mul3A_337 = arith.constant 512 : i32
            %mul3A_338 = arith.muli %while3A_239, %mul3A_337 : i32
            %mul3A_339 = arith.constant 16 : i32
            %mul3A_340 = arith.muli %add3A_332, %mul3A_339 : i32
            %add3A_341 = arith.addi %mul3A_338, %mul3A_340 : i32
            %get3A = arith.index_cast %add3A_341 : i32 to index
            %get3A_342 = tpu.vector_load %arg6[%get3A] {strides = array<i32>} : memref<7168xi32, #tpu.memory_space<vmem>>, vector<16xi32>,
            %gather3A = tpu.vector_load_idx %arg8[%add3A_336, %add3A_252] : memref<512x128xf32, #tpu.memory_space<vmem>>[vector<16xi32>, vector<16xi32>], vector<16xf32>,
            %shift_right_arithmetic3A = arith.constant 16 : i32
            %shift_right_arithmetic3A_343 = vector.broadcast %shift_right_arithmetic3A : i32 to vector<16xi32>
            %shift_right_arithmetic3A_344 = arith.shrsi %get3A_342, %shift_right_arithmetic3A_343 : vector<16xi32>
            %and3A_345 = arith.constant 65535 : i32
            %and3A_346 = vector.broadcast %and3A_345 : i32 to vector<16xi32>
            %and3A_347 = arith.andi %get3A_342, %and3A_346 : vector<16xi32>
            tpu.vector_store_idx %arg10[%shift_right_arithmetic3A_344, %and3A_347], %gather3A : memref<17x432xf32, #tpu.memory_space<vmem>>[vector<16xi32>, vector<16xi32>], vector<16xf32>,
            %mul3A_348 = arith.constant 4 : i32
            %mul3A_349 = arith.muli %while3A_327, %mul3A_348 : i32
            %add3A_350 = arith.constant 1 : i32
            %add3A_351 = arith.addi %mul3A_349, %add3A_350 : i32
            %mul3A_352 = arith.constant 16 : i32
            %mul3A_353 = arith.muli %add3A_351, %mul3A_352 : i32
            %add3A_354 = vector.broadcast %mul3A_353 : i32 to vector<16xi32>
            %add3A_355 = arith.addi %add3A_354, %iota3A : vector<16xi32>
            %mul3A_356 = arith.constant 512 : i32
            %mul3A_357 = arith.muli %while3A_239, %mul3A_356 : i32
            %mul3A_358 = arith.constant 16 : i32
            %mul3A_359 = arith.muli %add3A_351, %mul3A_358 : i32
            %add3A_360 = arith.addi %mul3A_357, %mul3A_359 : i32
            %get3A_361 = arith.index_cast %add3A_360 : i32 to index
            %get3A_362 = tpu.vector_load %arg6[%get3A_361] {strides = array<i32>} : memref<7168xi32, #tpu.memory_space<vmem>>, vector<16xi32>,
            %gather3A_363 = tpu.vector_load_idx %arg8[%add3A_355, %add3A_252] : memref<512x128xf32, #tpu.memory_space<vmem>>[vector<16xi32>, vector<16xi32>], vector<16xf32>,
            %shift_right_arithmetic3A_364 = arith.constant 16 : i32
            %shift_right_arithmetic3A_365 = vector.broadcast %shift_right_arithmetic3A_364 : i32 to vector<16xi32>
            %shift_right_arithmetic3A_366 = arith.shrsi %get3A_362, %shift_right_arithmetic3A_365 : vector<16xi32>
            %and3A_367 = arith.constant 65535 : i32
            %and3A_368 = vector.broadcast %and3A_367 : i32 to vector<16xi32>
            %and3A_369 = arith.andi %get3A_362, %and3A_368 : vector<16xi32>
            tpu.vector_store_idx %arg10[%shift_right_arithmetic3A_366, %and3A_369], %gather3A_363 : memref<17x432xf32, #tpu.memory_space<vmem>>[vector<16xi32>, vector<16xi32>], vector<16xf32>,
            %mul3A_370 = arith.constant 4 : i32
            %mul3A_371 = arith.muli %while3A_327, %mul3A_370 : i32
            %add3A_372 = arith.constant 2 : i32
            %add3A_373 = arith.addi %mul3A_371, %add3A_372 : i32
            %mul3A_374 = arith.constant 16 : i32
            %mul3A_375 = arith.muli %add3A_373, %mul3A_374 : i32
            %add3A_376 = vector.broadcast %mul3A_375 : i32 to vector<16xi32>
            %add3A_377 = arith.addi %add3A_376, %iota3A : vector<16xi32>
            %mul3A_378 = arith.constant 512 : i32
            %mul3A_379 = arith.muli %while3A_239, %mul3A_378 : i32
            %mul3A_380 = arith.constant 16 : i32
            %mul3A_381 = arith.muli %add3A_373, %mul3A_380 : i32
            %add3A_382 = arith.addi %mul3A_379, %mul3A_381 : i32
            %get3A_383 = arith.index_cast %add3A_382 : i32 to index
            %get3A_384 = tpu.vector_load %arg6[%get3A_383] {strides = array<i32>} : memref<7168xi32, #tpu.memory_space<vmem>>, vector<16xi32>,
            %gather3A_385 = tpu.vector_load_idx %arg8[%add3A_377, %add3A_252] : memref<512x128xf32, #tpu.memory_space<vmem>>[vector<16xi32>, vector<16xi32>], vector<16xf32>,
            %shift_right_arithmetic3A_386 = arith.constant 16 : i32
            %shift_right_arithmetic3A_387 = vector.broadcast %shift_right_arithmetic3A_386 : i32 to vector<16xi32>
            %shift_right_arithmetic3A_388 = arith.shrsi %get3A_384, %shift_right_arithmetic3A_387 : vector<16xi32>
            %and3A_389 = arith.constant 65535 : i32
            %and3A_390 = vector.broadcast %and3A_389 : i32 to vector<16xi32>
            %and3A_391 = arith.andi %get3A_384, %and3A_390 : vector<16xi32>
            tpu.vector_store_idx %arg10[%shift_right_arithmetic3A_388, %and3A_391], %gather3A_385 : memref<17x432xf32, #tpu.memory_space<vmem>>[vector<16xi32>, vector<16xi32>], vector<16xf32>,
            %mul3A_392 = arith.constant 4 : i32
            %mul3A_393 = arith.muli %while3A_327, %mul3A_392 : i32
            %add3A_394 = arith.constant 3 : i32
            %add3A_395 = arith.addi %mul3A_393, %add3A_394 : i32
            %mul3A_396 = arith.constant 16 : i32
            %mul3A_397 = arith.muli %add3A_395, %mul3A_396 : i32
            %add3A_398 = vector.broadcast %mul3A_397 : i32 to vector<16xi32>
            %add3A_399 = arith.addi %add3A_398, %iota3A : vector<16xi32>
            %mul3A_400 = arith.constant 512 : i32
            %mul3A_401 = arith.muli %while3A_239, %mul3A_400 : i32
            %mul3A_402 = arith.constant 16 : i32
            %mul3A_403 = arith.muli %add3A_395, %mul3A_402 : i32
            %add3A_404 = arith.addi %mul3A_401, %mul3A_403 : i32
            %get3A_405 = arith.index_cast %add3A_404 : i32 to index
            %get3A_406 = tpu.vector_load %arg6[%get3A_405] {strides = array<i32>} : memref<7168xi32, #tpu.memory_space<vmem>>, vector<16xi32>,
            %gather3A_407 = tpu.vector_load_idx %arg8[%add3A_399, %add3A_252] : memref<512x128xf32, #tpu.memory_space<vmem>>[vector<16xi32>, vector<16xi32>], vector<16xf32>,
            %shift_right_arithmetic3A_408 = arith.constant 16 : i32
            %shift_right_arithmetic3A_409 = vector.broadcast %shift_right_arithmetic3A_408 : i32 to vector<16xi32>
            %shift_right_arithmetic3A_410 = arith.shrsi %get3A_406, %shift_right_arithmetic3A_409 : vector<16xi32>
            %and3A_411 = arith.constant 65535 : i32
            %and3A_412 = vector.broadcast %and3A_411 : i32 to vector<16xi32>
            %and3A_413 = arith.andi %get3A_406, %and3A_412 : vector<16xi32>
            tpu.vector_store_idx %arg10[%shift_right_arithmetic3A_410, %and3A_413], %gather3A_407 : memref<17x432xf32, #tpu.memory_space<vmem>>[vector<16xi32>, vector<16xi32>], vector<16xf32>,
            %while3A_414 = arith.constant 0 : i32
            scf.yield %while3A_414 : i32
          }
          %jit3A_289 = arith.constant 4 : i32
          %div3A_290 = arith.divsi %min3A_248, %jit3A_289 : i32
          %sign3A_291 = arith.constant 0 : i32
          %sign3A_292 = arith.cmpi sgt, %min3A_248, %sign3A_291 : i32
          %sign3A_293 = arith.extui %sign3A_292 : i1 to i32
          %sign3A_294 = arith.constant 0 : i32
          %sign3A_295 = arith.cmpi slt, %min3A_248, %sign3A_294 : i32
          %sign3A_296 = arith.extui %sign3A_295 : i1 to i32
          %sign3A_297 = arith.subi %sign3A_293, %sign3A_296 : i32
          %sign3A_298 = arith.constant 0 : i32
          %sign3A_299 = arith.cmpi sgt, %jit3A_289, %sign3A_298 : i32
          %sign3A_300 = arith.extui %sign3A_299 : i1 to i32
          %sign3A_301 = arith.constant 0 : i32
          %sign3A_302 = arith.cmpi slt, %jit3A_289, %sign3A_301 : i32
          %sign3A_303 = arith.extui %sign3A_302 : i1 to i32
          %sign3A_304 = arith.subi %sign3A_300, %sign3A_303 : i32
          %ne3A_305 = arith.cmpi ne, %sign3A_297, %sign3A_304 : i32
          %rem3A_306 = arith.remsi %min3A_248, %jit3A_289 : i32
          %ne3A_307 = arith.constant 0 : i32
          %ne3A_308 = arith.cmpi ne, %rem3A_306, %ne3A_307 : i32
          %and3A_309 = arith.andi %ne3A_305, %ne3A_308 : i1
          %sub3A_310 = arith.constant 1 : i32
          %sub3A_311 = arith.subi %div3A_290, %sub3A_310 : i32
          %select_n3A_312 = arith.select %and3A_309, %sub3A_311, %div3A_290 : i32
          %mul3A_313 = arith.constant 4 : i32
          %mul3A_314 = arith.muli %select_n3A_312, %mul3A_313 : i32
          %while3A_315 = arith.constant 0 : i32
          %while3A_316 = arith.subi %min3A_248, %mul3A_314 : i32
          %while3A_317 = arith.addi %mul3A_314, %while3A_316 : i32
          %while3A_318 = arith.constant 1 : i32
          %while3A_319 = arith.divsi %while3A_316, %while3A_318 : i32
          %while3A_320 = arith.muli %while3A_319, %while3A_318 : i32
          %while3A_321 = arith.addi %mul3A_314, %while3A_320 : i32
          %while3A_322 = arith.constant 1 : i32
          %while3A_323 = scf.for %while3A_327 = %mul3A_314 to %while3A_321 step %while3A_322 iter_args(%while3A_328 = %while3A_315) -> (i32)  : i32 {
            %mul3A_329 = arith.constant 16 : i32
            %mul3A_330 = arith.muli %while3A_327, %mul3A_329 : i32
            %add3A_331 = vector.broadcast %mul3A_330 : i32 to vector<16xi32>
            %add3A_332 = arith.addi %add3A_331, %iota3A : vector<16xi32>
            %mul3A_333 = arith.constant 512 : i32
            %mul3A_334 = arith.muli %while3A_239, %mul3A_333 : i32
            %mul3A_335 = arith.constant 16 : i32
            %mul3A_336 = arith.muli %while3A_327, %mul3A_335 : i32
            %add3A_337 = arith.addi %mul3A_334, %mul3A_336 : i32
            %get3A = arith.index_cast %add3A_337 : i32 to index
            %get3A_338 = tpu.vector_load %arg6[%get3A] {strides = array<i32>} : memref<7168xi32, #tpu.memory_space<vmem>>, vector<16xi32>,
            %gather3A = tpu.vector_load_idx %arg8[%add3A_332, %add3A_252] : memref<512x128xf32, #tpu.memory_space<vmem>>[vector<16xi32>, vector<16xi32>], vector<16xf32>,
            %shift_right_arithmetic3A = arith.constant 16 : i32
            %shift_right_arithmetic3A_339 = vector.broadcast %shift_right_arithmetic3A : i32 to vector<16xi32>
            %shift_right_arithmetic3A_340 = arith.shrsi %get3A_338, %shift_right_arithmetic3A_339 : vector<16xi32>
            %and3A_341 = arith.constant 65535 : i32
            %and3A_342 = vector.broadcast %and3A_341 : i32 to vector<16xi32>
            %and3A_343 = arith.andi %get3A_338, %and3A_342 : vector<16xi32>
            tpu.vector_store_idx %arg10[%shift_right_arithmetic3A_340, %and3A_343], %gather3A : memref<17x432xf32, #tpu.memory_space<vmem>>[vector<16xi32>, vector<16xi32>], vector<16xf32>,
            %while3A_344 = arith.constant 0 : i32
            scf.yield %while3A_344 : i32
          }
          %while3A_324 = arith.constant 1 : i32
          %while3A_325 = scf.for %while3A_327 = %while3A_321 to %while3A_317 step %while3A_324 iter_args(%while3A_328 = %while3A_323) -> (i32)  : i32 {
            %mul3A_329 = arith.constant 16 : i32
            %mul3A_330 = arith.muli %while3A_327, %mul3A_329 : i32
            %add3A_331 = vector.broadcast %mul3A_330 : i32 to vector<16xi32>
            %add3A_332 = arith.addi %add3A_331, %iota3A : vector<16xi32>
            %mul3A_333 = arith.constant 512 : i32
            %mul3A_334 = arith.muli %while3A_239, %mul3A_333 : i32
            %mul3A_335 = arith.constant 16 : i32
            %mul3A_336 = arith.muli %while3A_327, %mul3A_335 : i32
            %add3A_337 = arith.addi %mul3A_334, %mul3A_336 : i32
            %get3A = arith.index_cast %add3A_337 : i32 to index
            %get3A_338 = tpu.vector_load %arg6[%get3A] {strides = array<i32>} : memref<7168xi32, #tpu.memory_space<vmem>>, vector<16xi32>,
            %gather3A = tpu.vector_load_idx %arg8[%add3A_332, %add3A_252] : memref<512x128xf32, #tpu.memory_space<vmem>>[vector<16xi32>, vector<16xi32>], vector<16xf32>,
            %shift_right_arithmetic3A = arith.constant 16 : i32
            %shift_right_arithmetic3A_339 = vector.broadcast %shift_right_arithmetic3A : i32 to vector<16xi32>
            %shift_right_arithmetic3A_340 = arith.shrsi %get3A_338, %shift_right_arithmetic3A_339 : vector<16xi32>
            %and3A_341 = arith.constant 65535 : i32
            %and3A_342 = vector.broadcast %and3A_341 : i32 to vector<16xi32>
            %and3A_343 = arith.andi %get3A_338, %and3A_342 : vector<16xi32>
            tpu.vector_store_idx %arg10[%shift_right_arithmetic3A_340, %and3A_343], %gather3A : memref<17x432xf32, #tpu.memory_space<vmem>>[vector<16xi32>, vector<16xi32>], vector<16xf32>,
            %while3A_344 = arith.constant 0 : i32
            scf.yield %while3A_344 : i32
          }
          %while3A_326 = arith.constant 0 : i32
          scf.yield %while3A_326 : i32
        }
        %while3A_224 = arith.constant 1 : i32
        %while3A_225 = scf.for %while3A_239 = %while3A_221 to %while3A_217 step %while3A_224 iter_args(%while3A_240 = %while3A_223) -> (i32)  : i32 {
          %or3A = arith.ori %and3A_213, %gt3A_110 : i1
          %convert_element_type3A_241 = arith.extui %or3A : i1 to i32
          %cond3A_242 = arith.constant 0 : i32
          %cond3A_243 = arith.cmpi ne, %convert_element_type3A_241, %cond3A_242 : i32
          scf.if %cond3A_243 {
            %mul3A_327 = arith.constant 512 : i32
            %mul3A_328 = arith.muli %while3A_239, %mul3A_327 : i32
            %dma_start3A_329 = tpu.memref_slice %arg7[%mul3A_328] : memref<7168xi32, #tpu.memory_space<vmem>> -> memref<512xi32, #tpu.memory_space<vmem>>
            %dma_start3A_330 = arith.constant 0 : i32
            %dma_start3A_331 = arith.constant 0 : i32
            %dma_start3A_332 = tpu.memref_slice %arg2[%dma_start3A_330, %dma_start3A_331] : memref<48000x128xf32, #tpu.memory_space<hbm>> -> memref<48000x128xf32, #tpu.memory_space<hbm>>
            tpu.enqueue_indirect_dma source(%dma_start3A_332 : memref<48000x128xf32, #tpu.memory_space<hbm>>) target(%arg8 : memref<512x128xf32, #tpu.memory_space<vmem>>) offsets(%dma_start3A_329 : memref<512xi32, #tpu.memory_space<vmem>>) semaphore(%arg11 : memref<!tpu.dma_semaphore, #tpu.memory_space<semaphore_mem>>)
            %dma_wait3A_333 = tpu.memref_slice %arg7[%mul3A_328] : memref<7168xi32, #tpu.memory_space<vmem>> -> memref<512xi32, #tpu.memory_space<vmem>>
            %dma_wait3A_334 = arith.constant 0 : i32
            %dma_wait3A_335 = arith.constant 0 : i32
            %dma_wait3A_336 = tpu.memref_slice %arg2[%dma_wait3A_334, %dma_wait3A_335] : memref<48000x128xf32, #tpu.memory_space<hbm>> -> memref<48000x128xf32, #tpu.memory_space<hbm>>
            tpu.wait_indirect_dma semaphore(%arg11 : memref<!tpu.dma_semaphore, #tpu.memory_space<semaphore_mem>>) src(%dma_wait3A_336 : memref<48000x128xf32, #tpu.memory_space<hbm>>) dst(%arg8 : memref<512x128xf32, #tpu.memory_space<vmem>>)
          } else {
          }
          %mul3A_244 = arith.constant 32 : i32
          %mul3A_245 = arith.muli %while3A_239, %mul3A_244 : i32
          %sub3A_246 = arith.subi %select_n3A, %mul3A_245 : i32
          %min3A_247 = arith.constant 32 : i32
          %min3A_248 = arith.minsi %min3A_247, %sub3A_246 : i32
          %broadcast_in_dim3A_249 = arith.constant 0 : i32
          %broadcast_in_dim3A_250 = vector.broadcast %broadcast_in_dim3A_249 : i32 to vector<16xi32>
          %add3A_251 = vector.broadcast %add3A_204 : i32 to vector<16xi32>
          %add3A_252 = arith.addi %broadcast_in_dim3A_250, %add3A_251 : vector<16xi32>
          %jit3A_253 = arith.constant 4 : i32
          %div3A_254 = arith.divsi %min3A_248, %jit3A_253 : i32
          %sign3A_255 = arith.constant 0 : i32
          %sign3A_256 = arith.cmpi sgt, %min3A_248, %sign3A_255 : i32
          %sign3A_257 = arith.extui %sign3A_256 : i1 to i32
          %sign3A_258 = arith.constant 0 : i32
          %sign3A_259 = arith.cmpi slt, %min3A_248, %sign3A_258 : i32
          %sign3A_260 = arith.extui %sign3A_259 : i1 to i32
          %sign3A_261 = arith.subi %sign3A_257, %sign3A_260 : i32
          %sign3A_262 = arith.constant 0 : i32
          %sign3A_263 = arith.cmpi sgt, %jit3A_253, %sign3A_262 : i32
          %sign3A_264 = arith.extui %sign3A_263 : i1 to i32
          %sign3A_265 = arith.constant 0 : i32
          %sign3A_266 = arith.cmpi slt, %jit3A_253, %sign3A_265 : i32
          %sign3A_267 = arith.extui %sign3A_266 : i1 to i32
          %sign3A_268 = arith.subi %sign3A_264, %sign3A_267 : i32
          %ne3A_269 = arith.cmpi ne, %sign3A_261, %sign3A_268 : i32
          %rem3A_270 = arith.remsi %min3A_248, %jit3A_253 : i32
          %ne3A_271 = arith.constant 0 : i32
          %ne3A_272 = arith.cmpi ne, %rem3A_270, %ne3A_271 : i32
          %and3A_273 = arith.andi %ne3A_269, %ne3A_272 : i1
          %sub3A_274 = arith.constant 1 : i32
          %sub3A_275 = arith.subi %div3A_254, %sub3A_274 : i32
          %select_n3A_276 = arith.select %and3A_273, %sub3A_275, %div3A_254 : i32
          %while3A_277 = arith.constant 0 : i32
          %while3A_278 = arith.constant 0 : i32
          %while3A_279 = arith.subi %select_n3A_276, %while3A_277 : i32
          %while3A_280 = arith.addi %while3A_277, %while3A_279 : i32
          %while3A_281 = arith.constant 1 : i32
          %while3A_282 = arith.divsi %while3A_279, %while3A_281 : i32
          %while3A_283 = arith.muli %while3A_282, %while3A_281 : i32
          %while3A_284 = arith.addi %while3A_277, %while3A_283 : i32
          %while3A_285 = arith.constant 1 : i32
          %while3A_286 = scf.for %while3A_327 = %while3A_277 to %while3A_284 step %while3A_285 iter_args(%while3A_328 = %while3A_278) -> (i32)  : i32 {
            %mul3A_329 = arith.constant 4 : i32
            %mul3A_330 = arith.muli %while3A_327, %mul3A_329 : i32
            %add3A_331 = arith.constant 0 : i32
            %add3A_332 = arith.addi %mul3A_330, %add3A_331 : i32
            %mul3A_333 = arith.constant 16 : i32
            %mul3A_334 = arith.muli %add3A_332, %mul3A_333 : i32
            %add3A_335 = vector.broadcast %mul3A_334 : i32 to vector<16xi32>
            %add3A_336 = arith.addi %add3A_335, %iota3A : vector<16xi32>
            %mul3A_337 = arith.constant 512 : i32
            %mul3A_338 = arith.muli %while3A_239, %mul3A_337 : i32
            %mul3A_339 = arith.constant 16 : i32
            %mul3A_340 = arith.muli %add3A_332, %mul3A_339 : i32
            %add3A_341 = arith.addi %mul3A_338, %mul3A_340 : i32
            %get3A = arith.index_cast %add3A_341 : i32 to index
            %get3A_342 = tpu.vector_load %arg6[%get3A] {strides = array<i32>} : memref<7168xi32, #tpu.memory_space<vmem>>, vector<16xi32>,
            %gather3A = tpu.vector_load_idx %arg8[%add3A_336, %add3A_252] : memref<512x128xf32, #tpu.memory_space<vmem>>[vector<16xi32>, vector<16xi32>], vector<16xf32>,
            %shift_right_arithmetic3A = arith.constant 16 : i32
            %shift_right_arithmetic3A_343 = vector.broadcast %shift_right_arithmetic3A : i32 to vector<16xi32>
            %shift_right_arithmetic3A_344 = arith.shrsi %get3A_342, %shift_right_arithmetic3A_343 : vector<16xi32>
            %and3A_345 = arith.constant 65535 : i32
            %and3A_346 = vector.broadcast %and3A_345 : i32 to vector<16xi32>
            %and3A_347 = arith.andi %get3A_342, %and3A_346 : vector<16xi32>
            tpu.vector_store_idx %arg10[%shift_right_arithmetic3A_344, %and3A_347], %gather3A : memref<17x432xf32, #tpu.memory_space<vmem>>[vector<16xi32>, vector<16xi32>], vector<16xf32>,
            %mul3A_348 = arith.constant 4 : i32
            %mul3A_349 = arith.muli %while3A_327, %mul3A_348 : i32
            %add3A_350 = arith.constant 1 : i32
            %add3A_351 = arith.addi %mul3A_349, %add3A_350 : i32
            %mul3A_352 = arith.constant 16 : i32
            %mul3A_353 = arith.muli %add3A_351, %mul3A_352 : i32
            %add3A_354 = vector.broadcast %mul3A_353 : i32 to vector<16xi32>
            %add3A_355 = arith.addi %add3A_354, %iota3A : vector<16xi32>
            %mul3A_356 = arith.constant 512 : i32
            %mul3A_357 = arith.muli %while3A_239, %mul3A_356 : i32
            %mul3A_358 = arith.constant 16 : i32
            %mul3A_359 = arith.muli %add3A_351, %mul3A_358 : i32
            %add3A_360 = arith.addi %mul3A_357, %mul3A_359 : i32
            %get3A_361 = arith.index_cast %add3A_360 : i32 to index
            %get3A_362 = tpu.vector_load %arg6[%get3A_361] {strides = array<i32>} : memref<7168xi32, #tpu.memory_space<vmem>>, vector<16xi32>,
            %gather3A_363 = tpu.vector_load_idx %arg8[%add3A_355, %add3A_252] : memref<512x128xf32, #tpu.memory_space<vmem>>[vector<16xi32>, vector<16xi32>], vector<16xf32>,
            %shift_right_arithmetic3A_364 = arith.constant 16 : i32
            %shift_right_arithmetic3A_365 = vector.broadcast %shift_right_arithmetic3A_364 : i32 to vector<16xi32>
            %shift_right_arithmetic3A_366 = arith.shrsi %get3A_362, %shift_right_arithmetic3A_365 : vector<16xi32>
            %and3A_367 = arith.constant 65535 : i32
            %and3A_368 = vector.broadcast %and3A_367 : i32 to vector<16xi32>
            %and3A_369 = arith.andi %get3A_362, %and3A_368 : vector<16xi32>
            tpu.vector_store_idx %arg10[%shift_right_arithmetic3A_366, %and3A_369], %gather3A_363 : memref<17x432xf32, #tpu.memory_space<vmem>>[vector<16xi32>, vector<16xi32>], vector<16xf32>,
            %mul3A_370 = arith.constant 4 : i32
            %mul3A_371 = arith.muli %while3A_327, %mul3A_370 : i32
            %add3A_372 = arith.constant 2 : i32
            %add3A_373 = arith.addi %mul3A_371, %add3A_372 : i32
            %mul3A_374 = arith.constant 16 : i32
            %mul3A_375 = arith.muli %add3A_373, %mul3A_374 : i32
            %add3A_376 = vector.broadcast %mul3A_375 : i32 to vector<16xi32>
            %add3A_377 = arith.addi %add3A_376, %iota3A : vector<16xi32>
            %mul3A_378 = arith.constant 512 : i32
            %mul3A_379 = arith.muli %while3A_239, %mul3A_378 : i32
            %mul3A_380 = arith.constant 16 : i32
            %mul3A_381 = arith.muli %add3A_373, %mul3A_380 : i32
            %add3A_382 = arith.addi %mul3A_379, %mul3A_381 : i32
            %get3A_383 = arith.index_cast %add3A_382 : i32 to index
            %get3A_384 = tpu.vector_load %arg6[%get3A_383] {strides = array<i32>} : memref<7168xi32, #tpu.memory_space<vmem>>, vector<16xi32>,
            %gather3A_385 = tpu.vector_load_idx %arg8[%add3A_377, %add3A_252] : memref<512x128xf32, #tpu.memory_space<vmem>>[vector<16xi32>, vector<16xi32>], vector<16xf32>,
            %shift_right_arithmetic3A_386 = arith.constant 16 : i32
            %shift_right_arithmetic3A_387 = vector.broadcast %shift_right_arithmetic3A_386 : i32 to vector<16xi32>
            %shift_right_arithmetic3A_388 = arith.shrsi %get3A_384, %shift_right_arithmetic3A_387 : vector<16xi32>
            %and3A_389 = arith.constant 65535 : i32
            %and3A_390 = vector.broadcast %and3A_389 : i32 to vector<16xi32>
            %and3A_391 = arith.andi %get3A_384, %and3A_390 : vector<16xi32>
            tpu.vector_store_idx %arg10[%shift_right_arithmetic3A_388, %and3A_391], %gather3A_385 : memref<17x432xf32, #tpu.memory_space<vmem>>[vector<16xi32>, vector<16xi32>], vector<16xf32>,
            %mul3A_392 = arith.constant 4 : i32
            %mul3A_393 = arith.muli %while3A_327, %mul3A_392 : i32
            %add3A_394 = arith.constant 3 : i32
            %add3A_395 = arith.addi %mul3A_393, %add3A_394 : i32
            %mul3A_396 = arith.constant 16 : i32
            %mul3A_397 = arith.muli %add3A_395, %mul3A_396 : i32
            %add3A_398 = vector.broadcast %mul3A_397 : i32 to vector<16xi32>
            %add3A_399 = arith.addi %add3A_398, %iota3A : vector<16xi32>
            %mul3A_400 = arith.constant 512 : i32
            %mul3A_401 = arith.muli %while3A_239, %mul3A_400 : i32
            %mul3A_402 = arith.constant 16 : i32
            %mul3A_403 = arith.muli %add3A_395, %mul3A_402 : i32
            %add3A_404 = arith.addi %mul3A_401, %mul3A_403 : i32
            %get3A_405 = arith.index_cast %add3A_404 : i32 to index
            %get3A_406 = tpu.vector_load %arg6[%get3A_405] {strides = array<i32>} : memref<7168xi32, #tpu.memory_space<vmem>>, vector<16xi32>,
            %gather3A_407 = tpu.vector_load_idx %arg8[%add3A_399, %add3A_252] : memref<512x128xf32, #tpu.memory_space<vmem>>[vector<16xi32>, vector<16xi32>], vector<16xf32>,
            %shift_right_arithmetic3A_408 = arith.constant 16 : i32
            %shift_right_arithmetic3A_409 = vector.broadcast %shift_right_arithmetic3A_408 : i32 to vector<16xi32>
            %shift_right_arithmetic3A_410 = arith.shrsi %get3A_406, %shift_right_arithmetic3A_409 : vector<16xi32>
            %and3A_411 = arith.constant 65535 : i32
            %and3A_412 = vector.broadcast %and3A_411 : i32 to vector<16xi32>
            %and3A_413 = arith.andi %get3A_406, %and3A_412 : vector<16xi32>
            tpu.vector_store_idx %arg10[%shift_right_arithmetic3A_410, %and3A_413], %gather3A_407 : memref<17x432xf32, #tpu.memory_space<vmem>>[vector<16xi32>, vector<16xi32>], vector<16xf32>,
            %while3A_414 = arith.constant 0 : i32
            scf.yield %while3A_414 : i32
          }
          %while3A_287 = arith.constant 1 : i32
          %while3A_288 = scf.for %while3A_327 = %while3A_284 to %while3A_280 step %while3A_287 iter_args(%while3A_328 = %while3A_286) -> (i32)  : i32 {
            %mul3A_329 = arith.constant 4 : i32
            %mul3A_330 = arith.muli %while3A_327, %mul3A_329 : i32
            %add3A_331 = arith.constant 0 : i32
            %add3A_332 = arith.addi %mul3A_330, %add3A_331 : i32
            %mul3A_333 = arith.constant 16 : i32
            %mul3A_334 = arith.muli %add3A_332, %mul3A_333 : i32
            %add3A_335 = vector.broadcast %mul3A_334 : i32 to vector<16xi32>
            %add3A_336 = arith.addi %add3A_335, %iota3A : vector<16xi32>
            %mul3A_337 = arith.constant 512 : i32
            %mul3A_338 = arith.muli %while3A_239, %mul3A_337 : i32
            %mul3A_339 = arith.constant 16 : i32
            %mul3A_340 = arith.muli %add3A_332, %mul3A_339 : i32
            %add3A_341 = arith.addi %mul3A_338, %mul3A_340 : i32
            %get3A = arith.index_cast %add3A_341 : i32 to index
            %get3A_342 = tpu.vector_load %arg6[%get3A] {strides = array<i32>} : memref<7168xi32, #tpu.memory_space<vmem>>, vector<16xi32>,
            %gather3A = tpu.vector_load_idx %arg8[%add3A_336, %add3A_252] : memref<512x128xf32, #tpu.memory_space<vmem>>[vector<16xi32>, vector<16xi32>], vector<16xf32>,
            %shift_right_arithmetic3A = arith.constant 16 : i32
            %shift_right_arithmetic3A_343 = vector.broadcast %shift_right_arithmetic3A : i32 to vector<16xi32>
            %shift_right_arithmetic3A_344 = arith.shrsi %get3A_342, %shift_right_arithmetic3A_343 : vector<16xi32>
            %and3A_345 = arith.constant 65535 : i32
            %and3A_346 = vector.broadcast %and3A_345 : i32 to vector<16xi32>
            %and3A_347 = arith.andi %get3A_342, %and3A_346 : vector<16xi32>
            tpu.vector_store_idx %arg10[%shift_right_arithmetic3A_344, %and3A_347], %gather3A : memref<17x432xf32, #tpu.memory_space<vmem>>[vector<16xi32>, vector<16xi32>], vector<16xf32>,
            %mul3A_348 = arith.constant 4 : i32
            %mul3A_349 = arith.muli %while3A_327, %mul3A_348 : i32
            %add3A_350 = arith.constant 1 : i32
            %add3A_351 = arith.addi %mul3A_349, %add3A_350 : i32
            %mul3A_352 = arith.constant 16 : i32
            %mul3A_353 = arith.muli %add3A_351, %mul3A_352 : i32
            %add3A_354 = vector.broadcast %mul3A_353 : i32 to vector<16xi32>
            %add3A_355 = arith.addi %add3A_354, %iota3A : vector<16xi32>
            %mul3A_356 = arith.constant 512 : i32
            %mul3A_357 = arith.muli %while3A_239, %mul3A_356 : i32
            %mul3A_358 = arith.constant 16 : i32
            %mul3A_359 = arith.muli %add3A_351, %mul3A_358 : i32
            %add3A_360 = arith.addi %mul3A_357, %mul3A_359 : i32
            %get3A_361 = arith.index_cast %add3A_360 : i32 to index
            %get3A_362 = tpu.vector_load %arg6[%get3A_361] {strides = array<i32>} : memref<7168xi32, #tpu.memory_space<vmem>>, vector<16xi32>,
            %gather3A_363 = tpu.vector_load_idx %arg8[%add3A_355, %add3A_252] : memref<512x128xf32, #tpu.memory_space<vmem>>[vector<16xi32>, vector<16xi32>], vector<16xf32>,
            %shift_right_arithmetic3A_364 = arith.constant 16 : i32
            %shift_right_arithmetic3A_365 = vector.broadcast %shift_right_arithmetic3A_364 : i32 to vector<16xi32>
            %shift_right_arithmetic3A_366 = arith.shrsi %get3A_362, %shift_right_arithmetic3A_365 : vector<16xi32>
            %and3A_367 = arith.constant 65535 : i32
            %and3A_368 = vector.broadcast %and3A_367 : i32 to vector<16xi32>
            %and3A_369 = arith.andi %get3A_362, %and3A_368 : vector<16xi32>
            tpu.vector_store_idx %arg10[%shift_right_arithmetic3A_366, %and3A_369], %gather3A_363 : memref<17x432xf32, #tpu.memory_space<vmem>>[vector<16xi32>, vector<16xi32>], vector<16xf32>,
            %mul3A_370 = arith.constant 4 : i32
            %mul3A_371 = arith.muli %while3A_327, %mul3A_370 : i32
            %add3A_372 = arith.constant 2 : i32
            %add3A_373 = arith.addi %mul3A_371, %add3A_372 : i32
            %mul3A_374 = arith.constant 16 : i32
            %mul3A_375 = arith.muli %add3A_373, %mul3A_374 : i32
            %add3A_376 = vector.broadcast %mul3A_375 : i32 to vector<16xi32>
            %add3A_377 = arith.addi %add3A_376, %iota3A : vector<16xi32>
            %mul3A_378 = arith.constant 512 : i32
            %mul3A_379 = arith.muli %while3A_239, %mul3A_378 : i32
            %mul3A_380 = arith.constant 16 : i32
            %mul3A_381 = arith.muli %add3A_373, %mul3A_380 : i32
            %add3A_382 = arith.addi %mul3A_379, %mul3A_381 : i32
            %get3A_383 = arith.index_cast %add3A_382 : i32 to index
            %get3A_384 = tpu.vector_load %arg6[%get3A_383] {strides = array<i32>} : memref<7168xi32, #tpu.memory_space<vmem>>, vector<16xi32>,
            %gather3A_385 = tpu.vector_load_idx %arg8[%add3A_377, %add3A_252] : memref<512x128xf32, #tpu.memory_space<vmem>>[vector<16xi32>, vector<16xi32>], vector<16xf32>,
            %shift_right_arithmetic3A_386 = arith.constant 16 : i32
            %shift_right_arithmetic3A_387 = vector.broadcast %shift_right_arithmetic3A_386 : i32 to vector<16xi32>
            %shift_right_arithmetic3A_388 = arith.shrsi %get3A_384, %shift_right_arithmetic3A_387 : vector<16xi32>
            %and3A_389 = arith.constant 65535 : i32
            %and3A_390 = vector.broadcast %and3A_389 : i32 to vector<16xi32>
            %and3A_391 = arith.andi %get3A_384, %and3A_390 : vector<16xi32>
            tpu.vector_store_idx %arg10[%shift_right_arithmetic3A_388, %and3A_391], %gather3A_385 : memref<17x432xf32, #tpu.memory_space<vmem>>[vector<16xi32>, vector<16xi32>], vector<16xf32>,
            %mul3A_392 = arith.constant 4 : i32
            %mul3A_393 = arith.muli %while3A_327, %mul3A_392 : i32
            %add3A_394 = arith.constant 3 : i32
            %add3A_395 = arith.addi %mul3A_393, %add3A_394 : i32
            %mul3A_396 = arith.constant 16 : i32
            %mul3A_397 = arith.muli %add3A_395, %mul3A_396 : i32
            %add3A_398 = vector.broadcast %mul3A_397 : i32 to vector<16xi32>
            %add3A_399 = arith.addi %add3A_398, %iota3A : vector<16xi32>
            %mul3A_400 = arith.constant 512 : i32
            %mul3A_401 = arith.muli %while3A_239, %mul3A_400 : i32
            %mul3A_402 = arith.constant 16 : i32
            %mul3A_403 = arith.muli %add3A_395, %mul3A_402 : i32
            %add3A_404 = arith.addi %mul3A_401, %mul3A_403 : i32
            %get3A_405 = arith.index_cast %add3A_404 : i32 to index
            %get3A_406 = tpu.vector_load %arg6[%get3A_405] {strides = array<i32>} : memref<7168xi32, #tpu.memory_space<vmem>>, vector<16xi32>,
            %gather3A_407 = tpu.vector_load_idx %arg8[%add3A_399, %add3A_252] : memref<512x128xf32, #tpu.memory_space<vmem>>[vector<16xi32>, vector<16xi32>], vector<16xf32>,
            %shift_right_arithmetic3A_408 = arith.constant 16 : i32
            %shift_right_arithmetic3A_409 = vector.broadcast %shift_right_arithmetic3A_408 : i32 to vector<16xi32>
            %shift_right_arithmetic3A_410 = arith.shrsi %get3A_406, %shift_right_arithmetic3A_409 : vector<16xi32>
            %and3A_411 = arith.constant 65535 : i32
            %and3A_412 = vector.broadcast %and3A_411 : i32 to vector<16xi32>
            %and3A_413 = arith.andi %get3A_406, %and3A_412 : vector<16xi32>
            tpu.vector_store_idx %arg10[%shift_right_arithmetic3A_410, %and3A_413], %gather3A_407 : memref<17x432xf32, #tpu.memory_space<vmem>>[vector<16xi32>, vector<16xi32>], vector<16xf32>,
            %while3A_414 = arith.constant 0 : i32
            scf.yield %while3A_414 : i32
          }
          %jit3A_289 = arith.constant 4 : i32
          %div3A_290 = arith.divsi %min3A_248, %jit3A_289 : i32
          %sign3A_291 = arith.constant 0 : i32
          %sign3A_292 = arith.cmpi sgt, %min3A_248, %sign3A_291 : i32
          %sign3A_293 = arith.extui %sign3A_292 : i1 to i32
          %sign3A_294 = arith.constant 0 : i32
          %sign3A_295 = arith.cmpi slt, %min3A_248, %sign3A_294 : i32
          %sign3A_296 = arith.extui %sign3A_295 : i1 to i32
          %sign3A_297 = arith.subi %sign3A_293, %sign3A_296 : i32
          %sign3A_298 = arith.constant 0 : i32
          %sign3A_299 = arith.cmpi sgt, %jit3A_289, %sign3A_298 : i32
          %sign3A_300 = arith.extui %sign3A_299 : i1 to i32
          %sign3A_301 = arith.constant 0 : i32
          %sign3A_302 = arith.cmpi slt, %jit3A_289, %sign3A_301 : i32
          %sign3A_303 = arith.extui %sign3A_302 : i1 to i32
          %sign3A_304 = arith.subi %sign3A_300, %sign3A_303 : i32
          %ne3A_305 = arith.cmpi ne, %sign3A_297, %sign3A_304 : i32
          %rem3A_306 = arith.remsi %min3A_248, %jit3A_289 : i32
          %ne3A_307 = arith.constant 0 : i32
          %ne3A_308 = arith.cmpi ne, %rem3A_306, %ne3A_307 : i32
          %and3A_309 = arith.andi %ne3A_305, %ne3A_308 : i1
          %sub3A_310 = arith.constant 1 : i32
          %sub3A_311 = arith.subi %div3A_290, %sub3A_310 : i32
          %select_n3A_312 = arith.select %and3A_309, %sub3A_311, %div3A_290 : i32
          %mul3A_313 = arith.constant 4 : i32
          %mul3A_314 = arith.muli %select_n3A_312, %mul3A_313 : i32
          %while3A_315 = arith.constant 0 : i32
          %while3A_316 = arith.subi %min3A_248, %mul3A_314 : i32
          %while3A_317 = arith.addi %mul3A_314, %while3A_316 : i32
          %while3A_318 = arith.constant 1 : i32
          %while3A_319 = arith.divsi %while3A_316, %while3A_318 : i32
          %while3A_320 = arith.muli %while3A_319, %while3A_318 : i32
          %while3A_321 = arith.addi %mul3A_314, %while3A_320 : i32
          %while3A_322 = arith.constant 1 : i32
          %while3A_323 = scf.for %while3A_327 = %mul3A_314 to %while3A_321 step %while3A_322 iter_args(%while3A_328 = %while3A_315) -> (i32)  : i32 {
            %mul3A_329 = arith.constant 16 : i32
            %mul3A_330 = arith.muli %while3A_327, %mul3A_329 : i32
            %add3A_331 = vector.broadcast %mul3A_330 : i32 to vector<16xi32>
            %add3A_332 = arith.addi %add3A_331, %iota3A : vector<16xi32>
            %mul3A_333 = arith.constant 512 : i32
            %mul3A_334 = arith.muli %while3A_239, %mul3A_333 : i32
            %mul3A_335 = arith.constant 16 : i32
            %mul3A_336 = arith.muli %while3A_327, %mul3A_335 : i32
            %add3A_337 = arith.addi %mul3A_334, %mul3A_336 : i32
            %get3A = arith.index_cast %add3A_337 : i32 to index
            %get3A_338 = tpu.vector_load %arg6[%get3A] {strides = array<i32>} : memref<7168xi32, #tpu.memory_space<vmem>>, vector<16xi32>,
            %gather3A = tpu.vector_load_idx %arg8[%add3A_332, %add3A_252] : memref<512x128xf32, #tpu.memory_space<vmem>>[vector<16xi32>, vector<16xi32>], vector<16xf32>,
            %shift_right_arithmetic3A = arith.constant 16 : i32
            %shift_right_arithmetic3A_339 = vector.broadcast %shift_right_arithmetic3A : i32 to vector<16xi32>
            %shift_right_arithmetic3A_340 = arith.shrsi %get3A_338, %shift_right_arithmetic3A_339 : vector<16xi32>
            %and3A_341 = arith.constant 65535 : i32
            %and3A_342 = vector.broadcast %and3A_341 : i32 to vector<16xi32>
            %and3A_343 = arith.andi %get3A_338, %and3A_342 : vector<16xi32>
            tpu.vector_store_idx %arg10[%shift_right_arithmetic3A_340, %and3A_343], %gather3A : memref<17x432xf32, #tpu.memory_space<vmem>>[vector<16xi32>, vector<16xi32>], vector<16xf32>,
            %while3A_344 = arith.constant 0 : i32
            scf.yield %while3A_344 : i32
          }
          %while3A_324 = arith.constant 1 : i32
          %while3A_325 = scf.for %while3A_327 = %while3A_321 to %while3A_317 step %while3A_324 iter_args(%while3A_328 = %while3A_323) -> (i32)  : i32 {
            %mul3A_329 = arith.constant 16 : i32
            %mul3A_330 = arith.muli %while3A_327, %mul3A_329 : i32
            %add3A_331 = vector.broadcast %mul3A_330 : i32 to vector<16xi32>
            %add3A_332 = arith.addi %add3A_331, %iota3A : vector<16xi32>
            %mul3A_333 = arith.constant 512 : i32
            %mul3A_334 = arith.muli %while3A_239, %mul3A_333 : i32
            %mul3A_335 = arith.constant 16 : i32
            %mul3A_336 = arith.muli %while3A_327, %mul3A_335 : i32
            %add3A_337 = arith.addi %mul3A_334, %mul3A_336 : i32
            %get3A = arith.index_cast %add3A_337 : i32 to index
            %get3A_338 = tpu.vector_load %arg6[%get3A] {strides = array<i32>} : memref<7168xi32, #tpu.memory_space<vmem>>, vector<16xi32>,
            %gather3A = tpu.vector_load_idx %arg8[%add3A_332, %add3A_252] : memref<512x128xf32, #tpu.memory_space<vmem>>[vector<16xi32>, vector<16xi32>], vector<16xf32>,
            %shift_right_arithmetic3A = arith.constant 16 : i32
            %shift_right_arithmetic3A_339 = vector.broadcast %shift_right_arithmetic3A : i32 to vector<16xi32>
            %shift_right_arithmetic3A_340 = arith.shrsi %get3A_338, %shift_right_arithmetic3A_339 : vector<16xi32>
            %and3A_341 = arith.constant 65535 : i32
            %and3A_342 = vector.broadcast %and3A_341 : i32 to vector<16xi32>
            %and3A_343 = arith.andi %get3A_338, %and3A_342 : vector<16xi32>
            tpu.vector_store_idx %arg10[%shift_right_arithmetic3A_340, %and3A_343], %gather3A : memref<17x432xf32, #tpu.memory_space<vmem>>[vector<16xi32>, vector<16xi32>], vector<16xf32>,
            %while3A_344 = arith.constant 0 : i32
            scf.yield %while3A_344 : i32
          }
          %while3A_326 = arith.constant 0 : i32
          scf.yield %while3A_326 : i32
        }
        %dma_start3A_226 = arith.constant 0 : i32
        %dma_start3A_227 = arith.constant 0 : i32
        %dma_start3A_228 = tpu.memref_slice %arg10[%dma_start3A_226, %dma_start3A_227] : memref<17x432xf32, #tpu.memory_space<vmem>> -> memref<16x432xf32, #tpu.memory_space<vmem>>
        %dma_start3A_229 = arith.constant 0 : i32
        %dma_start3A_230 = tpu.memref_slice %arg4[%scan3A_34, %add3A_204, %min3A_3, %dma_start3A_229] : memref<4x64x496x432xf32, #tpu.memory_space<hbm>> -> memref<1x1x16x432xf32, #tpu.memory_space<hbm>>
        %dma_start3A_231 = tpu.memref_squeeze %dma_start3A_230 : memref<1x1x16x432xf32, #tpu.memory_space<hbm>> -> memref<16x432xf32, #tpu.memory_space<hbm>>
        %dma_start3A_232 = arith.constant 0 : i32
        %dma_start3A_233 = tpu.memref_slice %arg4[%scan3A_34, %add3A_204, %min3A_3, %dma_start3A_232] : memref<4x64x496x432xf32, #tpu.memory_space<hbm>> -> memref<1x1x16x432xf32, #tpu.memory_space<hbm>>
        %dma_start3A_234 = tpu.memref_squeeze %dma_start3A_233 : memref<1x1x16x432xf32, #tpu.memory_space<hbm>> -> memref<16x432xf32, #tpu.memory_space<hbm>>
        %dma_start3A_235 = arith.constant 0 : i32
        %dma_start3A_236 = arith.constant 0 : i32
        %dma_start3A_237 = tpu.memref_slice %arg10[%dma_start3A_235, %dma_start3A_236] : memref<17x432xf32, #tpu.memory_space<vmem>> -> memref<16x432xf32, #tpu.memory_space<vmem>>
        tpu.enqueue_dma source(%dma_start3A_237 : memref<16x432xf32, #tpu.memory_space<vmem>>) target(%dma_start3A_234 : memref<16x432xf32, #tpu.memory_space<hbm>>) target_semaphore(%arg13 : memref<!tpu.dma_semaphore, #tpu.memory_space<semaphore_mem>>)
        %scan3A_238 = arith.constant 0 : i32
        scf.yield %scan3A_238 : i32
      }
      %scan3A_117 = arith.constant 32 : i32
      %dma_wait3A = arith.constant 0 : i32
      %dma_wait3A_118 = arith.constant 0 : i32
      %dma_wait3A_119 = arith.constant 0 : i32
      %dma_wait3A_120 = tpu.memref_slice %arg9[%dma_wait3A_118, %dma_wait3A_119] : memref<17x432xf32, #tpu.memory_space<vmem>> -> memref<16x432xf32, #tpu.memory_space<vmem>>
      %dma_wait3A_121 = arith.constant 0 : i32
      %dma_wait3A_122 = tpu.memref_slice %arg4[%scan3A_34, %dma_wait3A, %min3A_3, %dma_wait3A_121] : memref<4x64x496x432xf32, #tpu.memory_space<hbm>> -> memref<1x1x16x432xf32, #tpu.memory_space<hbm>>
      %dma_wait3A_123 = tpu.memref_squeeze %dma_wait3A_122 : memref<1x1x16x432xf32, #tpu.memory_space<hbm>> -> memref<16x432xf32, #tpu.memory_space<hbm>>
      %dma_wait3A_124 = arith.constant 0 : i32
      %dma_wait3A_125 = tpu.memref_slice %arg4[%scan3A_34, %dma_wait3A, %min3A_3, %dma_wait3A_124] : memref<4x64x496x432xf32, #tpu.memory_space<hbm>> -> memref<1x1x16x432xf32, #tpu.memory_space<hbm>>
      %dma_wait3A_126 = tpu.memref_squeeze %dma_wait3A_125 : memref<1x1x16x432xf32, #tpu.memory_space<hbm>> -> memref<16x432xf32, #tpu.memory_space<hbm>>
      %dma_wait3A_127 = arith.constant 0 : i32
      %dma_wait3A_128 = arith.constant 0 : i32
      %dma_wait3A_129 = tpu.memref_slice %arg9[%dma_wait3A_127, %dma_wait3A_128] : memref<17x432xf32, #tpu.memory_space<vmem>> -> memref<16x432xf32, #tpu.memory_space<vmem>>
      tpu.wait_dma2 semaphore(%arg12 : memref<!tpu.dma_semaphore, #tpu.memory_space<semaphore_mem>>) src(%dma_wait3A_129 : memref<16x432xf32, #tpu.memory_space<vmem>>) dst(%dma_wait3A_126 : memref<16x432xf32, #tpu.memory_space<hbm>>)
      %dma_wait3A_130 = arith.constant 0 : i32
      %dma_wait3A_131 = arith.constant 0 : i32
      %dma_wait3A_132 = arith.constant 0 : i32
      %dma_wait3A_133 = tpu.memref_slice %arg9[%dma_wait3A_131, %dma_wait3A_132] : memref<17x432xf32, #tpu.memory_space<vmem>> -> memref<16x432xf32, #tpu.memory_space<vmem>>
      %dma_wait3A_134 = arith.constant 0 : i32
      %dma_wait3A_135 = tpu.memref_slice %arg4[%scan3A_34, %dma_wait3A_130, %min3A_3, %dma_wait3A_134] : memref<4x64x496x432xf32, #tpu.memory_space<hbm>> -> memref<1x1x16x432xf32, #tpu.memory_space<hbm>>
      %dma_wait3A_136 = tpu.memref_squeeze %dma_wait3A_135 : memref<1x1x16x432xf32, #tpu.memory_space<hbm>> -> memref<16x432xf32, #tpu.memory_space<hbm>>
      %dma_wait3A_137 = arith.constant 0 : i32
      %dma_wait3A_138 = tpu.memref_slice %arg4[%scan3A_34, %dma_wait3A_130, %min3A_3, %dma_wait3A_137] : memref<4x64x496x432xf32, #tpu.memory_space<hbm>> -> memref<1x1x16x432xf32, #tpu.memory_space<hbm>>
      %dma_wait3A_139 = tpu.memref_squeeze %dma_wait3A_138 : memref<1x1x16x432xf32, #tpu.memory_space<hbm>> -> memref<16x432xf32, #tpu.memory_space<hbm>>
      %dma_wait3A_140 = arith.constant 0 : i32
      %dma_wait3A_141 = arith.constant 0 : i32
      %dma_wait3A_142 = tpu.memref_slice %arg9[%dma_wait3A_140, %dma_wait3A_141] : memref<17x432xf32, #tpu.memory_space<vmem>> -> memref<16x432xf32, #tpu.memory_space<vmem>>
      tpu.wait_dma2 semaphore(%arg13 : memref<!tpu.dma_semaphore, #tpu.memory_space<semaphore_mem>>) src(%dma_wait3A_142 : memref<16x432xf32, #tpu.memory_space<vmem>>) dst(%dma_wait3A_139 : memref<16x432xf32, #tpu.memory_space<hbm>>)
      %while3A = arith.constant 0 : i32
      %while3A_143 = arith.constant 0 : i32
      "tpu.trace_stop"() : () -> ()
      %while3A_144 = arith.subi %select_n3A, %while3A : i32
      %while3A_145 = arith.addi %while3A, %while3A_144 : i32
      %while3A_146 = arith.constant 1 : i32
      %while3A_147 = arith.divsi %while3A_144, %while3A_146 : i32
      %while3A_148 = arith.muli %while3A_147, %while3A_146 : i32
      %while3A_149 = arith.addi %while3A, %while3A_148 : i32
      %while3A_150 = arith.constant 1 : i32
      %while3A_151 = scf.for %while3A_167 = %while3A to %while3A_149 step %while3A_150 iter_args(%while3A_168 = %while3A_143) -> (i32)  : i32 {
        %mul3A_169 = arith.constant 16 : i32
        %mul3A_170 = arith.muli %while3A_167, %mul3A_169 : i32
        %get3A = arith.index_cast %mul3A_170 : i32 to index
        %get3A_171 = tpu.vector_load %arg6[%get3A] {strides = array<i32>} : memref<7168xi32, #tpu.memory_space<vmem>>, vector<16xi32>,
        %shift_right_arithmetic3A = arith.constant 16 : i32
        %shift_right_arithmetic3A_172 = vector.broadcast %shift_right_arithmetic3A : i32 to vector<16xi32>
        %shift_right_arithmetic3A_173 = arith.shrsi %get3A_171, %shift_right_arithmetic3A_172 : vector<16xi32>
        %and3A_174 = arith.constant 65535 : i32
        %and3A_175 = vector.broadcast %and3A_174 : i32 to vector<16xi32>
        %and3A_176 = arith.andi %get3A_171, %and3A_175 : vector<16xi32>
        tpu.vector_store_idx %arg9[%shift_right_arithmetic3A_173, %and3A_176], %broadcast_in_dim3A_4 : memref<17x432xf32, #tpu.memory_space<vmem>>[vector<16xi32>, vector<16xi32>], vector<16xf32>,
        %while3A_177 = arith.constant 0 : i32
        scf.yield %while3A_177 : i32
      }
      %while3A_152 = arith.constant 1 : i32
      %while3A_153 = scf.for %while3A_167 = %while3A_149 to %while3A_145 step %while3A_152 iter_args(%while3A_168 = %while3A_151) -> (i32)  : i32 {
        %mul3A_169 = arith.constant 16 : i32
        %mul3A_170 = arith.muli %while3A_167, %mul3A_169 : i32
        %get3A = arith.index_cast %mul3A_170 : i32 to index
        %get3A_171 = tpu.vector_load %arg6[%get3A] {strides = array<i32>} : memref<7168xi32, #tpu.memory_space<vmem>>, vector<16xi32>,
        %shift_right_arithmetic3A = arith.constant 16 : i32
        %shift_right_arithmetic3A_172 = vector.broadcast %shift_right_arithmetic3A : i32 to vector<16xi32>
        %shift_right_arithmetic3A_173 = arith.shrsi %get3A_171, %shift_right_arithmetic3A_172 : vector<16xi32>
        %and3A_174 = arith.constant 65535 : i32
        %and3A_175 = vector.broadcast %and3A_174 : i32 to vector<16xi32>
        %and3A_176 = arith.andi %get3A_171, %and3A_175 : vector<16xi32>
        tpu.vector_store_idx %arg9[%shift_right_arithmetic3A_173, %and3A_176], %broadcast_in_dim3A_4 : memref<17x432xf32, #tpu.memory_space<vmem>>[vector<16xi32>, vector<16xi32>], vector<16xf32>,
        %while3A_177 = arith.constant 0 : i32
        scf.yield %while3A_177 : i32
      }
      %while3A_154 = arith.constant 0 : i32
      %while3A_155 = arith.constant 0 : i32
      %while3A_156 = arith.subi %select_n3A, %while3A_154 : i32
      %while3A_157 = arith.addi %while3A_154, %while3A_156 : i32
      %while3A_158 = arith.constant 1 : i32
      %while3A_159 = arith.divsi %while3A_156, %while3A_158 : i32
      %while3A_160 = arith.muli %while3A_159, %while3A_158 : i32
      %while3A_161 = arith.addi %while3A_154, %while3A_160 : i32
      %while3A_162 = arith.constant 1 : i32
      %while3A_163 = scf.for %while3A_167 = %while3A_154 to %while3A_161 step %while3A_162 iter_args(%while3A_168 = %while3A_155) -> (i32)  : i32 {
        %mul3A_169 = arith.constant 16 : i32
        %mul3A_170 = arith.muli %while3A_167, %mul3A_169 : i32
        %get3A = arith.index_cast %mul3A_170 : i32 to index
        %get3A_171 = tpu.vector_load %arg6[%get3A] {strides = array<i32>} : memref<7168xi32, #tpu.memory_space<vmem>>, vector<16xi32>,
        %shift_right_arithmetic3A = arith.constant 16 : i32
        %shift_right_arithmetic3A_172 = vector.broadcast %shift_right_arithmetic3A : i32 to vector<16xi32>
        %shift_right_arithmetic3A_173 = arith.shrsi %get3A_171, %shift_right_arithmetic3A_172 : vector<16xi32>
        %and3A_174 = arith.constant 65535 : i32
        %and3A_175 = vector.broadcast %and3A_174 : i32 to vector<16xi32>
        %and3A_176 = arith.andi %get3A_171, %and3A_175 : vector<16xi32>
        tpu.vector_store_idx %arg10[%shift_right_arithmetic3A_173, %and3A_176], %broadcast_in_dim3A_4 : memref<17x432xf32, #tpu.memory_space<vmem>>[vector<16xi32>, vector<16xi32>], vector<16xf32>,
        %while3A_177 = arith.constant 0 : i32
        scf.yield %while3A_177 : i32
      }
      %while3A_164 = arith.constant 1 : i32
      %while3A_165 = scf.for %while3A_167 = %while3A_161 to %while3A_157 step %while3A_164 iter_args(%while3A_168 = %while3A_163) -> (i32)  : i32 {
        %mul3A_169 = arith.constant 16 : i32
        %mul3A_170 = arith.muli %while3A_167, %mul3A_169 : i32
        %get3A = arith.index_cast %mul3A_170 : i32 to index
        %get3A_171 = tpu.vector_load %arg6[%get3A] {strides = array<i32>} : memref<7168xi32, #tpu.memory_space<vmem>>, vector<16xi32>,
        %shift_right_arithmetic3A = arith.constant 16 : i32
        %shift_right_arithmetic3A_172 = vector.broadcast %shift_right_arithmetic3A : i32 to vector<16xi32>
        %shift_right_arithmetic3A_173 = arith.shrsi %get3A_171, %shift_right_arithmetic3A_172 : vector<16xi32>
        %and3A_174 = arith.constant 65535 : i32
        %and3A_175 = vector.broadcast %and3A_174 : i32 to vector<16xi32>
        %and3A_176 = arith.andi %get3A_171, %and3A_175 : vector<16xi32>
        tpu.vector_store_idx %arg10[%shift_right_arithmetic3A_173, %and3A_176], %broadcast_in_dim3A_4 : memref<17x432xf32, #tpu.memory_space<vmem>>[vector<16xi32>, vector<16xi32>], vector<16xf32>,
        %while3A_177 = arith.constant 0 : i32
        scf.yield %while3A_177 : i32
      }
      %scan3A_166 = arith.constant 0 : i32
      scf.yield %scan3A_166 : i32
    }
    %scan3A_33 = arith.constant 4 : i32
    return
  }
}

module attributes {stable_mosaic.version = 14 : i64} {
  func.func @_k1_body(%arg0: i32, %arg1: i32, %arg2: memref<1x240x288xf32, #tpu.memory_space<vmem>>, %arg3: memref<288x2048xf32, #tpu.memory_space<vmem>>, %arg4: memref<1x240x64xf32, #tpu.memory_space<vmem>>, %arg5: memref<1x2x2048xf32, #tpu.memory_space<vmem>>, %arg6: memref<2x2048xf32, #tpu.memory_space<vmem>>) attributes {dimension_semantics = [#tpu.dimension_semantics<arbitrary>, #tpu.dimension_semantics<arbitrary>], iteration_bounds = array<i64: 4, 50>, scalar_prefetch = 0 : i64, scratch_operands = 1 : i64, tpu.core_type = #tpu.core_type<tc>, window_params = [{transform_indices = @transform_0, window_bounds = array<i64: 1, 240, 288>}, {pipeline_mode = #tpu.pipeline_mode<synchronous>, transform_indices = @transform_1, window_bounds = array<i64: 288, 2048>}, {transform_indices = @transform_2, window_bounds = array<i64: 1, 240, 64>}, {transform_indices = @transform_3, window_bounds = array<i64: 1, 2, 2048>}]} {
    %get3A = arith.constant 0 : index
    %get3A_0 = arith.constant 0 : index
    %get3A_1 = arith.constant 0 : index
    %get3A_2 = vector.load %arg2[%get3A, %get3A_0, %get3A_1] : memref<1x240x288xf32, #tpu.memory_space<vmem>>, vector<1x240x288xf32>
    %get3A_3 = vector.shape_cast %get3A_2 : vector<1x240x288xf32> to vector<240x288xf32>
    %get3A_4 = arith.constant 0 : index
    %get3A_5 = arith.constant 0 : index
    %get3A_6 = vector.load %arg3[%get3A_4, %get3A_5] : memref<288x2048xf32, #tpu.memory_space<vmem>>, vector<288x2048xf32>
    %dot_general3A = arith.constant dense<0.000000e+00> : vector<240x2048xf32>
    %dot_general3A_7 = tpu.matmul %get3A_3, %get3A_6, %dot_general3A {dimension_numbers = #tpu.dot_dimension_numbers<[1], [0], [0], [1], [0, 0, 1, 1], [], []>, transpose_lhs_hint = false} : vector<240x288xf32>, vector<288x2048xf32>, vector<240x2048xf32> -> vector<240x2048xf32>
    %reduce_sum3A = arith.constant dense<0.000000e+00> : vector<2048xf32>
    %reduce_sum3A_8 = vector.multi_reduction <add>, %dot_general3A_7, %reduce_sum3A [0] : vector<240x2048xf32> to vector<2048xf32>
    %broadcast_in_dim3A = vector.shape_cast %reduce_sum3A_8 : vector<2048xf32> to vector<1x2048xf32>
    %mul3A = arith.mulf %dot_general3A_7, %dot_general3A_7 : vector<240x2048xf32>
    %reduce_sum3A_9 = arith.constant dense<0.000000e+00> : vector<2048xf32>
    %reduce_sum3A_10 = vector.multi_reduction <add>, %mul3A, %reduce_sum3A_9 [0] : vector<240x2048xf32> to vector<2048xf32>
    %broadcast_in_dim3A_11 = vector.shape_cast %reduce_sum3A_10 : vector<2048xf32> to vector<1x2048xf32>
    %eq3A = arith.constant 0 : i32
    %eq3A_12 = arith.cmpi eq, %arg1, %eq3A : i32
    %convert_element_type3A = arith.extui %eq3A_12 : i1 to i32
    %cond3A = arith.constant 0 : i32
    %cond3A_13 = arith.cmpi ne, %convert_element_type3A, %cond3A : i32
    scf.if %cond3A_13 {
      %broadcast_in_dim3A_95 = arith.constant 0.000000e+00 : f32
      %broadcast_in_dim3A_96 = vector.broadcast %broadcast_in_dim3A_95 : f32 to vector<2x2048xf32>
      %swap3A_97 = arith.constant 0 : index
      %swap3A_98 = arith.constant 0 : index
      %swap3A_99 = vector.load %arg6[%swap3A_97, %swap3A_98] : memref<2x2048xf32, #tpu.memory_space<vmem>>, vector<2x2048xf32>
      tpu.vector_store %arg6[%swap3A_97, %swap3A_98], %broadcast_in_dim3A_96 {strides = array<i32>} : memref<2x2048xf32, #tpu.memory_space<vmem>>, vector<2x2048xf32>,
    } else {
    }
    %get3A_14 = arith.constant 0 : index
    %get3A_15 = arith.constant 0 : index
    %get3A_16 = vector.load %arg6[%get3A_14, %get3A_15] : memref<2x2048xf32, #tpu.memory_space<vmem>>, vector<2x2048xf32>
    %concatenate3A = tpu.concatenate %broadcast_in_dim3A, %broadcast_in_dim3A_11 in 0 : vector<1x2048xf32>, vector<1x2048xf32> -> vector<2x2048xf32>
    %add3A = arith.addf %get3A_16, %concatenate3A : vector<2x2048xf32>
    %swap3A = arith.constant 0 : index
    %swap3A_17 = arith.constant 0 : index
    %swap3A_18 = vector.load %arg6[%swap3A, %swap3A_17] : memref<2x2048xf32, #tpu.memory_space<vmem>>, vector<2x2048xf32>
    tpu.vector_store %arg6[%swap3A, %swap3A_17], %add3A {strides = array<i32>} : memref<2x2048xf32, #tpu.memory_space<vmem>>, vector<2x2048xf32>,
    %slice3A = vector.extract_strided_slice %dot_general3A_7 {offsets = [0, 0], sizes = [240, 64], strides = [1, 1]} : vector<240x2048xf32> to vector<240x64xf32>
    %slice3A_19 = vector.extract_strided_slice %dot_general3A_7 {offsets = [0, 64], sizes = [240, 64], strides = [1, 1]} : vector<240x2048xf32> to vector<240x64xf32>
    %max3A = arith.maximumf %slice3A, %slice3A_19 : vector<240x64xf32>
    %slice3A_20 = vector.extract_strided_slice %dot_general3A_7 {offsets = [0, 128], sizes = [240, 64], strides = [1, 1]} : vector<240x2048xf32> to vector<240x64xf32>
    %max3A_21 = arith.maximumf %max3A, %slice3A_20 : vector<240x64xf32>
    %slice3A_22 = vector.extract_strided_slice %dot_general3A_7 {offsets = [0, 192], sizes = [240, 64], strides = [1, 1]} : vector<240x2048xf32> to vector<240x64xf32>
    %max3A_23 = arith.maximumf %max3A_21, %slice3A_22 : vector<240x64xf32>
    %slice3A_24 = vector.extract_strided_slice %dot_general3A_7 {offsets = [0, 256], sizes = [240, 64], strides = [1, 1]} : vector<240x2048xf32> to vector<240x64xf32>
    %max3A_25 = arith.maximumf %max3A_23, %slice3A_24 : vector<240x64xf32>
    %slice3A_26 = vector.extract_strided_slice %dot_general3A_7 {offsets = [0, 320], sizes = [240, 64], strides = [1, 1]} : vector<240x2048xf32> to vector<240x64xf32>
    %max3A_27 = arith.maximumf %max3A_25, %slice3A_26 : vector<240x64xf32>
    %slice3A_28 = vector.extract_strided_slice %dot_general3A_7 {offsets = [0, 384], sizes = [240, 64], strides = [1, 1]} : vector<240x2048xf32> to vector<240x64xf32>
    %max3A_29 = arith.maximumf %max3A_27, %slice3A_28 : vector<240x64xf32>
    %slice3A_30 = vector.extract_strided_slice %dot_general3A_7 {offsets = [0, 448], sizes = [240, 64], strides = [1, 1]} : vector<240x2048xf32> to vector<240x64xf32>
    %max3A_31 = arith.maximumf %max3A_29, %slice3A_30 : vector<240x64xf32>
    %slice3A_32 = vector.extract_strided_slice %dot_general3A_7 {offsets = [0, 512], sizes = [240, 64], strides = [1, 1]} : vector<240x2048xf32> to vector<240x64xf32>
    %max3A_33 = arith.maximumf %max3A_31, %slice3A_32 : vector<240x64xf32>
    %slice3A_34 = vector.extract_strided_slice %dot_general3A_7 {offsets = [0, 576], sizes = [240, 64], strides = [1, 1]} : vector<240x2048xf32> to vector<240x64xf32>
    %max3A_35 = arith.maximumf %max3A_33, %slice3A_34 : vector<240x64xf32>
    %slice3A_36 = vector.extract_strided_slice %dot_general3A_7 {offsets = [0, 640], sizes = [240, 64], strides = [1, 1]} : vector<240x2048xf32> to vector<240x64xf32>
    %max3A_37 = arith.maximumf %max3A_35, %slice3A_36 : vector<240x64xf32>
    %slice3A_38 = vector.extract_strided_slice %dot_general3A_7 {offsets = [0, 704], sizes = [240, 64], strides = [1, 1]} : vector<240x2048xf32> to vector<240x64xf32>
    %max3A_39 = arith.maximumf %max3A_37, %slice3A_38 : vector<240x64xf32>
    %slice3A_40 = vector.extract_strided_slice %dot_general3A_7 {offsets = [0, 768], sizes = [240, 64], strides = [1, 1]} : vector<240x2048xf32> to vector<240x64xf32>
    %max3A_41 = arith.maximumf %max3A_39, %slice3A_40 : vector<240x64xf32>
    %slice3A_42 = vector.extract_strided_slice %dot_general3A_7 {offsets = [0, 832], sizes = [240, 64], strides = [1, 1]} : vector<240x2048xf32> to vector<240x64xf32>
    %max3A_43 = arith.maximumf %max3A_41, %slice3A_42 : vector<240x64xf32>
    %slice3A_44 = vector.extract_strided_slice %dot_general3A_7 {offsets = [0, 896], sizes = [240, 64], strides = [1, 1]} : vector<240x2048xf32> to vector<240x64xf32>
    %max3A_45 = arith.maximumf %max3A_43, %slice3A_44 : vector<240x64xf32>
    %slice3A_46 = vector.extract_strided_slice %dot_general3A_7 {offsets = [0, 960], sizes = [240, 64], strides = [1, 1]} : vector<240x2048xf32> to vector<240x64xf32>
    %max3A_47 = arith.maximumf %max3A_45, %slice3A_46 : vector<240x64xf32>
    %slice3A_48 = vector.extract_strided_slice %dot_general3A_7 {offsets = [0, 1024], sizes = [240, 64], strides = [1, 1]} : vector<240x2048xf32> to vector<240x64xf32>
    %max3A_49 = arith.maximumf %max3A_47, %slice3A_48 : vector<240x64xf32>
    %slice3A_50 = vector.extract_strided_slice %dot_general3A_7 {offsets = [0, 1088], sizes = [240, 64], strides = [1, 1]} : vector<240x2048xf32> to vector<240x64xf32>
    %max3A_51 = arith.maximumf %max3A_49, %slice3A_50 : vector<240x64xf32>
    %slice3A_52 = vector.extract_strided_slice %dot_general3A_7 {offsets = [0, 1152], sizes = [240, 64], strides = [1, 1]} : vector<240x2048xf32> to vector<240x64xf32>
    %max3A_53 = arith.maximumf %max3A_51, %slice3A_52 : vector<240x64xf32>
    %slice3A_54 = vector.extract_strided_slice %dot_general3A_7 {offsets = [0, 1216], sizes = [240, 64], strides = [1, 1]} : vector<240x2048xf32> to vector<240x64xf32>
    %max3A_55 = arith.maximumf %max3A_53, %slice3A_54 : vector<240x64xf32>
    %slice3A_56 = vector.extract_strided_slice %dot_general3A_7 {offsets = [0, 1280], sizes = [240, 64], strides = [1, 1]} : vector<240x2048xf32> to vector<240x64xf32>
    %max3A_57 = arith.maximumf %max3A_55, %slice3A_56 : vector<240x64xf32>
    %slice3A_58 = vector.extract_strided_slice %dot_general3A_7 {offsets = [0, 1344], sizes = [240, 64], strides = [1, 1]} : vector<240x2048xf32> to vector<240x64xf32>
    %max3A_59 = arith.maximumf %max3A_57, %slice3A_58 : vector<240x64xf32>
    %slice3A_60 = vector.extract_strided_slice %dot_general3A_7 {offsets = [0, 1408], sizes = [240, 64], strides = [1, 1]} : vector<240x2048xf32> to vector<240x64xf32>
    %max3A_61 = arith.maximumf %max3A_59, %slice3A_60 : vector<240x64xf32>
    %slice3A_62 = vector.extract_strided_slice %dot_general3A_7 {offsets = [0, 1472], sizes = [240, 64], strides = [1, 1]} : vector<240x2048xf32> to vector<240x64xf32>
    %max3A_63 = arith.maximumf %max3A_61, %slice3A_62 : vector<240x64xf32>
    %slice3A_64 = vector.extract_strided_slice %dot_general3A_7 {offsets = [0, 1536], sizes = [240, 64], strides = [1, 1]} : vector<240x2048xf32> to vector<240x64xf32>
    %max3A_65 = arith.maximumf %max3A_63, %slice3A_64 : vector<240x64xf32>
    %slice3A_66 = vector.extract_strided_slice %dot_general3A_7 {offsets = [0, 1600], sizes = [240, 64], strides = [1, 1]} : vector<240x2048xf32> to vector<240x64xf32>
    %max3A_67 = arith.maximumf %max3A_65, %slice3A_66 : vector<240x64xf32>
    %slice3A_68 = vector.extract_strided_slice %dot_general3A_7 {offsets = [0, 1664], sizes = [240, 64], strides = [1, 1]} : vector<240x2048xf32> to vector<240x64xf32>
    %max3A_69 = arith.maximumf %max3A_67, %slice3A_68 : vector<240x64xf32>
    %slice3A_70 = vector.extract_strided_slice %dot_general3A_7 {offsets = [0, 1728], sizes = [240, 64], strides = [1, 1]} : vector<240x2048xf32> to vector<240x64xf32>
    %max3A_71 = arith.maximumf %max3A_69, %slice3A_70 : vector<240x64xf32>
    %slice3A_72 = vector.extract_strided_slice %dot_general3A_7 {offsets = [0, 1792], sizes = [240, 64], strides = [1, 1]} : vector<240x2048xf32> to vector<240x64xf32>
    %max3A_73 = arith.maximumf %max3A_71, %slice3A_72 : vector<240x64xf32>
    %slice3A_74 = vector.extract_strided_slice %dot_general3A_7 {offsets = [0, 1856], sizes = [240, 64], strides = [1, 1]} : vector<240x2048xf32> to vector<240x64xf32>
    %max3A_75 = arith.maximumf %max3A_73, %slice3A_74 : vector<240x64xf32>
    %slice3A_76 = vector.extract_strided_slice %dot_general3A_7 {offsets = [0, 1920], sizes = [240, 64], strides = [1, 1]} : vector<240x2048xf32> to vector<240x64xf32>
    %max3A_77 = arith.maximumf %max3A_75, %slice3A_76 : vector<240x64xf32>
    %slice3A_78 = vector.extract_strided_slice %dot_general3A_7 {offsets = [0, 1984], sizes = [240, 64], strides = [1, 1]} : vector<240x2048xf32> to vector<240x64xf32>
    %max3A_79 = arith.maximumf %max3A_77, %slice3A_78 : vector<240x64xf32>
    %swap3A_80 = arith.constant 0 : index
    %swap3A_81 = arith.constant 0 : index
    %swap3A_82 = arith.constant 0 : index
    %swap3A_83 = vector.load %arg4[%swap3A_80, %swap3A_81, %swap3A_82] : memref<1x240x64xf32, #tpu.memory_space<vmem>>, vector<1x240x64xf32>
    %swap3A_84 = vector.shape_cast %swap3A_83 : vector<1x240x64xf32> to vector<240x64xf32>
    %swap3A_85 = vector.shape_cast %max3A_79 : vector<240x64xf32> to vector<1x240x64xf32>
    tpu.vector_store %arg4[%swap3A_80, %swap3A_81, %swap3A_82], %swap3A_85 {strides = array<i32>} : memref<1x240x64xf32, #tpu.memory_space<vmem>>, vector<1x240x64xf32>,
    %get3A_86 = arith.constant 0 : index
    %get3A_87 = arith.constant 0 : index
    %get3A_88 = vector.load %arg6[%get3A_86, %get3A_87] : memref<2x2048xf32, #tpu.memory_space<vmem>>, vector<2x2048xf32>
    %swap3A_89 = arith.constant 0 : index
    %swap3A_90 = arith.constant 0 : index
    %swap3A_91 = arith.constant 0 : index
    %swap3A_92 = vector.load %arg5[%swap3A_89, %swap3A_90, %swap3A_91] : memref<1x2x2048xf32, #tpu.memory_space<vmem>>, vector<1x2x2048xf32>
    %swap3A_93 = vector.shape_cast %swap3A_92 : vector<1x2x2048xf32> to vector<2x2048xf32>
    %swap3A_94 = vector.shape_cast %get3A_88 : vector<2x2048xf32> to vector<1x2x2048xf32>
    tpu.vector_store %arg5[%swap3A_89, %swap3A_90, %swap3A_91], %swap3A_94 {strides = array<i32>} : memref<1x2x2048xf32, #tpu.memory_space<vmem>>, vector<1x2x2048xf32>,
    return
  }
  func.func @transform_0(%arg0: i32, %arg1: i32) -> (i32, i32, i32) {
    %c0_i32 = arith.constant 0 : i32
    %c0_i32_0 = arith.constant 0 : i32
    return %arg0, %arg1, %c0_i32 : i32, i32, i32
  }
  func.func @transform_1(%arg0: i32, %arg1: i32) -> (i32, i32) {
    %c0_i32 = arith.constant 0 : i32
    %c0_i32_0 = arith.constant 0 : i32
    %c0_i32_1 = arith.constant 0 : i32
    return %c0_i32, %c0_i32_0 : i32, i32
  }
  func.func @transform_2(%arg0: i32, %arg1: i32) -> (i32, i32, i32) {
    %c0_i32 = arith.constant 0 : i32
    %c0_i32_0 = arith.constant 0 : i32
    return %arg0, %arg1, %c0_i32 : i32, i32, i32
  }
  func.func @transform_3(%arg0: i32, %arg1: i32) -> (i32, i32, i32) {
    %c0_i32 = arith.constant 0 : i32
    %c0_i32_0 = arith.constant 0 : i32
    %c0_i32_1 = arith.constant 0 : i32
    return %arg0, %c0_i32, %c0_i32_0 : i32, i32, i32
  }
}

module attributes {stable_mosaic.version = 14 : i64} {
  func.func @_k2_body(%arg0: i32, %arg1: memref<1x12000x64xf32, #tpu.memory_space<vmem>>, %arg2: memref<1x2x2048xf32, #tpu.memory_space<vmem>>, %arg3: memref<1x64xf32, #tpu.memory_space<vmem>>, %arg4: memref<1x64xf32, #tpu.memory_space<vmem>>, %arg5: memref<1x12000x128xf32, #tpu.memory_space<vmem>>) attributes {dimension_semantics = [#tpu.dimension_semantics<arbitrary>], iteration_bounds = array<i64: 4>, scalar_prefetch = 0 : i64, scratch_operands = 0 : i64, tpu.core_type = #tpu.core_type<tc>, window_params = [{transform_indices = @transform_0, window_bounds = array<i64: 1, 12000, 64>}, {transform_indices = @transform_1, window_bounds = array<i64: 1, 2, 2048>}, {pipeline_mode = #tpu.pipeline_mode<synchronous>, transform_indices = @transform_2, window_bounds = array<i64: 1, 64>}, {pipeline_mode = #tpu.pipeline_mode<synchronous>, transform_indices = @transform_3, window_bounds = array<i64: 1, 64>}, {transform_indices = @transform_4, window_bounds = array<i64: 1, 12000, 128>}]} {
    %get3A = arith.constant 0 : index
    %get3A_0 = arith.constant 0 : index
    %get3A_1 = arith.constant 0 : index
    %get3A_2 = vector.load %arg2[%get3A, %get3A_0, %get3A_1] : memref<1x2x2048xf32, #tpu.memory_space<vmem>>, vector<1x2x2048xf32>
    %get3A_3 = vector.shape_cast %get3A_2 : vector<1x2x2048xf32> to vector<2x2048xf32>
    %slice3A = vector.extract_strided_slice %get3A_3 {offsets = [0, 0], sizes = [2, 64], strides = [1, 1]} : vector<2x2048xf32> to vector<2x64xf32>
    %slice3A_4 = vector.extract_strided_slice %get3A_3 {offsets = [0, 64], sizes = [2, 64], strides = [1, 1]} : vector<2x2048xf32> to vector<2x64xf32>
    %add3A = arith.addf %slice3A, %slice3A_4 : vector<2x64xf32>
    %slice3A_5 = vector.extract_strided_slice %get3A_3 {offsets = [0, 128], sizes = [2, 64], strides = [1, 1]} : vector<2x2048xf32> to vector<2x64xf32>
    %add3A_6 = arith.addf %add3A, %slice3A_5 : vector<2x64xf32>
    %slice3A_7 = vector.extract_strided_slice %get3A_3 {offsets = [0, 192], sizes = [2, 64], strides = [1, 1]} : vector<2x2048xf32> to vector<2x64xf32>
    %add3A_8 = arith.addf %add3A_6, %slice3A_7 : vector<2x64xf32>
    %slice3A_9 = vector.extract_strided_slice %get3A_3 {offsets = [0, 256], sizes = [2, 64], strides = [1, 1]} : vector<2x2048xf32> to vector<2x64xf32>
    %add3A_10 = arith.addf %add3A_8, %slice3A_9 : vector<2x64xf32>
    %slice3A_11 = vector.extract_strided_slice %get3A_3 {offsets = [0, 320], sizes = [2, 64], strides = [1, 1]} : vector<2x2048xf32> to vector<2x64xf32>
    %add3A_12 = arith.addf %add3A_10, %slice3A_11 : vector<2x64xf32>
    %slice3A_13 = vector.extract_strided_slice %get3A_3 {offsets = [0, 384], sizes = [2, 64], strides = [1, 1]} : vector<2x2048xf32> to vector<2x64xf32>
    %add3A_14 = arith.addf %add3A_12, %slice3A_13 : vector<2x64xf32>
    %slice3A_15 = vector.extract_strided_slice %get3A_3 {offsets = [0, 448], sizes = [2, 64], strides = [1, 1]} : vector<2x2048xf32> to vector<2x64xf32>
    %add3A_16 = arith.addf %add3A_14, %slice3A_15 : vector<2x64xf32>
    %slice3A_17 = vector.extract_strided_slice %get3A_3 {offsets = [0, 512], sizes = [2, 64], strides = [1, 1]} : vector<2x2048xf32> to vector<2x64xf32>
    %add3A_18 = arith.addf %add3A_16, %slice3A_17 : vector<2x64xf32>
    %slice3A_19 = vector.extract_strided_slice %get3A_3 {offsets = [0, 576], sizes = [2, 64], strides = [1, 1]} : vector<2x2048xf32> to vector<2x64xf32>
    %add3A_20 = arith.addf %add3A_18, %slice3A_19 : vector<2x64xf32>
    %slice3A_21 = vector.extract_strided_slice %get3A_3 {offsets = [0, 640], sizes = [2, 64], strides = [1, 1]} : vector<2x2048xf32> to vector<2x64xf32>
    %add3A_22 = arith.addf %add3A_20, %slice3A_21 : vector<2x64xf32>
    %slice3A_23 = vector.extract_strided_slice %get3A_3 {offsets = [0, 704], sizes = [2, 64], strides = [1, 1]} : vector<2x2048xf32> to vector<2x64xf32>
    %add3A_24 = arith.addf %add3A_22, %slice3A_23 : vector<2x64xf32>
    %slice3A_25 = vector.extract_strided_slice %get3A_3 {offsets = [0, 768], sizes = [2, 64], strides = [1, 1]} : vector<2x2048xf32> to vector<2x64xf32>
    %add3A_26 = arith.addf %add3A_24, %slice3A_25 : vector<2x64xf32>
    %slice3A_27 = vector.extract_strided_slice %get3A_3 {offsets = [0, 832], sizes = [2, 64], strides = [1, 1]} : vector<2x2048xf32> to vector<2x64xf32>
    %add3A_28 = arith.addf %add3A_26, %slice3A_27 : vector<2x64xf32>
    %slice3A_29 = vector.extract_strided_slice %get3A_3 {offsets = [0, 896], sizes = [2, 64], strides = [1, 1]} : vector<2x2048xf32> to vector<2x64xf32>
    %add3A_30 = arith.addf %add3A_28, %slice3A_29 : vector<2x64xf32>
    %slice3A_31 = vector.extract_strided_slice %get3A_3 {offsets = [0, 960], sizes = [2, 64], strides = [1, 1]} : vector<2x2048xf32> to vector<2x64xf32>
    %add3A_32 = arith.addf %add3A_30, %slice3A_31 : vector<2x64xf32>
    %slice3A_33 = vector.extract_strided_slice %get3A_3 {offsets = [0, 1024], sizes = [2, 64], strides = [1, 1]} : vector<2x2048xf32> to vector<2x64xf32>
    %add3A_34 = arith.addf %add3A_32, %slice3A_33 : vector<2x64xf32>
    %slice3A_35 = vector.extract_strided_slice %get3A_3 {offsets = [0, 1088], sizes = [2, 64], strides = [1, 1]} : vector<2x2048xf32> to vector<2x64xf32>
    %add3A_36 = arith.addf %add3A_34, %slice3A_35 : vector<2x64xf32>
    %slice3A_37 = vector.extract_strided_slice %get3A_3 {offsets = [0, 1152], sizes = [2, 64], strides = [1, 1]} : vector<2x2048xf32> to vector<2x64xf32>
    %add3A_38 = arith.addf %add3A_36, %slice3A_37 : vector<2x64xf32>
    %slice3A_39 = vector.extract_strided_slice %get3A_3 {offsets = [0, 1216], sizes = [2, 64], strides = [1, 1]} : vector<2x2048xf32> to vector<2x64xf32>
    %add3A_40 = arith.addf %add3A_38, %slice3A_39 : vector<2x64xf32>
    %slice3A_41 = vector.extract_strided_slice %get3A_3 {offsets = [0, 1280], sizes = [2, 64], strides = [1, 1]} : vector<2x2048xf32> to vector<2x64xf32>
    %add3A_42 = arith.addf %add3A_40, %slice3A_41 : vector<2x64xf32>
    %slice3A_43 = vector.extract_strided_slice %get3A_3 {offsets = [0, 1344], sizes = [2, 64], strides = [1, 1]} : vector<2x2048xf32> to vector<2x64xf32>
    %add3A_44 = arith.addf %add3A_42, %slice3A_43 : vector<2x64xf32>
    %slice3A_45 = vector.extract_strided_slice %get3A_3 {offsets = [0, 1408], sizes = [2, 64], strides = [1, 1]} : vector<2x2048xf32> to vector<2x64xf32>
    %add3A_46 = arith.addf %add3A_44, %slice3A_45 : vector<2x64xf32>
    %slice3A_47 = vector.extract_strided_slice %get3A_3 {offsets = [0, 1472], sizes = [2, 64], strides = [1, 1]} : vector<2x2048xf32> to vector<2x64xf32>
    %add3A_48 = arith.addf %add3A_46, %slice3A_47 : vector<2x64xf32>
    %slice3A_49 = vector.extract_strided_slice %get3A_3 {offsets = [0, 1536], sizes = [2, 64], strides = [1, 1]} : vector<2x2048xf32> to vector<2x64xf32>
    %add3A_50 = arith.addf %add3A_48, %slice3A_49 : vector<2x64xf32>
    %slice3A_51 = vector.extract_strided_slice %get3A_3 {offsets = [0, 1600], sizes = [2, 64], strides = [1, 1]} : vector<2x2048xf32> to vector<2x64xf32>
    %add3A_52 = arith.addf %add3A_50, %slice3A_51 : vector<2x64xf32>
    %slice3A_53 = vector.extract_strided_slice %get3A_3 {offsets = [0, 1664], sizes = [2, 64], strides = [1, 1]} : vector<2x2048xf32> to vector<2x64xf32>
    %add3A_54 = arith.addf %add3A_52, %slice3A_53 : vector<2x64xf32>
    %slice3A_55 = vector.extract_strided_slice %get3A_3 {offsets = [0, 1728], sizes = [2, 64], strides = [1, 1]} : vector<2x2048xf32> to vector<2x64xf32>
    %add3A_56 = arith.addf %add3A_54, %slice3A_55 : vector<2x64xf32>
    %slice3A_57 = vector.extract_strided_slice %get3A_3 {offsets = [0, 1792], sizes = [2, 64], strides = [1, 1]} : vector<2x2048xf32> to vector<2x64xf32>
    %add3A_58 = arith.addf %add3A_56, %slice3A_57 : vector<2x64xf32>
    %slice3A_59 = vector.extract_strided_slice %get3A_3 {offsets = [0, 1856], sizes = [2, 64], strides = [1, 1]} : vector<2x2048xf32> to vector<2x64xf32>
    %add3A_60 = arith.addf %add3A_58, %slice3A_59 : vector<2x64xf32>
    %slice3A_61 = vector.extract_strided_slice %get3A_3 {offsets = [0, 1920], sizes = [2, 64], strides = [1, 1]} : vector<2x2048xf32> to vector<2x64xf32>
    %add3A_62 = arith.addf %add3A_60, %slice3A_61 : vector<2x64xf32>
    %slice3A_63 = vector.extract_strided_slice %get3A_3 {offsets = [0, 1984], sizes = [2, 64], strides = [1, 1]} : vector<2x2048xf32> to vector<2x64xf32>
    %add3A_64 = arith.addf %add3A_62, %slice3A_63 : vector<2x64xf32>
    %slice3A_65 = vector.extract_strided_slice %add3A_64 {offsets = [0, 0], sizes = [1, 64], strides = [1, 1]} : vector<2x64xf32> to vector<1x64xf32>
    %div3A = arith.constant 3.840000e+05 : f32
    %div3A_66 = vector.broadcast %div3A : f32 to vector<1x64xf32>
    %div3A_67 = arith.divf %slice3A_65, %div3A_66 : vector<1x64xf32>
    %slice3A_68 = vector.extract_strided_slice %add3A_64 {offsets = [1, 0], sizes = [1, 64], strides = [1, 1]} : vector<2x64xf32> to vector<1x64xf32>
    %div3A_69 = arith.constant 3.840000e+05 : f32
    %div3A_70 = vector.broadcast %div3A_69 : f32 to vector<1x64xf32>
    %div3A_71 = arith.divf %slice3A_68, %div3A_70 : vector<1x64xf32>
    %mul3A = arith.mulf %div3A_67, %div3A_67 : vector<1x64xf32>
    %sub3A = arith.subf %div3A_71, %mul3A : vector<1x64xf32>
    %get3A_72 = arith.constant 0 : index
    %get3A_73 = arith.constant 0 : index
    %get3A_74 = vector.load %arg3[%get3A_72, %get3A_73] : memref<1x64xf32, #tpu.memory_space<vmem>>, vector<1x64xf32>
    %add3A_75 = arith.constant 1.000000e-03 : f32
    %add3A_76 = vector.broadcast %add3A_75 : f32 to vector<1x64xf32>
    %add3A_77 = arith.addf %sub3A, %add3A_76 : vector<1x64xf32>
    %rsqrt3A = math.rsqrt %add3A_77 : vector<1x64xf32>
    %mul3A_78 = arith.mulf %get3A_74, %rsqrt3A : vector<1x64xf32>
    %get3A_79 = arith.constant 0 : index
    %get3A_80 = arith.constant 0 : index
    %get3A_81 = vector.load %arg4[%get3A_79, %get3A_80] : memref<1x64xf32, #tpu.memory_space<vmem>>, vector<1x64xf32>
    %mul3A_82 = arith.mulf %div3A_67, %mul3A_78 : vector<1x64xf32>
    %sub3A_83 = arith.subf %get3A_81, %mul3A_82 : vector<1x64xf32>
    %get3A_84 = arith.constant 0 : index
    %get3A_85 = arith.constant 0 : index
    %get3A_86 = arith.constant 0 : index
    %get3A_87 = vector.load %arg1[%get3A_84, %get3A_85, %get3A_86] : memref<1x12000x64xf32, #tpu.memory_space<vmem>>, vector<1x12000x64xf32>
    %get3A_88 = vector.shape_cast %get3A_87 : vector<1x12000x64xf32> to vector<12000x64xf32>
    %mul3A_89 = vector.broadcast %mul3A_78 : vector<1x64xf32> to vector<12000x64xf32>
    %mul3A_90 = arith.mulf %get3A_88, %mul3A_89 : vector<12000x64xf32>
    %add3A_91 = vector.broadcast %sub3A_83 : vector<1x64xf32> to vector<12000x64xf32>
    %add3A_92 = arith.addf %mul3A_90, %add3A_91 : vector<12000x64xf32>
    %max3A = arith.constant 0.000000e+00 : f32
    %max3A_93 = vector.broadcast %max3A : f32 to vector<12000x64xf32>
    %max3A_94 = arith.maximumf %add3A_92, %max3A_93 : vector<12000x64xf32>
    %broadcast_in_dim3A = arith.constant 0.000000e+00 : f32
    %broadcast_in_dim3A_95 = vector.broadcast %broadcast_in_dim3A : f32 to vector<12000x64xf32>
    %concatenate3A = tpu.concatenate %max3A_94, %broadcast_in_dim3A_95 in 1 : vector<12000x64xf32>, vector<12000x64xf32> -> vector<12000x128xf32>
    %swap3A = arith.constant 0 : index
    %swap3A_96 = arith.constant 0 : index
    %swap3A_97 = arith.constant 0 : index
    %swap3A_98 = vector.load %arg5[%swap3A, %swap3A_96, %swap3A_97] : memref<1x12000x128xf32, #tpu.memory_space<vmem>>, vector<1x12000x128xf32>
    %swap3A_99 = vector.shape_cast %swap3A_98 : vector<1x12000x128xf32> to vector<12000x128xf32>
    %swap3A_100 = vector.shape_cast %concatenate3A : vector<12000x128xf32> to vector<1x12000x128xf32>
    tpu.vector_store %arg5[%swap3A, %swap3A_96, %swap3A_97], %swap3A_100 {strides = array<i32>} : memref<1x12000x128xf32, #tpu.memory_space<vmem>>, vector<1x12000x128xf32>,
    return
  }
  func.func @transform_0(%arg0: i32) -> (i32, i32, i32) {
    %c0_i32 = arith.constant 0 : i32
    %c0_i32_0 = arith.constant 0 : i32
    %c0_i32_1 = arith.constant 0 : i32
    return %arg0, %c0_i32, %c0_i32_0 : i32, i32, i32
  }
  func.func @transform_1(%arg0: i32) -> (i32, i32, i32) {
    %c0_i32 = arith.constant 0 : i32
    %c0_i32_0 = arith.constant 0 : i32
    %c0_i32_1 = arith.constant 0 : i32
    return %arg0, %c0_i32, %c0_i32_0 : i32, i32, i32
  }
  func.func @transform_2(%arg0: i32) -> (i32, i32) {
    %c0_i32 = arith.constant 0 : i32
    %c0_i32_0 = arith.constant 0 : i32
    %c0_i32_1 = arith.constant 0 : i32
    return %c0_i32, %c0_i32_0 : i32, i32
  }
  func.func @transform_3(%arg0: i32) -> (i32, i32) {
    %c0_i32 = arith.constant 0 : i32
    %c0_i32_0 = arith.constant 0 : i32
    %c0_i32_1 = arith.constant 0 : i32
    return %c0_i32, %c0_i32_0 : i32, i32
  }
  func.func @transform_4(%arg0: i32) -> (i32, i32, i32) {
    %c0_i32 = arith.constant 0 : i32
    %c0_i32_0 = arith.constant 0 : i32
    %c0_i32_1 = arith.constant 0 : i32
    return %arg0, %c0_i32, %c0_i32_0 : i32, i32, i32
  }
}

</mosaic_0001>

<sc_bundles>
// kernel: kernel.5.cloned.1.call-start
scs
__scs_entry_jumppad:
0x0: {  	(pc) =	sbr.rel $0x88, $3  }
0x1: {  	(tag) =	ssettag $0x0;
	lr =	simm.s32 $0x1  }
0x2: {  	[smem:$0x3F9C] =	sst lr;
	_ =	strace $0xD0000000  }
0x3: {  	_ = 	snop  }
0x4: {  	_ = 	snop  }
0x5: {  	_ = 	snop  }
0x6: {  	_ = 	snop  }
0x7: {  	_ = 	snop  }
__scs_overlays_trampoline_lowered:
0x8: {  	[smem:$0x3FAB] =	sst s0  }
0x9: {  	[smem:$0x3FAC] =	sst s1  }
0xa: {  	[smem:$0x3FAD] =	sst s2  }
0xb: {  	[smem:$0x3FAE] =	sst s3  }
0xc: {  	[smem:$0x3FAF] =	sst s4  }
0xd: {  	[smem:$0x3FB0] =	sst s5  }
0xe: {  	[smem:$0x3FB1] =	sst s6  }
0xf: {  	[smem:$0x3FB2] =	sst s7  }
0x10: {  	[smem:$0x3FB3] =	sst s8  }
0x11: {  	[smem:$0x3FB4] =	sst s9;
	s0 =	simm.s32 @!p0 $0x0  }
0x12: {  	s1 =	sld [smem:$0x3F9A];
	s0 =	simm.s32 @p0 $0x1  }
0x13: {  	[smem:$0x3FB5] =	sst s0;
	s0 =	simm.s32 @!p1 $0x0  }
0x14: {  	s2 =	sld [smem:$0x3F99];
	s0 =	simm.s32 @p1 $0x1  }
0x15: {  	[smem:$0x3FB6] =	sst s0;
	s0 =	simm.s32 @!p2 $0x0  }
0x16: {  	s3 =	sld [smem:$0x3FDB];
	s0 =	simm.s32 @p2 $0x1  }
0x17: {  	s4 =	simm.s32 $0x1BF5;
	[smem:$0x3FB8] =	sst s0  }
0x18: {  	s0 =	sld [smem:$0x3F9B];
	_ =	swait.ge [sflag:s4], $0x0  }
0x19: {  	s7 =	sld [smem:$0x3F9C]  }
0x1a: {  	s8 =	sadd.s32 $0xFFFFE003, lr  }
0x1b: {  	s9 =	sadd.s32 $0xFFFFFEF7, lr;
	s5 =	simm.s32 $0xFFFFFFFF;
	p2 =	slt.u32 s8, $0xFFFFF086  }
0x1c: {  	p1 =	slt.u32 s9, $0xF7A;
	s5 =	simm.s32 @!p2 $0x0  }
0x1d: {  	s5 =	simm.s32 @p1 $0x1;
	p0 =	seq.s32 s7, s2  }
0x1e: {  	s7 =	smul.u32 @!p0 $0xF7A, s2;
	p2 =	seq.s32 @!p0 s5, $0x0  }
0x1f: {  	s9 =	smul.u32 $0xF7A, s1;
	s8 =	simm.s32 @!p0 $0x1BF5;
	p2 =	por !p2, p0  }
0x20: {  	[sflag:s8] =	ssyncset.s32 @!p0 $0xFFFFF086;
	s6 =	sadd.s32 @!p0 s3, s7;
	s7 =	simm.s32 @!p0 $0x108  }
0x21: {  	s3 =	sadd.s32 s3, s9;
	s6 =	sadd.s32 @!p0 $0x88, s6;
	s7 =	simm.s32 @p2 $0x1082  }
0x22: {  	[simem:s7], [sflag:s8] =	dma.local @!p0 [hbm:s6], $0xF7A  }
0x23: {  	s9 =	sor.u32 $0xD0000000, s2;
	s6 =	simm.s32 $0x108;
	_ =	swait.ge @!p0 [sflag:s8], $0x0  }
0x24: {  	s3 =	sadd.s32 $0x88, s3;
	s6 =	simm.s32 @!p1 $0x1082;
	[sflag:s4] =	ssyncset.s32 $0xFFFFF086  }
0x25: {  	[simem:s6], [sflag:s4] =	dma.local [hbm:s3], $0xF7A  }
0x26: {  	[smem:$0x3F9C] =	sst s1;
	(tag) =	ssettag s2;
	_ =	strace s9  }
0x27: {  	s1 =	sld [smem:$0x3FAC]  }
0x28: {  	s2 =	sld [smem:$0x3FAD]  }
0x29: {  	s4 =	sld [smem:$0x3FAF]  }
0x2a: {  	p0 =	seq.s32 s5, $0x0;
	s5 =	sld [smem:$0x3FB0]  }
0x2b: {  	s6 =	sld [smem:$0x3FB1]  }
0x2c: {  	s7 =	sld [smem:$0x3FB2]  }
0x2d: {  	s3 =	simm.s32 $0x108;
	s8 =	sld [smem:$0x3FB3]  }
0x2e: {  	s3 =	simm.s32 @!p0 $0x1082;
	s9 =	sld [smem:$0x3FB4]  }
0x2f: {  	lr =	sadd.s32 s0, s3;
	s0 =	sld [smem:$0x3FAB]  }
0x30: {  	s3 =	sld [smem:$0x3FAE]  }
0x31: {  	[smem:$0x3FB7] =	sst s10  }
0x32: {  	s10 =	sld [smem:$0x3FB5];
	_ =	sdelay $0x3  }
0x33: {  	p0 =	seq.s32 s10, $0x1;
	s10 =	sld [smem:$0x3FB7];
	_ =	sdelay $0x3  }
0x34: {  	[smem:$0x3FB7] =	sst s10  }
0x35: {  	s10 =	sld [smem:$0x3FB6];
	_ =	sdelay $0x3  }
0x36: {  	p1 =	seq.s32 s10, $0x1;
	s10 =	sld [smem:$0x3FB7];
	_ =	sdelay $0x3  }
0x37: {  	[smem:$0x3FB7] =	sst s10  }
0x38: {  	s10 =	sld [smem:$0x3FB8]  }
0x39: {  	_ = 	snop;
	(pc) =	sbr.ind lr, $3  }
0x3a: {  	_ = 	snop  }
0x3b: {  	_ = 	snop  }
0x3c: {  	p2 =	seq.s32 s10, $0x1;
	s10 =	sld [smem:$0x3FB7]  }
0x3d: {  	_ =	shalt  }
0x3e: {  	_ =	shalt  }
0x3f: {  	_ =	shalt  }
0x40: {  	_ =	shalt  }
0x41: {  	_ =	shalt  }
0x42: {  	_ =	shalt  }
0x43: {  	_ =	shalt  }
0x44: {  	_ =	shalt  }
0x45: {  	_ =	shalt  }
0x46: {  	_ =	shalt  }
0x47: {  	_ =	shalt  }
0x48: {  	_ =	shalt  }
0x49: {  	_ =	shalt  }
0x4a: {  	_ =	shalt  }
0x4b: {  	_ =	shalt  }
0x4c: {  	_ =	shalt  }
0x4d: {  	_ =	shalt  }
0x4e: {  	_ =	shalt  }
0x4f: {  	_ =	shalt  }
0x50: {  	_ =	shalt  }
0x51: {  	_ =	shalt  }
0x52: {  	_ =	shalt  }
0x53: {  	_ =	shalt  }
0x54: {  	_ =	shalt  }
0x55: {  	_ =	shalt  }
0x56: {  	_ =	shalt  }
0x57: {  	_ =	shalt  }
0x58: {  	_ =	shalt  }
0x59: {  	_ =	shalt  }
0x5a: {  	_ =	shalt  }
0x5b: {  	_ =	shalt  }
0x5c: {  	_ =	shalt  }
0x5d: {  	_ =	shalt  }
0x5e: {  	_ =	shalt  }
0x5f: {  	_ =	shalt  }
0x60: {  	_ =	shalt  }
0x61: {  	_ =	shalt  }
0x62: {  	_ =	shalt  }
0x63: {  	_ =	shalt  }
0x64: {  	_ =	shalt  }
0x65: {  	_ =	shalt  }
0x66: {  	_ =	shalt  }
0x67: {  	_ =	shalt  }
0x68: {  	_ =	shalt  }
0x69: {  	_ =	shalt  }
0x6a: {  	_ =	shalt  }
0x6b: {  	_ =	shalt  }
0x6c: {  	_ =	shalt  }
0x6d: {  	_ =	shalt  }
0x6e: {  	_ =	shalt  }
0x6f: {  	_ =	shalt  }
0x70: {  	_ =	shalt  }
0x71: {  	_ =	shalt  }
0x72: {  	_ =	shalt  }
0x73: {  	_ =	shalt  }
0x74: {  	_ =	shalt  }
0x75: {  	_ =	shalt  }
0x76: {  	_ =	shalt  }
0x77: {  	_ =	shalt  }
0x78: {  	_ =	shalt  }
0x79: {  	_ =	shalt  }
0x7a: {  	_ =	shalt  }
0x7b: {  	_ =	shalt  }
0x7c: {  	_ =	shalt  }
0x7d: {  	_ =	shalt  }
0x7e: {  	_ =	shalt  }
0x7f: {  	_ =	shalt  }
0x80: {  	_ =	shalt  }
0x81: {  	_ =	shalt  }
0x82: {  	_ =	shalt  }
0x83: {  	_ =	shalt  }
0x84: {  	_ =	shalt  }
0x85: {  	_ =	shalt  }
0x86: {  	_ =	shalt  }
0x87: {  	_ =	shalt  }
.Lfunc_end0:
.L_simem_size_0:
called_computation_lowered:
.L_overlay_start_0:
0x88: {  	s2 =	sld [smem:$0x3FD9]  }
0x89: {  	s3 =	sld [smem:$0x3FFE];
	_ =	sdelay $0x1  }
0x8a: {  	s1 =	srdreg.scid  }
0x8b: {  	s0 =	sand.u32 $0x1, s1  }
0x8c: {  	s17 =	sshll.u32 s0, $0xA;
	s2 =	sadd.s32 s3, s2  }
0x8d: {  	s2 =	sadd.s32 s2, s17  }
0x8e: {  	[smem:$0x3FC3] =	sst s2  }
0x8f: {  	_ = 	snop  }
0x90: {  	s2 =	sld [smem:$0x3FD0];
	(tm) =	ssettm $0x1  }
0x91: {  	s18 =	sld [smem:$0x3FFB];
	_ =	sdelay $0x3  }
0x92: {  	_ =	strace s18  }
0x93: {  	s3 =	sld [smem:$0x3FFC];
	_ =	sdelay $0x3  }
0x94: {  	_ =	strace s3  }
0x95: {  	s3 =	sld [smem:$0x3FFD];
	_ =	sdelay $0x3  }
0x96: {  	_ =	strace s3  }
0x97: {  	_ =	strace $0x8FFFFFFF  }
0x98: {  	s19 =	sld [smem:$0x3FDB];
	_ =	sdelay $0x1  }
0x99: {  	s4 =	simm.s32 $_scs_section_size  }
0x9a: {  	s5 =	simm.s32 $_size__tile_overlayer_lowered;
	s6 =	simm.s32 $_tile_overlayer_lowered  }
0x9b: {  	s22 =	simm.s32 $0x1BFF;
	s21 =	sshll.u32 s6, $0x1;
	s3 =	sadd.s32 s4, s19  }
0x9c: {  	s7 =	simm.s32 $0x0;
	s20 =	sshll.u32 s5, $0x1;
	s5 =	sadd.s32 s21, s3  }
0x9d: {  	[timem:s7], [sflag:s22] =	dma.local [hbm:s5], s20  }
0x9e: {  	_ =	swait.ge [sflag:s22], s20  }
0x9f: {  	s4 =	ssub.s32 $0x0, s20;
	[sflag:s22] =	ssyncset.done $0x0  }
0xa0: {  	[sflag:s22] =	ssyncadd.s32 s4;
	_ =	sdelay $0x1  }
0xa1: {  	s23 =	simm.s32 $0x1B8B  }
0xa2: {  	_ =	swait.ge [sflag:s23], $0x1  }
0xa3: {  	[sflag:s23] =	ssyncset.done $0x0  }
0xa4: {  	s25 =	simm.s32 $0x1B8E;
	s24 =	sld [smem:$0x3FFE];
	[sflag:s23] =	ssyncadd.s32 $0xFFFFFFFF  }
0xa5: {  	s26 =	simm.s32 $execute0_lowered;
	[smem:$0x3FD2] =	sst s25  }
0xa6: {  	s5 =	sshll.u32 s26, $0x1;
	_ =	strace $0x80000046;
	[dreg:$0x1] =	wrdreg $0xFFFFFFFF  }
0xa7: {  	s28 =	simm.s32 $_size_execute0_lowered;
	s3 =	sadd.s32 s3, s5;
	[dreg:$0x0] =	wrdreg $0x0  }
0xa8: {  	s5 =	sshll.u32 s28, $0x1;
	[dreg:$0x2] =	wrdreg s3  }
0xa9: {  	[dreg:$0x3] =	wrdreg s5  }
0xaa: {  	[dreg:$0x4] =	wrdreg $0xC0  }
0xab: {  	_ =	task [dreg:s7], $0x5FFFF  }
0xac: {  	[dreg:$0x1] =	wrdreg $0xFFFFFFFF  }
0xad: {  	[dreg:$0x0] =	wrdreg $0x60  }
0xae: {  	[dreg:$0x2] =	wrdreg s2  }
0xaf: {  	[dreg:$0x3] =	wrdreg s24  }
0xb0: {  	[dreg:$0x4] =	wrdreg $0x9  }
0xb1: {  	_ =	task.clear_ibuf [dreg:s7], $0x5FFFF;
	_ =	strace $0x90000046  }
0xb2: {  	s29 =	simm.s32 $0x9;
	_ =	strace $0x8000004B  }
0xb3: {  	_ =	swait.ge [sflag:s29], $0x1  }
0xb4: {  	[sflag:s29] =	ssyncadd.s32 $0xFFFFFFFF  }
0xb5: {  	_ =	strace $0x9000004B  }
0xb6: {  	_ =	sfence  }
0xb7: {  	s30 =	sld [smem:$0x0];
	_ =	sdelay $0x2  }
0xb8: {  	s31 =	sshll.u32 s1, $0xD;
	s1 =	sshrl.u32 s1, $0x2  }
0xb9: {  	s3 =	sand.u32 $0x4000, s31;
	s1 =	sadd.s32 s1, s30  }
0xba: {  	s0 =	sor.u32 s3, s0;
	s1 =	sshll.u32 s1, $0x11  }
0xbb: {  	s0 =	sor.u32 s1, s0  }
0xbc: {  	s0 =	sadd.s32 $0x8F2B, s0  }
0xbd: {  	[sflag:s0] =	ssyncadd.remote.s32 $0x1  }
0xbe: {  	_ =	sfence.sel $0xFFFF  }
0xbf: {  	[dreg:$0x0] =	wrdreg $0xFFFFFFFF;
	(pc) =	sbr.abs _section_cstart, $3  }
0xc0: {  	[dreg:$0x1] =	wrdreg $0xFFFFFFFF  }
0xc1: {  	_ =	task.clear_ibuf [dreg:s7], $0x2FFFF;
	_ =	strace $0x9FFFFFFF  }
0xc2: {  	(tm) =	ssettm $0x7FFFFFFF  }
0xc3: {  	_ =	shalt  }
tec
execute0_lowered:
.L_overlay_start_1:
0x0: {  	(tag) =	ssettag $0x1  }
0x1: {  	v0 =	vlaneseq.u32;
	v4 =	vimm.s32 $0x0  }
0x2: {  	s1 =	srdreg.scid;
	s0 =	stileid.u32;
	v5 =	vimm.f32 $0.0e+00;
	v6 =	vimm.s32 $0x40000000;
	v34 =	vimm.s32 $0x100000  }
0x3: {  	s5 =	rddreg [dreg:$0x1];
	s8 =	simm.s32 $0x80;
	s9 =	simm.s32 $0x200;
	v1 =	vmul.u32 $0x2, v0;
	v8 =	vor.u32 $0x10, v0;
	v9 =	vor.u32 $0x20, v0  }
0x4: {  	s10 =	simm.s32 $0x3700;
	s11 =	simm.s32 $0x1;
	s12 =	simm.s32 $0x5300;
	v10 =	vor.u32 $0x30, v0;
	v11 =	vor.u32 $0x40, v0;
	v12 =	vor.u32 $0x50, v0  }
0x5: {  	s13 =	simm.s32 $0x15300;
	s14 =	simm.s32 $0x18300;
	s15 =	simm.s32 $0x2;
	v13 =	vor.u32 $0x60, v0;
	v14 =	vor.u32 $0x70, v0;
	v15 =	vor.u32 $0x80, v0  }
0x6: {  	s16 =	simm.s32 $0x3;
	s17 =	simm.s32 $0x0;
	s2 =	sand.u32 $0x1, s1;
	v16 =	vor.u32 $0x90, v0;
	v17 =	vor.u32 $0xA0, v0;
	v18 =	vor.u32 $0xB0, v0  }
0x7: {  	s30 =	sshll.u32 s0, $0x5;
	v19 =	vor.u32 $0xC0, v0;
	s4 =	sadd.s32 $0xA00, s5;
	v20 =	vor.u32 $0xD0, v0;
	v21 =	vor.u32 $0xE0, v0;
	s3 =	sshll.u32 s2, $0x4  }
.Ltmp0:
0x8: {  	v22 =	vor.u32 $0xF0, v0;
	v23 =	vor.u32 $0x100, v0;
	v24 =	vor.u32 $0x110, v0;
	s2 =	ssub.s32 $0x2, s2;
	s1 =	sor.u32 s3, s30;
	(pc) =	sbr.rel .LBB2_1-.Ltmp0, $4  }
0x9: {  	v25 =	vor.u32 $0x120, v0;
	v26 =	vor.u32 $0x130, v0;
	v27 =	vor.u32 $0x140, v0;
	s3 =	simm.s32 $0x0;
	s7 =	sshrl.u32 s2, $0x1;
	s6 =	smin.u32 s1, $0x1E0  }
0xa: {  	v28 =	vor.u32 $0x150, v0;
	v29 =	vor.u32 $0x160, v0;
	v30 =	vor.u32 $0x170, v0;
	[smem:$0x7FF] =	sst s3;
	s2 =	ssub.s32 s2, s7;
	s1 =	sadd.s32 $0x10, s6  }
0xb: {  	s5 =	sadd.s32 $0x4200, s5;
	v31 =	vor.u32 $0x180, v0;
	v32 =	vor.u32 $0x190, v0;
	s31 =	smax.u32 s2, $0x1;
	v3 =	vmov s1;
	s1 =	rddreg [dreg:$0x0]  }
0xc: {  	v33 =	vor.u32 $0x1A0, v0;
	v7 =	vor.u32 $0x1, v1;
	v2 =	vmov s6;
	s6 =	sshll.u32 s6, $0x9;
	_ =	strace $0x80000047;
	[dreg:$0x3] =	wrdreg s31  }
.LBB2_50:
0xd: {  	s17 =	sadd.s32 $0x1, s17;
	s0 =	rddreg [dreg:$0x3]  }
0xe: {  	p0 =	sne.s32 s17, s0  }
.Ltmp1:
0xf: {  	_ = 	snop;
	(pc) =	sbr.rel @!p0 .LBB2_51-.Ltmp1, $1  }
0x10: {  	_ =	sdelay $0x3  }
.LBB2_1:
0x11: {  	s2 =	simm.s32 $0x40;
	s18 =	simm.s32 $0x0  }
.LBB2_2:
0x12: {  	p0 =	sne.s32 s2, $0x6FC0;
	[tilespmem:s18+$0x3700] =	vst v4;
	s18 =	smov.u32 s2;
	s2 =	sadd.s32 $0x40, s2  }
.Ltmp2:
0x13: {  	(pc) =	sbr.rel @p0 .LBB2_2-.Ltmp2, $2  }
0x14: {  	_ =	sdelay $0x2  }
0x15: {  	s18 =	sshra.s32 s18, $0x2  }
0x16: {  	[tilespmem:s18+$0x3700] =	vst v4;
	s18 =	simm.s32 $0x0;
	s19 =	simm.s32 $0x0  }
.LBB2_4:
0x17: {  	s2 =	sshll.u32 s19, $0x9;
	s20 =	sshll.u32 s19, $0x7  }
0x18: {  	s2 =	sand.u32 $0x3000, s2;
	s20 =	sand.u32 $0x380, s20  }
0x19: {  	s2 =	sor.u32 s20, s2  }
0x1a: {  	s31 =	sand.u32 $0xC00, s18;
	s2 =	sadd.s32 $0x15300, s2  }
0x1b: {  	s21 =	sand.u32 $0x70, s18;
	s22 =	sadd.s32 s31, s2  }
0x1c: {  	s20 =	simm.s32 $0x10;
	s22 =	sadd.s32 s21, s22;
	s21 =	simm.s32 $0x0  }
.LBB2_5:
0x1d: {  	p0 =	sne.s32 s20, $0x1A0  }
0x1e: {  	[tilespmem:s22+$0x0] =	vst v5;
	s21 =	sadd.s32 $0x80, s21;
	s22 =	smov.u32 s20;
	s20 =	sadd.s32 $0x10, s20  }
.Ltmp3:
0x1f: {  	(pc) =	sbr.rel @p0 .LBB2_5-.Ltmp3, $4  }
0x20: {  	_ = 	snop  }
0x21: {  	s23 =	sand.u32 $0xC00, s21  }
0x22: {  	s22 =	sand.u32 $0x70, s22;
	s23 =	sadd.s32 s23, s2  }
0x23: {  	s22 =	sadd.s32 s22, s23  }
0x24: {  	s19 =	sadd.s32 $0x1, s19  }
0x25: {  	p0 =	sne.s32 s19, $0x11  }
.Ltmp4:
0x26: {  	_ = 	snop;
	(pc) =	sbr.rel @p0 .LBB2_4-.Ltmp4, $2  }
0x27: {  	_ =	sdelay $0x2  }
0x28: {  	[tilespmem:s22+$0x0] =	vst v5;
	s2 =	simm.s32 $0x0  }
0x29: {  	s19 =	simm.s32 $0x0  }
.LBB2_8:
0x2a: {  	s18 =	sshll.u32 s19, $0x9;
	s20 =	sshll.u32 s19, $0x7  }
0x2b: {  	s18 =	sand.u32 $0x3000, s18;
	s20 =	sand.u32 $0x380, s20  }
0x2c: {  	s18 =	sor.u32 s20, s18  }
0x2d: {  	s31 =	sand.u32 $0xC00, s2;
	s18 =	sadd.s32 $0x18300, s18  }
0x2e: {  	s21 =	sand.u32 $0x70, s2;
	s22 =	sadd.s32 s31, s18  }
0x2f: {  	s20 =	simm.s32 $0x10;
	s22 =	sadd.s32 s21, s22;
	s21 =	simm.s32 $0x0  }
.LBB2_9:
0x30: {  	p0 =	sne.s32 s20, $0x1A0  }
0x31: {  	[tilespmem:s22+$0x0] =	vst v5;
	s21 =	sadd.s32 $0x80, s21;
	s22 =	smov.u32 s20;
	s20 =	sadd.s32 $0x10, s20  }
.Ltmp5:
0x32: {  	(pc) =	sbr.rel @p0 .LBB2_9-.Ltmp5, $4  }
0x33: {  	_ = 	snop  }
0x34: {  	s23 =	sand.u32 $0xC00, s21  }
0x35: {  	s22 =	sand.u32 $0x70, s22;
	s23 =	sadd.s32 s23, s18  }
0x36: {  	s22 =	sadd.s32 s22, s23  }
0x37: {  	s19 =	sadd.s32 $0x1, s19  }
0x38: {  	p0 =	sne.s32 s19, $0x11  }
.Ltmp6:
0x39: {  	_ = 	snop;
	(pc) =	sbr.rel @p0 .LBB2_8-.Ltmp6, $4  }
.Ltmp7:
0x3a: {  	_ = 	snop;
	(pc) =	sbr.rel @!p0 .LBB2_11-.Ltmp7, $4  }
0x3b: {  	_ = 	snop  }
0x3c: {  	_ = 	snop  }
0x3d: {  	[tilespmem:s22+$0x0] =	vst v5;
	s18 =	simm.s32 $0x0  }
0x3e: {  	_ = 	snop  }
.LBB2_48:
0x3f: {  	v36 =	vshra.s32 v35, $0x10  }
0x40: {  	v38 =	vshll.u32 v35, $0x3;
	v37 =	vshll.u32 v36, $0x9  }
0x41: {  	v38 =	vand.u32 $0x7FC00, v38;
	v36 =	vshll.u32 v36, $0x7;
	v37 =	vand.u32 $0xFFFFF000, v37  }
0x42: {  	v36 =	vand.u32 $0x380, v36;
	v37 =	vadd.s32 v38, v37  }
0x43: {  	v63 =	vand.u32 $0x7F, v35;
	v36 =	vor.u32 v36, v37  }
0x44: {  	v35 =	vor.u32 v63, v36;
	_ =	sdelay $0x4  }
0x45: {  	[tilespmem:v35+s14+$0x0] =	vst.idx.msk $0xffff, v5  }
.LBB2_49:
0x46: {  	s18 =	sadd.s32 $0x1, s18  }
0x47: {  	p0 =	sne.s32 s18, $0x4  }
.Ltmp8:
0x48: {  	_ = 	snop;
	(pc) =	sbr.rel @!p0 .LBB2_50-.Ltmp8, $1  }
0x49: {  	_ =	sdelay $0x3  }
.LBB2_11:
0x4a: {  	s2 =	simm.s32 $0x40;
	s19 =	simm.s32 $0x0  }
.LBB2_12:
0x4b: {  	p0 =	sne.s32 s2, $0x6BC0;
	[tilespmem:s19+$0x0] =	vst v6;
	s19 =	smov.u32 s2;
	s2 =	sadd.s32 $0x40, s2  }
.Ltmp9:
0x4c: {  	(pc) =	sbr.rel @p0 .LBB2_12-.Ltmp9, $2  }
0x4d: {  	_ =	sdelay $0x2  }
0x4e: {  	s19 =	sshra.s32 s19, $0x2  }
.Ltmp10:
0x4f: {  	(pc) =	sbr.rel .LBB2_14-.Ltmp10, $3  }
0x50: {  	_ =	sdelay $0x1  }
0x51: {  	[tilespmem:s19+$0x0] =	vst v6;
	s19 =	smul.u32 $0x7000, s18;
	s20 =	simm.s32 $0x0  }
0x52: {  	s21 =	simm.s32 $0x0;
	s22 =	simm.s32 $0x0;
	_ =	strace $0x80000048  }
.LBB2_20:
0x53: {  	s22 =	sadd.s32 $0x1, s22  }
0x54: {  	p0 =	sne.s32 s22, $0x4  }
.Ltmp11:
0x55: {  	_ = 	snop;
	(pc) =	sbr.rel @!p0 .LBB2_21-.Ltmp11, $2  }
0x56: {  	_ =	sdelay $0x2  }
0x57: {  	s21 =	sadd.s32 $0xE00, s21  }
.LBB2_14:
0x58: {  	s2 =	sshll.u32 s22, $0x7  }
0x59: {  	s2 =	sadd.s32 s19, s2  }
0x5a: {  	s2 =	sshrl.u32 s2, $0x3  }
0x5b: {  	v35 =	vor.u32 s20, v1;
	s2 =	sadd.s32 s4, s2  }
0x5c: {  	[tilespmem:s10], [sflag:$0x1] =	stream.strided.gather [hbm4b:s2+s8], $0x1C00, s9, s8, $0x200038;
	[tilespmem:$0x1B300] =	vst v63  }
0x5d: {  	_ =	swait.ge [sflag:s11], $0x1C00  }
0x5e: {  	v36 =	vor.u32 s20, v7;
	[sflag:s11] =	ssyncset.done $0x0  }
0x5f: {  	[sflag:s11] =	ssyncadd.s32 $0xFFFFE400  }
0x60: {  	v37 =	vld.idx.msk [tilespmem:v35+s10+$0x0], $0xffff;
	_ =	sdelay $0x2  }
0x61: {  	v36 =	vld.idx.msk [tilespmem:v36+s10+$0x0], $0xffff;
	_ =	sdelay $0x1  }
0x62: {  	v35 =	vor.u32 s21, v0;
	v38 =	vsub.s32 v37, v2  }
0x63: {  	vm1 =	vlt.s32 v35, $0x2EE0;
	vm0 =	vlt.s32 v37, v3;
	v38 =	vmul.u32 $0x1B0, v38  }
0x64: {  	vm2 =	vge.s32 v37, v2;
	vm0 =	vmand vm0, vm1  }
0x65: {  	vm0 =	vmand vm0, vm2;
	v36 =	vadd.s32 v36, v38  }
0x66: {  	s30 =	simm.s32 $0x20;
	v37 =	vnsel vm0, $0x0, v36  }
0x67: {  	v62 =	vor.u32 s30, v1;
	_ =	sdelay $0x2  }
0x68: {  	v63 =	vor.u32 s30, v7  }
0x69: {  	[tilespmem:v37+s3+$0x0] =	vst.idx.msk vm0, v35  }
0x6a: {  	v36 =	vld.idx.msk [tilespmem:v62+s10+$0x0], $0xffff  }
0x6b: {  	p0 =	seq.s32 s22, $0x3;
	s23 =	simm.s32 $0x4E  }
0x6c: {  	s23 =	simm.s32 @!p0 $0xE0  }
0x6d: {  	s25 =	sshll.u32 s23, $0x5;
	v39 =	vld.idx.msk [tilespmem:v63+s10+$0x0], $0xffff  }
0x6e: {  	s31 =	sadd.s32 $0x10, s21;
	p0 =	sne.s32 s25, $0x40  }
.Ltmp12:
0x6f: {  	v38 =	vor.u32 s31, v0;
	v40 =	vsub.s32 v36, v2;
	(pc) =	sbr.rel @!p0 .LBB2_16-.Ltmp12, $4  }
0x70: {  	vm2 =	vlt.s32 v38, $0x2EE0;
	vm1 =	vlt.s32 v36, v3;
	v40 =	vmul.u32 $0x1B0, v40  }
0x71: {  	vm3 =	vge.s32 v36, v2;
	vm1 =	vmand vm1, vm2  }
0x72: {  	vm1 =	vmand vm1, vm3;
	v39 =	vadd.s32 v39, v40  }
0x73: {  	s24 =	smul.u32 $0xE00, s22;
	s26 =	simm.s32 $0x40;
	s28 =	smov.u32 s21;
	v36 =	vimm.s32 $0x0;
	v39 =	vnsel vm1, $0x0, v39  }
.LBB2_15:
0x74: {  	v40 =	vor.u32 s26, v1;
	s2 =	smov.u32 s26;
	s26 =	sadd.s32 $0x40, s26  }
0x75: {  	v41 =	vor.u32 s2, v7;
	p0 =	sne.s32 s25, s26;
	_ =	sdelay $0x2  }
0x76: {  	v37 =	vld.idx.msk [tilespmem:v37+s3+$0x0], vm0;
	[tilespmem:v39+s3+$0x0] =	vst.idx.msk vm1, v38  }
0x77: {  	v40 =	vld.idx.msk [tilespmem:v40+s10+$0x0], $0xffff  }
0x78: {  	v41 =	vld.idx.msk [tilespmem:v41+s10+$0x0], $0xffff  }
0x79: {  	v39 =	vld.idx.msk [tilespmem:v39+s3+$0x0], vm1;
	_ =	sdelay $0x2  }
0x7a: {  	s28 =	sadd.s32 $0x20, s28;
	vm2 =	vlt.s32 v37, v35  }
0x7b: {  	v35 =	vor.u32 s28, v0;
	v37 =	vsub.s32 v40, v2;
	vm2 =	vmand vm0, vm2  }
0x7c: {  	vm0 =	vlt.s32 v40, v3;
	vm3 =	vlt.s32 v35, $0x2EE0;
	v37 =	vmul.u32 $0x1B0, v37  }
0x7d: {  	vm4 =	vge.s32 v40, v2;
	vm0 =	vmand vm0, vm3;
	vm3 =	vlt.s32 v39, v38  }
0x7e: {  	vm0 =	vmand vm0, vm4;
	v37 =	vadd.s32 v41, v37;
	vm1 =	vmand vm1, vm3  }
0x7f: {  	s2 =	sadd.s32 $0x20, s2;
	v37 =	vnsel vm0, $0x0, v37;
	vm1 =	vmor vm2, vm1  }
0x80: {  	v38 =	vor.u32 s2, v1;
	v39 =	vsel vm1, $0x1, v4  }
0x81: {  	v36 =	vor.u32 v39, v36;
	_ =	sdelay $0x1  }
0x82: {  	v39 =	vor.u32 s2, v7  }
0x83: {  	[tilespmem:v37+s3+$0x0] =	vst.idx.msk vm0, v35  }
0x84: {  	v40 =	vld.idx.msk [tilespmem:v38+s10+$0x0], $0xffff;
	_ =	sdelay $0x2  }
0x85: {  	v39 =	vld.idx.msk [tilespmem:v39+s10+$0x0], $0xffff;
	_ =	sdelay $0x1  }
0x86: {  	s2 =	sadd.s32 $0x10, s28  }
.Ltmp13:
0x87: {  	v38 =	vor.u32 s2, v0;
	v41 =	vsub.s32 v40, v2;
	(pc) =	sbr.rel @p0 .LBB2_15-.Ltmp13, $4  }
0x88: {  	vm2 =	vlt.s32 v38, $0x2EE0;
	vm1 =	vlt.s32 v40, v3;
	v41 =	vmul.u32 $0x1B0, v41  }
0x89: {  	vm3 =	vge.s32 v40, v2;
	vm1 =	vmand vm1, vm2  }
0x8a: {  	vm1 =	vmand vm1, vm3;
	v39 =	vadd.s32 v39, v41  }
0x8b: {  	v39 =	vnsel vm1, $0x0, v39  }
.LBB2_16:
0x8c: {  	_ =	sdelay $0x4  }
0x8d: {  	v37 =	vld.idx.msk [tilespmem:v37+s3+$0x0], vm0;
	[tilespmem:v39+s3+$0x0] =	vst.idx.msk vm1, v38  }
0x8e: {  	v39 =	vld.idx.msk [tilespmem:v39+s3+$0x0], vm1;
	_ =	sdelay $0x4  }
0x8f: {  	vm2 =	vlt.s32 v37, v35;
	vm3 =	vlt.s32 v39, v38  }
0x90: {  	vm14 =	vmand vm0, vm2;
	vm15 =	vmand vm1, vm3  }
0x91: {  	vm0 =	vmor vm14, vm15  }
0x92: {  	v63 =	vsel vm0, $0x1, v4  }
0x93: {  	v35 =	vor.u32 v63, v36  }
0x94: {  	(xrf0) =	vadd.scan.msk.s32 $0xffff, v35;
	_ =	sdelay $0x5  }
0x95: {  	v35, _, _ =	vpop (xrf0)  }
0x96: {  	(v2sf) =	vpush v35, $0xF;
	_ =	sdelay $0xe  }
0x97: {  	s2 =	spop (v2sf)  }
0x98: {  	p0 =	slt.s32 s2, $0x1  }
.Ltmp14:
0x99: {  	_ = 	snop;
	(pc) =	sbr.rel @!p0 .LBB2_17-.Ltmp14, $4  }
.Ltmp15:
0x9a: {  	_ = 	snop;
	(pc) =	sbr.rel @p0 .LBB2_20-.Ltmp15, $4  }
0x9b: {  	_ = 	snop  }
0x9c: {  	_ = 	snop  }
0x9d: {  	s2 =	simm.s32 $0x0  }
0x9e: {  	_ = 	snop  }
.LBB2_19:
0x9f: {  	s2 =	sadd.s32 $0x1, s2  }
0xa0: {  	p0 =	sne.s32 s2, s23  }
.Ltmp16:
0xa1: {  	_ = 	snop;
	(pc) =	sbr.rel @!p0 .LBB2_20-.Ltmp16, $1  }
0xa2: {  	_ =	sdelay $0x3  }
.LBB2_17:
0xa3: {  	s25 =	sshll.u32 s2, $0x5  }
0xa4: {  	v35 =	vor.u32 s25, v1;
	_ =	sdelay $0x2  }
0xa5: {  	v36 =	vor.u32 s25, v7;
	_ =	sdelay $0x1  }
0xa6: {  	v37 =	vld.idx.msk [tilespmem:v35+s10+$0x0], $0xffff;
	_ =	sdelay $0x2  }
0xa7: {  	s30 =	sshll.u32 s2, $0x4;
	v36 =	vld.idx.msk [tilespmem:v36+s10+$0x0], $0xffff  }
0xa8: {  	s25 =	sadd.s32 s24, s30  }
0xa9: {  	v35 =	vor.u32 s25, v0;
	v38 =	vsub.s32 v37, v2  }
0xaa: {  	vm1 =	vlt.s32 v35, $0x2EE0;
	vm0 =	vlt.s32 v37, v3;
	v38 =	vmul.u32 $0x1B0, v38  }
0xab: {  	vm2 =	vge.s32 v37, v2;
	vm0 =	vmand vm0, vm1  }
0xac: {  	vm0 =	vmand vm0, vm2;
	v36 =	vadd.s32 v36, v38  }
0xad: {  	v36 =	vnsel vm0, $0x0, v36;
	_ =	sdelay $0x4  }
0xae: {  	v62 =	vld.idx.msk [tilespmem:v36+s3+$0x0], vm0;
	_ =	sdelay $0x4  }
0xaf: {  	vm1 =	vlt.s32 v62, v35  }
0xb0: {  	vm1 =	vmand vm0, vm1  }
0xb1: {  	v63 =	vsel vm1, $0x1, v4  }
0xb2: {  	(xrf0) =	vadd.scan.msk.s32 $0xffff, v63;
	_ =	sdelay $0x5  }
0xb3: {  	v37, _, _ =	vpop (xrf0)  }
0xb4: {  	(v2sf) =	vpush v37, $0xF;
	_ =	sdelay $0xe  }
0xb5: {  	s31 =	spop (v2sf)  }
0xb6: {  	p0 =	slt.s32 s31, $0x1  }
.Ltmp17:
0xb7: {  	_ = 	snop;
	(pc) =	sbr.rel @p0 .LBB2_19-.Ltmp17, $1  }
0xb8: {  	_ =	sdelay $0x3  }
.LBB2_18:
0xb9: {  	[tilespmem:v36+s3+$0x0] =	vst.idx.msk vm1, v35  }
0xba: {  	v37 =	vld.idx.msk [tilespmem:v36+s3+$0x0], vm0;
	_ =	sdelay $0x4  }
0xbb: {  	vm1 =	vlt.s32 v37, v35  }
0xbc: {  	vm1 =	vmand vm0, vm1  }
0xbd: {  	v63 =	vsel vm1, $0x1, v4  }
0xbe: {  	(xrf0) =	vadd.scan.msk.s32 $0xffff, v63;
	_ =	sdelay $0x5  }
0xbf: {  	v37, _, _ =	vpop (xrf0)  }
0xc0: {  	(v2sf) =	vpush v37, $0xF;
	_ =	sdelay $0xe  }
0xc1: {  	s25 =	spop (v2sf)  }
0xc2: {  	p0 =	sgt.s32 s25, $0x0  }
.Ltmp18:
0xc3: {  	_ = 	snop;
	(pc) =	sbr.rel @p0 .LBB2_18-.Ltmp18, $1  }
0xc4: {  	_ =	sdelay $0x3  }
.Ltmp19:
0xc5: {  	_ = 	snop;
	(pc) =	sbr.rel .LBB2_19-.Ltmp19, $1  }
0xc6: {  	_ =	sdelay $0x3  }
.LBB2_21:
0xc7: {  	s2 =	smul.u32 $0x2EE0, s18  }
0xc8: {  	_ =	strace $0x90000048;
	s19 =	simm.s32 $0x0;
	s20 =	simm.s32 $0xD0  }
0xc9: {  	s21 =	simm.s32 $0x0;
	_ =	strace $0x80000049;
	v35 =	vmov s2;
	s2 =	simm.s32 $0x0  }
.LBB2_22:
0xca: {  	v36 =	vld [tilespmem:s20+$0xFFFFFF30];
	_ =	sdelay $0x4  }
0xcb: {  	vm0 =	vlt.s32 v36, $0x40000000  }
0xcc: {  	v37 =	vsel vm0, $0x1, v4  }
0xcd: {  	(xrf0) =	vadd.scan.msk.s32 $0xffff, v37;
	_ =	sdelay $0x5  }
0xce: {  	v37, _, _ =	vpop (xrf0)  }
0xcf: {  	(v2sf) =	vpush v37, $0xF;
	_ =	sdelay $0x7  }
0xd0: {  	v57 =	vor.u32 s19, v0  }
0xd1: {  	v36 =	vadd.s32 v35, v36;
	[tilespmem:s2+$0x1B00] =	vst.msk vm0, v57  }
0xd2: {  	[tilespmem:s2+$0x3700] =	vst.msk vm0, v36  }
0xd3: {  	v36 =	vld [tilespmem:s20+$0xFFFFFF40];
	_ =	sdelay $0x3  }
0xd4: {  	s22 =	spop (v2sf)  }
0xd5: {  	v58 =	vor.u32 s19, v8;
	vm14 =	vlt.s32 v36, $0x40000000;
	s23 =	sadd.s32 s2, s22  }
0xd6: {  	v36 =	vadd.s32 v35, v36;
	v59 =	vsel vm14, $0x1, v4;
	[tilespmem:s23+$0x1B00] =	vst.msk vm14, v58  }
0xd7: {  	(xrf0) =	vadd.scan.msk.s32 $0xffff, v59;
	[tilespmem:s23+$0x3700] =	vst.msk vm14, v36  }
0xd8: {  	v36 =	vld [tilespmem:s20+$0xFFFFFF50];
	_ =	sdelay $0x4  }
0xd9: {  	v37, _, _ =	vpop (xrf0);
	vm15 =	vlt.s32 v36, $0x40000000  }
0xda: {  	(v2sf) =	vpush v37, $0xF;
	v60 =	vsel vm15, $0x1, v4  }
0xdb: {  	(xrf0) =	vadd.scan.msk.s32 $0xffff, v60;
	_ =	sdelay $0x5  }
0xdc: {  	v37, _, _ =	vpop (xrf0)  }
0xdd: {  	(v2sf) =	vpush v37, $0xF;
	_ =	sdelay $0x6  }
0xde: {  	s24 =	spop (v2sf)  }
0xdf: {  	v61 =	vor.u32 s19, v9;
	s2 =	sadd.s32 s23, s24  }
0xe0: {  	v36 =	vadd.s32 v35, v36;
	[tilespmem:s2+$0x1B00] =	vst.msk vm15, v61  }
0xe1: {  	[tilespmem:s2+$0x3700] =	vst.msk vm15, v36  }
0xe2: {  	v36 =	vld [tilespmem:s20+$0xFFFFFF60];
	_ =	sdelay $0x3  }
0xe3: {  	s25 =	spop (v2sf)  }
0xe4: {  	v62 =	vor.u32 s19, v10;
	vm4 =	vlt.s32 v36, $0x40000000;
	s2 =	sadd.s32 s2, s25  }
0xe5: {  	v36 =	vadd.s32 v35, v36;
	v63 =	vsel vm4, $0x1, v4;
	[tilespmem:s2+$0x1B00] =	vst.msk vm4, v62  }
0xe6: {  	(xrf0) =	vadd.scan.msk.s32 $0xffff, v63;
	[tilespmem:s2+$0x3700] =	vst.msk vm4, v36  }
0xe7: {  	v36 =	vld [tilespmem:s20+$0xFFFFFF70];
	_ =	sdelay $0x4  }
0xe8: {  	v37, _, _ =	vpop (xrf0);
	vm5 =	vlt.s32 v36, $0x40000000  }
0xe9: {  	(v2sf) =	vpush v37, $0xF;
	v40 =	vsel vm5, $0x1, v4  }
0xea: {  	(xrf0) =	vadd.scan.msk.s32 $0xffff, v40;
	_ =	sdelay $0x5  }
0xeb: {  	v37, _, _ =	vpop (xrf0)  }
0xec: {  	(v2sf) =	vpush v37, $0xF;
	_ =	sdelay $0x6  }
0xed: {  	s26 =	spop (v2sf)  }
0xee: {  	v41 =	vor.u32 s19, v11;
	s2 =	sadd.s32 s2, s26  }
0xef: {  	v36 =	vadd.s32 v35, v36;
	[tilespmem:s2+$0x1B00] =	vst.msk vm5, v41  }
0xf0: {  	[tilespmem:s2+$0x3700] =	vst.msk vm5, v36  }
0xf1: {  	v36 =	vld [tilespmem:s20+$0xFFFFFF80];
	_ =	sdelay $0x3  }
0xf2: {  	s28 =	spop (v2sf)  }
0xf3: {  	v42 =	vor.u32 s19, v12;
	vm6 =	vlt.s32 v36, $0x40000000;
	s2 =	sadd.s32 s2, s28  }
0xf4: {  	v36 =	vadd.s32 v35, v36;
	v43 =	vsel vm6, $0x1, v4;
	[tilespmem:s2+$0x1B00] =	vst.msk vm6, v42  }
0xf5: {  	(xrf0) =	vadd.scan.msk.s32 $0xffff, v43;
	[tilespmem:s2+$0x3700] =	vst.msk vm6, v36  }
0xf6: {  	v36 =	vld [tilespmem:s20+$0xFFFFFF90];
	_ =	sdelay $0x4  }
0xf7: {  	v37, _, _ =	vpop (xrf0);
	vm7 =	vlt.s32 v36, $0x40000000  }
0xf8: {  	(v2sf) =	vpush v37, $0xF;
	v44 =	vsel vm7, $0x1, v4  }
0xf9: {  	(xrf0) =	vadd.scan.msk.s32 $0xffff, v44;
	_ =	sdelay $0x5  }
0xfa: {  	v37, _, _ =	vpop (xrf0)  }
0xfb: {  	(v2sf) =	vpush v37, $0xF;
	_ =	sdelay $0x6  }
0xfc: {  	s29 =	spop (v2sf)  }
0xfd: {  	v45 =	vor.u32 s19, v13;
	s2 =	sadd.s32 s2, s29  }
0xfe: {  	v36 =	vadd.s32 v35, v36;
	[tilespmem:s2+$0x1B00] =	vst.msk vm7, v45  }
0xff: {  	[tilespmem:s2+$0x3700] =	vst.msk vm7, v36  }
0x100: {  	v36 =	vld [tilespmem:s20+$0xFFFFFFA0];
	_ =	sdelay $0x3  }
0x101: {  	s30 =	spop (v2sf)  }
0x102: {  	v46 =	vor.u32 s19, v14;
	vm8 =	vlt.s32 v36, $0x40000000;
	s2 =	sadd.s32 s2, s30  }
0x103: {  	v36 =	vadd.s32 v35, v36;
	v47 =	vsel vm8, $0x1, v4;
	[tilespmem:s2+$0x1B00] =	vst.msk vm8, v46  }
0x104: {  	s22 =	sand.u32 $0x1FF0, s21;
	(xrf0) =	vadd.scan.msk.s32 $0xffff, v47;
	[tilespmem:s2+$0x3700] =	vst.msk vm8, v36  }
0x105: {  	v36 =	vld [tilespmem:s22+$0x80];
	_ =	sdelay $0x4  }
0x106: {  	v37, _, _ =	vpop (xrf0);
	vm9 =	vlt.s32 v36, $0x40000000  }
0x107: {  	(v2sf) =	vpush v37, $0xF;
	v48 =	vsel vm9, $0x1, v4  }
0x108: {  	(xrf0) =	vadd.scan.msk.s32 $0xffff, v48;
	_ =	sdelay $0x5  }
0x109: {  	v37, _, _ =	vpop (xrf0)  }
0x10a: {  	(v2sf) =	vpush v37, $0xF;
	_ =	sdelay $0x6  }
0x10b: {  	s23 =	spop (v2sf)  }
0x10c: {  	v49 =	vor.u32 s19, v15;
	s2 =	sadd.s32 s2, s23  }
0x10d: {  	v36 =	vadd.s32 v35, v36;
	[tilespmem:s2+$0x1B00] =	vst.msk vm9, v49  }
0x10e: {  	[tilespmem:s2+$0x3700] =	vst.msk vm9, v36  }
0x10f: {  	v36 =	vld [tilespmem:s20+$0xFFFFFFC0];
	_ =	sdelay $0x3  }
0x110: {  	s31 =	spop (v2sf)  }
0x111: {  	v50 =	vor.u32 s19, v16;
	vm10 =	vlt.s32 v36, $0x40000000;
	s2 =	sadd.s32 s2, s31  }
0x112: {  	v36 =	vadd.s32 v35, v36;
	v51 =	vsel vm10, $0x1, v4;
	[tilespmem:s2+$0x1B00] =	vst.msk vm10, v50  }
0x113: {  	(xrf0) =	vadd.scan.msk.s32 $0xffff, v51;
	[tilespmem:s2+$0x3700] =	vst.msk vm10, v36  }
0x114: {  	v36 =	vld [tilespmem:s20+$0xFFFFFFD0];
	_ =	sdelay $0x4  }
0x115: {  	v37, _, _ =	vpop (xrf0);
	vm11 =	vlt.s32 v36, $0x40000000  }
0x116: {  	(v2sf) =	vpush v37, $0xF;
	v52 =	vsel vm11, $0x1, v4  }
0x117: {  	(xrf0) =	vadd.scan.msk.s32 $0xffff, v52;
	_ =	sdelay $0x5  }
0x118: {  	v37, _, _ =	vpop (xrf0)  }
0x119: {  	(v2sf) =	vpush v37, $0xF;
	_ =	sdelay $0x6  }
0x11a: {  	s0 =	spop (v2sf)  }
0x11b: {  	v53 =	vor.u32 s19, v17;
	s2 =	sadd.s32 s2, s0  }
0x11c: {  	v36 =	vadd.s32 v35, v36;
	[tilespmem:s2+$0x1B00] =	vst.msk vm11, v53  }
0x11d: {  	[tilespmem:s2+$0x3700] =	vst.msk vm11, v36  }
0x11e: {  	v36 =	vld [tilespmem:s20+$0xFFFFFFE0];
	_ =	sdelay $0x3  }
0x11f: {  	s7 =	spop (v2sf)  }
0x120: {  	v54 =	vor.u32 s19, v18;
	vm12 =	vlt.s32 v36, $0x40000000;
	s2 =	sadd.s32 s2, s7  }
0x121: {  	v36 =	vadd.s32 v35, v36;
	v55 =	vsel vm12, $0x1, v4;
	[tilespmem:s2+$0x1B00] =	vst.msk vm12, v54  }
0x122: {  	(xrf0) =	vadd.scan.msk.s32 $0xffff, v55;
	[tilespmem:s2+$0x3700] =	vst.msk vm12, v36  }
0x123: {  	v36 =	vld [tilespmem:s20+$0xFFFFFFF0];
	_ =	sdelay $0x4  }
0x124: {  	v37, _, _ =	vpop (xrf0);
	vm13 =	vlt.s32 v36, $0x40000000  }
0x125: {  	(v2sf) =	vpush v37, $0xF;
	v56 =	vsel vm13, $0x1, v4  }
0x126: {  	(xrf0) =	vadd.scan.msk.s32 $0xffff, v56;
	_ =	sdelay $0x5  }
0x127: {  	v37, _, _ =	vpop (xrf0)  }
0x128: {  	(v2sf) =	vpush v37, $0xF;
	_ =	sdelay $0x6  }
0x129: {  	s24 =	spop (v2sf)  }
0x12a: {  	v57 =	vor.u32 s19, v19;
	s2 =	sadd.s32 s2, s24  }
0x12b: {  	v36 =	vadd.s32 v35, v36;
	[tilespmem:s2+$0x1B00] =	vst.msk vm13, v57  }
0x12c: {  	[tilespmem:s2+$0x3700] =	vst.msk vm13, v36  }
0x12d: {  	v36 =	vld [tilespmem:s20+$0x0];
	_ =	sdelay $0x3  }
0x12e: {  	s25 =	spop (v2sf)  }
0x12f: {  	v58 =	vor.u32 s19, v20;
	vm14 =	vlt.s32 v36, $0x40000000;
	s2 =	sadd.s32 s2, s25  }
0x130: {  	v36 =	vadd.s32 v35, v36;
	v59 =	vsel vm14, $0x1, v4;
	[tilespmem:s2+$0x1B00] =	vst.msk vm14, v58  }
0x131: {  	(xrf0) =	vadd.scan.msk.s32 $0xffff, v59;
	[tilespmem:s2+$0x3700] =	vst.msk vm14, v36  }
0x132: {  	v36 =	vld [tilespmem:s20+$0x10];
	_ =	sdelay $0x4  }
0x133: {  	v37, _, _ =	vpop (xrf0);
	vm15 =	vlt.s32 v36, $0x40000000  }
0x134: {  	(v2sf) =	vpush v37, $0xF;
	v60 =	vsel vm15, $0x1, v4  }
0x135: {  	(xrf0) =	vadd.scan.msk.s32 $0xffff, v60;
	_ =	sdelay $0x5  }
0x136: {  	v37, _, _ =	vpop (xrf0)  }
0x137: {  	(v2sf) =	vpush v37, $0xF;
	_ =	sdelay $0x6  }
0x138: {  	s26 =	spop (v2sf)  }
0x139: {  	v61 =	vor.u32 s19, v21;
	s2 =	sadd.s32 s2, s26  }
0x13a: {  	v36 =	vadd.s32 v35, v36;
	[tilespmem:s2+$0x1B00] =	vst.msk vm15, v61  }
0x13b: {  	[tilespmem:s2+$0x3700] =	vst.msk vm15, v36  }
0x13c: {  	v36 =	vld [tilespmem:s20+$0x20];
	_ =	sdelay $0x3  }
0x13d: {  	s28 =	spop (v2sf)  }
0x13e: {  	v62 =	vor.u32 s19, v22;
	vm4 =	vlt.s32 v36, $0x40000000;
	s2 =	sadd.s32 s2, s28  }
0x13f: {  	v36 =	vadd.s32 v35, v36;
	v63 =	vsel vm4, $0x1, v4;
	[tilespmem:s2+$0x1B00] =	vst.msk vm4, v62  }
0x140: {  	(xrf0) =	vadd.scan.msk.s32 $0xffff, v63;
	[tilespmem:s2+$0x3700] =	vst.msk vm4, v36  }
0x141: {  	v36 =	vld [tilespmem:s22+$0x100];
	_ =	sdelay $0x4  }
0x142: {  	v37, _, _ =	vpop (xrf0);
	vm5 =	vlt.s32 v36, $0x40000000  }
0x143: {  	(v2sf) =	vpush v37, $0xF;
	v40 =	vsel vm5, $0x1, v4  }
0x144: {  	(xrf0) =	vadd.scan.msk.s32 $0xffff, v40;
	_ =	sdelay $0x5  }
0x145: {  	v37, _, _ =	vpop (xrf0)  }
0x146: {  	(v2sf) =	vpush v37, $0xF;
	_ =	sdelay $0x6  }
0x147: {  	s29 =	spop (v2sf)  }
0x148: {  	v41 =	vor.u32 s19, v23;
	s2 =	sadd.s32 s2, s29  }
0x149: {  	v36 =	vadd.s32 v35, v36;
	[tilespmem:s2+$0x1B00] =	vst.msk vm5, v41  }
0x14a: {  	[tilespmem:s2+$0x3700] =	vst.msk vm5, v36  }
0x14b: {  	v36 =	vld [tilespmem:s20+$0x40];
	_ =	sdelay $0x3  }
0x14c: {  	s30 =	spop (v2sf)  }
0x14d: {  	v42 =	vor.u32 s19, v24;
	vm6 =	vlt.s32 v36, $0x40000000;
	s2 =	sadd.s32 s2, s30  }
0x14e: {  	v36 =	vadd.s32 v35, v36;
	v43 =	vsel vm6, $0x1, v4;
	[tilespmem:s2+$0x1B00] =	vst.msk vm6, v42  }
0x14f: {  	(xrf0) =	vadd.scan.msk.s32 $0xffff, v43;
	[tilespmem:s2+$0x3700] =	vst.msk vm6, v36  }
0x150: {  	v36 =	vld [tilespmem:s20+$0x50];
	_ =	sdelay $0x4  }
0x151: {  	v37, _, _ =	vpop (xrf0);
	vm7 =	vlt.s32 v36, $0x40000000  }
0x152: {  	(v2sf) =	vpush v37, $0xF;
	v44 =	vsel vm7, $0x1, v4  }
0x153: {  	(xrf0) =	vadd.scan.msk.s32 $0xffff, v44;
	_ =	sdelay $0x5  }
0x154: {  	v37, _, _ =	vpop (xrf0)  }
0x155: {  	(v2sf) =	vpush v37, $0xF;
	_ =	sdelay $0x6  }
0x156: {  	s31 =	spop (v2sf)  }
0x157: {  	v45 =	vor.u32 s19, v25;
	s2 =	sadd.s32 s2, s31  }
0x158: {  	v36 =	vadd.s32 v35, v36;
	[tilespmem:s2+$0x1B00] =	vst.msk vm7, v45  }
0x159: {  	[tilespmem:s2+$0x3700] =	vst.msk vm7, v36  }
0x15a: {  	v36 =	vld [tilespmem:s20+$0x60];
	_ =	sdelay $0x3  }
0x15b: {  	s0 =	spop (v2sf)  }
0x15c: {  	v46 =	vor.u32 s19, v26;
	vm8 =	vlt.s32 v36, $0x40000000;
	s2 =	sadd.s32 s2, s0  }
0x15d: {  	v36 =	vadd.s32 v35, v36;
	v47 =	vsel vm8, $0x1, v4;
	[tilespmem:s2+$0x1B00] =	vst.msk vm8, v46  }
0x15e: {  	(xrf0) =	vadd.scan.msk.s32 $0xffff, v47;
	[tilespmem:s2+$0x3700] =	vst.msk vm8, v36  }
0x15f: {  	v36 =	vld [tilespmem:s20+$0x70];
	_ =	sdelay $0x4  }
0x160: {  	v37, _, _ =	vpop (xrf0);
	vm9 =	vlt.s32 v36, $0x40000000  }
0x161: {  	(v2sf) =	vpush v37, $0xF;
	v48 =	vsel vm9, $0x1, v4  }
0x162: {  	(xrf0) =	vadd.scan.msk.s32 $0xffff, v48;
	_ =	sdelay $0x5  }
0x163: {  	v37, _, _ =	vpop (xrf0)  }
0x164: {  	(v2sf) =	vpush v37, $0xF;
	_ =	sdelay $0x6  }
0x165: {  	s7 =	spop (v2sf)  }
0x166: {  	v49 =	vor.u32 s19, v27;
	s2 =	sadd.s32 s2, s7  }
0x167: {  	v36 =	vadd.s32 v35, v36;
	[tilespmem:s2+$0x1B00] =	vst.msk vm9, v49  }
0x168: {  	[tilespmem:s2+$0x3700] =	vst.msk vm9, v36  }
0x169: {  	v36 =	vld [tilespmem:s20+$0x80];
	_ =	sdelay $0x3  }
0x16a: {  	s24 =	spop (v2sf)  }
0x16b: {  	v50 =	vor.u32 s19, v28;
	vm10 =	vlt.s32 v36, $0x40000000;
	s2 =	sadd.s32 s2, s24  }
0x16c: {  	v36 =	vadd.s32 v35, v36;
	v51 =	vsel vm10, $0x1, v4;
	[tilespmem:s2+$0x1B00] =	vst.msk vm10, v50  }
0x16d: {  	(xrf0) =	vadd.scan.msk.s32 $0xffff, v51;
	[tilespmem:s2+$0x3700] =	vst.msk vm10, v36  }
0x16e: {  	v36 =	vld [tilespmem:s20+$0x90];
	_ =	sdelay $0x4  }
0x16f: {  	v37, _, _ =	vpop (xrf0);
	vm11 =	vlt.s32 v36, $0x40000000  }
0x170: {  	(v2sf) =	vpush v37, $0xF;
	v52 =	vsel vm11, $0x1, v4  }
0x171: {  	(xrf0) =	vadd.scan.msk.s32 $0xffff, v52;
	_ =	sdelay $0x5  }
0x172: {  	v37, _, _ =	vpop (xrf0)  }
0x173: {  	(v2sf) =	vpush v37, $0xF;
	_ =	sdelay $0x6  }
0x174: {  	s25 =	spop (v2sf)  }
0x175: {  	v53 =	vor.u32 s19, v29;
	s2 =	sadd.s32 s2, s25  }
0x176: {  	v36 =	vadd.s32 v35, v36;
	[tilespmem:s2+$0x1B00] =	vst.msk vm11, v53  }
0x177: {  	[tilespmem:s2+$0x3700] =	vst.msk vm11, v36  }
0x178: {  	v36 =	vld [tilespmem:s20+$0xA0];
	_ =	sdelay $0x3  }
0x179: {  	s26 =	spop (v2sf)  }
0x17a: {  	v54 =	vor.u32 s19, v30;
	vm12 =	vlt.s32 v36, $0x40000000;
	s2 =	sadd.s32 s2, s26  }
0x17b: {  	v36 =	vadd.s32 v35, v36;
	v55 =	vsel vm12, $0x1, v4;
	[tilespmem:s2+$0x1B00] =	vst.msk vm12, v54  }
0x17c: {  	(xrf0) =	vadd.scan.msk.s32 $0xffff, v55;
	[tilespmem:s2+$0x3700] =	vst.msk vm12, v36  }
0x17d: {  	v36 =	vld [tilespmem:s22+$0x180];
	_ =	sdelay $0x4  }
0x17e: {  	v37, _, _ =	vpop (xrf0);
	vm13 =	vlt.s32 v36, $0x40000000  }
0x17f: {  	(v2sf) =	vpush v37, $0xF;
	v56 =	vsel vm13, $0x1, v4  }
0x180: {  	(xrf0) =	vadd.scan.msk.s32 $0xffff, v56;
	_ =	sdelay $0x5  }
0x181: {  	v37, _, _ =	vpop (xrf0)  }
0x182: {  	(v2sf) =	vpush v37, $0xF;
	_ =	sdelay $0x6  }
0x183: {  	s28 =	spop (v2sf)  }
0x184: {  	v57 =	vor.u32 s19, v31;
	s2 =	sadd.s32 s2, s28  }
0x185: {  	v36 =	vadd.s32 v35, v36;
	[tilespmem:s2+$0x1B00] =	vst.msk vm13, v57  }
0x186: {  	[tilespmem:s2+$0x3700] =	vst.msk vm13, v36  }
0x187: {  	v36 =	vld [tilespmem:s20+$0xC0];
	_ =	sdelay $0x3  }
0x188: {  	s29 =	spop (v2sf)  }
0x189: {  	v58 =	vor.u32 s19, v32;
	vm14 =	vlt.s32 v36, $0x40000000;
	s2 =	sadd.s32 s2, s29  }
0x18a: {  	v36 =	vadd.s32 v35, v36;
	[tilespmem:s2+$0x1B00] =	vst.msk vm14, v58  }
0x18b: {  	[tilespmem:s2+$0x3700] =	vst.msk vm14, v36  }
0x18c: {  	v36 =	vld [tilespmem:s20+$0xD0];
	_ =	sdelay $0x3  }
0x18d: {  	v59 =	vsel vm14, $0x1, v4  }
0x18e: {  	(xrf0) =	vadd.scan.msk.s32 $0xffff, v59;
	vm15 =	vlt.s32 v36, $0x40000000  }
0x18f: {  	v60 =	vsel vm15, $0x1, v4  }
0x190: {  	(xrf0) =	vadd.scan.msk.s32 $0xffff, v60;
	_ =	sdelay $0x3  }
0x191: {  	v61, _, _ =	vpop (xrf0)  }
0x192: {  	(v2sf) =	vpush v61, $0xF  }
0x193: {  	v62, _, _ =	vpop (xrf0)  }
0x194: {  	(v2sf) =	vpush v62, $0xF;
	_ =	sdelay $0xa  }
0x195: {  	p0 =	sne.s32 s21, $0x1950  }
.Ltmp20:
0x196: {  	_ = 	snop;
	(pc) =	sbr.rel @p0 .LBB2_22-.Ltmp20, $4  }
0x197: {  	s30 =	spop (v2sf)  }
0x198: {  	v63 =	vor.u32 s19, v33;
	s22 =	sadd.s32 s2, s30  }
0x199: {  	s21 =	sadd.s32 $0x1B0, s21;
	v36 =	vadd.s32 v35, v36;
	[tilespmem:s22+$0x1B00] =	vst.msk vm15, v63;
	s31 =	spop (v2sf)  }
0x19a: {  	s19 =	sadd.s32 $0x10000, s19;
	s20 =	sadd.s32 $0x1B0, s20;
	[tilespmem:s22+$0x3700] =	vst.msk vm15, v36;
	s2 =	sadd.s32 s22, s31  }
0x19b: {  	s19 =	sadd.s32 $0xF, s2;
	_ =	strace $0x90000049  }
0x19c: {  	s29 =	sadd.s32 $0x1FF, s2;
	[tilespmem:s2+$0x1B00] =	vst v34;
	s31 =	smul.u32 $0xF80000, s18;
	s20 =	sshra.s32 s19, $0x1F  }
0x19d: {  	[tilespmem:s2+$0x3700] =	vst v4;
	s21 =	sand.u32 $0xF, s19;
	p0 =	slt.s32 s19, $0x1;
	s22 =	sand.u32 $0x1FF, s29  }
0x19e: {  	s23 =	sshra.s32 s29, $0x1F;
	p5 =	slt.s32 s29, $0x1;
	_ =	strace $0x8000004A  }
0x19f: {  	s20 =	sshrl.u32 s20, $0x1C;
	p1 =	sne.s32 s21, $0x0;
	s21 =	simm.s32 $0x1  }
0x1a0: {  	p2 =	sne.s32 s22, $0x0;
	s30 =	sshrl.u32 s23, $0x17;
	s22 =	simm.s32 $0x1  }
0x1a1: {  	s20 =	sadd.s32 s20, s19;
	p0 =	por !p0, !p1;
	p6 =	por !p5, !p2  }
.Ltmp21:
0x1a2: {  	s28 =	sshra.s32 s20, $0x4;
	p0 =	por !p0, !p0;
	(pc) =	sbr.rel .LBB2_24-.Ltmp21, $4  }
0x1a3: {  	s20 =	sadd.s32 s30, s29;
	s21 =	simm.s32 @!p0 $0x0;
	p0 =	por !p6, !p6  }
0x1a4: {  	s20 =	sshra.s32 s20, $0x9;
	s22 =	simm.s32 @!p0 $0x0;
	s19 =	ssub.s32 s28, s21  }
0x1a5: {  	s21 =	sor.u32 s6, s31;
	s20 =	ssub.s32 s20, s22;
	s22 =	simm.s32 $0x0  }
0x1a6: {  	p0 =	slt.s32 s20, $0x1;
	p1 =	sgt.s32 s20, $0x1;
	p2 =	slt.s32 s20, $0x2  }
.LBB2_42:
0x1a7: {  	s22 =	sadd.s32 $0x1, s22  }
0x1a8: {  	s0 =	smul.u32 $0x3E000, s23;
	p3 =	sne.s32 s22, $0x20  }
.Ltmp22:
0x1a9: {  	_ = 	snop;
	(pc) =	sbr.rel @!p3 .LBB2_43-.Ltmp22, $4  }
0x1aa: {  	s0 =	sadd.s32 s0, s21  }
0x1ab: {  	s0 =	sshrl.u32 s0, $0x3  }
0x1ac: {  	s0 =	sadd.s32 s5, s0  }
0x1ad: {  	[hbm4b:s0+s3] =	stream.linear.scatter [tilespmem:s14], [sflag:$0x3], $0x2000, $0x200038;
	[tilespmem:$0x1B300] =	vst v63  }
.LBB2_24:
.Ltmp23:
0x1ae: {  	p3 =	seq.s32 s22, $0x0;
	(pc) =	sbr.rel @p0 .LBB2_33-.Ltmp23, $4  }
0x1af: {  	s2 =	simm.s32 @!p3 $0x2  }
0x1b0: {  	_ =	swait.ge @!p3 [sflag:s2], $0x2000  }
0x1b1: {  	[sflag:s2] =	ssyncset.done @!p3 $0x0  }
0x1b2: {  	s23 =	sshll.u32 s22, $0x1;
	[sflag:s2] =	ssyncadd.s32 @!p3 $0xFFFFE000  }
.Ltmp24:
0x1b3: {  	(pc) =	sbr.rel .LBB2_26-.Ltmp24, $3  }
0x1b4: {  	_ =	sdelay $0x1  }
0x1b5: {  	p4 =	por p1, p3  }
0x1b6: {  	v35 =	vmov s23;
	s24 =	simm.s32 $0x0;
	s25 =	smov.u32 s19;
	s26 =	simm.s32 $0x0  }
.LBB2_31:
0x1b7: {  	_ =	sdelay $0x3  }
0x1b8: {  	[tilespmem:v38+s13+$0x0] =	vst.idx.msk $0xffff, v37  }
.LBB2_32:
0x1b9: {  	s26 =	sadd.s32 $0x1, s26  }
0x1ba: {  	p5 =	sne.s32 s26, s20  }
.Ltmp25:
0x1bb: {  	_ = 	snop;
	(pc) =	sbr.rel @!p5 .LBB2_33-.Ltmp25, $2  }
0x1bc: {  	_ =	sdelay $0x2  }
0x1bd: {  	s25 =	sadd.s32 $0xFFFFFFE0, s25;
	s24 =	sadd.s32 $0x200, s24  }
.LBB2_26:
0x1be: {  	s2 =	sshll.u32 @p4 s26, $0xB  }
0x1bf: {  	s28 =	simm.s32 @p4 $0x200;
	s2 =	sshra.s32 @p4 s2, $0x2  }
0x1c0: {  	s29 =	simm.s32 @p4 $0x5300;
	s0 =	sshll.u32 s26, $0x5;
	s2 =	sadd.s32 @p4 $0x3700, s2  }
0x1c1: {  	[tilespmem:s29], [sflag:$0x1] =	stream.indirect.gather @p4 [hbm4b:s1+s28], $0x80, s2, s28, $0x2000b8;
	[tilespmem:$0x1B300] =	vst v63  }
0x1c2: {  	s28 =	ssub.s32 s19, s0  }
0x1c3: {  	p6 =	sne.s32 s19, s0;
	s2 =	simm.s32 $0x1;
	p5 =	slt.s32 s28, $0x20  }
0x1c4: {  	s29 =	sshra.s32 s28, $0x1F;
	s2 =	simm.s32 @!p6 $0x0;
	s28 =	simm.s32 @!p5 $0x20  }
0x1c5: {  	s2 =	sor.u32 s2, s29;
	s29 =	sand.u32 $0x3, s28  }
0x1c6: {  	s30 =	sshra.s32 s28, $0x1F;
	p5 =	sne.s32 s2, $0x1;
	p6 =	sne.s32 s29, $0x0  }
0x1c7: {  	s7 =	sshrl.u32 s30, $0x1E;
	p5 =	por !p5, !p6  }
0x1c8: {  	s29 =	simm.s32 $0x1;
	s2 =	sadd.s32 s7, s28;
	p5 =	por !p5, !p5  }
0x1c9: {  	s2 =	sshra.s32 s2, $0x2;
	s29 =	simm.s32 @!p5 $0x0  }
0x1ca: {  	s29 =	ssub.s32 s2, s29  }
0x1cb: {  	p5 =	slt.s32 s29, $0x1  }
.Ltmp26:
0x1cc: {  	_ = 	snop;
	(pc) =	sbr.rel @p5 .LBB2_28-.Ltmp26, $4  }
0x1cd: {  	s30 =	simm.s32 @p4 $0x1  }
0x1ce: {  	_ =	swait.ge @p4 [sflag:s30], $0x10000  }
0x1cf: {  	[sflag:s30] =	ssyncset.done @p4 $0x0  }
0x1d0: {  	[sflag:s30] =	ssyncadd.s32 @p4 $0xFFFF0000;
	s30 =	simm.s32 $0x0;
	s31 =	smov.u32 s29  }
.LBB2_27:
0x1d1: {  	s2 =	sadd.s32 s30, s24  }
0x1d2: {  	s2 =	sand.u32 $0xFFFFFF80, s2  }
0x1d3: {  	s0 =	sand.u32 $0x40, s30;
	s2 =	sadd.s32 $0x1B00, s2  }
0x1d4: {  	s0 =	sor.u32 s0, s2  }
0x1d5: {  	v36 =	vld [tilespmem:s0+$0x0];
	_ =	sdelay $0x1  }
0x1d6: {  	v37 =	vmov s30;
	v38 =	vmul.u32 $0x80, v0  }
0x1d7: {  	v37 =	vshll.u32 v37, $0x7  }
0x1d8: {  	v37 =	vor.u32 v38, v37  }
0x1d9: {  	v37 =	vadd.s32 v35, v37;
	v39 =	vshra.s32 v36, $0x10  }
0x1da: {  	v41 =	vshll.u32 v36, $0x3;
	v40 =	vshll.u32 v39, $0x9  }
0x1db: {  	v41 =	vand.u32 $0x7FC00, v41;
	v39 =	vshll.u32 v39, $0x7;
	v40 =	vand.u32 $0xFFFFF000, v40  }
0x1dc: {  	v39 =	vand.u32 $0x380, v39;
	v40 =	vadd.s32 v41, v40  }
0x1dd: {  	v36 =	vand.u32 $0x7F, v36;
	v39 =	vor.u32 v39, v40  }
0x1de: {  	v37 =	vld.idx.msk [tilespmem:v37+s12+$0x0], $0xffff;
	v36 =	vor.u32 v36, v39;
	_ =	sdelay $0x2  }
0x1df: {  	s0 =	sadd.s32 $0x10, s30  }
0x1e0: {  	s7 =	sand.u32 $0x50, s0  }
0x1e1: {  	s7 =	sor.u32 s7, s2;
	[tilespmem:v36+s13+$0x0] =	vst.idx.msk $0xffff, v37  }
0x1e2: {  	v36 =	vld [tilespmem:s7+$0x0];
	_ =	sdelay $0x1  }
0x1e3: {  	v52 =	vmov s0  }
0x1e4: {  	v37 =	vshll.u32 v52, $0x7  }
0x1e5: {  	v37 =	vor.u32 v38, v37  }
0x1e6: {  	v37 =	vadd.s32 v35, v37;
	v53 =	vshra.s32 v36, $0x10  }
0x1e7: {  	v55 =	vshll.u32 v36, $0x3;
	v54 =	vshll.u32 v53, $0x9  }
0x1e8: {  	v41 =	vand.u32 $0x7FC00, v55;
	v39 =	vshll.u32 v53, $0x7;
	v40 =	vand.u32 $0xFFFFF000, v54  }
0x1e9: {  	v39 =	vand.u32 $0x380, v39;
	v40 =	vadd.s32 v41, v40  }
0x1ea: {  	v36 =	vand.u32 $0x7F, v36;
	v39 =	vor.u32 v39, v40  }
0x1eb: {  	v37 =	vld.idx.msk [tilespmem:v37+s12+$0x0], $0xffff;
	v36 =	vor.u32 v36, v39;
	_ =	sdelay $0x2  }
0x1ec: {  	s0 =	sadd.s32 $0x20, s30  }
0x1ed: {  	s7 =	sand.u32 $0x60, s0  }
0x1ee: {  	s7 =	sor.u32 s7, s2;
	[tilespmem:v36+s13+$0x0] =	vst.idx.msk $0xffff, v37  }
0x1ef: {  	v36 =	vld [tilespmem:s7+$0x0];
	_ =	sdelay $0x1  }
0x1f0: {  	v56 =	vmov s0  }
0x1f1: {  	v37 =	vshll.u32 v56, $0x7  }
0x1f2: {  	v37 =	vor.u32 v38, v37  }
0x1f3: {  	v37 =	vadd.s32 v35, v37;
	v57 =	vshra.s32 v36, $0x10  }
0x1f4: {  	v59 =	vshll.u32 v36, $0x3;
	v58 =	vshll.u32 v57, $0x9  }
0x1f5: {  	v41 =	vand.u32 $0x7FC00, v59;
	v39 =	vshll.u32 v57, $0x7;
	v40 =	vand.u32 $0xFFFFF000, v58  }
0x1f6: {  	v39 =	vand.u32 $0x380, v39;
	v40 =	vadd.s32 v41, v40  }
0x1f7: {  	v36 =	vand.u32 $0x7F, v36;
	v39 =	vor.u32 v39, v40  }
0x1f8: {  	v37 =	vld.idx.msk [tilespmem:v37+s12+$0x0], $0xffff;
	v36 =	vor.u32 v36, v39;
	_ =	sdelay $0x2  }
0x1f9: {  	s0 =	sadd.s32 $0x30, s30  }
0x1fa: {  	s7 =	sand.u32 $0x70, s0  }
0x1fb: {  	s2 =	sor.u32 s7, s2;
	[tilespmem:v36+s13+$0x0] =	vst.idx.msk $0xffff, v37  }
0x1fc: {  	v36 =	vld [tilespmem:s2+$0x0];
	_ =	sdelay $0x1  }
0x1fd: {  	v60 =	vmov s0  }
0x1fe: {  	v37 =	vshll.u32 v60, $0x7  }
0x1ff: {  	v37 =	vor.u32 v38, v37  }
0x200: {  	v37 =	vadd.s32 v35, v37;
	v61 =	vshra.s32 v36, $0x10  }
0x201: {  	v63 =	vshll.u32 v36, $0x3;
	v62 =	vshll.u32 v61, $0x9  }
0x202: {  	v40 =	vand.u32 $0x7FC00, v63;
	v38 =	vshll.u32 v61, $0x7;
	v39 =	vand.u32 $0xFFFFF000, v62  }
0x203: {  	v38 =	vand.u32 $0x380, v38;
	v39 =	vadd.s32 v40, v39  }
0x204: {  	v36 =	vand.u32 $0x7F, v36;
	v38 =	vor.u32 v38, v39  }
0x205: {  	p5 =	sne.s32 s31, $0x1;
	v37 =	vld.idx.msk [tilespmem:v37+s12+$0x0], $0xffff;
	v36 =	vor.u32 v36, v38  }
.Ltmp27:
0x206: {  	_ = 	snop;
	(pc) =	sbr.rel @p5 .LBB2_27-.Ltmp27, $2  }
0x207: {  	_ =	sdelay $0x2  }
0x208: {  	s31 =	sadd.s32 $0xFFFFFFFF, s31;
	s30 =	sadd.s32 $0x40, s30;
	[tilespmem:v36+s13+$0x0] =	vst.idx.msk $0xffff, v37  }
.LBB2_28:
0x209: {  	s2 =	sshll.u32 s29, $0x2  }
0x20a: {  	p5 =	sge.s32 s2, s28  }
.Ltmp28:
0x20b: {  	_ = 	snop;
	(pc) =	sbr.rel @p5 .LBB2_32-.Ltmp28, $1  }
0x20c: {  	_ =	sdelay $0x3  }
0x20d: {  	s0 =	sshll.u32 s29, $0x6  }
0x20e: {  	s7 =	sadd.s32 s0, s24  }
0x20f: {  	s28 =	sand.u32 $0x70, s0;
	s7 =	sand.u32 $0xFFFFFF80, s7  }
0x210: {  	s7 =	sor.u32 s28, s7  }
0x211: {  	v37 =	vld [tilespmem:s7+$0x1B00];
	_ =	sdelay $0x1  }
0x212: {  	v36 =	vmul.u32 $0x80, v0;
	v38 =	vmov s0  }
0x213: {  	p5 =	slt.s32 s25, $0x20;
	v38 =	vshll.u32 v38, $0x7;
	s7 =	smov.u32 s25  }
0x214: {  	v38 =	vor.u32 v36, v38;
	s7 =	simm.s32 @!p5 $0x20  }
0x215: {  	v38 =	vadd.s32 v35, v38;
	s2 =	ssub.s32 s2, s7;
	v39 =	vshra.s32 v37, $0x10  }
0x216: {  	s2 =	sadd.s32 $0x1, s2;
	v41 =	vshll.u32 v37, $0x3;
	v40 =	vshll.u32 v39, $0x9  }
0x217: {  	p5 =	seq.s32 s2, $0x0;
	v41 =	vand.u32 $0x7FC00, v41;
	v39 =	vshll.u32 v39, $0x7;
	v40 =	vand.u32 $0xFFFFF000, v40  }
.Ltmp29:
0x218: {  	v39 =	vand.u32 $0x380, v39;
	v40 =	vadd.s32 v41, v40;
	(pc) =	sbr.rel @p5 .LBB2_31-.Ltmp29, $3  }
0x219: {  	v63 =	vand.u32 $0x7F, v37;
	v39 =	vor.u32 v39, v40  }
0x21a: {  	v37 =	vld.idx.msk [tilespmem:v38+s12+$0x0], $0xffff;
	v38 =	vor.u32 v63, v39;
	_ =	sdelay $0x1  }
0x21b: {  	s28 =	sadd.s32 $0x10, s0  }
.LBB2_30:
0x21c: {  	s0 =	sadd.s32 s28, s24;
	s2 =	sadd.s32 $0x1, s2  }
0x21d: {  	s7 =	sand.u32 $0x70, s28;
	s0 =	sand.u32 $0xFFFFFF80, s0;
	p5 =	seq.s32 s2, $0x0  }
0x21e: {  	s0 =	sor.u32 s7, s0;
	[tilespmem:v38+s13+$0x0] =	vst.idx.msk $0xffff, v37  }
0x21f: {  	v38 =	vld [tilespmem:s0+$0x1B00]  }
0x220: {  	v37 =	vmov s28  }
0x221: {  	v37 =	vshll.u32 v37, $0x7  }
0x222: {  	v37 =	vor.u32 v36, v37  }
0x223: {  	v37 =	vadd.s32 v35, v37  }
0x224: {  	v39 =	vshra.s32 v38, $0x10  }
0x225: {  	v41 =	vshll.u32 v38, $0x3;
	v40 =	vshll.u32 v39, $0x9  }
0x226: {  	v41 =	vand.u32 $0x7FC00, v41;
	v39 =	vshll.u32 v39, $0x7;
	v40 =	vand.u32 $0xFFFFF000, v40  }
.Ltmp30:
0x227: {  	v39 =	vand.u32 $0x380, v39;
	v40 =	vadd.s32 v41, v40;
	(pc) =	sbr.rel @!p5 .LBB2_30-.Ltmp30, $3  }
0x228: {  	v38 =	vand.u32 $0x7F, v38;
	v37 =	vld.idx.msk [tilespmem:v37+s12+$0x0], $0xffff;
	v39 =	vor.u32 v39, v40  }
0x229: {  	v38 =	vor.u32 v38, v39;
	_ =	sdelay $0x1  }
0x22a: {  	s28 =	sadd.s32 $0x10, s28  }
.Ltmp31:
0x22b: {  	_ = 	snop;
	(pc) =	sbr.rel .LBB2_31-.Ltmp31, $1  }
0x22c: {  	_ =	sdelay $0x3  }
.LBB2_33:
0x22d: {  	s0 =	smul.u32 $0x7C000, s22;
	_ =	sdelay $0x1  }
0x22e: {  	s0 =	sadd.s32 s0, s21  }
0x22f: {  	s0 =	sshrl.u32 s0, $0x3  }
0x230: {  	s0 =	sadd.s32 s5, s0  }
0x231: {  	[hbm4b:s0+s3] =	stream.linear.scatter [tilespmem:s13], [sflag:$0x2], $0x2000, $0x200038;
	[tilespmem:$0x1B300] =	vst v63  }
.Ltmp32:
0x232: {  	_ = 	snop;
	(pc) =	sbr.rel @p0 .LBB2_42-.Ltmp32, $4  }
0x233: {  	s0 =	simm.s32 @!p3 $0x3  }
0x234: {  	_ =	swait.ge @!p3 [sflag:s0], $0x2000  }
0x235: {  	[sflag:s0] =	ssyncset.done @!p3 $0x0  }
0x236: {  	s23 =	sor.u32 $0x1, s23;
	[sflag:s0] =	ssyncadd.s32 @!p3 $0xFFFFE000  }
.Ltmp33:
0x237: {  	(pc) =	sbr.rel .LBB2_35-.Ltmp33, $2  }
0x238: {  	_ =	sdelay $0x2  }
0x239: {  	v35 =	vmov s23;
	s24 =	simm.s32 $0x0;
	s25 =	smov.u32 s19;
	s26 =	simm.s32 $0x0  }
.LBB2_40:
0x23a: {  	_ =	sdelay $0x3  }
0x23b: {  	[tilespmem:v38+s14+$0x0] =	vst.idx.msk $0xffff, v37  }
.LBB2_41:
0x23c: {  	s26 =	sadd.s32 $0x1, s26  }
0x23d: {  	p3 =	sne.s32 s26, s20  }
.Ltmp34:
0x23e: {  	_ = 	snop;
	(pc) =	sbr.rel @!p3 .LBB2_42-.Ltmp34, $2  }
0x23f: {  	_ =	sdelay $0x2  }
0x240: {  	s25 =	sadd.s32 $0xFFFFFFE0, s25;
	s24 =	sadd.s32 $0x200, s24  }
.LBB2_35:
0x241: {  	s0 =	sshll.u32 @!p2 s26, $0xB  }
0x242: {  	s0 =	sshra.s32 @!p2 s0, $0x2  }
0x243: {  	s2 =	simm.s32 @!p2 $0x200;
	s7 =	simm.s32 @!p2 $0x5300;
	s0 =	sadd.s32 @!p2 $0x3700, s0  }
0x244: {  	[tilespmem:s7], [sflag:$0x1] =	stream.indirect.gather @!p2 [hbm4b:s1+s2], $0x80, s0, s2, $0x2000b8;
	[tilespmem:$0x1B300] =	vst v63  }
0x245: {  	s2 =	sshll.u32 s26, $0x5  }
0x246: {  	s28 =	ssub.s32 s19, s2  }
0x247: {  	s0 =	simm.s32 $0x1;
	p4 =	sne.s32 s19, s2;
	p3 =	slt.s32 s28, $0x20  }
0x248: {  	s7 =	sshra.s32 s28, $0x1F;
	s0 =	simm.s32 @!p4 $0x0;
	s28 =	simm.s32 @!p3 $0x20  }
0x249: {  	s0 =	sor.u32 s0, s7;
	s2 =	sand.u32 $0x3, s28  }
0x24a: {  	s7 =	sshra.s32 s28, $0x1F;
	p5 =	sne.s32 s0, $0x1;
	p6 =	sne.s32 s2, $0x0  }
0x24b: {  	s7 =	sshrl.u32 s7, $0x1E;
	p3 =	por !p5, !p6  }
0x24c: {  	s2 =	simm.s32 $0x1;
	s0 =	sadd.s32 s7, s28;
	p3 =	por !p3, !p3  }
0x24d: {  	s0 =	sshra.s32 s0, $0x2;
	s2 =	simm.s32 @!p3 $0x0  }
0x24e: {  	s29 =	ssub.s32 s0, s2  }
0x24f: {  	p3 =	slt.s32 s29, $0x1  }
.Ltmp35:
0x250: {  	_ = 	snop;
	(pc) =	sbr.rel @p3 .LBB2_37-.Ltmp35, $4  }
0x251: {  	s7 =	simm.s32 @!p2 $0x1  }
0x252: {  	_ =	swait.ge @!p2 [sflag:s7], $0x10000  }
0x253: {  	[sflag:s7] =	ssyncset.done @!p2 $0x0  }
0x254: {  	s30 =	simm.s32 $0x0;
	[sflag:s7] =	ssyncadd.s32 @!p2 $0xFFFF0000;
	s31 =	smov.u32 s29  }
.LBB2_36:
0x255: {  	s0 =	sadd.s32 s30, s24  }
0x256: {  	s0 =	sand.u32 $0xFFFFFF80, s0  }
0x257: {  	s7 =	sand.u32 $0x40, s30;
	s2 =	sadd.s32 $0x1B00, s0  }
0x258: {  	s0 =	sor.u32 s7, s2  }
0x259: {  	v36 =	vld [tilespmem:s0+$0x0];
	_ =	sdelay $0x1  }
0x25a: {  	v37 =	vmov s30;
	v38 =	vmul.u32 $0x80, v0  }
0x25b: {  	v37 =	vshll.u32 v37, $0x7  }
0x25c: {  	v37 =	vor.u32 v38, v37  }
0x25d: {  	v37 =	vadd.s32 v35, v37;
	v39 =	vshra.s32 v36, $0x10  }
0x25e: {  	v41 =	vshll.u32 v36, $0x3;
	v40 =	vshll.u32 v39, $0x9  }
0x25f: {  	v41 =	vand.u32 $0x7FC00, v41;
	v39 =	vshll.u32 v39, $0x7;
	v40 =	vand.u32 $0xFFFFF000, v40  }
0x260: {  	v39 =	vand.u32 $0x380, v39;
	v40 =	vadd.s32 v41, v40  }
0x261: {  	v36 =	vand.u32 $0x7F, v36;
	v39 =	vor.u32 v39, v40  }
0x262: {  	v37 =	vld.idx.msk [tilespmem:v37+s12+$0x0], $0xffff;
	v36 =	vor.u32 v36, v39;
	_ =	sdelay $0x2  }
0x263: {  	s0 =	sadd.s32 $0x10, s30  }
0x264: {  	s7 =	sand.u32 $0x50, s0  }
0x265: {  	s7 =	sor.u32 s7, s2;
	[tilespmem:v36+s14+$0x0] =	vst.idx.msk $0xffff, v37  }
0x266: {  	v36 =	vld [tilespmem:s7+$0x0];
	_ =	sdelay $0x1  }
0x267: {  	v52 =	vmov s0  }
0x268: {  	v37 =	vshll.u32 v52, $0x7  }
0x269: {  	v37 =	vor.u32 v38, v37  }
0x26a: {  	v37 =	vadd.s32 v35, v37;
	v53 =	vshra.s32 v36, $0x10  }
0x26b: {  	v55 =	vshll.u32 v36, $0x3;
	v54 =	vshll.u32 v53, $0x9  }
0x26c: {  	v41 =	vand.u32 $0x7FC00, v55;
	v39 =	vshll.u32 v53, $0x7;
	v40 =	vand.u32 $0xFFFFF000, v54  }
0x26d: {  	v39 =	vand.u32 $0x380, v39;
	v40 =	vadd.s32 v41, v40  }
0x26e: {  	v36 =	vand.u32 $0x7F, v36;
	v39 =	vor.u32 v39, v40  }
0x26f: {  	v37 =	vld.idx.msk [tilespmem:v37+s12+$0x0], $0xffff;
	v36 =	vor.u32 v36, v39;
	_ =	sdelay $0x2  }
0x270: {  	s0 =	sadd.s32 $0x20, s30  }
0x271: {  	s7 =	sand.u32 $0x60, s0  }
0x272: {  	s7 =	sor.u32 s7, s2;
	[tilespmem:v36+s14+$0x0] =	vst.idx.msk $0xffff, v37  }
0x273: {  	v36 =	vld [tilespmem:s7+$0x0];
	_ =	sdelay $0x1  }
0x274: {  	v56 =	vmov s0  }
0x275: {  	v37 =	vshll.u32 v56, $0x7  }
0x276: {  	v37 =	vor.u32 v38, v37  }
0x277: {  	v37 =	vadd.s32 v35, v37;
	v57 =	vshra.s32 v36, $0x10  }
0x278: {  	v59 =	vshll.u32 v36, $0x3;
	v58 =	vshll.u32 v57, $0x9  }
0x279: {  	v41 =	vand.u32 $0x7FC00, v59;
	v39 =	vshll.u32 v57, $0x7;
	v40 =	vand.u32 $0xFFFFF000, v58  }
0x27a: {  	v39 =	vand.u32 $0x380, v39;
	v40 =	vadd.s32 v41, v40  }
0x27b: {  	v36 =	vand.u32 $0x7F, v36;
	v39 =	vor.u32 v39, v40  }
0x27c: {  	v37 =	vld.idx.msk [tilespmem:v37+s12+$0x0], $0xffff;
	v36 =	vor.u32 v36, v39;
	_ =	sdelay $0x2  }
0x27d: {  	s0 =	sadd.s32 $0x30, s30  }
0x27e: {  	s7 =	sand.u32 $0x70, s0  }
0x27f: {  	s2 =	sor.u32 s7, s2;
	[tilespmem:v36+s14+$0x0] =	vst.idx.msk $0xffff, v37  }
0x280: {  	v36 =	vld [tilespmem:s2+$0x0];
	_ =	sdelay $0x1  }
0x281: {  	v60 =	vmov s0  }
0x282: {  	v37 =	vshll.u32 v60, $0x7  }
0x283: {  	v37 =	vor.u32 v38, v37  }
0x284: {  	v37 =	vadd.s32 v35, v37;
	v61 =	vshra.s32 v36, $0x10  }
0x285: {  	v63 =	vshll.u32 v36, $0x3;
	v62 =	vshll.u32 v61, $0x9  }
0x286: {  	v40 =	vand.u32 $0x7FC00, v63;
	v38 =	vshll.u32 v61, $0x7;
	v39 =	vand.u32 $0xFFFFF000, v62  }
0x287: {  	v38 =	vand.u32 $0x380, v38;
	v39 =	vadd.s32 v40, v39  }
0x288: {  	v36 =	vand.u32 $0x7F, v36;
	v38 =	vor.u32 v38, v39  }
0x289: {  	p3 =	sne.s32 s31, $0x1;
	v37 =	vld.idx.msk [tilespmem:v37+s12+$0x0], $0xffff;
	v36 =	vor.u32 v36, v38  }
.Ltmp36:
0x28a: {  	_ = 	snop;
	(pc) =	sbr.rel @p3 .LBB2_36-.Ltmp36, $2  }
0x28b: {  	_ =	sdelay $0x2  }
0x28c: {  	s31 =	sadd.s32 $0xFFFFFFFF, s31;
	s30 =	sadd.s32 $0x40, s30;
	[tilespmem:v36+s14+$0x0] =	vst.idx.msk $0xffff, v37  }
.LBB2_37:
0x28d: {  	s2 =	sshll.u32 s29, $0x2  }
0x28e: {  	p3 =	sge.s32 s2, s28  }
.Ltmp37:
0x28f: {  	_ = 	snop;
	(pc) =	sbr.rel @p3 .LBB2_41-.Ltmp37, $1  }
0x290: {  	_ =	sdelay $0x3  }
0x291: {  	s0 =	sshll.u32 s29, $0x6  }
0x292: {  	s7 =	sadd.s32 s0, s24  }
0x293: {  	s28 =	sand.u32 $0x70, s0;
	s7 =	sand.u32 $0xFFFFFF80, s7  }
0x294: {  	s7 =	sor.u32 s28, s7  }
0x295: {  	v37 =	vld [tilespmem:s7+$0x1B00];
	_ =	sdelay $0x1  }
0x296: {  	v36 =	vmul.u32 $0x80, v0;
	v38 =	vmov s0  }
0x297: {  	p3 =	slt.s32 s25, $0x20;
	v38 =	vshll.u32 v38, $0x7;
	s7 =	smov.u32 s25  }
0x298: {  	v38 =	vor.u32 v36, v38;
	s7 =	simm.s32 @!p3 $0x20  }
0x299: {  	v38 =	vadd.s32 v35, v38;
	s2 =	ssub.s32 s2, s7;
	v39 =	vshra.s32 v37, $0x10  }
0x29a: {  	s2 =	sadd.s32 $0x1, s2;
	v41 =	vshll.u32 v37, $0x3;
	v40 =	vshll.u32 v39, $0x9  }
0x29b: {  	p3 =	seq.s32 s2, $0x0;
	v41 =	vand.u32 $0x7FC00, v41;
	v39 =	vshll.u32 v39, $0x7;
	v40 =	vand.u32 $0xFFFFF000, v40  }
.Ltmp38:
0x29c: {  	v39 =	vand.u32 $0x380, v39;
	v40 =	vadd.s32 v41, v40;
	(pc) =	sbr.rel @p3 .LBB2_40-.Ltmp38, $3  }
0x29d: {  	v63 =	vand.u32 $0x7F, v37;
	v39 =	vor.u32 v39, v40  }
0x29e: {  	v37 =	vld.idx.msk [tilespmem:v38+s12+$0x0], $0xffff;
	v38 =	vor.u32 v63, v39;
	_ =	sdelay $0x1  }
0x29f: {  	s28 =	sadd.s32 $0x10, s0  }
.LBB2_39:
0x2a0: {  	s0 =	sadd.s32 s28, s24;
	s2 =	sadd.s32 $0x1, s2  }
0x2a1: {  	s7 =	sand.u32 $0x70, s28;
	s0 =	sand.u32 $0xFFFFFF80, s0;
	p3 =	seq.s32 s2, $0x0  }
0x2a2: {  	s0 =	sor.u32 s7, s0;
	[tilespmem:v38+s14+$0x0] =	vst.idx.msk $0xffff, v37  }
0x2a3: {  	v38 =	vld [tilespmem:s0+$0x1B00]  }
0x2a4: {  	v37 =	vmov s28  }
0x2a5: {  	v37 =	vshll.u32 v37, $0x7  }
0x2a6: {  	v37 =	vor.u32 v36, v37  }
0x2a7: {  	v37 =	vadd.s32 v35, v37  }
0x2a8: {  	v39 =	vshra.s32 v38, $0x10  }
0x2a9: {  	v41 =	vshll.u32 v38, $0x3;
	v40 =	vshll.u32 v39, $0x9  }
0x2aa: {  	v41 =	vand.u32 $0x7FC00, v41;
	v39 =	vshll.u32 v39, $0x7;
	v40 =	vand.u32 $0xFFFFF000, v40  }
.Ltmp39:
0x2ab: {  	v39 =	vand.u32 $0x380, v39;
	v40 =	vadd.s32 v41, v40;
	(pc) =	sbr.rel @!p3 .LBB2_39-.Ltmp39, $3  }
0x2ac: {  	v38 =	vand.u32 $0x7F, v38;
	v37 =	vld.idx.msk [tilespmem:v37+s12+$0x0], $0xffff;
	v39 =	vor.u32 v39, v40  }
0x2ad: {  	v38 =	vor.u32 v38, v39;
	_ =	sdelay $0x1  }
0x2ae: {  	s28 =	sadd.s32 $0x10, s28  }
.Ltmp40:
0x2af: {  	_ = 	snop;
	(pc) =	sbr.rel .LBB2_40-.Ltmp40, $1  }
0x2b0: {  	_ =	sdelay $0x3  }
.LBB2_43:
0x2b1: {  	_ =	swait.ge [sflag:s15], $0x2000  }
0x2b2: {  	p0 =	slt.s32 s19, $0x1;
	[sflag:s15] =	ssyncset.done $0x0  }
.Ltmp41:
0x2b3: {  	[sflag:s15] =	ssyncadd.s32 $0xFFFFE000;
	(pc) =	sbr.rel @p0 .LBB2_49-.Ltmp41, $4  }
0x2b4: {  	_ =	swait.ge [sflag:s16], $0x2000  }
0x2b5: {  	[sflag:s16] =	ssyncset.done $0x0  }
0x2b6: {  	[sflag:s16] =	ssyncadd.s32 $0xFFFFE000  }
0x2b7: {  	s20 =	simm.s32 $0x1B00;
	_ =	strace $0x9000004A  }
0x2b8: {  	p0 =	sne.s32 s19, $0x1  }
.Ltmp42:
0x2b9: {  	_ = 	snop;
	(pc) =	sbr.rel @!p0 .LBB2_46-.Ltmp42, $2  }
0x2ba: {  	_ =	sdelay $0x2  }
0x2bb: {  	v35 =	vld [tilespmem:s20+$0x0];
	s2 =	sadd.s32 $0xFFFFFFFF, s19;
	s21 =	simm.s32 $0x1B00  }
.LBB2_45:
0x2bc: {  	p0 =	sne.s32 s2, $0x1;
	_ =	sdelay $0x3  }
0x2bd: {  	v36 =	vshra.s32 v35, $0x10  }
0x2be: {  	v38 =	vshll.u32 v35, $0x3;
	v37 =	vshll.u32 v36, $0x9  }
0x2bf: {  	v38 =	vand.u32 $0x7FC00, v38;
	v36 =	vshll.u32 v36, $0x7;
	v37 =	vand.u32 $0xFFFFF000, v37  }
0x2c0: {  	v36 =	vand.u32 $0x380, v36;
	v37 =	vadd.s32 v38, v37  }
0x2c1: {  	v35 =	vand.u32 $0x7F, v35;
	v36 =	vor.u32 v36, v37  }
0x2c2: {  	v35 =	vor.u32 v35, v36;
	_ =	sdelay $0x1  }
.Ltmp43:
0x2c3: {  	(pc) =	sbr.rel @p0 .LBB2_45-.Ltmp43, $3  }
0x2c4: {  	_ =	sdelay $0x1  }
0x2c5: {  	s21 =	sadd.s32 $0x10, s21;
	[tilespmem:v35+s13+$0x0] =	vst.idx.msk $0xffff, v5  }
0x2c6: {  	s2 =	sadd.s32 $0xFFFFFFFF, s2;
	v35 =	vld [tilespmem:s21+$0x0]  }
.LBB2_46:
0x2c7: {  	_ =	sdelay $0x3  }
0x2c8: {  	v36 =	vshra.s32 v35, $0x10  }
0x2c9: {  	v38 =	vshll.u32 v35, $0x3;
	v37 =	vshll.u32 v36, $0x9  }
0x2ca: {  	v38 =	vand.u32 $0x7FC00, v38;
	v36 =	vshll.u32 v36, $0x7;
	v37 =	vand.u32 $0xFFFFF000, v37  }
0x2cb: {  	v36 =	vand.u32 $0x380, v36;
	v37 =	vadd.s32 v38, v37  }
0x2cc: {  	v63 =	vand.u32 $0x7F, v35;
	v36 =	vor.u32 v36, v37  }
0x2cd: {  	v35 =	vor.u32 v63, v36;
	_ =	sdelay $0x4  }
0x2ce: {  	p0 =	sne.s32 s19, $0x1;
	[tilespmem:v35+s13+$0x0] =	vst.idx.msk $0xffff, v5  }
.Ltmp44:
0x2cf: {  	v35 =	vld [tilespmem:s20+$0x0];
	(pc) =	sbr.rel @!p0 .LBB2_48-.Ltmp44, $2  }
0x2d0: {  	_ =	sdelay $0x2  }
0x2d1: {  	s2 =	sadd.s32 $0xFFFFFFFF, s19  }
.LBB2_47:
0x2d2: {  	p0 =	sne.s32 s2, $0x1;
	_ =	sdelay $0x3  }
0x2d3: {  	v36 =	vshra.s32 v35, $0x10  }
0x2d4: {  	v38 =	vshll.u32 v35, $0x3;
	v37 =	vshll.u32 v36, $0x9  }
0x2d5: {  	v38 =	vand.u32 $0x7FC00, v38;
	v36 =	vshll.u32 v36, $0x7;
	v37 =	vand.u32 $0xFFFFF000, v37  }
0x2d6: {  	v36 =	vand.u32 $0x380, v36;
	v37 =	vadd.s32 v38, v37  }
0x2d7: {  	v35 =	vand.u32 $0x7F, v35;
	v36 =	vor.u32 v36, v37  }
0x2d8: {  	v35 =	vor.u32 v35, v36;
	_ =	sdelay $0x1  }
.Ltmp45:
0x2d9: {  	(pc) =	sbr.rel @p0 .LBB2_47-.Ltmp45, $3  }
0x2da: {  	_ =	sdelay $0x1  }
0x2db: {  	s20 =	sadd.s32 $0x10, s20;
	[tilespmem:v35+s14+$0x0] =	vst.idx.msk $0xffff, v5  }
0x2dc: {  	s2 =	sadd.s32 $0xFFFFFFFF, s2;
	v35 =	vld [tilespmem:s20+$0x0]  }
.Ltmp46:
0x2dd: {  	_ = 	snop;
	(pc) =	sbr.rel .LBB2_48-.Ltmp46, $1  }
0x2de: {  	_ =	sdelay $0x3  }
.LBB2_51:
0x2df: {  	_ =	sfence.sel $0x180000  }
0x2e0: {  	[bflag:$0x0] =	sbarrier.arrive $0xFFFF  }
0x2e1: {  	_ =	strace $0x90000047  }
0x2e2: {  	s0 =	stileid.u32;
	[bflag:$0x2] =	sbarrier.arrive $0xFFFF  }
0x2e3: {  	p0 =	sne.s32 s0, $0x0;
	s0 =	rddreg [dreg:$0x2]  }
0x2e4: {  	s0 =	sadd.s32 @!p0 $0x100000, s0  }
0x2e5: {  	[sflag:s0] =	ssyncadd.tile.s32 @!p0 $0x1;
	_ =	shalt  }
.Lfunc_end2:
_tile_overlayer_lowered:
.L_overlay_start_2:
0x2e6: {  	(tag) =	ssettag $0x2  }
0x2e7: {  	s0 =	rddreg [dreg:$0x0];
	s2 =	stileid.u32  }
0x2e8: {  	s1 =	rddreg [dreg:$0x1];
	p0 =	sne.s32 s2, $0x0  }
0x2e9: {  	s3 =	rddreg [dreg:$0x2];
	[bflag:$0x3] =	sbarrier.arrive $0xFFFF;
	s2 =	simm.s32 @!p0 $0x1C04  }
0x2ea: {  	[timem:s3], [sflag:s2] =	dma.local @!p0 [hbm:s0], s1  }
0x2eb: {  	s0 =	simm.s32 @!p0 $0x4  }
0x2ec: {  	_ =	swait.ge @!p0 [sflag:s0], s1  }
0x2ed: {  	s1 =	ssub.s32 @!p0 $0x0, s1;
	[sflag:s0] =	ssyncset.done @!p0 $0x0  }
0x2ee: {  	[sflag:s0] =	ssyncadd.s32 @!p0 s1  }
0x2ef: {  	[bflag:$0x3] =	sbarrier.arrive $0xFFFF  }
0x2f0: {  	_ =	shalt  }

</sc_bundles>
